<compile_context>
chip_gen: v7x
topology: tpu7x:2x2x1
jax: 0.10.2.dev20260603
libtpu: 0.0.44.dev20260713+nightly
codegen_flags: <defaults>
</compile_context>

<pallas_src>
import functools

import jax
import jax.numpy as jnp
from jax import lax
from jax.experimental import pallas as pl
from jax.experimental.pallas import tpu as pltpu
from jax.experimental.pallas import tpu_sc as plsc

SEQ = 4096
BATCH = 4
D_MODEL = 1024
_L = 16
_NC, _NS = 2, 16
_NW = _NC * _NS
_S_PER_W = SEQ // _NW
_CS = 4
_C = _CS * BATCH
_CW = _C * D_MODEL
_CHUNKS = _S_PER_W // _CS
_NPAIR = _CHUNKS // 2


def _sc_body(pe_hbm, idx_hbm, x_hbm, out_hbm, idx_v,
             x_v0, x_v1, pe_v0, pe_v1, o_v0, o_v1,
             sx0, sx1, sg0, sg1, so0, so1):
    wid = lax.axis_index("s") * _NC + lax.axis_index("c")
    xf = x_hbm.reshape(SEQ * BATCH, D_MODEL)
    of = out_hbm.reshape(SEQ * BATCH, D_MODEL)
    rbase_w = wid * _S_PER_W * BATCH
    pltpu.sync_copy(idx_hbm.at[wid], idx_v)

    xs = (x_v0, x_v1)
    pes = (pe_v0, pe_v1)
    outs = (o_v0, o_v1)
    sxs = (sx0, sx1)
    sgs = (sg0, sg1)
    sos = (so0, so1)

    def issue_loads(c, s):
        pltpu.async_copy(
            xf.at[pl.ds(rbase_w + c * _C, _C)], xs[s], sxs[s])
        pltpu.async_copy(pe_hbm.at[idx_v.at[c]], pes[s], sgs[s])

    issue_loads(0, 0)
    issue_loads(1, 1)

    def pair_body(j2, carry):
        for s in (0, 1):
            c = j2 * 2 + s
            pltpu.make_async_copy(
                xf.at[pl.ds(0, _C)], xs[s], sxs[s]).wait()
            pltpu.make_async_copy(
                pe_hbm.at[idx_v.at[0]], pes[s], sgs[s]).wait()

            @pl.when(j2 >= 1)
            def _():
                pltpu.make_async_copy(
                    outs[s], of.at[pl.ds(0, _C)], sos[s]).wait()

            @plsc.parallel_loop(0, _C)
            def _(r):
                for k in range(D_MODEL // _L):
                    sl = pl.ds(k * _L, _L)
                    outs[s][r, sl] = xs[s][r, sl] + pes[s][r, sl]

            pltpu.async_copy(
                outs[s], of.at[pl.ds(rbase_w + c * _C, _C)], sos[s])

            @pl.when(j2 < _NPAIR - 1)
            def _():
                issue_loads(c + 2, s)
        return carry

    lax.fori_loop(0, _NPAIR, pair_body, 0)

    for s in (0, 1):
        pltpu.make_async_copy(
            outs[s], of.at[pl.ds(0, _C)], sos[s]).wait()


@jax.jit
def _pe_add(pe, idx3, x):
    f = functools.partial(
        pl.kernel,
        mesh=plsc.VectorSubcoreMesh(core_axis_name="c", subcore_axis_name="s"),
        out_type=jax.ShapeDtypeStruct((SEQ, BATCH, D_MODEL), jnp.float32),
        scratch_types=[
            pltpu.VMEM((_CHUNKS, _C), jnp.int32),
            pltpu.VMEM((_C, D_MODEL), jnp.float32),
            pltpu.VMEM((_C, D_MODEL), jnp.float32),
            pltpu.VMEM((_C, D_MODEL), jnp.float32),
            pltpu.VMEM((_C, D_MODEL), jnp.float32),
            pltpu.VMEM((_C, D_MODEL), jnp.float32),
            pltpu.VMEM((_C, D_MODEL), jnp.float32),
            pltpu.SemaphoreType.DMA,
            pltpu.SemaphoreType.DMA,
            pltpu.SemaphoreType.DMA,
            pltpu.SemaphoreType.DMA,
            pltpu.SemaphoreType.DMA,
            pltpu.SemaphoreType.DMA,
        ],
    )(_sc_body)
    return f(pe, idx3, x)


def kernel(x, step, pe):
    idx3 = step.reshape(_NW, _CHUNKS, _C).astype(jnp.int32)
    return _pe_add(pe, idx3, x)

# --- scband reference (transcript-rebuilt; emitter-appended) ---
"""Pipeline reference for scband-positional-encoding-35416300323413 (READ-ONLY COPY).

The authoritative reference and input builder live on the scoring server;
editing this copy changes nothing except your own understanding.
"""

import jax, jax.numpy as jnp
import numpy as np
import math

D_MODEL = 1024
MAX_LEN = 8192
SEQ_LEN = 4096
BATCH = 4

def _build_pe(max_len, d_model):
    position = np.arange(max_len, dtype=np.float32)[:, None]
    div_term = np.exp(np.arange(0, d_model, 2, dtype=np.float32) * (-math.log(10000.0) / d_model))
    pe = np.zeros((max_len, d_model), dtype=np.float32)
    pe[:, 0::2] = np.sin(position * div_term)
    pe[:, 1::2] = np.cos(position * div_term)
    return jnp.asarray(pe)

def setup_inputs(seed: int = 0) -> dict:
    key = jax.random.key(seed)
    k1, k2 = jax.random.split(key)
    x = jax.random.normal(k1, (SEQ_LEN, BATCH, D_MODEL), dtype=jnp.float32)
    step = jax.random.randint(k2, (SEQ_LEN, BATCH), 0, MAX_LEN, dtype=jnp.int64 if jax.config.read('jax_enable_x64') else jnp.int32)
    pe = _build_pe(MAX_LEN, D_MODEL)
    return {"x": x, "step": step, "pe": pe}

def reference(x, step, pe):
    # concat=False path: x = x + pe[step, :]
    # pe gather: pe[step] -> [seq_len, batch, d_model]
    gathered = jnp.take(pe, step, axis=0)
    return x + gathered

if __name__ == "__main__":
    import jax
    _d = setup_inputs()
    print(jax.jit(kernel)(*tuple(_d.values())))

</pallas_src>

<mosaic_0001>
#map = affine_map<(d0, d1) -> (0, 0)>
#map1 = affine_map<(d0, d1) -> (0, 0, 0)>
module attributes {stable_mosaic.version = 14 : i64} {
  func.func @_sc_body(%arg0: i32, %arg1: i32, %arg2: memref<8192x1024xf32, #tpu.memory_space<hbm>>, %arg3: memref<32x32x16xi32, #tpu.memory_space<hbm>>, %arg4: memref<4096x4x1024xf32, #tpu.memory_space<hbm>>, %arg5: memref<4096x4x1024xf32, #tpu.memory_space<hbm>>, %arg6: memref<32x16xi32, #tpu.memory_space<vmem>>, %arg7: memref<16x1024xf32, #tpu.memory_space<vmem>>, %arg8: memref<16x1024xf32, #tpu.memory_space<vmem>>, %arg9: memref<16x1024xf32, #tpu.memory_space<vmem>>, %arg10: memref<16x1024xf32, #tpu.memory_space<vmem>>, %arg11: memref<16x1024xf32, #tpu.memory_space<vmem>>, %arg12: memref<16x1024xf32, #tpu.memory_space<vmem>>, %arg13: memref<!tpu.dma_semaphore, #tpu.memory_space<semaphore_mem>>, %arg14: memref<!tpu.dma_semaphore, #tpu.memory_space<semaphore_mem>>, %arg15: memref<!tpu.dma_semaphore, #tpu.memory_space<semaphore_mem>>, %arg16: memref<!tpu.dma_semaphore, #tpu.memory_space<semaphore_mem>>, %arg17: memref<!tpu.dma_semaphore, #tpu.memory_space<semaphore_mem>>, %arg18: memref<!tpu.dma_semaphore, #tpu.memory_space<semaphore_mem>>) attributes {dimension_semantics = [#tpu.dimension_semantics<core_parallel>, #tpu.dimension_semantics<subcore_parallel>], iteration_bounds = array<i64: 2, 16>, scalar_prefetch = 0 : i64, scratch_operands = 13 : i64, tpu.core_type = #tpu.core_type<sc_vector_subcore>, window_params = [{transform_indices = #map}, {transform_indices = #map1}, {transform_indices = #map1}, {transform_indices = #map1}]} {
    %mul3A = arith.constant 2 : i32
    %mul3A_0 = arith.muli %arg1, %mul3A : i32
    %add3A = arith.addi %mul3A_0, %arg0 : i32
    %mul3A_1 = arith.constant 128 : i32
    %mul3A_2 = arith.muli %add3A, %mul3A_1 : i32
    %mul3A_3 = arith.constant 4 : i32
    %mul3A_4 = arith.muli %mul3A_2, %mul3A_3 : i32
    "tpu.region"() ({
      %run_scoped3A = tpu.sem_alloc : memref<!tpu.dma_semaphore, #tpu.memory_space<semaphore_mem>>
      %dma_start3A_54 = arith.constant 0 : i32
      %dma_start3A_55 = arith.constant 0 : i32
      %dma_start3A_56 = tpu.memref_slice %arg3[%add3A, %dma_start3A_54, %dma_start3A_55] : memref<32x32x16xi32, #tpu.memory_space<hbm>> -> memref<1x32x16xi32, #tpu.memory_space<hbm>>
      %dma_start3A_57 = tpu.memref_squeeze %dma_start3A_56 : memref<1x32x16xi32, #tpu.memory_space<hbm>> -> memref<32x16xi32, #tpu.memory_space<hbm>>
      %dma_start3A_58 = arith.constant 0 : i32
      %dma_start3A_59 = arith.constant 0 : i32
      %dma_start3A_60 = tpu.memref_slice %arg3[%add3A, %dma_start3A_58, %dma_start3A_59] : memref<32x32x16xi32, #tpu.memory_space<hbm>> -> memref<1x32x16xi32, #tpu.memory_space<hbm>>
      %dma_start3A_61 = tpu.memref_squeeze %dma_start3A_60 : memref<1x32x16xi32, #tpu.memory_space<hbm>> -> memref<32x16xi32, #tpu.memory_space<hbm>>
      tpu.enqueue_dma source(%dma_start3A_61 : memref<32x16xi32, #tpu.memory_space<hbm>>) target(%arg6 : memref<32x16xi32, #tpu.memory_space<vmem>>) target_semaphore(%run_scoped3A : memref<!tpu.dma_semaphore, #tpu.memory_space<semaphore_mem>>)
      %dma_wait3A_62 = arith.constant 0 : i32
      %dma_wait3A_63 = arith.constant 0 : i32
      %dma_wait3A_64 = tpu.memref_slice %arg3[%add3A, %dma_wait3A_62, %dma_wait3A_63] : memref<32x32x16xi32, #tpu.memory_space<hbm>> -> memref<1x32x16xi32, #tpu.memory_space<hbm>>
      %dma_wait3A_65 = tpu.memref_squeeze %dma_wait3A_64 : memref<1x32x16xi32, #tpu.memory_space<hbm>> -> memref<32x16xi32, #tpu.memory_space<hbm>>
      %dma_wait3A_66 = arith.constant 0 : i32
      %dma_wait3A_67 = arith.constant 0 : i32
      %dma_wait3A_68 = tpu.memref_slice %arg3[%add3A, %dma_wait3A_66, %dma_wait3A_67] : memref<32x32x16xi32, #tpu.memory_space<hbm>> -> memref<1x32x16xi32, #tpu.memory_space<hbm>>
      %dma_wait3A_69 = tpu.memref_squeeze %dma_wait3A_68 : memref<1x32x16xi32, #tpu.memory_space<hbm>> -> memref<32x16xi32, #tpu.memory_space<hbm>>
      tpu.wait_dma2 semaphore(%run_scoped3A : memref<!tpu.dma_semaphore, #tpu.memory_space<semaphore_mem>>) src(%dma_wait3A_69 : memref<32x16xi32, #tpu.memory_space<hbm>>) dst(%arg6 : memref<32x16xi32, #tpu.memory_space<vmem>>)
      tpu.yield
    }) : () -> ()
    %add3A_5 = arith.constant 0 : i32
    %add3A_6 = arith.addi %mul3A_4, %add3A_5 : i32
    %dma_start3A = tpu.memref_reshape %arg4 : memref<4096x4x1024xf32, #tpu.memory_space<hbm>> -> memref<16384x1024xf32, #tpu.memory_space<hbm>>
    %dma_start3A_7 = arith.constant 0 : i32
    %dma_start3A_8 = tpu.memref_slice %dma_start3A[%add3A_6, %dma_start3A_7] : memref<16384x1024xf32, #tpu.memory_space<hbm>> -> memref<16x1024xf32, #tpu.memory_space<hbm>>
    %dma_start3A_9 = tpu.memref_reshape %arg4 : memref<4096x4x1024xf32, #tpu.memory_space<hbm>> -> memref<16384x1024xf32, #tpu.memory_space<hbm>>
    %dma_start3A_10 = arith.constant 0 : i32
    %dma_start3A_11 = tpu.memref_slice %dma_start3A_9[%add3A_6, %dma_start3A_10] : memref<16384x1024xf32, #tpu.memory_space<hbm>> -> memref<16x1024xf32, #tpu.memory_space<hbm>>
    tpu.enqueue_dma source(%dma_start3A_11 : memref<16x1024xf32, #tpu.memory_space<hbm>>) target(%arg7 : memref<16x1024xf32, #tpu.memory_space<vmem>>) target_semaphore(%arg13 : memref<!tpu.dma_semaphore, #tpu.memory_space<semaphore_mem>>)
    %dma_start3A_12 = arith.constant 0 : i32
    %dma_start3A_13 = arith.constant 0 : i32
    %dma_start3A_14 = tpu.memref_slice %arg6[%dma_start3A_12, %dma_start3A_13] : memref<32x16xi32, #tpu.memory_space<vmem>> -> memref<1x16xi32, #tpu.memory_space<vmem>>
    %dma_start3A_15 = tpu.memref_squeeze %dma_start3A_14 : memref<1x16xi32, #tpu.memory_space<vmem>> -> memref<16xi32, #tpu.memory_space<vmem>>
    %dma_start3A_16 = arith.constant 0 : i32
    %dma_start3A_17 = arith.constant 0 : i32
    %dma_start3A_18 = tpu.memref_slice %arg2[%dma_start3A_16, %dma_start3A_17] : memref<8192x1024xf32, #tpu.memory_space<hbm>> -> memref<8192x1024xf32, #tpu.memory_space<hbm>>
    tpu.enqueue_indirect_dma source(%dma_start3A_18 : memref<8192x1024xf32, #tpu.memory_space<hbm>>) target(%arg9 : memref<16x1024xf32, #tpu.memory_space<vmem>>) offsets(%dma_start3A_15 : memref<16xi32, #tpu.memory_space<vmem>>) semaphore(%arg15 : memref<!tpu.dma_semaphore, #tpu.memory_space<semaphore_mem>>)
    %add3A_19 = arith.constant 16 : i32
    %add3A_20 = arith.addi %mul3A_4, %add3A_19 : i32
    %dma_start3A_21 = tpu.memref_reshape %arg4 : memref<4096x4x1024xf32, #tpu.memory_space<hbm>> -> memref<16384x1024xf32, #tpu.memory_space<hbm>>
    %dma_start3A_22 = arith.constant 0 : i32
    %dma_start3A_23 = tpu.memref_slice %dma_start3A_21[%add3A_20, %dma_start3A_22] : memref<16384x1024xf32, #tpu.memory_space<hbm>> -> memref<16x1024xf32, #tpu.memory_space<hbm>>
    %dma_start3A_24 = tpu.memref_reshape %arg4 : memref<4096x4x1024xf32, #tpu.memory_space<hbm>> -> memref<16384x1024xf32, #tpu.memory_space<hbm>>
    %dma_start3A_25 = arith.constant 0 : i32
    %dma_start3A_26 = tpu.memref_slice %dma_start3A_24[%add3A_20, %dma_start3A_25] : memref<16384x1024xf32, #tpu.memory_space<hbm>> -> memref<16x1024xf32, #tpu.memory_space<hbm>>
    tpu.enqueue_dma source(%dma_start3A_26 : memref<16x1024xf32, #tpu.memory_space<hbm>>) target(%arg8 : memref<16x1024xf32, #tpu.memory_space<vmem>>) target_semaphore(%arg14 : memref<!tpu.dma_semaphore, #tpu.memory_space<semaphore_mem>>)
    %dma_start3A_27 = arith.constant 1 : i32
    %dma_start3A_28 = arith.constant 0 : i32
    %dma_start3A_29 = tpu.memref_slice %arg6[%dma_start3A_27, %dma_start3A_28] : memref<32x16xi32, #tpu.memory_space<vmem>> -> memref<1x16xi32, #tpu.memory_space<vmem>>
    %dma_start3A_30 = tpu.memref_squeeze %dma_start3A_29 : memref<1x16xi32, #tpu.memory_space<vmem>> -> memref<16xi32, #tpu.memory_space<vmem>>
    %dma_start3A_31 = arith.constant 0 : i32
    %dma_start3A_32 = arith.constant 0 : i32
    %dma_start3A_33 = tpu.memref_slice %arg2[%dma_start3A_31, %dma_start3A_32] : memref<8192x1024xf32, #tpu.memory_space<hbm>> -> memref<8192x1024xf32, #tpu.memory_space<hbm>>
    tpu.enqueue_indirect_dma source(%dma_start3A_33 : memref<8192x1024xf32, #tpu.memory_space<hbm>>) target(%arg10 : memref<16x1024xf32, #tpu.memory_space<vmem>>) offsets(%dma_start3A_30 : memref<16xi32, #tpu.memory_space<vmem>>) semaphore(%arg16 : memref<!tpu.dma_semaphore, #tpu.memory_space<semaphore_mem>>)
    %scan3A = arith.constant 0 : i32
    %scan3A_34 = arith.constant 0 : i32
    %scan3A_35 = arith.constant 16 : i32
    %scan3A_36 = arith.addi %scan3A_34, %scan3A_35 : i32
    %scan3A_37 = arith.constant 1 : i32
    scf.for %scan3A_54 = %scan3A_34 to %scan3A_36 step %scan3A_37  : i32 {
      %mul3A_55 = arith.constant 2 : i32
      %mul3A_56 = arith.muli %scan3A_54, %mul3A_55 : i32
      %add3A_57 = arith.constant 0 : i32
      %add3A_58 = arith.addi %mul3A_56, %add3A_57 : i32
      %dma_wait3A_59 = tpu.memref_reshape %arg4 : memref<4096x4x1024xf32, #tpu.memory_space<hbm>> -> memref<16384x1024xf32, #tpu.memory_space<hbm>>
      %dma_wait3A_60 = arith.constant 0 : i32
      %dma_wait3A_61 = arith.constant 0 : i32
      %dma_wait3A_62 = tpu.memref_slice %dma_wait3A_59[%dma_wait3A_60, %dma_wait3A_61] : memref<16384x1024xf32, #tpu.memory_space<hbm>> -> memref<16x1024xf32, #tpu.memory_space<hbm>>
      %dma_wait3A_63 = tpu.memref_reshape %arg4 : memref<4096x4x1024xf32, #tpu.memory_space<hbm>> -> memref<16384x1024xf32, #tpu.memory_space<hbm>>
      %dma_wait3A_64 = arith.constant 0 : i32
      %dma_wait3A_65 = arith.constant 0 : i32
      %dma_wait3A_66 = tpu.memref_slice %dma_wait3A_63[%dma_wait3A_64, %dma_wait3A_65] : memref<16384x1024xf32, #tpu.memory_space<hbm>> -> memref<16x1024xf32, #tpu.memory_space<hbm>>
      tpu.wait_dma2 semaphore(%arg13 : memref<!tpu.dma_semaphore, #tpu.memory_space<semaphore_mem>>) src(%dma_wait3A_66 : memref<16x1024xf32, #tpu.memory_space<hbm>>) dst(%arg7 : memref<16x1024xf32, #tpu.memory_space<vmem>>)
      %dma_wait3A_67 = arith.constant 0 : i32
      %dma_wait3A_68 = arith.constant 0 : i32
      %dma_wait3A_69 = tpu.memref_slice %arg6[%dma_wait3A_67, %dma_wait3A_68] : memref<32x16xi32, #tpu.memory_space<vmem>> -> memref<1x16xi32, #tpu.memory_space<vmem>>
      %dma_wait3A_70 = tpu.memref_squeeze %dma_wait3A_69 : memref<1x16xi32, #tpu.memory_space<vmem>> -> memref<16xi32, #tpu.memory_space<vmem>>
      %dma_wait3A_71 = arith.constant 0 : i32
      %dma_wait3A_72 = arith.constant 0 : i32
      %dma_wait3A_73 = tpu.memref_slice %arg2[%dma_wait3A_71, %dma_wait3A_72] : memref<8192x1024xf32, #tpu.memory_space<hbm>> -> memref<8192x1024xf32, #tpu.memory_space<hbm>>
      tpu.wait_indirect_dma semaphore(%arg15 : memref<!tpu.dma_semaphore, #tpu.memory_space<semaphore_mem>>) src(%dma_wait3A_73 : memref<8192x1024xf32, #tpu.memory_space<hbm>>) dst(%arg9 : memref<16x1024xf32, #tpu.memory_space<vmem>>)
      %ge3A = arith.constant 1 : i32
      %ge3A_74 = arith.cmpi sge, %scan3A_54, %ge3A : i32
      %convert_element_type3A = arith.extui %ge3A_74 : i1 to i32
      %cond3A = arith.constant 0 : i32
      %cond3A_75 = arith.cmpi ne, %convert_element_type3A, %cond3A : i32
      scf.if %cond3A_75 {
        %dma_wait3A_132 = tpu.memref_reshape %arg5 : memref<4096x4x1024xf32, #tpu.memory_space<hbm>> -> memref<16384x1024xf32, #tpu.memory_space<hbm>>
        %dma_wait3A_133 = arith.constant 0 : i32
        %dma_wait3A_134 = arith.constant 0 : i32
        %dma_wait3A_135 = tpu.memref_slice %dma_wait3A_132[%dma_wait3A_133, %dma_wait3A_134] : memref<16384x1024xf32, #tpu.memory_space<hbm>> -> memref<16x1024xf32, #tpu.memory_space<hbm>>
        %dma_wait3A_136 = tpu.memref_reshape %arg5 : memref<4096x4x1024xf32, #tpu.memory_space<hbm>> -> memref<16384x1024xf32, #tpu.memory_space<hbm>>
        %dma_wait3A_137 = arith.constant 0 : i32
        %dma_wait3A_138 = arith.constant 0 : i32
        %dma_wait3A_139 = tpu.memref_slice %dma_wait3A_136[%dma_wait3A_137, %dma_wait3A_138] : memref<16384x1024xf32, #tpu.memory_space<hbm>> -> memref<16x1024xf32, #tpu.memory_space<hbm>>
        tpu.wait_dma2 semaphore(%arg17 : memref<!tpu.dma_semaphore, #tpu.memory_space<semaphore_mem>>) src(%arg11 : memref<16x1024xf32, #tpu.memory_space<vmem>>) dst(%dma_wait3A_139 : memref<16x1024xf32, #tpu.memory_space<hbm>>)
      } else {
      }
      %parallel_loop3A = arith.constant 0 : i32
      %parallel_loop3A_76 = arith.constant 16 : i32
      %parallel_loop3A_77 = arith.constant 1 : i32
      scf.for %parallel_loop3A_132 = %parallel_loop3A to %parallel_loop3A_76 step %parallel_loop3A_77  : i32 {
        %parallel_loop3A_133 = arith.index_cast %parallel_loop3A_132 : i32 to index
        %parallel_loop3A_134 = arith.constant 0 : index
        %parallel_loop3A_135 = tpu.vector_load %arg7[%parallel_loop3A_133, %parallel_loop3A_134] {strides = array<i32>} : memref<16x1024xf32, #tpu.memory_space<vmem>>, vector<1x16xf32>,
        %parallel_loop3A_136 = vector.shape_cast %parallel_loop3A_135 : vector<1x16xf32> to vector<16xf32>
        %parallel_loop3A_137 = arith.index_cast %parallel_loop3A_132 : i32 to index
        %parallel_loop3A_138 = arith.constant 0 : index
        %parallel_loop3A_139 = tpu.vector_load %arg9[%parallel_loop3A_137, %parallel_loop3A_138] {strides = array<i32>} : memref<16x1024xf32, #tpu.memory_space<vmem>>, vector<1x16xf32>,
        %parallel_loop3A_140 = vector.shape_cast %parallel_loop3A_139 : vector<1x16xf32> to vector<16xf32>
        %parallel_loop3A_141 = arith.addf %parallel_loop3A_136, %parallel_loop3A_140 : vector<16xf32>
        %parallel_loop3A_142 = arith.index_cast %parallel_loop3A_132 : i32 to index
        %parallel_loop3A_143 = arith.constant 0 : index
        %parallel_loop3A_144 = tpu.vector_load %arg11[%parallel_loop3A_142, %parallel_loop3A_143] {strides = array<i32>} : memref<16x1024xf32, #tpu.memory_space<vmem>>, vector<1x16xf32>,
        %parallel_loop3A_145 = vector.shape_cast %parallel_loop3A_144 : vector<1x16xf32> to vector<16xf32>
        %parallel_loop3A_146 = vector.shape_cast %parallel_loop3A_141 : vector<16xf32> to vector<1x16xf32>
        tpu.vector_store %arg11[%parallel_loop3A_142, %parallel_loop3A_143], %parallel_loop3A_146 {strides = array<i32>} : memref<16x1024xf32, #tpu.memory_space<vmem>>, vector<1x16xf32>,
        %parallel_loop3A_147 = arith.index_cast %parallel_loop3A_132 : i32 to index
        %parallel_loop3A_148 = arith.constant 16 : index
        %parallel_loop3A_149 = tpu.vector_load %arg7[%parallel_loop3A_147, %parallel_loop3A_148] {strides = array<i32>} : memref<16x1024xf32, #tpu.memory_space<vmem>>, vector<1x16xf32>,
        %parallel_loop3A_150 = vector.shape_cast %parallel_loop3A_149 : vector<1x16xf32> to vector<16xf32>
        %parallel_loop3A_151 = arith.index_cast %parallel_loop3A_132 : i32 to index
        %parallel_loop3A_152 = arith.constant 16 : index
        %parallel_loop3A_153 = tpu.vector_load %arg9[%parallel_loop3A_151, %parallel_loop3A_152] {strides = array<i32>} : memref<16x1024xf32, #tpu.memory_space<vmem>>, vector<1x16xf32>,
        %parallel_loop3A_154 = vector.shape_cast %parallel_loop3A_153 : vector<1x16xf32> to vector<16xf32>
        %parallel_loop3A_155 = arith.addf %parallel_loop3A_150, %parallel_loop3A_154 : vector<16xf32>
        %parallel_loop3A_156 = arith.index_cast %parallel_loop3A_132 : i32 to index
        %parallel_loop3A_157 = arith.constant 16 : index
        %parallel_loop3A_158 = tpu.vector_load %arg11[%parallel_loop3A_156, %parallel_loop3A_157] {strides = array<i32>} : memref<16x1024xf32, #tpu.memory_space<vmem>>, vector<1x16xf32>,
        %parallel_loop3A_159 = vector.shape_cast %parallel_loop3A_158 : vector<1x16xf32> to vector<16xf32>
        %parallel_loop3A_160 = vector.shape_cast %parallel_loop3A_155 : vector<16xf32> to vector<1x16xf32>
        tpu.vector_store %arg11[%parallel_loop3A_156, %parallel_loop3A_157], %parallel_loop3A_160 {strides = array<i32>} : memref<16x1024xf32, #tpu.memory_space<vmem>>, vector<1x16xf32>,
        %parallel_loop3A_161 = arith.index_cast %parallel_loop3A_132 : i32 to index
        %parallel_loop3A_162 = arith.constant 32 : index
        %parallel_loop3A_163 = tpu.vector_load %arg7[%parallel_loop3A_161, %parallel_loop3A_162] {strides = array<i32>} : memref<16x1024xf32, #tpu.memory_space<vmem>>, vector<1x16xf32>,
        %parallel_loop3A_164 = vector.shape_cast %parallel_loop3A_163 : vector<1x16xf32> to vector<16xf32>
        %parallel_loop3A_165 = arith.index_cast %parallel_loop3A_132 : i32 to index
        %parallel_loop3A_166 = arith.constant 32 : index
        %parallel_loop3A_167 = tpu.vector_load %arg9[%parallel_loop3A_165, %parallel_loop3A_166] {strides = array<i32>} : memref<16x1024xf32, #tpu.memory_space<vmem>>, vector<1x16xf32>,
        %parallel_loop3A_168 = vector.shape_cast %parallel_loop3A_167 : vector<1x16xf32> to vector<16xf32>
        %parallel_loop3A_169 = arith.addf %parallel_loop3A_164, %parallel_loop3A_168 : vector<16xf32>
        %parallel_loop3A_170 = arith.index_cast %parallel_loop3A_132 : i32 to index
        %parallel_loop3A_171 = arith.constant 32 : index
        %parallel_loop3A_172 = tpu.vector_load %arg11[%parallel_loop3A_170, %parallel_loop3A_171] {strides = array<i32>} : memref<16x1024xf32, #tpu.memory_space<vmem>>, vector<1x16xf32>,
        %parallel_loop3A_173 = vector.shape_cast %parallel_loop3A_172 : vector<1x16xf32> to vector<16xf32>
        %parallel_loop3A_174 = vector.shape_cast %parallel_loop3A_169 : vector<16xf32> to vector<1x16xf32>
        tpu.vector_store %arg11[%parallel_loop3A_170, %parallel_loop3A_171], %parallel_loop3A_174 {strides = array<i32>} : memref<16x1024xf32, #tpu.memory_space<vmem>>, vector<1x16xf32>,
        %parallel_loop3A_175 = arith.index_cast %parallel_loop3A_132 : i32 to index
        %parallel_loop3A_176 = arith.constant 48 : index
        %parallel_loop3A_177 = tpu.vector_load %arg7[%parallel_loop3A_175, %parallel_loop3A_176] {strides = array<i32>} : memref<16x1024xf32, #tpu.memory_space<vmem>>, vector<1x16xf32>,
        %parallel_loop3A_178 = vector.shape_cast %parallel_loop3A_177 : vector<1x16xf32> to vector<16xf32>
        %parallel_loop3A_179 = arith.index_cast %parallel_loop3A_132 : i32 to index
        %parallel_loop3A_180 = arith.constant 48 : index
        %parallel_loop3A_181 = tpu.vector_load %arg9[%parallel_loop3A_179, %parallel_loop3A_180] {strides = array<i32>} : memref<16x1024xf32, #tpu.memory_space<vmem>>, vector<1x16xf32>,
        %parallel_loop3A_182 = vector.shape_cast %parallel_loop3A_181 : vector<1x16xf32> to vector<16xf32>
        %parallel_loop3A_183 = arith.addf %parallel_loop3A_178, %parallel_loop3A_182 : vector<16xf32>
        %parallel_loop3A_184 = arith.index_cast %parallel_loop3A_132 : i32 to index
        %parallel_loop3A_185 = arith.constant 48 : index
        %parallel_loop3A_186 = tpu.vector_load %arg11[%parallel_loop3A_184, %parallel_loop3A_185] {strides = array<i32>} : memref<16x1024xf32, #tpu.memory_space<vmem>>, vector<1x16xf32>,
        %parallel_loop3A_187 = vector.shape_cast %parallel_loop3A_186 : vector<1x16xf32> to vector<16xf32>
        %parallel_loop3A_188 = vector.shape_cast %parallel_loop3A_183 : vector<16xf32> to vector<1x16xf32>
        tpu.vector_store %arg11[%parallel_loop3A_184, %parallel_loop3A_185], %parallel_loop3A_188 {strides = array<i32>} : memref<16x1024xf32, #tpu.memory_space<vmem>>, vector<1x16xf32>,
        %parallel_loop3A_189 = arith.index_cast %parallel_loop3A_132 : i32 to index
        %parallel_loop3A_190 = arith.constant 64 : index
        %parallel_loop3A_191 = tpu.vector_load %arg7[%parallel_loop3A_189, %parallel_loop3A_190] {strides = array<i32>} : memref<16x1024xf32, #tpu.memory_space<vmem>>, vector<1x16xf32>,
        %parallel_loop3A_192 = vector.shape_cast %parallel_loop3A_191 : vector<1x16xf32> to vector<16xf32>
        %parallel_loop3A_193 = arith.index_cast %parallel_loop3A_132 : i32 to index
        %parallel_loop3A_194 = arith.constant 64 : index
        %parallel_loop3A_195 = tpu.vector_load %arg9[%parallel_loop3A_193, %parallel_loop3A_194] {strides = array<i32>} : memref<16x1024xf32, #tpu.memory_space<vmem>>, vector<1x16xf32>,
        %parallel_loop3A_196 = vector.shape_cast %parallel_loop3A_195 : vector<1x16xf32> to vector<16xf32>
        %parallel_loop3A_197 = arith.addf %parallel_loop3A_192, %parallel_loop3A_196 : vector<16xf32>
        %parallel_loop3A_198 = arith.index_cast %parallel_loop3A_132 : i32 to index
        %parallel_loop3A_199 = arith.constant 64 : index
        %parallel_loop3A_200 = tpu.vector_load %arg11[%parallel_loop3A_198, %parallel_loop3A_199] {strides = array<i32>} : memref<16x1024xf32, #tpu.memory_space<vmem>>, vector<1x16xf32>,
        %parallel_loop3A_201 = vector.shape_cast %parallel_loop3A_200 : vector<1x16xf32> to vector<16xf32>
        %parallel_loop3A_202 = vector.shape_cast %parallel_loop3A_197 : vector<16xf32> to vector<1x16xf32>
        tpu.vector_store %arg11[%parallel_loop3A_198, %parallel_loop3A_199], %parallel_loop3A_202 {strides = array<i32>} : memref<16x1024xf32, #tpu.memory_space<vmem>>, vector<1x16xf32>,
        %parallel_loop3A_203 = arith.index_cast %parallel_loop3A_132 : i32 to index
        %parallel_loop3A_204 = arith.constant 80 : index
        %parallel_loop3A_205 = tpu.vector_load %arg7[%parallel_loop3A_203, %parallel_loop3A_204] {strides = array<i32>} : memref<16x1024xf32, #tpu.memory_space<vmem>>, vector<1x16xf32>,
        %parallel_loop3A_206 = vector.shape_cast %parallel_loop3A_205 : vector<1x16xf32> to vector<16xf32>
        %parallel_loop3A_207 = arith.index_cast %parallel_loop3A_132 : i32 to index
        %parallel_loop3A_208 = arith.constant 80 : index
        %parallel_loop3A_209 = tpu.vector_load %arg9[%parallel_loop3A_207, %parallel_loop3A_208] {strides = array<i32>} : memref<16x1024xf32, #tpu.memory_space<vmem>>, vector<1x16xf32>,
        %parallel_loop3A_210 = vector.shape_cast %parallel_loop3A_209 : vector<1x16xf32> to vector<16xf32>
        %parallel_loop3A_211 = arith.addf %parallel_loop3A_206, %parallel_loop3A_210 : vector<16xf32>
        %parallel_loop3A_212 = arith.index_cast %parallel_loop3A_132 : i32 to index
        %parallel_loop3A_213 = arith.constant 80 : index
        %parallel_loop3A_214 = tpu.vector_load %arg11[%parallel_loop3A_212, %parallel_loop3A_213] {strides = array<i32>} : memref<16x1024xf32, #tpu.memory_space<vmem>>, vector<1x16xf32>,
        %parallel_loop3A_215 = vector.shape_cast %parallel_loop3A_214 : vector<1x16xf32> to vector<16xf32>
        %parallel_loop3A_216 = vector.shape_cast %parallel_loop3A_211 : vector<16xf32> to vector<1x16xf32>
        tpu.vector_store %arg11[%parallel_loop3A_212, %parallel_loop3A_213], %parallel_loop3A_216 {strides = array<i32>} : memref<16x1024xf32, #tpu.memory_space<vmem>>, vector<1x16xf32>,
        %parallel_loop3A_217 = arith.index_cast %parallel_loop3A_132 : i32 to index
        %parallel_loop3A_218 = arith.constant 96 : index
        %parallel_loop3A_219 = tpu.vector_load %arg7[%parallel_loop3A_217, %parallel_loop3A_218] {strides = array<i32>} : memref<16x1024xf32, #tpu.memory_space<vmem>>, vector<1x16xf32>,
        %parallel_loop3A_220 = vector.shape_cast %parallel_loop3A_219 : vector<1x16xf32> to vector<16xf32>
        %parallel_loop3A_221 = arith.index_cast %parallel_loop3A_132 : i32 to index
        %parallel_loop3A_222 = arith.constant 96 : index
        %parallel_loop3A_223 = tpu.vector_load %arg9[%parallel_loop3A_221, %parallel_loop3A_222] {strides = array<i32>} : memref<16x1024xf32, #tpu.memory_space<vmem>>, vector<1x16xf32>,
        %parallel_loop3A_224 = vector.shape_cast %parallel_loop3A_223 : vector<1x16xf32> to vector<16xf32>
        %parallel_loop3A_225 = arith.addf %parallel_loop3A_220, %parallel_loop3A_224 : vector<16xf32>
        %parallel_loop3A_226 = arith.index_cast %parallel_loop3A_132 : i32 to index
        %parallel_loop3A_227 = arith.constant 96 : index
        %parallel_loop3A_228 = tpu.vector_load %arg11[%parallel_loop3A_226, %parallel_loop3A_227] {strides = array<i32>} : memref<16x1024xf32, #tpu.memory_space<vmem>>, vector<1x16xf32>,
        %parallel_loop3A_229 = vector.shape_cast %parallel_loop3A_228 : vector<1x16xf32> to vector<16xf32>
        %parallel_loop3A_230 = vector.shape_cast %parallel_loop3A_225 : vector<16xf32> to vector<1x16xf32>
        tpu.vector_store %arg11[%parallel_loop3A_226, %parallel_loop3A_227], %parallel_loop3A_230 {strides = array<i32>} : memref<16x1024xf32, #tpu.memory_space<vmem>>, vector<1x16xf32>,
        %parallel_loop3A_231 = arith.index_cast %parallel_loop3A_132 : i32 to index
        %parallel_loop3A_232 = arith.constant 112 : index
        %parallel_loop3A_233 = tpu.vector_load %arg7[%parallel_loop3A_231, %parallel_loop3A_232] {strides = array<i32>} : memref<16x1024xf32, #tpu.memory_space<vmem>>, vector<1x16xf32>,
        %parallel_loop3A_234 = vector.shape_cast %parallel_loop3A_233 : vector<1x16xf32> to vector<16xf32>
        %parallel_loop3A_235 = arith.index_cast %parallel_loop3A_132 : i32 to index
        %parallel_loop3A_236 = arith.constant 112 : index
        %parallel_loop3A_237 = tpu.vector_load %arg9[%parallel_loop3A_235, %parallel_loop3A_236] {strides = array<i32>} : memref<16x1024xf32, #tpu.memory_space<vmem>>, vector<1x16xf32>,
        %parallel_loop3A_238 = vector.shape_cast %parallel_loop3A_237 : vector<1x16xf32> to vector<16xf32>
        %parallel_loop3A_239 = arith.addf %parallel_loop3A_234, %parallel_loop3A_238 : vector<16xf32>
        %parallel_loop3A_240 = arith.index_cast %parallel_loop3A_132 : i32 to index
        %parallel_loop3A_241 = arith.constant 112 : index
        %parallel_loop3A_242 = tpu.vector_load %arg11[%parallel_loop3A_240, %parallel_loop3A_241] {strides = array<i32>} : memref<16x1024xf32, #tpu.memory_space<vmem>>, vector<1x16xf32>,
        %parallel_loop3A_243 = vector.shape_cast %parallel_loop3A_242 : vector<1x16xf32> to vector<16xf32>
        %parallel_loop3A_244 = vector.shape_cast %parallel_loop3A_239 : vector<16xf32> to vector<1x16xf32>
        tpu.vector_store %arg11[%parallel_loop3A_240, %parallel_loop3A_241], %parallel_loop3A_244 {strides = array<i32>} : memref<16x1024xf32, #tpu.memory_space<vmem>>, vector<1x16xf32>,
        %parallel_loop3A_245 = arith.index_cast %parallel_loop3A_132 : i32 to index
        %parallel_loop3A_246 = arith.constant 128 : index
        %parallel_loop3A_247 = tpu.vector_load %arg7[%parallel_loop3A_245, %parallel_loop3A_246] {strides = array<i32>} : memref<16x1024xf32, #tpu.memory_space<vmem>>, vector<1x16xf32>,
        %parallel_loop3A_248 = vector.shape_cast %parallel_loop3A_247 : vector<1x16xf32> to vector<16xf32>
        %parallel_loop3A_249 = arith.index_cast %parallel_loop3A_132 : i32 to index
        %parallel_loop3A_250 = arith.constant 128 : index
        %parallel_loop3A_251 = tpu.vector_load %arg9[%parallel_loop3A_249, %parallel_loop3A_250] {strides = array<i32>} : memref<16x1024xf32, #tpu.memory_space<vmem>>, vector<1x16xf32>,
        %parallel_loop3A_252 = vector.shape_cast %parallel_loop3A_251 : vector<1x16xf32> to vector<16xf32>
        %parallel_loop3A_253 = arith.addf %parallel_loop3A_248, %parallel_loop3A_252 : vector<16xf32>
        %parallel_loop3A_254 = arith.index_cast %parallel_loop3A_132 : i32 to index
        %parallel_loop3A_255 = arith.constant 128 : index
        %parallel_loop3A_256 = tpu.vector_load %arg11[%parallel_loop3A_254, %parallel_loop3A_255] {strides = array<i32>} : memref<16x1024xf32, #tpu.memory_space<vmem>>, vector<1x16xf32>,
        %parallel_loop3A_257 = vector.shape_cast %parallel_loop3A_256 : vector<1x16xf32> to vector<16xf32>
        %parallel_loop3A_258 = vector.shape_cast %parallel_loop3A_253 : vector<16xf32> to vector<1x16xf32>
        tpu.vector_store %arg11[%parallel_loop3A_254, %parallel_loop3A_255], %parallel_loop3A_258 {strides = array<i32>} : memref<16x1024xf32, #tpu.memory_space<vmem>>, vector<1x16xf32>,
        %parallel_loop3A_259 = arith.index_cast %parallel_loop3A_132 : i32 to index
        %parallel_loop3A_260 = arith.constant 144 : index
        %parallel_loop3A_261 = tpu.vector_load %arg7[%parallel_loop3A_259, %parallel_loop3A_260] {strides = array<i32>} : memref<16x1024xf32, #tpu.memory_space<vmem>>, vector<1x16xf32>,
        %parallel_loop3A_262 = vector.shape_cast %parallel_loop3A_261 : vector<1x16xf32> to vector<16xf32>
        %parallel_loop3A_263 = arith.index_cast %parallel_loop3A_132 : i32 to index
        %parallel_loop3A_264 = arith.constant 144 : index
        %parallel_loop3A_265 = tpu.vector_load %arg9[%parallel_loop3A_263, %parallel_loop3A_264] {strides = array<i32>} : memref<16x1024xf32, #tpu.memory_space<vmem>>, vector<1x16xf32>,
        %parallel_loop3A_266 = vector.shape_cast %parallel_loop3A_265 : vector<1x16xf32> to vector<16xf32>
        %parallel_loop3A_267 = arith.addf %parallel_loop3A_262, %parallel_loop3A_266 : vector<16xf32>
        %parallel_loop3A_268 = arith.index_cast %parallel_loop3A_132 : i32 to index
        %parallel_loop3A_269 = arith.constant 144 : index
        %parallel_loop3A_270 = tpu.vector_load %arg11[%parallel_loop3A_268, %parallel_loop3A_269] {strides = array<i32>} : memref<16x1024xf32, #tpu.memory_space<vmem>>, vector<1x16xf32>,
        %parallel_loop3A_271 = vector.shape_cast %parallel_loop3A_270 : vector<1x16xf32> to vector<16xf32>
        %parallel_loop3A_272 = vector.shape_cast %parallel_loop3A_267 : vector<16xf32> to vector<1x16xf32>
        tpu.vector_store %arg11[%parallel_loop3A_268, %parallel_loop3A_269], %parallel_loop3A_272 {strides = array<i32>} : memref<16x1024xf32, #tpu.memory_space<vmem>>, vector<1x16xf32>,
        %parallel_loop3A_273 = arith.index_cast %parallel_loop3A_132 : i32 to index
        %parallel_loop3A_274 = arith.constant 160 : index
        %parallel_loop3A_275 = tpu.vector_load %arg7[%parallel_loop3A_273, %parallel_loop3A_274] {strides = array<i32>} : memref<16x1024xf32, #tpu.memory_space<vmem>>, vector<1x16xf32>,
        %parallel_loop3A_276 = vector.shape_cast %parallel_loop3A_275 : vector<1x16xf32> to vector<16xf32>
        %parallel_loop3A_277 = arith.index_cast %parallel_loop3A_132 : i32 to index
        %parallel_loop3A_278 = arith.constant 160 : index
        %parallel_loop3A_279 = tpu.vector_load %arg9[%parallel_loop3A_277, %parallel_loop3A_278] {strides = array<i32>} : memref<16x1024xf32, #tpu.memory_space<vmem>>, vector<1x16xf32>,
        %parallel_loop3A_280 = vector.shape_cast %parallel_loop3A_279 : vector<1x16xf32> to vector<16xf32>
        %parallel_loop3A_281 = arith.addf %parallel_loop3A_276, %parallel_loop3A_280 : vector<16xf32>
        %parallel_loop3A_282 = arith.index_cast %parallel_loop3A_132 : i32 to index
        %parallel_loop3A_283 = arith.constant 160 : index
        %parallel_loop3A_284 = tpu.vector_load %arg11[%parallel_loop3A_282, %parallel_loop3A_283] {strides = array<i32>} : memref<16x1024xf32, #tpu.memory_space<vmem>>, vector<1x16xf32>,
        %parallel_loop3A_285 = vector.shape_cast %parallel_loop3A_284 : vector<1x16xf32> to vector<16xf32>
        %parallel_loop3A_286 = vector.shape_cast %parallel_loop3A_281 : vector<16xf32> to vector<1x16xf32>
        tpu.vector_store %arg11[%parallel_loop3A_282, %parallel_loop3A_283], %parallel_loop3A_286 {strides = array<i32>} : memref<16x1024xf32, #tpu.memory_space<vmem>>, vector<1x16xf32>,
        %parallel_loop3A_287 = arith.index_cast %parallel_loop3A_132 : i32 to index
        %parallel_loop3A_288 = arith.constant 176 : index
        %parallel_loop3A_289 = tpu.vector_load %arg7[%parallel_loop3A_287, %parallel_loop3A_288] {strides = array<i32>} : memref<16x1024xf32, #tpu.memory_space<vmem>>, vector<1x16xf32>,
        %parallel_loop3A_290 = vector.shape_cast %parallel_loop3A_289 : vector<1x16xf32> to vector<16xf32>
        %parallel_loop3A_291 = arith.index_cast %parallel_loop3A_132 : i32 to index
        %parallel_loop3A_292 = arith.constant 176 : index
        %parallel_loop3A_293 = tpu.vector_load %arg9[%parallel_loop3A_291, %parallel_loop3A_292] {strides = array<i32>} : memref<16x1024xf32, #tpu.memory_space<vmem>>, vector<1x16xf32>,
        %parallel_loop3A_294 = vector.shape_cast %parallel_loop3A_293 : vector<1x16xf32> to vector<16xf32>
        %parallel_loop3A_295 = arith.addf %parallel_loop3A_290, %parallel_loop3A_294 : vector<16xf32>
        %parallel_loop3A_296 = arith.index_cast %parallel_loop3A_132 : i32 to index
        %parallel_loop3A_297 = arith.constant 176 : index
        %parallel_loop3A_298 = tpu.vector_load %arg11[%parallel_loop3A_296, %parallel_loop3A_297] {strides = array<i32>} : memref<16x1024xf32, #tpu.memory_space<vmem>>, vector<1x16xf32>,
        %parallel_loop3A_299 = vector.shape_cast %parallel_loop3A_298 : vector<1x16xf32> to vector<16xf32>
        %parallel_loop3A_300 = vector.shape_cast %parallel_loop3A_295 : vector<16xf32> to vector<1x16xf32>
        tpu.vector_store %arg11[%parallel_loop3A_296, %parallel_loop3A_297], %parallel_loop3A_300 {strides = array<i32>} : memref<16x1024xf32, #tpu.memory_space<vmem>>, vector<1x16xf32>,
        %parallel_loop3A_301 = arith.index_cast %parallel_loop3A_132 : i32 to index
        %parallel_loop3A_302 = arith.constant 192 : index
        %parallel_loop3A_303 = tpu.vector_load %arg7[%parallel_loop3A_301, %parallel_loop3A_302] {strides = array<i32>} : memref<16x1024xf32, #tpu.memory_space<vmem>>, vector<1x16xf32>,
        %parallel_loop3A_304 = vector.shape_cast %parallel_loop3A_303 : vector<1x16xf32> to vector<16xf32>
        %parallel_loop3A_305 = arith.index_cast %parallel_loop3A_132 : i32 to index
        %parallel_loop3A_306 = arith.constant 192 : index
        %parallel_loop3A_307 = tpu.vector_load %arg9[%parallel_loop3A_305, %parallel_loop3A_306] {strides = array<i32>} : memref<16x1024xf32, #tpu.memory_space<vmem>>, vector<1x16xf32>,
        %parallel_loop3A_308 = vector.shape_cast %parallel_loop3A_307 : vector<1x16xf32> to vector<16xf32>
        %parallel_loop3A_309 = arith.addf %parallel_loop3A_304, %parallel_loop3A_308 : vector<16xf32>
        %parallel_loop3A_310 = arith.index_cast %parallel_loop3A_132 : i32 to index
        %parallel_loop3A_311 = arith.constant 192 : index
        %parallel_loop3A_312 = tpu.vector_load %arg11[%parallel_loop3A_310, %parallel_loop3A_311] {strides = array<i32>} : memref<16x1024xf32, #tpu.memory_space<vmem>>, vector<1x16xf32>,
        %parallel_loop3A_313 = vector.shape_cast %parallel_loop3A_312 : vector<1x16xf32> to vector<16xf32>
        %parallel_loop3A_314 = vector.shape_cast %parallel_loop3A_309 : vector<16xf32> to vector<1x16xf32>
        tpu.vector_store %arg11[%parallel_loop3A_310, %parallel_loop3A_311], %parallel_loop3A_314 {strides = array<i32>} : memref<16x1024xf32, #tpu.memory_space<vmem>>, vector<1x16xf32>,
        %parallel_loop3A_315 = arith.index_cast %parallel_loop3A_132 : i32 to index
        %parallel_loop3A_316 = arith.constant 208 : index
        %parallel_loop3A_317 = tpu.vector_load %arg7[%parallel_loop3A_315, %parallel_loop3A_316] {strides = array<i32>} : memref<16x1024xf32, #tpu.memory_space<vmem>>, vector<1x16xf32>,
        %parallel_loop3A_318 = vector.shape_cast %parallel_loop3A_317 : vector<1x16xf32> to vector<16xf32>
        %parallel_loop3A_319 = arith.index_cast %parallel_loop3A_132 : i32 to index
        %parallel_loop3A_320 = arith.constant 208 : index
        %parallel_loop3A_321 = tpu.vector_load %arg9[%parallel_loop3A_319, %parallel_loop3A_320] {strides = array<i32>} : memref<16x1024xf32, #tpu.memory_space<vmem>>, vector<1x16xf32>,
        %parallel_loop3A_322 = vector.shape_cast %parallel_loop3A_321 : vector<1x16xf32> to vector<16xf32>
        %parallel_loop3A_323 = arith.addf %parallel_loop3A_318, %parallel_loop3A_322 : vector<16xf32>
        %parallel_loop3A_324 = arith.index_cast %parallel_loop3A_132 : i32 to index
        %parallel_loop3A_325 = arith.constant 208 : index
        %parallel_loop3A_326 = tpu.vector_load %arg11[%parallel_loop3A_324, %parallel_loop3A_325] {strides = array<i32>} : memref<16x1024xf32, #tpu.memory_space<vmem>>, vector<1x16xf32>,
        %parallel_loop3A_327 = vector.shape_cast %parallel_loop3A_326 : vector<1x16xf32> to vector<16xf32>
        %parallel_loop3A_328 = vector.shape_cast %parallel_loop3A_323 : vector<16xf32> to vector<1x16xf32>
        tpu.vector_store %arg11[%parallel_loop3A_324, %parallel_loop3A_325], %parallel_loop3A_328 {strides = array<i32>} : memref<16x1024xf32, #tpu.memory_space<vmem>>, vector<1x16xf32>,
        %parallel_loop3A_329 = arith.index_cast %parallel_loop3A_132 : i32 to index
        %parallel_loop3A_330 = arith.constant 224 : index
        %parallel_loop3A_331 = tpu.vector_load %arg7[%parallel_loop3A_329, %parallel_loop3A_330] {strides = array<i32>} : memref<16x1024xf32, #tpu.memory_space<vmem>>, vector<1x16xf32>,
        %parallel_loop3A_332 = vector.shape_cast %parallel_loop3A_331 : vector<1x16xf32> to vector<16xf32>
        %parallel_loop3A_333 = arith.index_cast %parallel_loop3A_132 : i32 to index
        %parallel_loop3A_334 = arith.constant 224 : index
        %parallel_loop3A_335 = tpu.vector_load %arg9[%parallel_loop3A_333, %parallel_loop3A_334] {strides = array<i32>} : memref<16x1024xf32, #tpu.memory_space<vmem>>, vector<1x16xf32>,
        %parallel_loop3A_336 = vector.shape_cast %parallel_loop3A_335 : vector<1x16xf32> to vector<16xf32>
        %parallel_loop3A_337 = arith.addf %parallel_loop3A_332, %parallel_loop3A_336 : vector<16xf32>
        %parallel_loop3A_338 = arith.index_cast %parallel_loop3A_132 : i32 to index
        %parallel_loop3A_339 = arith.constant 224 : index
        %parallel_loop3A_340 = tpu.vector_load %arg11[%parallel_loop3A_338, %parallel_loop3A_339] {strides = array<i32>} : memref<16x1024xf32, #tpu.memory_space<vmem>>, vector<1x16xf32>,
        %parallel_loop3A_341 = vector.shape_cast %parallel_loop3A_340 : vector<1x16xf32> to vector<16xf32>
        %parallel_loop3A_342 = vector.shape_cast %parallel_loop3A_337 : vector<16xf32> to vector<1x16xf32>
        tpu.vector_store %arg11[%parallel_loop3A_338, %parallel_loop3A_339], %parallel_loop3A_342 {strides = array<i32>} : memref<16x1024xf32, #tpu.memory_space<vmem>>, vector<1x16xf32>,
        %parallel_loop3A_343 = arith.index_cast %parallel_loop3A_132 : i32 to index
        %parallel_loop3A_344 = arith.constant 240 : index
        %parallel_loop3A_345 = tpu.vector_load %arg7[%parallel_loop3A_343, %parallel_loop3A_344] {strides = array<i32>} : memref<16x1024xf32, #tpu.memory_space<vmem>>, vector<1x16xf32>,
        %parallel_loop3A_346 = vector.shape_cast %parallel_loop3A_345 : vector<1x16xf32> to vector<16xf32>
        %parallel_loop3A_347 = arith.index_cast %parallel_loop3A_132 : i32 to index
        %parallel_loop3A_348 = arith.constant 240 : index
        %parallel_loop3A_349 = tpu.vector_load %arg9[%parallel_loop3A_347, %parallel_loop3A_348] {strides = array<i32>} : memref<16x1024xf32, #tpu.memory_space<vmem>>, vector<1x16xf32>,
        %parallel_loop3A_350 = vector.shape_cast %parallel_loop3A_349 : vector<1x16xf32> to vector<16xf32>
        %parallel_loop3A_351 = arith.addf %parallel_loop3A_346, %parallel_loop3A_350 : vector<16xf32>
        %parallel_loop3A_352 = arith.index_cast %parallel_loop3A_132 : i32 to index
        %parallel_loop3A_353 = arith.constant 240 : index
        %parallel_loop3A_354 = tpu.vector_load %arg11[%parallel_loop3A_352, %parallel_loop3A_353] {strides = array<i32>} : memref<16x1024xf32, #tpu.memory_space<vmem>>, vector<1x16xf32>,
        %parallel_loop3A_355 = vector.shape_cast %parallel_loop3A_354 : vector<1x16xf32> to vector<16xf32>
        %parallel_loop3A_356 = vector.shape_cast %parallel_loop3A_351 : vector<16xf32> to vector<1x16xf32>
        tpu.vector_store %arg11[%parallel_loop3A_352, %parallel_loop3A_353], %parallel_loop3A_356 {strides = array<i32>} : memref<16x1024xf32, #tpu.memory_space<vmem>>, vector<1x16xf32>,
        %parallel_loop3A_357 = arith.index_cast %parallel_loop3A_132 : i32 to index
        %parallel_loop3A_358 = arith.constant 256 : index
        %parallel_loop3A_359 = tpu.vector_load %arg7[%parallel_loop3A_357, %parallel_loop3A_358] {strides = array<i32>} : memref<16x1024xf32, #tpu.memory_space<vmem>>, vector<1x16xf32>,
        %parallel_loop3A_360 = vector.shape_cast %parallel_loop3A_359 : vector<1x16xf32> to vector<16xf32>
        %parallel_loop3A_361 = arith.index_cast %parallel_loop3A_132 : i32 to index
        %parallel_loop3A_362 = arith.constant 256 : index
        %parallel_loop3A_363 = tpu.vector_load %arg9[%parallel_loop3A_361, %parallel_loop3A_362] {strides = array<i32>} : memref<16x1024xf32, #tpu.memory_space<vmem>>, vector<1x16xf32>,
        %parallel_loop3A_364 = vector.shape_cast %parallel_loop3A_363 : vector<1x16xf32> to vector<16xf32>
        %parallel_loop3A_365 = arith.addf %parallel_loop3A_360, %parallel_loop3A_364 : vector<16xf32>
        %parallel_loop3A_366 = arith.index_cast %parallel_loop3A_132 : i32 to index
        %parallel_loop3A_367 = arith.constant 256 : index
        %parallel_loop3A_368 = tpu.vector_load %arg11[%parallel_loop3A_366, %parallel_loop3A_367] {strides = array<i32>} : memref<16x1024xf32, #tpu.memory_space<vmem>>, vector<1x16xf32>,
        %parallel_loop3A_369 = vector.shape_cast %parallel_loop3A_368 : vector<1x16xf32> to vector<16xf32>
        %parallel_loop3A_370 = vector.shape_cast %parallel_loop3A_365 : vector<16xf32> to vector<1x16xf32>
        tpu.vector_store %arg11[%parallel_loop3A_366, %parallel_loop3A_367], %parallel_loop3A_370 {strides = array<i32>} : memref<16x1024xf32, #tpu.memory_space<vmem>>, vector<1x16xf32>,
        %parallel_loop3A_371 = arith.index_cast %parallel_loop3A_132 : i32 to index
        %parallel_loop3A_372 = arith.constant 272 : index
        %parallel_loop3A_373 = tpu.vector_load %arg7[%parallel_loop3A_371, %parallel_loop3A_372] {strides = array<i32>} : memref<16x1024xf32, #tpu.memory_space<vmem>>, vector<1x16xf32>,
        %parallel_loop3A_374 = vector.shape_cast %parallel_loop3A_373 : vector<1x16xf32> to vector<16xf32>
        %parallel_loop3A_375 = arith.index_cast %parallel_loop3A_132 : i32 to index
        %parallel_loop3A_376 = arith.constant 272 : index
        %parallel_loop3A_377 = tpu.vector_load %arg9[%parallel_loop3A_375, %parallel_loop3A_376] {strides = array<i32>} : memref<16x1024xf32, #tpu.memory_space<vmem>>, vector<1x16xf32>,
        %parallel_loop3A_378 = vector.shape_cast %parallel_loop3A_377 : vector<1x16xf32> to vector<16xf32>
        %parallel_loop3A_379 = arith.addf %parallel_loop3A_374, %parallel_loop3A_378 : vector<16xf32>
        %parallel_loop3A_380 = arith.index_cast %parallel_loop3A_132 : i32 to index
        %parallel_loop3A_381 = arith.constant 272 : index
        %parallel_loop3A_382 = tpu.vector_load %arg11[%parallel_loop3A_380, %parallel_loop3A_381] {strides = array<i32>} : memref<16x1024xf32, #tpu.memory_space<vmem>>, vector<1x16xf32>,
        %parallel_loop3A_383 = vector.shape_cast %parallel_loop3A_382 : vector<1x16xf32> to vector<16xf32>
        %parallel_loop3A_384 = vector.shape_cast %parallel_loop3A_379 : vector<16xf32> to vector<1x16xf32>
        tpu.vector_store %arg11[%parallel_loop3A_380, %parallel_loop3A_381], %parallel_loop3A_384 {strides = array<i32>} : memref<16x1024xf32, #tpu.memory_space<vmem>>, vector<1x16xf32>,
        %parallel_loop3A_385 = arith.index_cast %parallel_loop3A_132 : i32 to index
        %parallel_loop3A_386 = arith.constant 288 : index
        %parallel_loop3A_387 = tpu.vector_load %arg7[%parallel_loop3A_385, %parallel_loop3A_386] {strides = array<i32>} : memref<16x1024xf32, #tpu.memory_space<vmem>>, vector<1x16xf32>,
        %parallel_loop3A_388 = vector.shape_cast %parallel_loop3A_387 : vector<1x16xf32> to vector<16xf32>
        %parallel_loop3A_389 = arith.index_cast %parallel_loop3A_132 : i32 to index
        %parallel_loop3A_390 = arith.constant 288 : index
        %parallel_loop3A_391 = tpu.vector_load %arg9[%parallel_loop3A_389, %parallel_loop3A_390] {strides = array<i32>} : memref<16x1024xf32, #tpu.memory_space<vmem>>, vector<1x16xf32>,
        %parallel_loop3A_392 = vector.shape_cast %parallel_loop3A_391 : vector<1x16xf32> to vector<16xf32>
        %parallel_loop3A_393 = arith.addf %parallel_loop3A_388, %parallel_loop3A_392 : vector<16xf32>
        %parallel_loop3A_394 = arith.index_cast %parallel_loop3A_132 : i32 to index
        %parallel_loop3A_395 = arith.constant 288 : index
        %parallel_loop3A_396 = tpu.vector_load %arg11[%parallel_loop3A_394, %parallel_loop3A_395] {strides = array<i32>} : memref<16x1024xf32, #tpu.memory_space<vmem>>, vector<1x16xf32>,
        %parallel_loop3A_397 = vector.shape_cast %parallel_loop3A_396 : vector<1x16xf32> to vector<16xf32>
        %parallel_loop3A_398 = vector.shape_cast %parallel_loop3A_393 : vector<16xf32> to vector<1x16xf32>
        tpu.vector_store %arg11[%parallel_loop3A_394, %parallel_loop3A_395], %parallel_loop3A_398 {strides = array<i32>} : memref<16x1024xf32, #tpu.memory_space<vmem>>, vector<1x16xf32>,
        %parallel_loop3A_399 = arith.index_cast %parallel_loop3A_132 : i32 to index
        %parallel_loop3A_400 = arith.constant 304 : index
        %parallel_loop3A_401 = tpu.vector_load %arg7[%parallel_loop3A_399, %parallel_loop3A_400] {strides = array<i32>} : memref<16x1024xf32, #tpu.memory_space<vmem>>, vector<1x16xf32>,
        %parallel_loop3A_402 = vector.shape_cast %parallel_loop3A_401 : vector<1x16xf32> to vector<16xf32>
        %parallel_loop3A_403 = arith.index_cast %parallel_loop3A_132 : i32 to index
        %parallel_loop3A_404 = arith.constant 304 : index
        %parallel_loop3A_405 = tpu.vector_load %arg9[%parallel_loop3A_403, %parallel_loop3A_404] {strides = array<i32>} : memref<16x1024xf32, #tpu.memory_space<vmem>>, vector<1x16xf32>,
        %parallel_loop3A_406 = vector.shape_cast %parallel_loop3A_405 : vector<1x16xf32> to vector<16xf32>
        %parallel_loop3A_407 = arith.addf %parallel_loop3A_402, %parallel_loop3A_406 : vector<16xf32>
        %parallel_loop3A_408 = arith.index_cast %parallel_loop3A_132 : i32 to index
        %parallel_loop3A_409 = arith.constant 304 : index
        %parallel_loop3A_410 = tpu.vector_load %arg11[%parallel_loop3A_408, %parallel_loop3A_409] {strides = array<i32>} : memref<16x1024xf32, #tpu.memory_space<vmem>>, vector<1x16xf32>,
        %parallel_loop3A_411 = vector.shape_cast %parallel_loop3A_410 : vector<1x16xf32> to vector<16xf32>
        %parallel_loop3A_412 = vector.shape_cast %parallel_loop3A_407 : vector<16xf32> to vector<1x16xf32>
        tpu.vector_store %arg11[%parallel_loop3A_408, %parallel_loop3A_409], %parallel_loop3A_412 {strides = array<i32>} : memref<16x1024xf32, #tpu.memory_space<vmem>>, vector<1x16xf32>,
        %parallel_loop3A_413 = arith.index_cast %parallel_loop3A_132 : i32 to index
        %parallel_loop3A_414 = arith.constant 320 : index
        %parallel_loop3A_415 = tpu.vector_load %arg7[%parallel_loop3A_413, %parallel_loop3A_414] {strides = array<i32>} : memref<16x1024xf32, #tpu.memory_space<vmem>>, vector<1x16xf32>,
        %parallel_loop3A_416 = vector.shape_cast %parallel_loop3A_415 : vector<1x16xf32> to vector<16xf32>
        %parallel_loop3A_417 = arith.index_cast %parallel_loop3A_132 : i32 to index
        %parallel_loop3A_418 = arith.constant 320 : index
        %parallel_loop3A_419 = tpu.vector_load %arg9[%parallel_loop3A_417, %parallel_loop3A_418] {strides = array<i32>} : memref<16x1024xf32, #tpu.memory_space<vmem>>, vector<1x16xf32>,
        %parallel_loop3A_420 = vector.shape_cast %parallel_loop3A_419 : vector<1x16xf32> to vector<16xf32>
        %parallel_loop3A_421 = arith.addf %parallel_loop3A_416, %parallel_loop3A_420 : vector<16xf32>
        %parallel_loop3A_422 = arith.index_cast %parallel_loop3A_132 : i32 to index
        %parallel_loop3A_423 = arith.constant 320 : index
        %parallel_loop3A_424 = tpu.vector_load %arg11[%parallel_loop3A_422, %parallel_loop3A_423] {strides = array<i32>} : memref<16x1024xf32, #tpu.memory_space<vmem>>, vector<1x16xf32>,
        %parallel_loop3A_425 = vector.shape_cast %parallel_loop3A_424 : vector<1x16xf32> to vector<16xf32>
        %parallel_loop3A_426 = vector.shape_cast %parallel_loop3A_421 : vector<16xf32> to vector<1x16xf32>
        tpu.vector_store %arg11[%parallel_loop3A_422, %parallel_loop3A_423], %parallel_loop3A_426 {strides = array<i32>} : memref<16x1024xf32, #tpu.memory_space<vmem>>, vector<1x16xf32>,
        %parallel_loop3A_427 = arith.index_cast %parallel_loop3A_132 : i32 to index
        %parallel_loop3A_428 = arith.constant 336 : index
        %parallel_loop3A_429 = tpu.vector_load %arg7[%parallel_loop3A_427, %parallel_loop3A_428] {strides = array<i32>} : memref<16x1024xf32, #tpu.memory_space<vmem>>, vector<1x16xf32>,
        %parallel_loop3A_430 = vector.shape_cast %parallel_loop3A_429 : vector<1x16xf32> to vector<16xf32>
        %parallel_loop3A_431 = arith.index_cast %parallel_loop3A_132 : i32 to index
        %parallel_loop3A_432 = arith.constant 336 : index
        %parallel_loop3A_433 = tpu.vector_load %arg9[%parallel_loop3A_431, %parallel_loop3A_432] {strides = array<i32>} : memref<16x1024xf32, #tpu.memory_space<vmem>>, vector<1x16xf32>,
        %parallel_loop3A_434 = vector.shape_cast %parallel_loop3A_433 : vector<1x16xf32> to vector<16xf32>
        %parallel_loop3A_435 = arith.addf %parallel_loop3A_430, %parallel_loop3A_434 : vector<16xf32>
        %parallel_loop3A_436 = arith.index_cast %parallel_loop3A_132 : i32 to index
        %parallel_loop3A_437 = arith.constant 336 : index
        %parallel_loop3A_438 = tpu.vector_load %arg11[%parallel_loop3A_436, %parallel_loop3A_437] {strides = array<i32>} : memref<16x1024xf32, #tpu.memory_space<vmem>>, vector<1x16xf32>,
        %parallel_loop3A_439 = vector.shape_cast %parallel_loop3A_438 : vector<1x16xf32> to vector<16xf32>
        %parallel_loop3A_440 = vector.shape_cast %parallel_loop3A_435 : vector<16xf32> to vector<1x16xf32>
        tpu.vector_store %arg11[%parallel_loop3A_436, %parallel_loop3A_437], %parallel_loop3A_440 {strides = array<i32>} : memref<16x1024xf32, #tpu.memory_space<vmem>>, vector<1x16xf32>,
        %parallel_loop3A_441 = arith.index_cast %parallel_loop3A_132 : i32 to index
        %parallel_loop3A_442 = arith.constant 352 : index
        %parallel_loop3A_443 = tpu.vector_load %arg7[%parallel_loop3A_441, %parallel_loop3A_442] {strides = array<i32>} : memref<16x1024xf32, #tpu.memory_space<vmem>>, vector<1x16xf32>,
        %parallel_loop3A_444 = vector.shape_cast %parallel_loop3A_443 : vector<1x16xf32> to vector<16xf32>
        %parallel_loop3A_445 = arith.index_cast %parallel_loop3A_132 : i32 to index
        %parallel_loop3A_446 = arith.constant 352 : index
        %parallel_loop3A_447 = tpu.vector_load %arg9[%parallel_loop3A_445, %parallel_loop3A_446] {strides = array<i32>} : memref<16x1024xf32, #tpu.memory_space<vmem>>, vector<1x16xf32>,
        %parallel_loop3A_448 = vector.shape_cast %parallel_loop3A_447 : vector<1x16xf32> to vector<16xf32>
        %parallel_loop3A_449 = arith.addf %parallel_loop3A_444, %parallel_loop3A_448 : vector<16xf32>
        %parallel_loop3A_450 = arith.index_cast %parallel_loop3A_132 : i32 to index
        %parallel_loop3A_451 = arith.constant 352 : index
        %parallel_loop3A_452 = tpu.vector_load %arg11[%parallel_loop3A_450, %parallel_loop3A_451] {strides = array<i32>} : memref<16x1024xf32, #tpu.memory_space<vmem>>, vector<1x16xf32>,
        %parallel_loop3A_453 = vector.shape_cast %parallel_loop3A_452 : vector<1x16xf32> to vector<16xf32>
        %parallel_loop3A_454 = vector.shape_cast %parallel_loop3A_449 : vector<16xf32> to vector<1x16xf32>
        tpu.vector_store %arg11[%parallel_loop3A_450, %parallel_loop3A_451], %parallel_loop3A_454 {strides = array<i32>} : memref<16x1024xf32, #tpu.memory_space<vmem>>, vector<1x16xf32>,
        %parallel_loop3A_455 = arith.index_cast %parallel_loop3A_132 : i32 to index
        %parallel_loop3A_456 = arith.constant 368 : index
        %parallel_loop3A_457 = tpu.vector_load %arg7[%parallel_loop3A_455, %parallel_loop3A_456] {strides = array<i32>} : memref<16x1024xf32, #tpu.memory_space<vmem>>, vector<1x16xf32>,
        %parallel_loop3A_458 = vector.shape_cast %parallel_loop3A_457 : vector<1x16xf32> to vector<16xf32>
        %parallel_loop3A_459 = arith.index_cast %parallel_loop3A_132 : i32 to index
        %parallel_loop3A_460 = arith.constant 368 : index
        %parallel_loop3A_461 = tpu.vector_load %arg9[%parallel_loop3A_459, %parallel_loop3A_460] {strides = array<i32>} : memref<16x1024xf32, #tpu.memory_space<vmem>>, vector<1x16xf32>,
        %parallel_loop3A_462 = vector.shape_cast %parallel_loop3A_461 : vector<1x16xf32> to vector<16xf32>
        %parallel_loop3A_463 = arith.addf %parallel_loop3A_458, %parallel_loop3A_462 : vector<16xf32>
        %parallel_loop3A_464 = arith.index_cast %parallel_loop3A_132 : i32 to index
        %parallel_loop3A_465 = arith.constant 368 : index
        %parallel_loop3A_466 = tpu.vector_load %arg11[%parallel_loop3A_464, %parallel_loop3A_465] {strides = array<i32>} : memref<16x1024xf32, #tpu.memory_space<vmem>>, vector<1x16xf32>,
        %parallel_loop3A_467 = vector.shape_cast %parallel_loop3A_466 : vector<1x16xf32> to vector<16xf32>
        %parallel_loop3A_468 = vector.shape_cast %parallel_loop3A_463 : vector<16xf32> to vector<1x16xf32>
        tpu.vector_store %arg11[%parallel_loop3A_464, %parallel_loop3A_465], %parallel_loop3A_468 {strides = array<i32>} : memref<16x1024xf32, #tpu.memory_space<vmem>>, vector<1x16xf32>,
        %parallel_loop3A_469 = arith.index_cast %parallel_loop3A_132 : i32 to index
        %parallel_loop3A_470 = arith.constant 384 : index
        %parallel_loop3A_471 = tpu.vector_load %arg7[%parallel_loop3A_469, %parallel_loop3A_470] {strides = array<i32>} : memref<16x1024xf32, #tpu.memory_space<vmem>>, vector<1x16xf32>,
        %parallel_loop3A_472 = vector.shape_cast %parallel_loop3A_471 : vector<1x16xf32> to vector<16xf32>
        %parallel_loop3A_473 = arith.index_cast %parallel_loop3A_132 : i32 to index
        %parallel_loop3A_474 = arith.constant 384 : index
        %parallel_loop3A_475 = tpu.vector_load %arg9[%parallel_loop3A_473, %parallel_loop3A_474] {strides = array<i32>} : memref<16x1024xf32, #tpu.memory_space<vmem>>, vector<1x16xf32>,
        %parallel_loop3A_476 = vector.shape_cast %parallel_loop3A_475 : vector<1x16xf32> to vector<16xf32>
        %parallel_loop3A_477 = arith.addf %parallel_loop3A_472, %parallel_loop3A_476 : vector<16xf32>
        %parallel_loop3A_478 = arith.index_cast %parallel_loop3A_132 : i32 to index
        %parallel_loop3A_479 = arith.constant 384 : index
        %parallel_loop3A_480 = tpu.vector_load %arg11[%parallel_loop3A_478, %parallel_loop3A_479] {strides = array<i32>} : memref<16x1024xf32, #tpu.memory_space<vmem>>, vector<1x16xf32>,
        %parallel_loop3A_481 = vector.shape_cast %parallel_loop3A_480 : vector<1x16xf32> to vector<16xf32>
        %parallel_loop3A_482 = vector.shape_cast %parallel_loop3A_477 : vector<16xf32> to vector<1x16xf32>
        tpu.vector_store %arg11[%parallel_loop3A_478, %parallel_loop3A_479], %parallel_loop3A_482 {strides = array<i32>} : memref<16x1024xf32, #tpu.memory_space<vmem>>, vector<1x16xf32>,
        %parallel_loop3A_483 = arith.index_cast %parallel_loop3A_132 : i32 to index
        %parallel_loop3A_484 = arith.constant 400 : index
        %parallel_loop3A_485 = tpu.vector_load %arg7[%parallel_loop3A_483, %parallel_loop3A_484] {strides = array<i32>} : memref<16x1024xf32, #tpu.memory_space<vmem>>, vector<1x16xf32>,
        %parallel_loop3A_486 = vector.shape_cast %parallel_loop3A_485 : vector<1x16xf32> to vector<16xf32>
        %parallel_loop3A_487 = arith.index_cast %parallel_loop3A_132 : i32 to index
        %parallel_loop3A_488 = arith.constant 400 : index
        %parallel_loop3A_489 = tpu.vector_load %arg9[%parallel_loop3A_487, %parallel_loop3A_488] {strides = array<i32>} : memref<16x1024xf32, #tpu.memory_space<vmem>>, vector<1x16xf32>,
        %parallel_loop3A_490 = vector.shape_cast %parallel_loop3A_489 : vector<1x16xf32> to vector<16xf32>
        %parallel_loop3A_491 = arith.addf %parallel_loop3A_486, %parallel_loop3A_490 : vector<16xf32>
        %parallel_loop3A_492 = arith.index_cast %parallel_loop3A_132 : i32 to index
        %parallel_loop3A_493 = arith.constant 400 : index
        %parallel_loop3A_494 = tpu.vector_load %arg11[%parallel_loop3A_492, %parallel_loop3A_493] {strides = array<i32>} : memref<16x1024xf32, #tpu.memory_space<vmem>>, vector<1x16xf32>,
        %parallel_loop3A_495 = vector.shape_cast %parallel_loop3A_494 : vector<1x16xf32> to vector<16xf32>
        %parallel_loop3A_496 = vector.shape_cast %parallel_loop3A_491 : vector<16xf32> to vector<1x16xf32>
        tpu.vector_store %arg11[%parallel_loop3A_492, %parallel_loop3A_493], %parallel_loop3A_496 {strides = array<i32>} : memref<16x1024xf32, #tpu.memory_space<vmem>>, vector<1x16xf32>,
        %parallel_loop3A_497 = arith.index_cast %parallel_loop3A_132 : i32 to index
        %parallel_loop3A_498 = arith.constant 416 : index
        %parallel_loop3A_499 = tpu.vector_load %arg7[%parallel_loop3A_497, %parallel_loop3A_498] {strides = array<i32>} : memref<16x1024xf32, #tpu.memory_space<vmem>>, vector<1x16xf32>,
        %parallel_loop3A_500 = vector.shape_cast %parallel_loop3A_499 : vector<1x16xf32> to vector<16xf32>
        %parallel_loop3A_501 = arith.index_cast %parallel_loop3A_132 : i32 to index
        %parallel_loop3A_502 = arith.constant 416 : index
        %parallel_loop3A_503 = tpu.vector_load %arg9[%parallel_loop3A_501, %parallel_loop3A_502] {strides = array<i32>} : memref<16x1024xf32, #tpu.memory_space<vmem>>, vector<1x16xf32>,
        %parallel_loop3A_504 = vector.shape_cast %parallel_loop3A_503 : vector<1x16xf32> to vector<16xf32>
        %parallel_loop3A_505 = arith.addf %parallel_loop3A_500, %parallel_loop3A_504 : vector<16xf32>
        %parallel_loop3A_506 = arith.index_cast %parallel_loop3A_132 : i32 to index
        %parallel_loop3A_507 = arith.constant 416 : index
        %parallel_loop3A_508 = tpu.vector_load %arg11[%parallel_loop3A_506, %parallel_loop3A_507] {strides = array<i32>} : memref<16x1024xf32, #tpu.memory_space<vmem>>, vector<1x16xf32>,
        %parallel_loop3A_509 = vector.shape_cast %parallel_loop3A_508 : vector<1x16xf32> to vector<16xf32>
        %parallel_loop3A_510 = vector.shape_cast %parallel_loop3A_505 : vector<16xf32> to vector<1x16xf32>
        tpu.vector_store %arg11[%parallel_loop3A_506, %parallel_loop3A_507], %parallel_loop3A_510 {strides = array<i32>} : memref<16x1024xf32, #tpu.memory_space<vmem>>, vector<1x16xf32>,
        %parallel_loop3A_511 = arith.index_cast %parallel_loop3A_132 : i32 to index
        %parallel_loop3A_512 = arith.constant 432 : index
        %parallel_loop3A_513 = tpu.vector_load %arg7[%parallel_loop3A_511, %parallel_loop3A_512] {strides = array<i32>} : memref<16x1024xf32, #tpu.memory_space<vmem>>, vector<1x16xf32>,
        %parallel_loop3A_514 = vector.shape_cast %parallel_loop3A_513 : vector<1x16xf32> to vector<16xf32>
        %parallel_loop3A_515 = arith.index_cast %parallel_loop3A_132 : i32 to index
        %parallel_loop3A_516 = arith.constant 432 : index
        %parallel_loop3A_517 = tpu.vector_load %arg9[%parallel_loop3A_515, %parallel_loop3A_516] {strides = array<i32>} : memref<16x1024xf32, #tpu.memory_space<vmem>>, vector<1x16xf32>,
        %parallel_loop3A_518 = vector.shape_cast %parallel_loop3A_517 : vector<1x16xf32> to vector<16xf32>
        %parallel_loop3A_519 = arith.addf %parallel_loop3A_514, %parallel_loop3A_518 : vector<16xf32>
        %parallel_loop3A_520 = arith.index_cast %parallel_loop3A_132 : i32 to index
        %parallel_loop3A_521 = arith.constant 432 : index
        %parallel_loop3A_522 = tpu.vector_load %arg11[%parallel_loop3A_520, %parallel_loop3A_521] {strides = array<i32>} : memref<16x1024xf32, #tpu.memory_space<vmem>>, vector<1x16xf32>,
        %parallel_loop3A_523 = vector.shape_cast %parallel_loop3A_522 : vector<1x16xf32> to vector<16xf32>
        %parallel_loop3A_524 = vector.shape_cast %parallel_loop3A_519 : vector<16xf32> to vector<1x16xf32>
        tpu.vector_store %arg11[%parallel_loop3A_520, %parallel_loop3A_521], %parallel_loop3A_524 {strides = array<i32>} : memref<16x1024xf32, #tpu.memory_space<vmem>>, vector<1x16xf32>,
        %parallel_loop3A_525 = arith.index_cast %parallel_loop3A_132 : i32 to index
        %parallel_loop3A_526 = arith.constant 448 : index
        %parallel_loop3A_527 = tpu.vector_load %arg7[%parallel_loop3A_525, %parallel_loop3A_526] {strides = array<i32>} : memref<16x1024xf32, #tpu.memory_space<vmem>>, vector<1x16xf32>,
        %parallel_loop3A_528 = vector.shape_cast %parallel_loop3A_527 : vector<1x16xf32> to vector<16xf32>
        %parallel_loop3A_529 = arith.index_cast %parallel_loop3A_132 : i32 to index
        %parallel_loop3A_530 = arith.constant 448 : index
        %parallel_loop3A_531 = tpu.vector_load %arg9[%parallel_loop3A_529, %parallel_loop3A_530] {strides = array<i32>} : memref<16x1024xf32, #tpu.memory_space<vmem>>, vector<1x16xf32>,
        %parallel_loop3A_532 = vector.shape_cast %parallel_loop3A_531 : vector<1x16xf32> to vector<16xf32>
        %parallel_loop3A_533 = arith.addf %parallel_loop3A_528, %parallel_loop3A_532 : vector<16xf32>
        %parallel_loop3A_534 = arith.index_cast %parallel_loop3A_132 : i32 to index
        %parallel_loop3A_535 = arith.constant 448 : index
        %parallel_loop3A_536 = tpu.vector_load %arg11[%parallel_loop3A_534, %parallel_loop3A_535] {strides = array<i32>} : memref<16x1024xf32, #tpu.memory_space<vmem>>, vector<1x16xf32>,
        %parallel_loop3A_537 = vector.shape_cast %parallel_loop3A_536 : vector<1x16xf32> to vector<16xf32>
        %parallel_loop3A_538 = vector.shape_cast %parallel_loop3A_533 : vector<16xf32> to vector<1x16xf32>
        tpu.vector_store %arg11[%parallel_loop3A_534, %parallel_loop3A_535], %parallel_loop3A_538 {strides = array<i32>} : memref<16x1024xf32, #tpu.memory_space<vmem>>, vector<1x16xf32>,
        %parallel_loop3A_539 = arith.index_cast %parallel_loop3A_132 : i32 to index
        %parallel_loop3A_540 = arith.constant 464 : index
        %parallel_loop3A_541 = tpu.vector_load %arg7[%parallel_loop3A_539, %parallel_loop3A_540] {strides = array<i32>} : memref<16x1024xf32, #tpu.memory_space<vmem>>, vector<1x16xf32>,
        %parallel_loop3A_542 = vector.shape_cast %parallel_loop3A_541 : vector<1x16xf32> to vector<16xf32>
        %parallel_loop3A_543 = arith.index_cast %parallel_loop3A_132 : i32 to index
        %parallel_loop3A_544 = arith.constant 464 : index
        %parallel_loop3A_545 = tpu.vector_load %arg9[%parallel_loop3A_543, %parallel_loop3A_544] {strides = array<i32>} : memref<16x1024xf32, #tpu.memory_space<vmem>>, vector<1x16xf32>,
        %parallel_loop3A_546 = vector.shape_cast %parallel_loop3A_545 : vector<1x16xf32> to vector<16xf32>
        %parallel_loop3A_547 = arith.addf %parallel_loop3A_542, %parallel_loop3A_546 : vector<16xf32>
        %parallel_loop3A_548 = arith.index_cast %parallel_loop3A_132 : i32 to index
        %parallel_loop3A_549 = arith.constant 464 : index
        %parallel_loop3A_550 = tpu.vector_load %arg11[%parallel_loop3A_548, %parallel_loop3A_549] {strides = array<i32>} : memref<16x1024xf32, #tpu.memory_space<vmem>>, vector<1x16xf32>,
        %parallel_loop3A_551 = vector.shape_cast %parallel_loop3A_550 : vector<1x16xf32> to vector<16xf32>
        %parallel_loop3A_552 = vector.shape_cast %parallel_loop3A_547 : vector<16xf32> to vector<1x16xf32>
        tpu.vector_store %arg11[%parallel_loop3A_548, %parallel_loop3A_549], %parallel_loop3A_552 {strides = array<i32>} : memref<16x1024xf32, #tpu.memory_space<vmem>>, vector<1x16xf32>,
        %parallel_loop3A_553 = arith.index_cast %parallel_loop3A_132 : i32 to index
        %parallel_loop3A_554 = arith.constant 480 : index
        %parallel_loop3A_555 = tpu.vector_load %arg7[%parallel_loop3A_553, %parallel_loop3A_554] {strides = array<i32>} : memref<16x1024xf32, #tpu.memory_space<vmem>>, vector<1x16xf32>,
        %parallel_loop3A_556 = vector.shape_cast %parallel_loop3A_555 : vector<1x16xf32> to vector<16xf32>
        %parallel_loop3A_557 = arith.index_cast %parallel_loop3A_132 : i32 to index
        %parallel_loop3A_558 = arith.constant 480 : index
        %parallel_loop3A_559 = tpu.vector_load %arg9[%parallel_loop3A_557, %parallel_loop3A_558] {strides = array<i32>} : memref<16x1024xf32, #tpu.memory_space<vmem>>, vector<1x16xf32>,
        %parallel_loop3A_560 = vector.shape_cast %parallel_loop3A_559 : vector<1x16xf32> to vector<16xf32>
        %parallel_loop3A_561 = arith.addf %parallel_loop3A_556, %parallel_loop3A_560 : vector<16xf32>
        %parallel_loop3A_562 = arith.index_cast %parallel_loop3A_132 : i32 to index
        %parallel_loop3A_563 = arith.constant 480 : index
        %parallel_loop3A_564 = tpu.vector_load %arg11[%parallel_loop3A_562, %parallel_loop3A_563] {strides = array<i32>} : memref<16x1024xf32, #tpu.memory_space<vmem>>, vector<1x16xf32>,
        %parallel_loop3A_565 = vector.shape_cast %parallel_loop3A_564 : vector<1x16xf32> to vector<16xf32>
        %parallel_loop3A_566 = vector.shape_cast %parallel_loop3A_561 : vector<16xf32> to vector<1x16xf32>
        tpu.vector_store %arg11[%parallel_loop3A_562, %parallel_loop3A_563], %parallel_loop3A_566 {strides = array<i32>} : memref<16x1024xf32, #tpu.memory_space<vmem>>, vector<1x16xf32>,
        %parallel_loop3A_567 = arith.index_cast %parallel_loop3A_132 : i32 to index
        %parallel_loop3A_568 = arith.constant 496 : index
        %parallel_loop3A_569 = tpu.vector_load %arg7[%parallel_loop3A_567, %parallel_loop3A_568] {strides = array<i32>} : memref<16x1024xf32, #tpu.memory_space<vmem>>, vector<1x16xf32>,
        %parallel_loop3A_570 = vector.shape_cast %parallel_loop3A_569 : vector<1x16xf32> to vector<16xf32>
        %parallel_loop3A_571 = arith.index_cast %parallel_loop3A_132 : i32 to index
        %parallel_loop3A_572 = arith.constant 496 : index
        %parallel_loop3A_573 = tpu.vector_load %arg9[%parallel_loop3A_571, %parallel_loop3A_572] {strides = array<i32>} : memref<16x1024xf32, #tpu.memory_space<vmem>>, vector<1x16xf32>,
        %parallel_loop3A_574 = vector.shape_cast %parallel_loop3A_573 : vector<1x16xf32> to vector<16xf32>
        %parallel_loop3A_575 = arith.addf %parallel_loop3A_570, %parallel_loop3A_574 : vector<16xf32>
        %parallel_loop3A_576 = arith.index_cast %parallel_loop3A_132 : i32 to index
        %parallel_loop3A_577 = arith.constant 496 : index
        %parallel_loop3A_578 = tpu.vector_load %arg11[%parallel_loop3A_576, %parallel_loop3A_577] {strides = array<i32>} : memref<16x1024xf32, #tpu.memory_space<vmem>>, vector<1x16xf32>,
        %parallel_loop3A_579 = vector.shape_cast %parallel_loop3A_578 : vector<1x16xf32> to vector<16xf32>
        %parallel_loop3A_580 = vector.shape_cast %parallel_loop3A_575 : vector<16xf32> to vector<1x16xf32>
        tpu.vector_store %arg11[%parallel_loop3A_576, %parallel_loop3A_577], %parallel_loop3A_580 {strides = array<i32>} : memref<16x1024xf32, #tpu.memory_space<vmem>>, vector<1x16xf32>,
        %parallel_loop3A_581 = arith.index_cast %parallel_loop3A_132 : i32 to index
        %parallel_loop3A_582 = arith.constant 512 : index
        %parallel_loop3A_583 = tpu.vector_load %arg7[%parallel_loop3A_581, %parallel_loop3A_582] {strides = array<i32>} : memref<16x1024xf32, #tpu.memory_space<vmem>>, vector<1x16xf32>,
        %parallel_loop3A_584 = vector.shape_cast %parallel_loop3A_583 : vector<1x16xf32> to vector<16xf32>
        %parallel_loop3A_585 = arith.index_cast %parallel_loop3A_132 : i32 to index
        %parallel_loop3A_586 = arith.constant 512 : index
        %parallel_loop3A_587 = tpu.vector_load %arg9[%parallel_loop3A_585, %parallel_loop3A_586] {strides = array<i32>} : memref<16x1024xf32, #tpu.memory_space<vmem>>, vector<1x16xf32>,
        %parallel_loop3A_588 = vector.shape_cast %parallel_loop3A_587 : vector<1x16xf32> to vector<16xf32>
        %parallel_loop3A_589 = arith.addf %parallel_loop3A_584, %parallel_loop3A_588 : vector<16xf32>
        %parallel_loop3A_590 = arith.index_cast %parallel_loop3A_132 : i32 to index
        %parallel_loop3A_591 = arith.constant 512 : index
        %parallel_loop3A_592 = tpu.vector_load %arg11[%parallel_loop3A_590, %parallel_loop3A_591] {strides = array<i32>} : memref<16x1024xf32, #tpu.memory_space<vmem>>, vector<1x16xf32>,
        %parallel_loop3A_593 = vector.shape_cast %parallel_loop3A_592 : vector<1x16xf32> to vector<16xf32>
        %parallel_loop3A_594 = vector.shape_cast %parallel_loop3A_589 : vector<16xf32> to vector<1x16xf32>
        tpu.vector_store %arg11[%parallel_loop3A_590, %parallel_loop3A_591], %parallel_loop3A_594 {strides = array<i32>} : memref<16x1024xf32, #tpu.memory_space<vmem>>, vector<1x16xf32>,
        %parallel_loop3A_595 = arith.index_cast %parallel_loop3A_132 : i32 to index
        %parallel_loop3A_596 = arith.constant 528 : index
        %parallel_loop3A_597 = tpu.vector_load %arg7[%parallel_loop3A_595, %parallel_loop3A_596] {strides = array<i32>} : memref<16x1024xf32, #tpu.memory_space<vmem>>, vector<1x16xf32>,
        %parallel_loop3A_598 = vector.shape_cast %parallel_loop3A_597 : vector<1x16xf32> to vector<16xf32>
        %parallel_loop3A_599 = arith.index_cast %parallel_loop3A_132 : i32 to index
        %parallel_loop3A_600 = arith.constant 528 : index
        %parallel_loop3A_601 = tpu.vector_load %arg9[%parallel_loop3A_599, %parallel_loop3A_600] {strides = array<i32>} : memref<16x1024xf32, #tpu.memory_space<vmem>>, vector<1x16xf32>,
        %parallel_loop3A_602 = vector.shape_cast %parallel_loop3A_601 : vector<1x16xf32> to vector<16xf32>
        %parallel_loop3A_603 = arith.addf %parallel_loop3A_598, %parallel_loop3A_602 : vector<16xf32>
        %parallel_loop3A_604 = arith.index_cast %parallel_loop3A_132 : i32 to index
        %parallel_loop3A_605 = arith.constant 528 : index
        %parallel_loop3A_606 = tpu.vector_load %arg11[%parallel_loop3A_604, %parallel_loop3A_605] {strides = array<i32>} : memref<16x1024xf32, #tpu.memory_space<vmem>>, vector<1x16xf32>,
        %parallel_loop3A_607 = vector.shape_cast %parallel_loop3A_606 : vector<1x16xf32> to vector<16xf32>
        %parallel_loop3A_608 = vector.shape_cast %parallel_loop3A_603 : vector<16xf32> to vector<1x16xf32>
        tpu.vector_store %arg11[%parallel_loop3A_604, %parallel_loop3A_605], %parallel_loop3A_608 {strides = array<i32>} : memref<16x1024xf32, #tpu.memory_space<vmem>>, vector<1x16xf32>,
        %parallel_loop3A_609 = arith.index_cast %parallel_loop3A_132 : i32 to index
        %parallel_loop3A_610 = arith.constant 544 : index
        %parallel_loop3A_611 = tpu.vector_load %arg7[%parallel_loop3A_609, %parallel_loop3A_610] {strides = array<i32>} : memref<16x1024xf32, #tpu.memory_space<vmem>>, vector<1x16xf32>,
        %parallel_loop3A_612 = vector.shape_cast %parallel_loop3A_611 : vector<1x16xf32> to vector<16xf32>
        %parallel_loop3A_613 = arith.index_cast %parallel_loop3A_132 : i32 to index
        %parallel_loop3A_614 = arith.constant 544 : index
        %parallel_loop3A_615 = tpu.vector_load %arg9[%parallel_loop3A_613, %parallel_loop3A_614] {strides = array<i32>} : memref<16x1024xf32, #tpu.memory_space<vmem>>, vector<1x16xf32>,
        %parallel_loop3A_616 = vector.shape_cast %parallel_loop3A_615 : vector<1x16xf32> to vector<16xf32>
        %parallel_loop3A_617 = arith.addf %parallel_loop3A_612, %parallel_loop3A_616 : vector<16xf32>
        %parallel_loop3A_618 = arith.index_cast %parallel_loop3A_132 : i32 to index
        %parallel_loop3A_619 = arith.constant 544 : index
        %parallel_loop3A_620 = tpu.vector_load %arg11[%parallel_loop3A_618, %parallel_loop3A_619] {strides = array<i32>} : memref<16x1024xf32, #tpu.memory_space<vmem>>, vector<1x16xf32>,
        %parallel_loop3A_621 = vector.shape_cast %parallel_loop3A_620 : vector<1x16xf32> to vector<16xf32>
        %parallel_loop3A_622 = vector.shape_cast %parallel_loop3A_617 : vector<16xf32> to vector<1x16xf32>
        tpu.vector_store %arg11[%parallel_loop3A_618, %parallel_loop3A_619], %parallel_loop3A_622 {strides = array<i32>} : memref<16x1024xf32, #tpu.memory_space<vmem>>, vector<1x16xf32>,
        %parallel_loop3A_623 = arith.index_cast %parallel_loop3A_132 : i32 to index
        %parallel_loop3A_624 = arith.constant 560 : index
        %parallel_loop3A_625 = tpu.vector_load %arg7[%parallel_loop3A_623, %parallel_loop3A_624] {strides = array<i32>} : memref<16x1024xf32, #tpu.memory_space<vmem>>, vector<1x16xf32>,
        %parallel_loop3A_626 = vector.shape_cast %parallel_loop3A_625 : vector<1x16xf32> to vector<16xf32>
        %parallel_loop3A_627 = arith.index_cast %parallel_loop3A_132 : i32 to index
        %parallel_loop3A_628 = arith.constant 560 : index
        %parallel_loop3A_629 = tpu.vector_load %arg9[%parallel_loop3A_627, %parallel_loop3A_628] {strides = array<i32>} : memref<16x1024xf32, #tpu.memory_space<vmem>>, vector<1x16xf32>,
        %parallel_loop3A_630 = vector.shape_cast %parallel_loop3A_629 : vector<1x16xf32> to vector<16xf32>
        %parallel_loop3A_631 = arith.addf %parallel_loop3A_626, %parallel_loop3A_630 : vector<16xf32>
        %parallel_loop3A_632 = arith.index_cast %parallel_loop3A_132 : i32 to index
        %parallel_loop3A_633 = arith.constant 560 : index
        %parallel_loop3A_634 = tpu.vector_load %arg11[%parallel_loop3A_632, %parallel_loop3A_633] {strides = array<i32>} : memref<16x1024xf32, #tpu.memory_space<vmem>>, vector<1x16xf32>,
        %parallel_loop3A_635 = vector.shape_cast %parallel_loop3A_634 : vector<1x16xf32> to vector<16xf32>
        %parallel_loop3A_636 = vector.shape_cast %parallel_loop3A_631 : vector<16xf32> to vector<1x16xf32>
        tpu.vector_store %arg11[%parallel_loop3A_632, %parallel_loop3A_633], %parallel_loop3A_636 {strides = array<i32>} : memref<16x1024xf32, #tpu.memory_space<vmem>>, vector<1x16xf32>,
        %parallel_loop3A_637 = arith.index_cast %parallel_loop3A_132 : i32 to index
        %parallel_loop3A_638 = arith.constant 576 : index
        %parallel_loop3A_639 = tpu.vector_load %arg7[%parallel_loop3A_637, %parallel_loop3A_638] {strides = array<i32>} : memref<16x1024xf32, #tpu.memory_space<vmem>>, vector<1x16xf32>,
        %parallel_loop3A_640 = vector.shape_cast %parallel_loop3A_639 : vector<1x16xf32> to vector<16xf32>
        %parallel_loop3A_641 = arith.index_cast %parallel_loop3A_132 : i32 to index
        %parallel_loop3A_642 = arith.constant 576 : index
        %parallel_loop3A_643 = tpu.vector_load %arg9[%parallel_loop3A_641, %parallel_loop3A_642] {strides = array<i32>} : memref<16x1024xf32, #tpu.memory_space<vmem>>, vector<1x16xf32>,
        %parallel_loop3A_644 = vector.shape_cast %parallel_loop3A_643 : vector<1x16xf32> to vector<16xf32>
        %parallel_loop3A_645 = arith.addf %parallel_loop3A_640, %parallel_loop3A_644 : vector<16xf32>
        %parallel_loop3A_646 = arith.index_cast %parallel_loop3A_132 : i32 to index
        %parallel_loop3A_647 = arith.constant 576 : index
        %parallel_loop3A_648 = tpu.vector_load %arg11[%parallel_loop3A_646, %parallel_loop3A_647] {strides = array<i32>} : memref<16x1024xf32, #tpu.memory_space<vmem>>, vector<1x16xf32>,
        %parallel_loop3A_649 = vector.shape_cast %parallel_loop3A_648 : vector<1x16xf32> to vector<16xf32>
        %parallel_loop3A_650 = vector.shape_cast %parallel_loop3A_645 : vector<16xf32> to vector<1x16xf32>
        tpu.vector_store %arg11[%parallel_loop3A_646, %parallel_loop3A_647], %parallel_loop3A_650 {strides = array<i32>} : memref<16x1024xf32, #tpu.memory_space<vmem>>, vector<1x16xf32>,
        %parallel_loop3A_651 = arith.index_cast %parallel_loop3A_132 : i32 to index
        %parallel_loop3A_652 = arith.constant 592 : index
        %parallel_loop3A_653 = tpu.vector_load %arg7[%parallel_loop3A_651, %parallel_loop3A_652] {strides = array<i32>} : memref<16x1024xf32, #tpu.memory_space<vmem>>, vector<1x16xf32>,
        %parallel_loop3A_654 = vector.shape_cast %parallel_loop3A_653 : vector<1x16xf32> to vector<16xf32>
        %parallel_loop3A_655 = arith.index_cast %parallel_loop3A_132 : i32 to index
        %parallel_loop3A_656 = arith.constant 592 : index
        %parallel_loop3A_657 = tpu.vector_load %arg9[%parallel_loop3A_655, %parallel_loop3A_656] {strides = array<i32>} : memref<16x1024xf32, #tpu.memory_space<vmem>>, vector<1x16xf32>,
        %parallel_loop3A_658 = vector.shape_cast %parallel_loop3A_657 : vector<1x16xf32> to vector<16xf32>
        %parallel_loop3A_659 = arith.addf %parallel_loop3A_654, %parallel_loop3A_658 : vector<16xf32>
        %parallel_loop3A_660 = arith.index_cast %parallel_loop3A_132 : i32 to index
        %parallel_loop3A_661 = arith.constant 592 : index
        %parallel_loop3A_662 = tpu.vector_load %arg11[%parallel_loop3A_660, %parallel_loop3A_661] {strides = array<i32>} : memref<16x1024xf32, #tpu.memory_space<vmem>>, vector<1x16xf32>,
        %parallel_loop3A_663 = vector.shape_cast %parallel_loop3A_662 : vector<1x16xf32> to vector<16xf32>
        %parallel_loop3A_664 = vector.shape_cast %parallel_loop3A_659 : vector<16xf32> to vector<1x16xf32>
        tpu.vector_store %arg11[%parallel_loop3A_660, %parallel_loop3A_661], %parallel_loop3A_664 {strides = array<i32>} : memref<16x1024xf32, #tpu.memory_space<vmem>>, vector<1x16xf32>,
        %parallel_loop3A_665 = arith.index_cast %parallel_loop3A_132 : i32 to index
        %parallel_loop3A_666 = arith.constant 608 : index
        %parallel_loop3A_667 = tpu.vector_load %arg7[%parallel_loop3A_665, %parallel_loop3A_666] {strides = array<i32>} : memref<16x1024xf32, #tpu.memory_space<vmem>>, vector<1x16xf32>,
        %parallel_loop3A_668 = vector.shape_cast %parallel_loop3A_667 : vector<1x16xf32> to vector<16xf32>
        %parallel_loop3A_669 = arith.index_cast %parallel_loop3A_132 : i32 to index
        %parallel_loop3A_670 = arith.constant 608 : index
        %parallel_loop3A_671 = tpu.vector_load %arg9[%parallel_loop3A_669, %parallel_loop3A_670] {strides = array<i32>} : memref<16x1024xf32, #tpu.memory_space<vmem>>, vector<1x16xf32>,
        %parallel_loop3A_672 = vector.shape_cast %parallel_loop3A_671 : vector<1x16xf32> to vector<16xf32>
        %parallel_loop3A_673 = arith.addf %parallel_loop3A_668, %parallel_loop3A_672 : vector<16xf32>
        %parallel_loop3A_674 = arith.index_cast %parallel_loop3A_132 : i32 to index
        %parallel_loop3A_675 = arith.constant 608 : index
        %parallel_loop3A_676 = tpu.vector_load %arg11[%parallel_loop3A_674, %parallel_loop3A_675] {strides = array<i32>} : memref<16x1024xf32, #tpu.memory_space<vmem>>, vector<1x16xf32>,
        %parallel_loop3A_677 = vector.shape_cast %parallel_loop3A_676 : vector<1x16xf32> to vector<16xf32>
        %parallel_loop3A_678 = vector.shape_cast %parallel_loop3A_673 : vector<16xf32> to vector<1x16xf32>
        tpu.vector_store %arg11[%parallel_loop3A_674, %parallel_loop3A_675], %parallel_loop3A_678 {strides = array<i32>} : memref<16x1024xf32, #tpu.memory_space<vmem>>, vector<1x16xf32>,
        %parallel_loop3A_679 = arith.index_cast %parallel_loop3A_132 : i32 to index
        %parallel_loop3A_680 = arith.constant 624 : index
        %parallel_loop3A_681 = tpu.vector_load %arg7[%parallel_loop3A_679, %parallel_loop3A_680] {strides = array<i32>} : memref<16x1024xf32, #tpu.memory_space<vmem>>, vector<1x16xf32>,
        %parallel_loop3A_682 = vector.shape_cast %parallel_loop3A_681 : vector<1x16xf32> to vector<16xf32>
        %parallel_loop3A_683 = arith.index_cast %parallel_loop3A_132 : i32 to index
        %parallel_loop3A_684 = arith.constant 624 : index
        %parallel_loop3A_685 = tpu.vector_load %arg9[%parallel_loop3A_683, %parallel_loop3A_684] {strides = array<i32>} : memref<16x1024xf32, #tpu.memory_space<vmem>>, vector<1x16xf32>,
        %parallel_loop3A_686 = vector.shape_cast %parallel_loop3A_685 : vector<1x16xf32> to vector<16xf32>
        %parallel_loop3A_687 = arith.addf %parallel_loop3A_682, %parallel_loop3A_686 : vector<16xf32>
        %parallel_loop3A_688 = arith.index_cast %parallel_loop3A_132 : i32 to index
        %parallel_loop3A_689 = arith.constant 624 : index
        %parallel_loop3A_690 = tpu.vector_load %arg11[%parallel_loop3A_688, %parallel_loop3A_689] {strides = array<i32>} : memref<16x1024xf32, #tpu.memory_space<vmem>>, vector<1x16xf32>,
        %parallel_loop3A_691 = vector.shape_cast %parallel_loop3A_690 : vector<1x16xf32> to vector<16xf32>
        %parallel_loop3A_692 = vector.shape_cast %parallel_loop3A_687 : vector<16xf32> to vector<1x16xf32>
        tpu.vector_store %arg11[%parallel_loop3A_688, %parallel_loop3A_689], %parallel_loop3A_692 {strides = array<i32>} : memref<16x1024xf32, #tpu.memory_space<vmem>>, vector<1x16xf32>,
        %parallel_loop3A_693 = arith.index_cast %parallel_loop3A_132 : i32 to index
        %parallel_loop3A_694 = arith.constant 640 : index
        %parallel_loop3A_695 = tpu.vector_load %arg7[%parallel_loop3A_693, %parallel_loop3A_694] {strides = array<i32>} : memref<16x1024xf32, #tpu.memory_space<vmem>>, vector<1x16xf32>,
        %parallel_loop3A_696 = vector.shape_cast %parallel_loop3A_695 : vector<1x16xf32> to vector<16xf32>
        %parallel_loop3A_697 = arith.index_cast %parallel_loop3A_132 : i32 to index
        %parallel_loop3A_698 = arith.constant 640 : index
        %parallel_loop3A_699 = tpu.vector_load %arg9[%parallel_loop3A_697, %parallel_loop3A_698] {strides = array<i32>} : memref<16x1024xf32, #tpu.memory_space<vmem>>, vector<1x16xf32>,
        %parallel_loop3A_700 = vector.shape_cast %parallel_loop3A_699 : vector<1x16xf32> to vector<16xf32>
        %parallel_loop3A_701 = arith.addf %parallel_loop3A_696, %parallel_loop3A_700 : vector<16xf32>
        %parallel_loop3A_702 = arith.index_cast %parallel_loop3A_132 : i32 to index
        %parallel_loop3A_703 = arith.constant 640 : index
        %parallel_loop3A_704 = tpu.vector_load %arg11[%parallel_loop3A_702, %parallel_loop3A_703] {strides = array<i32>} : memref<16x1024xf32, #tpu.memory_space<vmem>>, vector<1x16xf32>,
        %parallel_loop3A_705 = vector.shape_cast %parallel_loop3A_704 : vector<1x16xf32> to vector<16xf32>
        %parallel_loop3A_706 = vector.shape_cast %parallel_loop3A_701 : vector<16xf32> to vector<1x16xf32>
        tpu.vector_store %arg11[%parallel_loop3A_702, %parallel_loop3A_703], %parallel_loop3A_706 {strides = array<i32>} : memref<16x1024xf32, #tpu.memory_space<vmem>>, vector<1x16xf32>,
        %parallel_loop3A_707 = arith.index_cast %parallel_loop3A_132 : i32 to index
        %parallel_loop3A_708 = arith.constant 656 : index
        %parallel_loop3A_709 = tpu.vector_load %arg7[%parallel_loop3A_707, %parallel_loop3A_708] {strides = array<i32>} : memref<16x1024xf32, #tpu.memory_space<vmem>>, vector<1x16xf32>,
        %parallel_loop3A_710 = vector.shape_cast %parallel_loop3A_709 : vector<1x16xf32> to vector<16xf32>
        %parallel_loop3A_711 = arith.index_cast %parallel_loop3A_132 : i32 to index
        %parallel_loop3A_712 = arith.constant 656 : index
        %parallel_loop3A_713 = tpu.vector_load %arg9[%parallel_loop3A_711, %parallel_loop3A_712] {strides = array<i32>} : memref<16x1024xf32, #tpu.memory_space<vmem>>, vector<1x16xf32>,
        %parallel_loop3A_714 = vector.shape_cast %parallel_loop3A_713 : vector<1x16xf32> to vector<16xf32>
        %parallel_loop3A_715 = arith.addf %parallel_loop3A_710, %parallel_loop3A_714 : vector<16xf32>
        %parallel_loop3A_716 = arith.index_cast %parallel_loop3A_132 : i32 to index
        %parallel_loop3A_717 = arith.constant 656 : index
        %parallel_loop3A_718 = tpu.vector_load %arg11[%parallel_loop3A_716, %parallel_loop3A_717] {strides = array<i32>} : memref<16x1024xf32, #tpu.memory_space<vmem>>, vector<1x16xf32>,
        %parallel_loop3A_719 = vector.shape_cast %parallel_loop3A_718 : vector<1x16xf32> to vector<16xf32>
        %parallel_loop3A_720 = vector.shape_cast %parallel_loop3A_715 : vector<16xf32> to vector<1x16xf32>
        tpu.vector_store %arg11[%parallel_loop3A_716, %parallel_loop3A_717], %parallel_loop3A_720 {strides = array<i32>} : memref<16x1024xf32, #tpu.memory_space<vmem>>, vector<1x16xf32>,
        %parallel_loop3A_721 = arith.index_cast %parallel_loop3A_132 : i32 to index
        %parallel_loop3A_722 = arith.constant 672 : index
        %parallel_loop3A_723 = tpu.vector_load %arg7[%parallel_loop3A_721, %parallel_loop3A_722] {strides = array<i32>} : memref<16x1024xf32, #tpu.memory_space<vmem>>, vector<1x16xf32>,
        %parallel_loop3A_724 = vector.shape_cast %parallel_loop3A_723 : vector<1x16xf32> to vector<16xf32>
        %parallel_loop3A_725 = arith.index_cast %parallel_loop3A_132 : i32 to index
        %parallel_loop3A_726 = arith.constant 672 : index
        %parallel_loop3A_727 = tpu.vector_load %arg9[%parallel_loop3A_725, %parallel_loop3A_726] {strides = array<i32>} : memref<16x1024xf32, #tpu.memory_space<vmem>>, vector<1x16xf32>,
        %parallel_loop3A_728 = vector.shape_cast %parallel_loop3A_727 : vector<1x16xf32> to vector<16xf32>
        %parallel_loop3A_729 = arith.addf %parallel_loop3A_724, %parallel_loop3A_728 : vector<16xf32>
        %parallel_loop3A_730 = arith.index_cast %parallel_loop3A_132 : i32 to index
        %parallel_loop3A_731 = arith.constant 672 : index
        %parallel_loop3A_732 = tpu.vector_load %arg11[%parallel_loop3A_730, %parallel_loop3A_731] {strides = array<i32>} : memref<16x1024xf32, #tpu.memory_space<vmem>>, vector<1x16xf32>,
        %parallel_loop3A_733 = vector.shape_cast %parallel_loop3A_732 : vector<1x16xf32> to vector<16xf32>
        %parallel_loop3A_734 = vector.shape_cast %parallel_loop3A_729 : vector<16xf32> to vector<1x16xf32>
        tpu.vector_store %arg11[%parallel_loop3A_730, %parallel_loop3A_731], %parallel_loop3A_734 {strides = array<i32>} : memref<16x1024xf32, #tpu.memory_space<vmem>>, vector<1x16xf32>,
        %parallel_loop3A_735 = arith.index_cast %parallel_loop3A_132 : i32 to index
        %parallel_loop3A_736 = arith.constant 688 : index
        %parallel_loop3A_737 = tpu.vector_load %arg7[%parallel_loop3A_735, %parallel_loop3A_736] {strides = array<i32>} : memref<16x1024xf32, #tpu.memory_space<vmem>>, vector<1x16xf32>,
        %parallel_loop3A_738 = vector.shape_cast %parallel_loop3A_737 : vector<1x16xf32> to vector<16xf32>
        %parallel_loop3A_739 = arith.index_cast %parallel_loop3A_132 : i32 to index
        %parallel_loop3A_740 = arith.constant 688 : index
        %parallel_loop3A_741 = tpu.vector_load %arg9[%parallel_loop3A_739, %parallel_loop3A_740] {strides = array<i32>} : memref<16x1024xf32, #tpu.memory_space<vmem>>, vector<1x16xf32>,
        %parallel_loop3A_742 = vector.shape_cast %parallel_loop3A_741 : vector<1x16xf32> to vector<16xf32>
        %parallel_loop3A_743 = arith.addf %parallel_loop3A_738, %parallel_loop3A_742 : vector<16xf32>
        %parallel_loop3A_744 = arith.index_cast %parallel_loop3A_132 : i32 to index
        %parallel_loop3A_745 = arith.constant 688 : index
        %parallel_loop3A_746 = tpu.vector_load %arg11[%parallel_loop3A_744, %parallel_loop3A_745] {strides = array<i32>} : memref<16x1024xf32, #tpu.memory_space<vmem>>, vector<1x16xf32>,
        %parallel_loop3A_747 = vector.shape_cast %parallel_loop3A_746 : vector<1x16xf32> to vector<16xf32>
        %parallel_loop3A_748 = vector.shape_cast %parallel_loop3A_743 : vector<16xf32> to vector<1x16xf32>
        tpu.vector_store %arg11[%parallel_loop3A_744, %parallel_loop3A_745], %parallel_loop3A_748 {strides = array<i32>} : memref<16x1024xf32, #tpu.memory_space<vmem>>, vector<1x16xf32>,
        %parallel_loop3A_749 = arith.index_cast %parallel_loop3A_132 : i32 to index
        %parallel_loop3A_750 = arith.constant 704 : index
        %parallel_loop3A_751 = tpu.vector_load %arg7[%parallel_loop3A_749, %parallel_loop3A_750] {strides = array<i32>} : memref<16x1024xf32, #tpu.memory_space<vmem>>, vector<1x16xf32>,
        %parallel_loop3A_752 = vector.shape_cast %parallel_loop3A_751 : vector<1x16xf32> to vector<16xf32>
        %parallel_loop3A_753 = arith.index_cast %parallel_loop3A_132 : i32 to index
        %parallel_loop3A_754 = arith.constant 704 : index
        %parallel_loop3A_755 = tpu.vector_load %arg9[%parallel_loop3A_753, %parallel_loop3A_754] {strides = array<i32>} : memref<16x1024xf32, #tpu.memory_space<vmem>>, vector<1x16xf32>,
        %parallel_loop3A_756 = vector.shape_cast %parallel_loop3A_755 : vector<1x16xf32> to vector<16xf32>
        %parallel_loop3A_757 = arith.addf %parallel_loop3A_752, %parallel_loop3A_756 : vector<16xf32>
        %parallel_loop3A_758 = arith.index_cast %parallel_loop3A_132 : i32 to index
        %parallel_loop3A_759 = arith.constant 704 : index
        %parallel_loop3A_760 = tpu.vector_load %arg11[%parallel_loop3A_758, %parallel_loop3A_759] {strides = array<i32>} : memref<16x1024xf32, #tpu.memory_space<vmem>>, vector<1x16xf32>,
        %parallel_loop3A_761 = vector.shape_cast %parallel_loop3A_760 : vector<1x16xf32> to vector<16xf32>
        %parallel_loop3A_762 = vector.shape_cast %parallel_loop3A_757 : vector<16xf32> to vector<1x16xf32>
        tpu.vector_store %arg11[%parallel_loop3A_758, %parallel_loop3A_759], %parallel_loop3A_762 {strides = array<i32>} : memref<16x1024xf32, #tpu.memory_space<vmem>>, vector<1x16xf32>,
        %parallel_loop3A_763 = arith.index_cast %parallel_loop3A_132 : i32 to index
        %parallel_loop3A_764 = arith.constant 720 : index
        %parallel_loop3A_765 = tpu.vector_load %arg7[%parallel_loop3A_763, %parallel_loop3A_764] {strides = array<i32>} : memref<16x1024xf32, #tpu.memory_space<vmem>>, vector<1x16xf32>,
        %parallel_loop3A_766 = vector.shape_cast %parallel_loop3A_765 : vector<1x16xf32> to vector<16xf32>
        %parallel_loop3A_767 = arith.index_cast %parallel_loop3A_132 : i32 to index
        %parallel_loop3A_768 = arith.constant 720 : index
        %parallel_loop3A_769 = tpu.vector_load %arg9[%parallel_loop3A_767, %parallel_loop3A_768] {strides = array<i32>} : memref<16x1024xf32, #tpu.memory_space<vmem>>, vector<1x16xf32>,
        %parallel_loop3A_770 = vector.shape_cast %parallel_loop3A_769 : vector<1x16xf32> to vector<16xf32>
        %parallel_loop3A_771 = arith.addf %parallel_loop3A_766, %parallel_loop3A_770 : vector<16xf32>
        %parallel_loop3A_772 = arith.index_cast %parallel_loop3A_132 : i32 to index
        %parallel_loop3A_773 = arith.constant 720 : index
        %parallel_loop3A_774 = tpu.vector_load %arg11[%parallel_loop3A_772, %parallel_loop3A_773] {strides = array<i32>} : memref<16x1024xf32, #tpu.memory_space<vmem>>, vector<1x16xf32>,
        %parallel_loop3A_775 = vector.shape_cast %parallel_loop3A_774 : vector<1x16xf32> to vector<16xf32>
        %parallel_loop3A_776 = vector.shape_cast %parallel_loop3A_771 : vector<16xf32> to vector<1x16xf32>
        tpu.vector_store %arg11[%parallel_loop3A_772, %parallel_loop3A_773], %parallel_loop3A_776 {strides = array<i32>} : memref<16x1024xf32, #tpu.memory_space<vmem>>, vector<1x16xf32>,
        %parallel_loop3A_777 = arith.index_cast %parallel_loop3A_132 : i32 to index
        %parallel_loop3A_778 = arith.constant 736 : index
        %parallel_loop3A_779 = tpu.vector_load %arg7[%parallel_loop3A_777, %parallel_loop3A_778] {strides = array<i32>} : memref<16x1024xf32, #tpu.memory_space<vmem>>, vector<1x16xf32>,
        %parallel_loop3A_780 = vector.shape_cast %parallel_loop3A_779 : vector<1x16xf32> to vector<16xf32>
        %parallel_loop3A_781 = arith.index_cast %parallel_loop3A_132 : i32 to index
        %parallel_loop3A_782 = arith.constant 736 : index
        %parallel_loop3A_783 = tpu.vector_load %arg9[%parallel_loop3A_781, %parallel_loop3A_782] {strides = array<i32>} : memref<16x1024xf32, #tpu.memory_space<vmem>>, vector<1x16xf32>,
        %parallel_loop3A_784 = vector.shape_cast %parallel_loop3A_783 : vector<1x16xf32> to vector<16xf32>
        %parallel_loop3A_785 = arith.addf %parallel_loop3A_780, %parallel_loop3A_784 : vector<16xf32>
        %parallel_loop3A_786 = arith.index_cast %parallel_loop3A_132 : i32 to index
        %parallel_loop3A_787 = arith.constant 736 : index
        %parallel_loop3A_788 = tpu.vector_load %arg11[%parallel_loop3A_786, %parallel_loop3A_787] {strides = array<i32>} : memref<16x1024xf32, #tpu.memory_space<vmem>>, vector<1x16xf32>,
        %parallel_loop3A_789 = vector.shape_cast %parallel_loop3A_788 : vector<1x16xf32> to vector<16xf32>
        %parallel_loop3A_790 = vector.shape_cast %parallel_loop3A_785 : vector<16xf32> to vector<1x16xf32>
        tpu.vector_store %arg11[%parallel_loop3A_786, %parallel_loop3A_787], %parallel_loop3A_790 {strides = array<i32>} : memref<16x1024xf32, #tpu.memory_space<vmem>>, vector<1x16xf32>,
        %parallel_loop3A_791 = arith.index_cast %parallel_loop3A_132 : i32 to index
        %parallel_loop3A_792 = arith.constant 752 : index
        %parallel_loop3A_793 = tpu.vector_load %arg7[%parallel_loop3A_791, %parallel_loop3A_792] {strides = array<i32>} : memref<16x1024xf32, #tpu.memory_space<vmem>>, vector<1x16xf32>,
        %parallel_loop3A_794 = vector.shape_cast %parallel_loop3A_793 : vector<1x16xf32> to vector<16xf32>
        %parallel_loop3A_795 = arith.index_cast %parallel_loop3A_132 : i32 to index
        %parallel_loop3A_796 = arith.constant 752 : index
        %parallel_loop3A_797 = tpu.vector_load %arg9[%parallel_loop3A_795, %parallel_loop3A_796] {strides = array<i32>} : memref<16x1024xf32, #tpu.memory_space<vmem>>, vector<1x16xf32>,
        %parallel_loop3A_798 = vector.shape_cast %parallel_loop3A_797 : vector<1x16xf32> to vector<16xf32>
        %parallel_loop3A_799 = arith.addf %parallel_loop3A_794, %parallel_loop3A_798 : vector<16xf32>
        %parallel_loop3A_800 = arith.index_cast %parallel_loop3A_132 : i32 to index
        %parallel_loop3A_801 = arith.constant 752 : index
        %parallel_loop3A_802 = tpu.vector_load %arg11[%parallel_loop3A_800, %parallel_loop3A_801] {strides = array<i32>} : memref<16x1024xf32, #tpu.memory_space<vmem>>, vector<1x16xf32>,
        %parallel_loop3A_803 = vector.shape_cast %parallel_loop3A_802 : vector<1x16xf32> to vector<16xf32>
        %parallel_loop3A_804 = vector.shape_cast %parallel_loop3A_799 : vector<16xf32> to vector<1x16xf32>
        tpu.vector_store %arg11[%parallel_loop3A_800, %parallel_loop3A_801], %parallel_loop3A_804 {strides = array<i32>} : memref<16x1024xf32, #tpu.memory_space<vmem>>, vector<1x16xf32>,
        %parallel_loop3A_805 = arith.index_cast %parallel_loop3A_132 : i32 to index
        %parallel_loop3A_806 = arith.constant 768 : index
        %parallel_loop3A_807 = tpu.vector_load %arg7[%parallel_loop3A_805, %parallel_loop3A_806] {strides = array<i32>} : memref<16x1024xf32, #tpu.memory_space<vmem>>, vector<1x16xf32>,
        %parallel_loop3A_808 = vector.shape_cast %parallel_loop3A_807 : vector<1x16xf32> to vector<16xf32>
        %parallel_loop3A_809 = arith.index_cast %parallel_loop3A_132 : i32 to index
        %parallel_loop3A_810 = arith.constant 768 : index
        %parallel_loop3A_811 = tpu.vector_load %arg9[%parallel_loop3A_809, %parallel_loop3A_810] {strides = array<i32>} : memref<16x1024xf32, #tpu.memory_space<vmem>>, vector<1x16xf32>,
        %parallel_loop3A_812 = vector.shape_cast %parallel_loop3A_811 : vector<1x16xf32> to vector<16xf32>
        %parallel_loop3A_813 = arith.addf %parallel_loop3A_808, %parallel_loop3A_812 : vector<16xf32>
        %parallel_loop3A_814 = arith.index_cast %parallel_loop3A_132 : i32 to index
        %parallel_loop3A_815 = arith.constant 768 : index
        %parallel_loop3A_816 = tpu.vector_load %arg11[%parallel_loop3A_814, %parallel_loop3A_815] {strides = array<i32>} : memref<16x1024xf32, #tpu.memory_space<vmem>>, vector<1x16xf32>,
        %parallel_loop3A_817 = vector.shape_cast %parallel_loop3A_816 : vector<1x16xf32> to vector<16xf32>
        %parallel_loop3A_818 = vector.shape_cast %parallel_loop3A_813 : vector<16xf32> to vector<1x16xf32>
        tpu.vector_store %arg11[%parallel_loop3A_814, %parallel_loop3A_815], %parallel_loop3A_818 {strides = array<i32>} : memref<16x1024xf32, #tpu.memory_space<vmem>>, vector<1x16xf32>,
        %parallel_loop3A_819 = arith.index_cast %parallel_loop3A_132 : i32 to index
        %parallel_loop3A_820 = arith.constant 784 : index
        %parallel_loop3A_821 = tpu.vector_load %arg7[%parallel_loop3A_819, %parallel_loop3A_820] {strides = array<i32>} : memref<16x1024xf32, #tpu.memory_space<vmem>>, vector<1x16xf32>,
        %parallel_loop3A_822 = vector.shape_cast %parallel_loop3A_821 : vector<1x16xf32> to vector<16xf32>
        %parallel_loop3A_823 = arith.index_cast %parallel_loop3A_132 : i32 to index
        %parallel_loop3A_824 = arith.constant 784 : index
        %parallel_loop3A_825 = tpu.vector_load %arg9[%parallel_loop3A_823, %parallel_loop3A_824] {strides = array<i32>} : memref<16x1024xf32, #tpu.memory_space<vmem>>, vector<1x16xf32>,
        %parallel_loop3A_826 = vector.shape_cast %parallel_loop3A_825 : vector<1x16xf32> to vector<16xf32>
        %parallel_loop3A_827 = arith.addf %parallel_loop3A_822, %parallel_loop3A_826 : vector<16xf32>
        %parallel_loop3A_828 = arith.index_cast %parallel_loop3A_132 : i32 to index
        %parallel_loop3A_829 = arith.constant 784 : index
        %parallel_loop3A_830 = tpu.vector_load %arg11[%parallel_loop3A_828, %parallel_loop3A_829] {strides = array<i32>} : memref<16x1024xf32, #tpu.memory_space<vmem>>, vector<1x16xf32>,
        %parallel_loop3A_831 = vector.shape_cast %parallel_loop3A_830 : vector<1x16xf32> to vector<16xf32>
        %parallel_loop3A_832 = vector.shape_cast %parallel_loop3A_827 : vector<16xf32> to vector<1x16xf32>
        tpu.vector_store %arg11[%parallel_loop3A_828, %parallel_loop3A_829], %parallel_loop3A_832 {strides = array<i32>} : memref<16x1024xf32, #tpu.memory_space<vmem>>, vector<1x16xf32>,
        %parallel_loop3A_833 = arith.index_cast %parallel_loop3A_132 : i32 to index
        %parallel_loop3A_834 = arith.constant 800 : index
        %parallel_loop3A_835 = tpu.vector_load %arg7[%parallel_loop3A_833, %parallel_loop3A_834] {strides = array<i32>} : memref<16x1024xf32, #tpu.memory_space<vmem>>, vector<1x16xf32>,
        %parallel_loop3A_836 = vector.shape_cast %parallel_loop3A_835 : vector<1x16xf32> to vector<16xf32>
        %parallel_loop3A_837 = arith.index_cast %parallel_loop3A_132 : i32 to index
        %parallel_loop3A_838 = arith.constant 800 : index
        %parallel_loop3A_839 = tpu.vector_load %arg9[%parallel_loop3A_837, %parallel_loop3A_838] {strides = array<i32>} : memref<16x1024xf32, #tpu.memory_space<vmem>>, vector<1x16xf32>,
        %parallel_loop3A_840 = vector.shape_cast %parallel_loop3A_839 : vector<1x16xf32> to vector<16xf32>
        %parallel_loop3A_841 = arith.addf %parallel_loop3A_836, %parallel_loop3A_840 : vector<16xf32>
        %parallel_loop3A_842 = arith.index_cast %parallel_loop3A_132 : i32 to index
        %parallel_loop3A_843 = arith.constant 800 : index
        %parallel_loop3A_844 = tpu.vector_load %arg11[%parallel_loop3A_842, %parallel_loop3A_843] {strides = array<i32>} : memref<16x1024xf32, #tpu.memory_space<vmem>>, vector<1x16xf32>,
        %parallel_loop3A_845 = vector.shape_cast %parallel_loop3A_844 : vector<1x16xf32> to vector<16xf32>
        %parallel_loop3A_846 = vector.shape_cast %parallel_loop3A_841 : vector<16xf32> to vector<1x16xf32>
        tpu.vector_store %arg11[%parallel_loop3A_842, %parallel_loop3A_843], %parallel_loop3A_846 {strides = array<i32>} : memref<16x1024xf32, #tpu.memory_space<vmem>>, vector<1x16xf32>,
        %parallel_loop3A_847 = arith.index_cast %parallel_loop3A_132 : i32 to index
        %parallel_loop3A_848 = arith.constant 816 : index
        %parallel_loop3A_849 = tpu.vector_load %arg7[%parallel_loop3A_847, %parallel_loop3A_848] {strides = array<i32>} : memref<16x1024xf32, #tpu.memory_space<vmem>>, vector<1x16xf32>,
        %parallel_loop3A_850 = vector.shape_cast %parallel_loop3A_849 : vector<1x16xf32> to vector<16xf32>
        %parallel_loop3A_851 = arith.index_cast %parallel_loop3A_132 : i32 to index
        %parallel_loop3A_852 = arith.constant 816 : index
        %parallel_loop3A_853 = tpu.vector_load %arg9[%parallel_loop3A_851, %parallel_loop3A_852] {strides = array<i32>} : memref<16x1024xf32, #tpu.memory_space<vmem>>, vector<1x16xf32>,
        %parallel_loop3A_854 = vector.shape_cast %parallel_loop3A_853 : vector<1x16xf32> to vector<16xf32>
        %parallel_loop3A_855 = arith.addf %parallel_loop3A_850, %parallel_loop3A_854 : vector<16xf32>
        %parallel_loop3A_856 = arith.index_cast %parallel_loop3A_132 : i32 to index
        %parallel_loop3A_857 = arith.constant 816 : index
        %parallel_loop3A_858 = tpu.vector_load %arg11[%parallel_loop3A_856, %parallel_loop3A_857] {strides = array<i32>} : memref<16x1024xf32, #tpu.memory_space<vmem>>, vector<1x16xf32>,
        %parallel_loop3A_859 = vector.shape_cast %parallel_loop3A_858 : vector<1x16xf32> to vector<16xf32>
        %parallel_loop3A_860 = vector.shape_cast %parallel_loop3A_855 : vector<16xf32> to vector<1x16xf32>
        tpu.vector_store %arg11[%parallel_loop3A_856, %parallel_loop3A_857], %parallel_loop3A_860 {strides = array<i32>} : memref<16x1024xf32, #tpu.memory_space<vmem>>, vector<1x16xf32>,
        %parallel_loop3A_861 = arith.index_cast %parallel_loop3A_132 : i32 to index
        %parallel_loop3A_862 = arith.constant 832 : index
        %parallel_loop3A_863 = tpu.vector_load %arg7[%parallel_loop3A_861, %parallel_loop3A_862] {strides = array<i32>} : memref<16x1024xf32, #tpu.memory_space<vmem>>, vector<1x16xf32>,
        %parallel_loop3A_864 = vector.shape_cast %parallel_loop3A_863 : vector<1x16xf32> to vector<16xf32>
        %parallel_loop3A_865 = arith.index_cast %parallel_loop3A_132 : i32 to index
        %parallel_loop3A_866 = arith.constant 832 : index
        %parallel_loop3A_867 = tpu.vector_load %arg9[%parallel_loop3A_865, %parallel_loop3A_866] {strides = array<i32>} : memref<16x1024xf32, #tpu.memory_space<vmem>>, vector<1x16xf32>,
        %parallel_loop3A_868 = vector.shape_cast %parallel_loop3A_867 : vector<1x16xf32> to vector<16xf32>
        %parallel_loop3A_869 = arith.addf %parallel_loop3A_864, %parallel_loop3A_868 : vector<16xf32>
        %parallel_loop3A_870 = arith.index_cast %parallel_loop3A_132 : i32 to index
        %parallel_loop3A_871 = arith.constant 832 : index
        %parallel_loop3A_872 = tpu.vector_load %arg11[%parallel_loop3A_870, %parallel_loop3A_871] {strides = array<i32>} : memref<16x1024xf32, #tpu.memory_space<vmem>>, vector<1x16xf32>,
        %parallel_loop3A_873 = vector.shape_cast %parallel_loop3A_872 : vector<1x16xf32> to vector<16xf32>
        %parallel_loop3A_874 = vector.shape_cast %parallel_loop3A_869 : vector<16xf32> to vector<1x16xf32>
        tpu.vector_store %arg11[%parallel_loop3A_870, %parallel_loop3A_871], %parallel_loop3A_874 {strides = array<i32>} : memref<16x1024xf32, #tpu.memory_space<vmem>>, vector<1x16xf32>,
        %parallel_loop3A_875 = arith.index_cast %parallel_loop3A_132 : i32 to index
        %parallel_loop3A_876 = arith.constant 848 : index
        %parallel_loop3A_877 = tpu.vector_load %arg7[%parallel_loop3A_875, %parallel_loop3A_876] {strides = array<i32>} : memref<16x1024xf32, #tpu.memory_space<vmem>>, vector<1x16xf32>,
        %parallel_loop3A_878 = vector.shape_cast %parallel_loop3A_877 : vector<1x16xf32> to vector<16xf32>
        %parallel_loop3A_879 = arith.index_cast %parallel_loop3A_132 : i32 to index
        %parallel_loop3A_880 = arith.constant 848 : index
        %parallel_loop3A_881 = tpu.vector_load %arg9[%parallel_loop3A_879, %parallel_loop3A_880] {strides = array<i32>} : memref<16x1024xf32, #tpu.memory_space<vmem>>, vector<1x16xf32>,
        %parallel_loop3A_882 = vector.shape_cast %parallel_loop3A_881 : vector<1x16xf32> to vector<16xf32>
        %parallel_loop3A_883 = arith.addf %parallel_loop3A_878, %parallel_loop3A_882 : vector<16xf32>
        %parallel_loop3A_884 = arith.index_cast %parallel_loop3A_132 : i32 to index
        %parallel_loop3A_885 = arith.constant 848 : index
        %parallel_loop3A_886 = tpu.vector_load %arg11[%parallel_loop3A_884, %parallel_loop3A_885] {strides = array<i32>} : memref<16x1024xf32, #tpu.memory_space<vmem>>, vector<1x16xf32>,
        %parallel_loop3A_887 = vector.shape_cast %parallel_loop3A_886 : vector<1x16xf32> to vector<16xf32>
        %parallel_loop3A_888 = vector.shape_cast %parallel_loop3A_883 : vector<16xf32> to vector<1x16xf32>
        tpu.vector_store %arg11[%parallel_loop3A_884, %parallel_loop3A_885], %parallel_loop3A_888 {strides = array<i32>} : memref<16x1024xf32, #tpu.memory_space<vmem>>, vector<1x16xf32>,
        %parallel_loop3A_889 = arith.index_cast %parallel_loop3A_132 : i32 to index
        %parallel_loop3A_890 = arith.constant 864 : index
        %parallel_loop3A_891 = tpu.vector_load %arg7[%parallel_loop3A_889, %parallel_loop3A_890] {strides = array<i32>} : memref<16x1024xf32, #tpu.memory_space<vmem>>, vector<1x16xf32>,
        %parallel_loop3A_892 = vector.shape_cast %parallel_loop3A_891 : vector<1x16xf32> to vector<16xf32>
        %parallel_loop3A_893 = arith.index_cast %parallel_loop3A_132 : i32 to index
        %parallel_loop3A_894 = arith.constant 864 : index
        %parallel_loop3A_895 = tpu.vector_load %arg9[%parallel_loop3A_893, %parallel_loop3A_894] {strides = array<i32>} : memref<16x1024xf32, #tpu.memory_space<vmem>>, vector<1x16xf32>,
        %parallel_loop3A_896 = vector.shape_cast %parallel_loop3A_895 : vector<1x16xf32> to vector<16xf32>
        %parallel_loop3A_897 = arith.addf %parallel_loop3A_892, %parallel_loop3A_896 : vector<16xf32>
        %parallel_loop3A_898 = arith.index_cast %parallel_loop3A_132 : i32 to index
        %parallel_loop3A_899 = arith.constant 864 : index
        %parallel_loop3A_900 = tpu.vector_load %arg11[%parallel_loop3A_898, %parallel_loop3A_899] {strides = array<i32>} : memref<16x1024xf32, #tpu.memory_space<vmem>>, vector<1x16xf32>,
        %parallel_loop3A_901 = vector.shape_cast %parallel_loop3A_900 : vector<1x16xf32> to vector<16xf32>
        %parallel_loop3A_902 = vector.shape_cast %parallel_loop3A_897 : vector<16xf32> to vector<1x16xf32>
        tpu.vector_store %arg11[%parallel_loop3A_898, %parallel_loop3A_899], %parallel_loop3A_902 {strides = array<i32>} : memref<16x1024xf32, #tpu.memory_space<vmem>>, vector<1x16xf32>,
        %parallel_loop3A_903 = arith.index_cast %parallel_loop3A_132 : i32 to index
        %parallel_loop3A_904 = arith.constant 880 : index
        %parallel_loop3A_905 = tpu.vector_load %arg7[%parallel_loop3A_903, %parallel_loop3A_904] {strides = array<i32>} : memref<16x1024xf32, #tpu.memory_space<vmem>>, vector<1x16xf32>,
        %parallel_loop3A_906 = vector.shape_cast %parallel_loop3A_905 : vector<1x16xf32> to vector<16xf32>
        %parallel_loop3A_907 = arith.index_cast %parallel_loop3A_132 : i32 to index
        %parallel_loop3A_908 = arith.constant 880 : index
        %parallel_loop3A_909 = tpu.vector_load %arg9[%parallel_loop3A_907, %parallel_loop3A_908] {strides = array<i32>} : memref<16x1024xf32, #tpu.memory_space<vmem>>, vector<1x16xf32>,
        %parallel_loop3A_910 = vector.shape_cast %parallel_loop3A_909 : vector<1x16xf32> to vector<16xf32>
        %parallel_loop3A_911 = arith.addf %parallel_loop3A_906, %parallel_loop3A_910 : vector<16xf32>
        %parallel_loop3A_912 = arith.index_cast %parallel_loop3A_132 : i32 to index
        %parallel_loop3A_913 = arith.constant 880 : index
        %parallel_loop3A_914 = tpu.vector_load %arg11[%parallel_loop3A_912, %parallel_loop3A_913] {strides = array<i32>} : memref<16x1024xf32, #tpu.memory_space<vmem>>, vector<1x16xf32>,
        %parallel_loop3A_915 = vector.shape_cast %parallel_loop3A_914 : vector<1x16xf32> to vector<16xf32>
        %parallel_loop3A_916 = vector.shape_cast %parallel_loop3A_911 : vector<16xf32> to vector<1x16xf32>
        tpu.vector_store %arg11[%parallel_loop3A_912, %parallel_loop3A_913], %parallel_loop3A_916 {strides = array<i32>} : memref<16x1024xf32, #tpu.memory_space<vmem>>, vector<1x16xf32>,
        %parallel_loop3A_917 = arith.index_cast %parallel_loop3A_132 : i32 to index
        %parallel_loop3A_918 = arith.constant 896 : index
        %parallel_loop3A_919 = tpu.vector_load %arg7[%parallel_loop3A_917, %parallel_loop3A_918] {strides = array<i32>} : memref<16x1024xf32, #tpu.memory_space<vmem>>, vector<1x16xf32>,
        %parallel_loop3A_920 = vector.shape_cast %parallel_loop3A_919 : vector<1x16xf32> to vector<16xf32>
        %parallel_loop3A_921 = arith.index_cast %parallel_loop3A_132 : i32 to index
        %parallel_loop3A_922 = arith.constant 896 : index
        %parallel_loop3A_923 = tpu.vector_load %arg9[%parallel_loop3A_921, %parallel_loop3A_922] {strides = array<i32>} : memref<16x1024xf32, #tpu.memory_space<vmem>>, vector<1x16xf32>,
        %parallel_loop3A_924 = vector.shape_cast %parallel_loop3A_923 : vector<1x16xf32> to vector<16xf32>
        %parallel_loop3A_925 = arith.addf %parallel_loop3A_920, %parallel_loop3A_924 : vector<16xf32>
        %parallel_loop3A_926 = arith.index_cast %parallel_loop3A_132 : i32 to index
        %parallel_loop3A_927 = arith.constant 896 : index
        %parallel_loop3A_928 = tpu.vector_load %arg11[%parallel_loop3A_926, %parallel_loop3A_927] {strides = array<i32>} : memref<16x1024xf32, #tpu.memory_space<vmem>>, vector<1x16xf32>,
        %parallel_loop3A_929 = vector.shape_cast %parallel_loop3A_928 : vector<1x16xf32> to vector<16xf32>
        %parallel_loop3A_930 = vector.shape_cast %parallel_loop3A_925 : vector<16xf32> to vector<1x16xf32>
        tpu.vector_store %arg11[%parallel_loop3A_926, %parallel_loop3A_927], %parallel_loop3A_930 {strides = array<i32>} : memref<16x1024xf32, #tpu.memory_space<vmem>>, vector<1x16xf32>,
        %parallel_loop3A_931 = arith.index_cast %parallel_loop3A_132 : i32 to index
        %parallel_loop3A_932 = arith.constant 912 : index
        %parallel_loop3A_933 = tpu.vector_load %arg7[%parallel_loop3A_931, %parallel_loop3A_932] {strides = array<i32>} : memref<16x1024xf32, #tpu.memory_space<vmem>>, vector<1x16xf32>,
        %parallel_loop3A_934 = vector.shape_cast %parallel_loop3A_933 : vector<1x16xf32> to vector<16xf32>
        %parallel_loop3A_935 = arith.index_cast %parallel_loop3A_132 : i32 to index
        %parallel_loop3A_936 = arith.constant 912 : index
        %parallel_loop3A_937 = tpu.vector_load %arg9[%parallel_loop3A_935, %parallel_loop3A_936] {strides = array<i32>} : memref<16x1024xf32, #tpu.memory_space<vmem>>, vector<1x16xf32>,
        %parallel_loop3A_938 = vector.shape_cast %parallel_loop3A_937 : vector<1x16xf32> to vector<16xf32>
        %parallel_loop3A_939 = arith.addf %parallel_loop3A_934, %parallel_loop3A_938 : vector<16xf32>
        %parallel_loop3A_940 = arith.index_cast %parallel_loop3A_132 : i32 to index
        %parallel_loop3A_941 = arith.constant 912 : index
        %parallel_loop3A_942 = tpu.vector_load %arg11[%parallel_loop3A_940, %parallel_loop3A_941] {strides = array<i32>} : memref<16x1024xf32, #tpu.memory_space<vmem>>, vector<1x16xf32>,
        %parallel_loop3A_943 = vector.shape_cast %parallel_loop3A_942 : vector<1x16xf32> to vector<16xf32>
        %parallel_loop3A_944 = vector.shape_cast %parallel_loop3A_939 : vector<16xf32> to vector<1x16xf32>
        tpu.vector_store %arg11[%parallel_loop3A_940, %parallel_loop3A_941], %parallel_loop3A_944 {strides = array<i32>} : memref<16x1024xf32, #tpu.memory_space<vmem>>, vector<1x16xf32>,
        %parallel_loop3A_945 = arith.index_cast %parallel_loop3A_132 : i32 to index
        %parallel_loop3A_946 = arith.constant 928 : index
        %parallel_loop3A_947 = tpu.vector_load %arg7[%parallel_loop3A_945, %parallel_loop3A_946] {strides = array<i32>} : memref<16x1024xf32, #tpu.memory_space<vmem>>, vector<1x16xf32>,
        %parallel_loop3A_948 = vector.shape_cast %parallel_loop3A_947 : vector<1x16xf32> to vector<16xf32>
        %parallel_loop3A_949 = arith.index_cast %parallel_loop3A_132 : i32 to index
        %parallel_loop3A_950 = arith.constant 928 : index
        %parallel_loop3A_951 = tpu.vector_load %arg9[%parallel_loop3A_949, %parallel_loop3A_950] {strides = array<i32>} : memref<16x1024xf32, #tpu.memory_space<vmem>>, vector<1x16xf32>,
        %parallel_loop3A_952 = vector.shape_cast %parallel_loop3A_951 : vector<1x16xf32> to vector<16xf32>
        %parallel_loop3A_953 = arith.addf %parallel_loop3A_948, %parallel_loop3A_952 : vector<16xf32>
        %parallel_loop3A_954 = arith.index_cast %parallel_loop3A_132 : i32 to index
        %parallel_loop3A_955 = arith.constant 928 : index
        %parallel_loop3A_956 = tpu.vector_load %arg11[%parallel_loop3A_954, %parallel_loop3A_955] {strides = array<i32>} : memref<16x1024xf32, #tpu.memory_space<vmem>>, vector<1x16xf32>,
        %parallel_loop3A_957 = vector.shape_cast %parallel_loop3A_956 : vector<1x16xf32> to vector<16xf32>
        %parallel_loop3A_958 = vector.shape_cast %parallel_loop3A_953 : vector<16xf32> to vector<1x16xf32>
        tpu.vector_store %arg11[%parallel_loop3A_954, %parallel_loop3A_955], %parallel_loop3A_958 {strides = array<i32>} : memref<16x1024xf32, #tpu.memory_space<vmem>>, vector<1x16xf32>,
        %parallel_loop3A_959 = arith.index_cast %parallel_loop3A_132 : i32 to index
        %parallel_loop3A_960 = arith.constant 944 : index
        %parallel_loop3A_961 = tpu.vector_load %arg7[%parallel_loop3A_959, %parallel_loop3A_960] {strides = array<i32>} : memref<16x1024xf32, #tpu.memory_space<vmem>>, vector<1x16xf32>,
        %parallel_loop3A_962 = vector.shape_cast %parallel_loop3A_961 : vector<1x16xf32> to vector<16xf32>
        %parallel_loop3A_963 = arith.index_cast %parallel_loop3A_132 : i32 to index
        %parallel_loop3A_964 = arith.constant 944 : index
        %parallel_loop3A_965 = tpu.vector_load %arg9[%parallel_loop3A_963, %parallel_loop3A_964] {strides = array<i32>} : memref<16x1024xf32, #tpu.memory_space<vmem>>, vector<1x16xf32>,
        %parallel_loop3A_966 = vector.shape_cast %parallel_loop3A_965 : vector<1x16xf32> to vector<16xf32>
        %parallel_loop3A_967 = arith.addf %parallel_loop3A_962, %parallel_loop3A_966 : vector<16xf32>
        %parallel_loop3A_968 = arith.index_cast %parallel_loop3A_132 : i32 to index
        %parallel_loop3A_969 = arith.constant 944 : index
        %parallel_loop3A_970 = tpu.vector_load %arg11[%parallel_loop3A_968, %parallel_loop3A_969] {strides = array<i32>} : memref<16x1024xf32, #tpu.memory_space<vmem>>, vector<1x16xf32>,
        %parallel_loop3A_971 = vector.shape_cast %parallel_loop3A_970 : vector<1x16xf32> to vector<16xf32>
        %parallel_loop3A_972 = vector.shape_cast %parallel_loop3A_967 : vector<16xf32> to vector<1x16xf32>
        tpu.vector_store %arg11[%parallel_loop3A_968, %parallel_loop3A_969], %parallel_loop3A_972 {strides = array<i32>} : memref<16x1024xf32, #tpu.memory_space<vmem>>, vector<1x16xf32>,
        %parallel_loop3A_973 = arith.index_cast %parallel_loop3A_132 : i32 to index
        %parallel_loop3A_974 = arith.constant 960 : index
        %parallel_loop3A_975 = tpu.vector_load %arg7[%parallel_loop3A_973, %parallel_loop3A_974] {strides = array<i32>} : memref<16x1024xf32, #tpu.memory_space<vmem>>, vector<1x16xf32>,
        %parallel_loop3A_976 = vector.shape_cast %parallel_loop3A_975 : vector<1x16xf32> to vector<16xf32>
        %parallel_loop3A_977 = arith.index_cast %parallel_loop3A_132 : i32 to index
        %parallel_loop3A_978 = arith.constant 960 : index
        %parallel_loop3A_979 = tpu.vector_load %arg9[%parallel_loop3A_977, %parallel_loop3A_978] {strides = array<i32>} : memref<16x1024xf32, #tpu.memory_space<vmem>>, vector<1x16xf32>,
        %parallel_loop3A_980 = vector.shape_cast %parallel_loop3A_979 : vector<1x16xf32> to vector<16xf32>
        %parallel_loop3A_981 = arith.addf %parallel_loop3A_976, %parallel_loop3A_980 : vector<16xf32>
        %parallel_loop3A_982 = arith.index_cast %parallel_loop3A_132 : i32 to index
        %parallel_loop3A_983 = arith.constant 960 : index
        %parallel_loop3A_984 = tpu.vector_load %arg11[%parallel_loop3A_982, %parallel_loop3A_983] {strides = array<i32>} : memref<16x1024xf32, #tpu.memory_space<vmem>>, vector<1x16xf32>,
        %parallel_loop3A_985 = vector.shape_cast %parallel_loop3A_984 : vector<1x16xf32> to vector<16xf32>
        %parallel_loop3A_986 = vector.shape_cast %parallel_loop3A_981 : vector<16xf32> to vector<1x16xf32>
        tpu.vector_store %arg11[%parallel_loop3A_982, %parallel_loop3A_983], %parallel_loop3A_986 {strides = array<i32>} : memref<16x1024xf32, #tpu.memory_space<vmem>>, vector<1x16xf32>,
        %parallel_loop3A_987 = arith.index_cast %parallel_loop3A_132 : i32 to index
        %parallel_loop3A_988 = arith.constant 976 : index
        %parallel_loop3A_989 = tpu.vector_load %arg7[%parallel_loop3A_987, %parallel_loop3A_988] {strides = array<i32>} : memref<16x1024xf32, #tpu.memory_space<vmem>>, vector<1x16xf32>,
        %parallel_loop3A_990 = vector.shape_cast %parallel_loop3A_989 : vector<1x16xf32> to vector<16xf32>
        %parallel_loop3A_991 = arith.index_cast %parallel_loop3A_132 : i32 to index
        %parallel_loop3A_992 = arith.constant 976 : index
        %parallel_loop3A_993 = tpu.vector_load %arg9[%parallel_loop3A_991, %parallel_loop3A_992] {strides = array<i32>} : memref<16x1024xf32, #tpu.memory_space<vmem>>, vector<1x16xf32>,
        %parallel_loop3A_994 = vector.shape_cast %parallel_loop3A_993 : vector<1x16xf32> to vector<16xf32>
        %parallel_loop3A_995 = arith.addf %parallel_loop3A_990, %parallel_loop3A_994 : vector<16xf32>
        %parallel_loop3A_996 = arith.index_cast %parallel_loop3A_132 : i32 to index
        %parallel_loop3A_997 = arith.constant 976 : index
        %parallel_loop3A_998 = tpu.vector_load %arg11[%parallel_loop3A_996, %parallel_loop3A_997] {strides = array<i32>} : memref<16x1024xf32, #tpu.memory_space<vmem>>, vector<1x16xf32>,
        %parallel_loop3A_999 = vector.shape_cast %parallel_loop3A_998 : vector<1x16xf32> to vector<16xf32>
        %parallel_loop3A_1000 = vector.shape_cast %parallel_loop3A_995 : vector<16xf32> to vector<1x16xf32>
        tpu.vector_store %arg11[%parallel_loop3A_996, %parallel_loop3A_997], %parallel_loop3A_1000 {strides = array<i32>} : memref<16x1024xf32, #tpu.memory_space<vmem>>, vector<1x16xf32>,
        %parallel_loop3A_1001 = arith.index_cast %parallel_loop3A_132 : i32 to index
        %parallel_loop3A_1002 = arith.constant 992 : index
        %parallel_loop3A_1003 = tpu.vector_load %arg7[%parallel_loop3A_1001, %parallel_loop3A_1002] {strides = array<i32>} : memref<16x1024xf32, #tpu.memory_space<vmem>>, vector<1x16xf32>,
        %parallel_loop3A_1004 = vector.shape_cast %parallel_loop3A_1003 : vector<1x16xf32> to vector<16xf32>
        %parallel_loop3A_1005 = arith.index_cast %parallel_loop3A_132 : i32 to index
        %parallel_loop3A_1006 = arith.constant 992 : index
        %parallel_loop3A_1007 = tpu.vector_load %arg9[%parallel_loop3A_1005, %parallel_loop3A_1006] {strides = array<i32>} : memref<16x1024xf32, #tpu.memory_space<vmem>>, vector<1x16xf32>,
        %parallel_loop3A_1008 = vector.shape_cast %parallel_loop3A_1007 : vector<1x16xf32> to vector<16xf32>
        %parallel_loop3A_1009 = arith.addf %parallel_loop3A_1004, %parallel_loop3A_1008 : vector<16xf32>
        %parallel_loop3A_1010 = arith.index_cast %parallel_loop3A_132 : i32 to index
        %parallel_loop3A_1011 = arith.constant 992 : index
        %parallel_loop3A_1012 = tpu.vector_load %arg11[%parallel_loop3A_1010, %parallel_loop3A_1011] {strides = array<i32>} : memref<16x1024xf32, #tpu.memory_space<vmem>>, vector<1x16xf32>,
        %parallel_loop3A_1013 = vector.shape_cast %parallel_loop3A_1012 : vector<1x16xf32> to vector<16xf32>
        %parallel_loop3A_1014 = vector.shape_cast %parallel_loop3A_1009 : vector<16xf32> to vector<1x16xf32>
        tpu.vector_store %arg11[%parallel_loop3A_1010, %parallel_loop3A_1011], %parallel_loop3A_1014 {strides = array<i32>} : memref<16x1024xf32, #tpu.memory_space<vmem>>, vector<1x16xf32>,
        %parallel_loop3A_1015 = arith.index_cast %parallel_loop3A_132 : i32 to index
        %parallel_loop3A_1016 = arith.constant 1008 : index
        %parallel_loop3A_1017 = tpu.vector_load %arg7[%parallel_loop3A_1015, %parallel_loop3A_1016] {strides = array<i32>} : memref<16x1024xf32, #tpu.memory_space<vmem>>, vector<1x16xf32>,
        %parallel_loop3A_1018 = vector.shape_cast %parallel_loop3A_1017 : vector<1x16xf32> to vector<16xf32>
        %parallel_loop3A_1019 = arith.index_cast %parallel_loop3A_132 : i32 to index
        %parallel_loop3A_1020 = arith.constant 1008 : index
        %parallel_loop3A_1021 = tpu.vector_load %arg9[%parallel_loop3A_1019, %parallel_loop3A_1020] {strides = array<i32>} : memref<16x1024xf32, #tpu.memory_space<vmem>>, vector<1x16xf32>,
        %parallel_loop3A_1022 = vector.shape_cast %parallel_loop3A_1021 : vector<1x16xf32> to vector<16xf32>
        %parallel_loop3A_1023 = arith.addf %parallel_loop3A_1018, %parallel_loop3A_1022 : vector<16xf32>
        %parallel_loop3A_1024 = arith.index_cast %parallel_loop3A_132 : i32 to index
        %parallel_loop3A_1025 = arith.constant 1008 : index
        %parallel_loop3A_1026 = tpu.vector_load %arg11[%parallel_loop3A_1024, %parallel_loop3A_1025] {strides = array<i32>} : memref<16x1024xf32, #tpu.memory_space<vmem>>, vector<1x16xf32>,
        %parallel_loop3A_1027 = vector.shape_cast %parallel_loop3A_1026 : vector<1x16xf32> to vector<16xf32>
        %parallel_loop3A_1028 = vector.shape_cast %parallel_loop3A_1023 : vector<16xf32> to vector<1x16xf32>
        tpu.vector_store %arg11[%parallel_loop3A_1024, %parallel_loop3A_1025], %parallel_loop3A_1028 {strides = array<i32>} : memref<16x1024xf32, #tpu.memory_space<vmem>>, vector<1x16xf32>,
      } {sc.loop_unroll_factor = 1 : i64, sc.parallel_access}
      %mul3A_78 = arith.constant 16 : i32
      %mul3A_79 = arith.muli %add3A_58, %mul3A_78 : i32
      %add3A_80 = arith.addi %mul3A_4, %mul3A_79 : i32
      %dma_start3A_81 = tpu.memref_reshape %arg5 : memref<4096x4x1024xf32, #tpu.memory_space<hbm>> -> memref<16384x1024xf32, #tpu.memory_space<hbm>>
      %dma_start3A_82 = arith.constant 0 : i32
      %dma_start3A_83 = tpu.memref_slice %dma_start3A_81[%add3A_80, %dma_start3A_82] : memref<16384x1024xf32, #tpu.memory_space<hbm>> -> memref<16x1024xf32, #tpu.memory_space<hbm>>
      %dma_start3A_84 = tpu.memref_reshape %arg5 : memref<4096x4x1024xf32, #tpu.memory_space<hbm>> -> memref<16384x1024xf32, #tpu.memory_space<hbm>>
      %dma_start3A_85 = arith.constant 0 : i32
      %dma_start3A_86 = tpu.memref_slice %dma_start3A_84[%add3A_80, %dma_start3A_85] : memref<16384x1024xf32, #tpu.memory_space<hbm>> -> memref<16x1024xf32, #tpu.memory_space<hbm>>
      tpu.enqueue_dma source(%arg11 : memref<16x1024xf32, #tpu.memory_space<vmem>>) target(%dma_start3A_86 : memref<16x1024xf32, #tpu.memory_space<hbm>>) target_semaphore(%arg17 : memref<!tpu.dma_semaphore, #tpu.memory_space<semaphore_mem>>)
      %lt3A = arith.constant 15 : i32
      %lt3A_87 = arith.cmpi slt, %scan3A_54, %lt3A : i32
      %convert_element_type3A_88 = arith.extui %lt3A_87 : i1 to i32
      %cond3A_89 = arith.constant 0 : i32
      %cond3A_90 = arith.cmpi ne, %convert_element_type3A_88, %cond3A_89 : i32
      scf.if %cond3A_90 {
        %add3A_132 = arith.constant 2 : i32
        %add3A_133 = arith.addi %add3A_58, %add3A_132 : i32
        %mul3A_134 = arith.constant 16 : i32
        %mul3A_135 = arith.muli %add3A_133, %mul3A_134 : i32
        %add3A_136 = arith.addi %mul3A_4, %mul3A_135 : i32
        %dma_start3A_137 = tpu.memref_reshape %arg4 : memref<4096x4x1024xf32, #tpu.memory_space<hbm>> -> memref<16384x1024xf32, #tpu.memory_space<hbm>>
        %dma_start3A_138 = arith.constant 0 : i32
        %dma_start3A_139 = tpu.memref_slice %dma_start3A_137[%add3A_136, %dma_start3A_138] : memref<16384x1024xf32, #tpu.memory_space<hbm>> -> memref<16x1024xf32, #tpu.memory_space<hbm>>
        %dma_start3A_140 = tpu.memref_reshape %arg4 : memref<4096x4x1024xf32, #tpu.memory_space<hbm>> -> memref<16384x1024xf32, #tpu.memory_space<hbm>>
        %dma_start3A_141 = arith.constant 0 : i32
        %dma_start3A_142 = tpu.memref_slice %dma_start3A_140[%add3A_136, %dma_start3A_141] : memref<16384x1024xf32, #tpu.memory_space<hbm>> -> memref<16x1024xf32, #tpu.memory_space<hbm>>
        tpu.enqueue_dma source(%dma_start3A_142 : memref<16x1024xf32, #tpu.memory_space<hbm>>) target(%arg7 : memref<16x1024xf32, #tpu.memory_space<vmem>>) target_semaphore(%arg13 : memref<!tpu.dma_semaphore, #tpu.memory_space<semaphore_mem>>)
        %dma_start3A_143 = arith.constant 0 : i32
        %dma_start3A_144 = tpu.memref_slice %arg6[%add3A_133, %dma_start3A_143] : memref<32x16xi32, #tpu.memory_space<vmem>> -> memref<1x16xi32, #tpu.memory_space<vmem>>
        %dma_start3A_145 = tpu.memref_squeeze %dma_start3A_144 : memref<1x16xi32, #tpu.memory_space<vmem>> -> memref<16xi32, #tpu.memory_space<vmem>>
        %dma_start3A_146 = arith.constant 0 : i32
        %dma_start3A_147 = arith.constant 0 : i32
        %dma_start3A_148 = tpu.memref_slice %arg2[%dma_start3A_146, %dma_start3A_147] : memref<8192x1024xf32, #tpu.memory_space<hbm>> -> memref<8192x1024xf32, #tpu.memory_space<hbm>>
        tpu.enqueue_indirect_dma source(%dma_start3A_148 : memref<8192x1024xf32, #tpu.memory_space<hbm>>) target(%arg9 : memref<16x1024xf32, #tpu.memory_space<vmem>>) offsets(%dma_start3A_145 : memref<16xi32, #tpu.memory_space<vmem>>) semaphore(%arg15 : memref<!tpu.dma_semaphore, #tpu.memory_space<semaphore_mem>>)
      } else {
      }
      %mul3A_91 = arith.constant 2 : i32
      %mul3A_92 = arith.muli %scan3A_54, %mul3A_91 : i32
      %add3A_93 = arith.constant 1 : i32
      %add3A_94 = arith.addi %mul3A_92, %add3A_93 : i32
      %dma_wait3A_95 = tpu.memref_reshape %arg4 : memref<4096x4x1024xf32, #tpu.memory_space<hbm>> -> memref<16384x1024xf32, #tpu.memory_space<hbm>>
      %dma_wait3A_96 = arith.constant 0 : i32
      %dma_wait3A_97 = arith.constant 0 : i32
      %dma_wait3A_98 = tpu.memref_slice %dma_wait3A_95[%dma_wait3A_96, %dma_wait3A_97] : memref<16384x1024xf32, #tpu.memory_space<hbm>> -> memref<16x1024xf32, #tpu.memory_space<hbm>>
      %dma_wait3A_99 = tpu.memref_reshape %arg4 : memref<4096x4x1024xf32, #tpu.memory_space<hbm>> -> memref<16384x1024xf32, #tpu.memory_space<hbm>>
      %dma_wait3A_100 = arith.constant 0 : i32
      %dma_wait3A_101 = arith.constant 0 : i32
      %dma_wait3A_102 = tpu.memref_slice %dma_wait3A_99[%dma_wait3A_100, %dma_wait3A_101] : memref<16384x1024xf32, #tpu.memory_space<hbm>> -> memref<16x1024xf32, #tpu.memory_space<hbm>>
      tpu.wait_dma2 semaphore(%arg14 : memref<!tpu.dma_semaphore, #tpu.memory_space<semaphore_mem>>) src(%dma_wait3A_102 : memref<16x1024xf32, #tpu.memory_space<hbm>>) dst(%arg8 : memref<16x1024xf32, #tpu.memory_space<vmem>>)
      %dma_wait3A_103 = arith.constant 0 : i32
      %dma_wait3A_104 = arith.constant 0 : i32
      %dma_wait3A_105 = tpu.memref_slice %arg6[%dma_wait3A_103, %dma_wait3A_104] : memref<32x16xi32, #tpu.memory_space<vmem>> -> memref<1x16xi32, #tpu.memory_space<vmem>>
      %dma_wait3A_106 = tpu.memref_squeeze %dma_wait3A_105 : memref<1x16xi32, #tpu.memory_space<vmem>> -> memref<16xi32, #tpu.memory_space<vmem>>
      %dma_wait3A_107 = arith.constant 0 : i32
      %dma_wait3A_108 = arith.constant 0 : i32
      %dma_wait3A_109 = tpu.memref_slice %arg2[%dma_wait3A_107, %dma_wait3A_108] : memref<8192x1024xf32, #tpu.memory_space<hbm>> -> memref<8192x1024xf32, #tpu.memory_space<hbm>>
      tpu.wait_indirect_dma semaphore(%arg16 : memref<!tpu.dma_semaphore, #tpu.memory_space<semaphore_mem>>) src(%dma_wait3A_109 : memref<8192x1024xf32, #tpu.memory_space<hbm>>) dst(%arg10 : memref<16x1024xf32, #tpu.memory_space<vmem>>)
      %ge3A_110 = arith.constant 1 : i32
      %ge3A_111 = arith.cmpi sge, %scan3A_54, %ge3A_110 : i32
      %convert_element_type3A_112 = arith.extui %ge3A_111 : i1 to i32
      %cond3A_113 = arith.constant 0 : i32
      %cond3A_114 = arith.cmpi ne, %convert_element_type3A_112, %cond3A_113 : i32
      scf.if %cond3A_114 {
        %dma_wait3A_132 = tpu.memref_reshape %arg5 : memref<4096x4x1024xf32, #tpu.memory_space<hbm>> -> memref<16384x1024xf32, #tpu.memory_space<hbm>>
        %dma_wait3A_133 = arith.constant 0 : i32
        %dma_wait3A_134 = arith.constant 0 : i32
        %dma_wait3A_135 = tpu.memref_slice %dma_wait3A_132[%dma_wait3A_133, %dma_wait3A_134] : memref<16384x1024xf32, #tpu.memory_space<hbm>> -> memref<16x1024xf32, #tpu.memory_space<hbm>>
        %dma_wait3A_136 = tpu.memref_reshape %arg5 : memref<4096x4x1024xf32, #tpu.memory_space<hbm>> -> memref<16384x1024xf32, #tpu.memory_space<hbm>>
        %dma_wait3A_137 = arith.constant 0 : i32
        %dma_wait3A_138 = arith.constant 0 : i32
        %dma_wait3A_139 = tpu.memref_slice %dma_wait3A_136[%dma_wait3A_137, %dma_wait3A_138] : memref<16384x1024xf32, #tpu.memory_space<hbm>> -> memref<16x1024xf32, #tpu.memory_space<hbm>>
        tpu.wait_dma2 semaphore(%arg18 : memref<!tpu.dma_semaphore, #tpu.memory_space<semaphore_mem>>) src(%arg12 : memref<16x1024xf32, #tpu.memory_space<vmem>>) dst(%dma_wait3A_139 : memref<16x1024xf32, #tpu.memory_space<hbm>>)
      } else {
      }
      %parallel_loop3A_115 = arith.constant 0 : i32
      %parallel_loop3A_116 = arith.constant 16 : i32
      %parallel_loop3A_117 = arith.constant 1 : i32
      scf.for %parallel_loop3A_132 = %parallel_loop3A_115 to %parallel_loop3A_116 step %parallel_loop3A_117  : i32 {
        %parallel_loop3A_133 = arith.index_cast %parallel_loop3A_132 : i32 to index
        %parallel_loop3A_134 = arith.constant 0 : index
        %parallel_loop3A_135 = tpu.vector_load %arg8[%parallel_loop3A_133, %parallel_loop3A_134] {strides = array<i32>} : memref<16x1024xf32, #tpu.memory_space<vmem>>, vector<1x16xf32>,
        %parallel_loop3A_136 = vector.shape_cast %parallel_loop3A_135 : vector<1x16xf32> to vector<16xf32>
        %parallel_loop3A_137 = arith.index_cast %parallel_loop3A_132 : i32 to index
        %parallel_loop3A_138 = arith.constant 0 : index
        %parallel_loop3A_139 = tpu.vector_load %arg10[%parallel_loop3A_137, %parallel_loop3A_138] {strides = array<i32>} : memref<16x1024xf32, #tpu.memory_space<vmem>>, vector<1x16xf32>,
        %parallel_loop3A_140 = vector.shape_cast %parallel_loop3A_139 : vector<1x16xf32> to vector<16xf32>
        %parallel_loop3A_141 = arith.addf %parallel_loop3A_136, %parallel_loop3A_140 : vector<16xf32>
        %parallel_loop3A_142 = arith.index_cast %parallel_loop3A_132 : i32 to index
        %parallel_loop3A_143 = arith.constant 0 : index
        %parallel_loop3A_144 = tpu.vector_load %arg12[%parallel_loop3A_142, %parallel_loop3A_143] {strides = array<i32>} : memref<16x1024xf32, #tpu.memory_space<vmem>>, vector<1x16xf32>,
        %parallel_loop3A_145 = vector.shape_cast %parallel_loop3A_144 : vector<1x16xf32> to vector<16xf32>
        %parallel_loop3A_146 = vector.shape_cast %parallel_loop3A_141 : vector<16xf32> to vector<1x16xf32>
        tpu.vector_store %arg12[%parallel_loop3A_142, %parallel_loop3A_143], %parallel_loop3A_146 {strides = array<i32>} : memref<16x1024xf32, #tpu.memory_space<vmem>>, vector<1x16xf32>,
        %parallel_loop3A_147 = arith.index_cast %parallel_loop3A_132 : i32 to index
        %parallel_loop3A_148 = arith.constant 16 : index
        %parallel_loop3A_149 = tpu.vector_load %arg8[%parallel_loop3A_147, %parallel_loop3A_148] {strides = array<i32>} : memref<16x1024xf32, #tpu.memory_space<vmem>>, vector<1x16xf32>,
        %parallel_loop3A_150 = vector.shape_cast %parallel_loop3A_149 : vector<1x16xf32> to vector<16xf32>
        %parallel_loop3A_151 = arith.index_cast %parallel_loop3A_132 : i32 to index
        %parallel_loop3A_152 = arith.constant 16 : index
        %parallel_loop3A_153 = tpu.vector_load %arg10[%parallel_loop3A_151, %parallel_loop3A_152] {strides = array<i32>} : memref<16x1024xf32, #tpu.memory_space<vmem>>, vector<1x16xf32>,
        %parallel_loop3A_154 = vector.shape_cast %parallel_loop3A_153 : vector<1x16xf32> to vector<16xf32>
        %parallel_loop3A_155 = arith.addf %parallel_loop3A_150, %parallel_loop3A_154 : vector<16xf32>
        %parallel_loop3A_156 = arith.index_cast %parallel_loop3A_132 : i32 to index
        %parallel_loop3A_157 = arith.constant 16 : index
        %parallel_loop3A_158 = tpu.vector_load %arg12[%parallel_loop3A_156, %parallel_loop3A_157] {strides = array<i32>} : memref<16x1024xf32, #tpu.memory_space<vmem>>, vector<1x16xf32>,
        %parallel_loop3A_159 = vector.shape_cast %parallel_loop3A_158 : vector<1x16xf32> to vector<16xf32>
        %parallel_loop3A_160 = vector.shape_cast %parallel_loop3A_155 : vector<16xf32> to vector<1x16xf32>
        tpu.vector_store %arg12[%parallel_loop3A_156, %parallel_loop3A_157], %parallel_loop3A_160 {strides = array<i32>} : memref<16x1024xf32, #tpu.memory_space<vmem>>, vector<1x16xf32>,
        %parallel_loop3A_161 = arith.index_cast %parallel_loop3A_132 : i32 to index
        %parallel_loop3A_162 = arith.constant 32 : index
        %parallel_loop3A_163 = tpu.vector_load %arg8[%parallel_loop3A_161, %parallel_loop3A_162] {strides = array<i32>} : memref<16x1024xf32, #tpu.memory_space<vmem>>, vector<1x16xf32>,
        %parallel_loop3A_164 = vector.shape_cast %parallel_loop3A_163 : vector<1x16xf32> to vector<16xf32>
        %parallel_loop3A_165 = arith.index_cast %parallel_loop3A_132 : i32 to index
        %parallel_loop3A_166 = arith.constant 32 : index
        %parallel_loop3A_167 = tpu.vector_load %arg10[%parallel_loop3A_165, %parallel_loop3A_166] {strides = array<i32>} : memref<16x1024xf32, #tpu.memory_space<vmem>>, vector<1x16xf32>,
        %parallel_loop3A_168 = vector.shape_cast %parallel_loop3A_167 : vector<1x16xf32> to vector<16xf32>
        %parallel_loop3A_169 = arith.addf %parallel_loop3A_164, %parallel_loop3A_168 : vector<16xf32>
        %parallel_loop3A_170 = arith.index_cast %parallel_loop3A_132 : i32 to index
        %parallel_loop3A_171 = arith.constant 32 : index
        %parallel_loop3A_172 = tpu.vector_load %arg12[%parallel_loop3A_170, %parallel_loop3A_171] {strides = array<i32>} : memref<16x1024xf32, #tpu.memory_space<vmem>>, vector<1x16xf32>,
        %parallel_loop3A_173 = vector.shape_cast %parallel_loop3A_172 : vector<1x16xf32> to vector<16xf32>
        %parallel_loop3A_174 = vector.shape_cast %parallel_loop3A_169 : vector<16xf32> to vector<1x16xf32>
        tpu.vector_store %arg12[%parallel_loop3A_170, %parallel_loop3A_171], %parallel_loop3A_174 {strides = array<i32>} : memref<16x1024xf32, #tpu.memory_space<vmem>>, vector<1x16xf32>,
        %parallel_loop3A_175 = arith.index_cast %parallel_loop3A_132 : i32 to index
        %parallel_loop3A_176 = arith.constant 48 : index
        %parallel_loop3A_177 = tpu.vector_load %arg8[%parallel_loop3A_175, %parallel_loop3A_176] {strides = array<i32>} : memref<16x1024xf32, #tpu.memory_space<vmem>>, vector<1x16xf32>,
        %parallel_loop3A_178 = vector.shape_cast %parallel_loop3A_177 : vector<1x16xf32> to vector<16xf32>
        %parallel_loop3A_179 = arith.index_cast %parallel_loop3A_132 : i32 to index
        %parallel_loop3A_180 = arith.constant 48 : index
        %parallel_loop3A_181 = tpu.vector_load %arg10[%parallel_loop3A_179, %parallel_loop3A_180] {strides = array<i32>} : memref<16x1024xf32, #tpu.memory_space<vmem>>, vector<1x16xf32>,
        %parallel_loop3A_182 = vector.shape_cast %parallel_loop3A_181 : vector<1x16xf32> to vector<16xf32>
        %parallel_loop3A_183 = arith.addf %parallel_loop3A_178, %parallel_loop3A_182 : vector<16xf32>
        %parallel_loop3A_184 = arith.index_cast %parallel_loop3A_132 : i32 to index
        %parallel_loop3A_185 = arith.constant 48 : index
        %parallel_loop3A_186 = tpu.vector_load %arg12[%parallel_loop3A_184, %parallel_loop3A_185] {strides = array<i32>} : memref<16x1024xf32, #tpu.memory_space<vmem>>, vector<1x16xf32>,
        %parallel_loop3A_187 = vector.shape_cast %parallel_loop3A_186 : vector<1x16xf32> to vector<16xf32>
        %parallel_loop3A_188 = vector.shape_cast %parallel_loop3A_183 : vector<16xf32> to vector<1x16xf32>
        tpu.vector_store %arg12[%parallel_loop3A_184, %parallel_loop3A_185], %parallel_loop3A_188 {strides = array<i32>} : memref<16x1024xf32, #tpu.memory_space<vmem>>, vector<1x16xf32>,
        %parallel_loop3A_189 = arith.index_cast %parallel_loop3A_132 : i32 to index
        %parallel_loop3A_190 = arith.constant 64 : index
        %parallel_loop3A_191 = tpu.vector_load %arg8[%parallel_loop3A_189, %parallel_loop3A_190] {strides = array<i32>} : memref<16x1024xf32, #tpu.memory_space<vmem>>, vector<1x16xf32>,
        %parallel_loop3A_192 = vector.shape_cast %parallel_loop3A_191 : vector<1x16xf32> to vector<16xf32>
        %parallel_loop3A_193 = arith.index_cast %parallel_loop3A_132 : i32 to index
        %parallel_loop3A_194 = arith.constant 64 : index
        %parallel_loop3A_195 = tpu.vector_load %arg10[%parallel_loop3A_193, %parallel_loop3A_194] {strides = array<i32>} : memref<16x1024xf32, #tpu.memory_space<vmem>>, vector<1x16xf32>,
        %parallel_loop3A_196 = vector.shape_cast %parallel_loop3A_195 : vector<1x16xf32> to vector<16xf32>
        %parallel_loop3A_197 = arith.addf %parallel_loop3A_192, %parallel_loop3A_196 : vector<16xf32>
        %parallel_loop3A_198 = arith.index_cast %parallel_loop3A_132 : i32 to index
        %parallel_loop3A_199 = arith.constant 64 : index
        %parallel_loop3A_200 = tpu.vector_load %arg12[%parallel_loop3A_198, %parallel_loop3A_199] {strides = array<i32>} : memref<16x1024xf32, #tpu.memory_space<vmem>>, vector<1x16xf32>,
        %parallel_loop3A_201 = vector.shape_cast %parallel_loop3A_200 : vector<1x16xf32> to vector<16xf32>
        %parallel_loop3A_202 = vector.shape_cast %parallel_loop3A_197 : vector<16xf32> to vector<1x16xf32>
        tpu.vector_store %arg12[%parallel_loop3A_198, %parallel_loop3A_199], %parallel_loop3A_202 {strides = array<i32>} : memref<16x1024xf32, #tpu.memory_space<vmem>>, vector<1x16xf32>,
        %parallel_loop3A_203 = arith.index_cast %parallel_loop3A_132 : i32 to index
        %parallel_loop3A_204 = arith.constant 80 : index
        %parallel_loop3A_205 = tpu.vector_load %arg8[%parallel_loop3A_203, %parallel_loop3A_204] {strides = array<i32>} : memref<16x1024xf32, #tpu.memory_space<vmem>>, vector<1x16xf32>,
        %parallel_loop3A_206 = vector.shape_cast %parallel_loop3A_205 : vector<1x16xf32> to vector<16xf32>
        %parallel_loop3A_207 = arith.index_cast %parallel_loop3A_132 : i32 to index
        %parallel_loop3A_208 = arith.constant 80 : index
        %parallel_loop3A_209 = tpu.vector_load %arg10[%parallel_loop3A_207, %parallel_loop3A_208] {strides = array<i32>} : memref<16x1024xf32, #tpu.memory_space<vmem>>, vector<1x16xf32>,
        %parallel_loop3A_210 = vector.shape_cast %parallel_loop3A_209 : vector<1x16xf32> to vector<16xf32>
        %parallel_loop3A_211 = arith.addf %parallel_loop3A_206, %parallel_loop3A_210 : vector<16xf32>
        %parallel_loop3A_212 = arith.index_cast %parallel_loop3A_132 : i32 to index
        %parallel_loop3A_213 = arith.constant 80 : index
        %parallel_loop3A_214 = tpu.vector_load %arg12[%parallel_loop3A_212, %parallel_loop3A_213] {strides = array<i32>} : memref<16x1024xf32, #tpu.memory_space<vmem>>, vector<1x16xf32>,
        %parallel_loop3A_215 = vector.shape_cast %parallel_loop3A_214 : vector<1x16xf32> to vector<16xf32>
        %parallel_loop3A_216 = vector.shape_cast %parallel_loop3A_211 : vector<16xf32> to vector<1x16xf32>
        tpu.vector_store %arg12[%parallel_loop3A_212, %parallel_loop3A_213], %parallel_loop3A_216 {strides = array<i32>} : memref<16x1024xf32, #tpu.memory_space<vmem>>, vector<1x16xf32>,
        %parallel_loop3A_217 = arith.index_cast %parallel_loop3A_132 : i32 to index
        %parallel_loop3A_218 = arith.constant 96 : index
        %parallel_loop3A_219 = tpu.vector_load %arg8[%parallel_loop3A_217, %parallel_loop3A_218] {strides = array<i32>} : memref<16x1024xf32, #tpu.memory_space<vmem>>, vector<1x16xf32>,
        %parallel_loop3A_220 = vector.shape_cast %parallel_loop3A_219 : vector<1x16xf32> to vector<16xf32>
        %parallel_loop3A_221 = arith.index_cast %parallel_loop3A_132 : i32 to index
        %parallel_loop3A_222 = arith.constant 96 : index
        %parallel_loop3A_223 = tpu.vector_load %arg10[%parallel_loop3A_221, %parallel_loop3A_222] {strides = array<i32>} : memref<16x1024xf32, #tpu.memory_space<vmem>>, vector<1x16xf32>,
        %parallel_loop3A_224 = vector.shape_cast %parallel_loop3A_223 : vector<1x16xf32> to vector<16xf32>
        %parallel_loop3A_225 = arith.addf %parallel_loop3A_220, %parallel_loop3A_224 : vector<16xf32>
        %parallel_loop3A_226 = arith.index_cast %parallel_loop3A_132 : i32 to index
        %parallel_loop3A_227 = arith.constant 96 : index
        %parallel_loop3A_228 = tpu.vector_load %arg12[%parallel_loop3A_226, %parallel_loop3A_227] {strides = array<i32>} : memref<16x1024xf32, #tpu.memory_space<vmem>>, vector<1x16xf32>,
        %parallel_loop3A_229 = vector.shape_cast %parallel_loop3A_228 : vector<1x16xf32> to vector<16xf32>
        %parallel_loop3A_230 = vector.shape_cast %parallel_loop3A_225 : vector<16xf32> to vector<1x16xf32>
        tpu.vector_store %arg12[%parallel_loop3A_226, %parallel_loop3A_227], %parallel_loop3A_230 {strides = array<i32>} : memref<16x1024xf32, #tpu.memory_space<vmem>>, vector<1x16xf32>,
        %parallel_loop3A_231 = arith.index_cast %parallel_loop3A_132 : i32 to index
        %parallel_loop3A_232 = arith.constant 112 : index
        %parallel_loop3A_233 = tpu.vector_load %arg8[%parallel_loop3A_231, %parallel_loop3A_232] {strides = array<i32>} : memref<16x1024xf32, #tpu.memory_space<vmem>>, vector<1x16xf32>,
        %parallel_loop3A_234 = vector.shape_cast %parallel_loop3A_233 : vector<1x16xf32> to vector<16xf32>
        %parallel_loop3A_235 = arith.index_cast %parallel_loop3A_132 : i32 to index
        %parallel_loop3A_236 = arith.constant 112 : index
        %parallel_loop3A_237 = tpu.vector_load %arg10[%parallel_loop3A_235, %parallel_loop3A_236] {strides = array<i32>} : memref<16x1024xf32, #tpu.memory_space<vmem>>, vector<1x16xf32>,
        %parallel_loop3A_238 = vector.shape_cast %parallel_loop3A_237 : vector<1x16xf32> to vector<16xf32>
        %parallel_loop3A_239 = arith.addf %parallel_loop3A_234, %parallel_loop3A_238 : vector<16xf32>
        %parallel_loop3A_240 = arith.index_cast %parallel_loop3A_132 : i32 to index
        %parallel_loop3A_241 = arith.constant 112 : index
        %parallel_loop3A_242 = tpu.vector_load %arg12[%parallel_loop3A_240, %parallel_loop3A_241] {strides = array<i32>} : memref<16x1024xf32, #tpu.memory_space<vmem>>, vector<1x16xf32>,
        %parallel_loop3A_243 = vector.shape_cast %parallel_loop3A_242 : vector<1x16xf32> to vector<16xf32>
        %parallel_loop3A_244 = vector.shape_cast %parallel_loop3A_239 : vector<16xf32> to vector<1x16xf32>
        tpu.vector_store %arg12[%parallel_loop3A_240, %parallel_loop3A_241], %parallel_loop3A_244 {strides = array<i32>} : memref<16x1024xf32, #tpu.memory_space<vmem>>, vector<1x16xf32>,
        %parallel_loop3A_245 = arith.index_cast %parallel_loop3A_132 : i32 to index
        %parallel_loop3A_246 = arith.constant 128 : index
        %parallel_loop3A_247 = tpu.vector_load %arg8[%parallel_loop3A_245, %parallel_loop3A_246] {strides = array<i32>} : memref<16x1024xf32, #tpu.memory_space<vmem>>, vector<1x16xf32>,
        %parallel_loop3A_248 = vector.shape_cast %parallel_loop3A_247 : vector<1x16xf32> to vector<16xf32>
        %parallel_loop3A_249 = arith.index_cast %parallel_loop3A_132 : i32 to index
        %parallel_loop3A_250 = arith.constant 128 : index
        %parallel_loop3A_251 = tpu.vector_load %arg10[%parallel_loop3A_249, %parallel_loop3A_250] {strides = array<i32>} : memref<16x1024xf32, #tpu.memory_space<vmem>>, vector<1x16xf32>,
        %parallel_loop3A_252 = vector.shape_cast %parallel_loop3A_251 : vector<1x16xf32> to vector<16xf32>
        %parallel_loop3A_253 = arith.addf %parallel_loop3A_248, %parallel_loop3A_252 : vector<16xf32>
        %parallel_loop3A_254 = arith.index_cast %parallel_loop3A_132 : i32 to index
        %parallel_loop3A_255 = arith.constant 128 : index
        %parallel_loop3A_256 = tpu.vector_load %arg12[%parallel_loop3A_254, %parallel_loop3A_255] {strides = array<i32>} : memref<16x1024xf32, #tpu.memory_space<vmem>>, vector<1x16xf32>,
        %parallel_loop3A_257 = vector.shape_cast %parallel_loop3A_256 : vector<1x16xf32> to vector<16xf32>
        %parallel_loop3A_258 = vector.shape_cast %parallel_loop3A_253 : vector<16xf32> to vector<1x16xf32>
        tpu.vector_store %arg12[%parallel_loop3A_254, %parallel_loop3A_255], %parallel_loop3A_258 {strides = array<i32>} : memref<16x1024xf32, #tpu.memory_space<vmem>>, vector<1x16xf32>,
        %parallel_loop3A_259 = arith.index_cast %parallel_loop3A_132 : i32 to index
        %parallel_loop3A_260 = arith.constant 144 : index
        %parallel_loop3A_261 = tpu.vector_load %arg8[%parallel_loop3A_259, %parallel_loop3A_260] {strides = array<i32>} : memref<16x1024xf32, #tpu.memory_space<vmem>>, vector<1x16xf32>,
        %parallel_loop3A_262 = vector.shape_cast %parallel_loop3A_261 : vector<1x16xf32> to vector<16xf32>
        %parallel_loop3A_263 = arith.index_cast %parallel_loop3A_132 : i32 to index
        %parallel_loop3A_264 = arith.constant 144 : index
        %parallel_loop3A_265 = tpu.vector_load %arg10[%parallel_loop3A_263, %parallel_loop3A_264] {strides = array<i32>} : memref<16x1024xf32, #tpu.memory_space<vmem>>, vector<1x16xf32>,
        %parallel_loop3A_266 = vector.shape_cast %parallel_loop3A_265 : vector<1x16xf32> to vector<16xf32>
        %parallel_loop3A_267 = arith.addf %parallel_loop3A_262, %parallel_loop3A_266 : vector<16xf32>
        %parallel_loop3A_268 = arith.index_cast %parallel_loop3A_132 : i32 to index
        %parallel_loop3A_269 = arith.constant 144 : index
        %parallel_loop3A_270 = tpu.vector_load %arg12[%parallel_loop3A_268, %parallel_loop3A_269] {strides = array<i32>} : memref<16x1024xf32, #tpu.memory_space<vmem>>, vector<1x16xf32>,
        %parallel_loop3A_271 = vector.shape_cast %parallel_loop3A_270 : vector<1x16xf32> to vector<16xf32>
        %parallel_loop3A_272 = vector.shape_cast %parallel_loop3A_267 : vector<16xf32> to vector<1x16xf32>
        tpu.vector_store %arg12[%parallel_loop3A_268, %parallel_loop3A_269], %parallel_loop3A_272 {strides = array<i32>} : memref<16x1024xf32, #tpu.memory_space<vmem>>, vector<1x16xf32>,
        %parallel_loop3A_273 = arith.index_cast %parallel_loop3A_132 : i32 to index
        %parallel_loop3A_274 = arith.constant 160 : index
        %parallel_loop3A_275 = tpu.vector_load %arg8[%parallel_loop3A_273, %parallel_loop3A_274] {strides = array<i32>} : memref<16x1024xf32, #tpu.memory_space<vmem>>, vector<1x16xf32>,
        %parallel_loop3A_276 = vector.shape_cast %parallel_loop3A_275 : vector<1x16xf32> to vector<16xf32>
        %parallel_loop3A_277 = arith.index_cast %parallel_loop3A_132 : i32 to index
        %parallel_loop3A_278 = arith.constant 160 : index
        %parallel_loop3A_279 = tpu.vector_load %arg10[%parallel_loop3A_277, %parallel_loop3A_278] {strides = array<i32>} : memref<16x1024xf32, #tpu.memory_space<vmem>>, vector<1x16xf32>,
        %parallel_loop3A_280 = vector.shape_cast %parallel_loop3A_279 : vector<1x16xf32> to vector<16xf32>
        %parallel_loop3A_281 = arith.addf %parallel_loop3A_276, %parallel_loop3A_280 : vector<16xf32>
        %parallel_loop3A_282 = arith.index_cast %parallel_loop3A_132 : i32 to index
        %parallel_loop3A_283 = arith.constant 160 : index
        %parallel_loop3A_284 = tpu.vector_load %arg12[%parallel_loop3A_282, %parallel_loop3A_283] {strides = array<i32>} : memref<16x1024xf32, #tpu.memory_space<vmem>>, vector<1x16xf32>,
        %parallel_loop3A_285 = vector.shape_cast %parallel_loop3A_284 : vector<1x16xf32> to vector<16xf32>
        %parallel_loop3A_286 = vector.shape_cast %parallel_loop3A_281 : vector<16xf32> to vector<1x16xf32>
        tpu.vector_store %arg12[%parallel_loop3A_282, %parallel_loop3A_283], %parallel_loop3A_286 {strides = array<i32>} : memref<16x1024xf32, #tpu.memory_space<vmem>>, vector<1x16xf32>,
        %parallel_loop3A_287 = arith.index_cast %parallel_loop3A_132 : i32 to index
        %parallel_loop3A_288 = arith.constant 176 : index
        %parallel_loop3A_289 = tpu.vector_load %arg8[%parallel_loop3A_287, %parallel_loop3A_288] {strides = array<i32>} : memref<16x1024xf32, #tpu.memory_space<vmem>>, vector<1x16xf32>,
        %parallel_loop3A_290 = vector.shape_cast %parallel_loop3A_289 : vector<1x16xf32> to vector<16xf32>
        %parallel_loop3A_291 = arith.index_cast %parallel_loop3A_132 : i32 to index
        %parallel_loop3A_292 = arith.constant 176 : index
        %parallel_loop3A_293 = tpu.vector_load %arg10[%parallel_loop3A_291, %parallel_loop3A_292] {strides = array<i32>} : memref<16x1024xf32, #tpu.memory_space<vmem>>, vector<1x16xf32>,
        %parallel_loop3A_294 = vector.shape_cast %parallel_loop3A_293 : vector<1x16xf32> to vector<16xf32>
        %parallel_loop3A_295 = arith.addf %parallel_loop3A_290, %parallel_loop3A_294 : vector<16xf32>
        %parallel_loop3A_296 = arith.index_cast %parallel_loop3A_132 : i32 to index
        %parallel_loop3A_297 = arith.constant 176 : index
        %parallel_loop3A_298 = tpu.vector_load %arg12[%parallel_loop3A_296, %parallel_loop3A_297] {strides = array<i32>} : memref<16x1024xf32, #tpu.memory_space<vmem>>, vector<1x16xf32>,
        %parallel_loop3A_299 = vector.shape_cast %parallel_loop3A_298 : vector<1x16xf32> to vector<16xf32>
        %parallel_loop3A_300 = vector.shape_cast %parallel_loop3A_295 : vector<16xf32> to vector<1x16xf32>
        tpu.vector_store %arg12[%parallel_loop3A_296, %parallel_loop3A_297], %parallel_loop3A_300 {strides = array<i32>} : memref<16x1024xf32, #tpu.memory_space<vmem>>, vector<1x16xf32>,
        %parallel_loop3A_301 = arith.index_cast %parallel_loop3A_132 : i32 to index
        %parallel_loop3A_302 = arith.constant 192 : index
        %parallel_loop3A_303 = tpu.vector_load %arg8[%parallel_loop3A_301, %parallel_loop3A_302] {strides = array<i32>} : memref<16x1024xf32, #tpu.memory_space<vmem>>, vector<1x16xf32>,
        %parallel_loop3A_304 = vector.shape_cast %parallel_loop3A_303 : vector<1x16xf32> to vector<16xf32>
        %parallel_loop3A_305 = arith.index_cast %parallel_loop3A_132 : i32 to index
        %parallel_loop3A_306 = arith.constant 192 : index
        %parallel_loop3A_307 = tpu.vector_load %arg10[%parallel_loop3A_305, %parallel_loop3A_306] {strides = array<i32>} : memref<16x1024xf32, #tpu.memory_space<vmem>>, vector<1x16xf32>,
        %parallel_loop3A_308 = vector.shape_cast %parallel_loop3A_307 : vector<1x16xf32> to vector<16xf32>
        %parallel_loop3A_309 = arith.addf %parallel_loop3A_304, %parallel_loop3A_308 : vector<16xf32>
        %parallel_loop3A_310 = arith.index_cast %parallel_loop3A_132 : i32 to index
        %parallel_loop3A_311 = arith.constant 192 : index
        %parallel_loop3A_312 = tpu.vector_load %arg12[%parallel_loop3A_310, %parallel_loop3A_311] {strides = array<i32>} : memref<16x1024xf32, #tpu.memory_space<vmem>>, vector<1x16xf32>,
        %parallel_loop3A_313 = vector.shape_cast %parallel_loop3A_312 : vector<1x16xf32> to vector<16xf32>
        %parallel_loop3A_314 = vector.shape_cast %parallel_loop3A_309 : vector<16xf32> to vector<1x16xf32>
        tpu.vector_store %arg12[%parallel_loop3A_310, %parallel_loop3A_311], %parallel_loop3A_314 {strides = array<i32>} : memref<16x1024xf32, #tpu.memory_space<vmem>>, vector<1x16xf32>,
        %parallel_loop3A_315 = arith.index_cast %parallel_loop3A_132 : i32 to index
        %parallel_loop3A_316 = arith.constant 208 : index
        %parallel_loop3A_317 = tpu.vector_load %arg8[%parallel_loop3A_315, %parallel_loop3A_316] {strides = array<i32>} : memref<16x1024xf32, #tpu.memory_space<vmem>>, vector<1x16xf32>,
        %parallel_loop3A_318 = vector.shape_cast %parallel_loop3A_317 : vector<1x16xf32> to vector<16xf32>
        %parallel_loop3A_319 = arith.index_cast %parallel_loop3A_132 : i32 to index
        %parallel_loop3A_320 = arith.constant 208 : index
        %parallel_loop3A_321 = tpu.vector_load %arg10[%parallel_loop3A_319, %parallel_loop3A_320] {strides = array<i32>} : memref<16x1024xf32, #tpu.memory_space<vmem>>, vector<1x16xf32>,
        %parallel_loop3A_322 = vector.shape_cast %parallel_loop3A_321 : vector<1x16xf32> to vector<16xf32>
        %parallel_loop3A_323 = arith.addf %parallel_loop3A_318, %parallel_loop3A_322 : vector<16xf32>
        %parallel_loop3A_324 = arith.index_cast %parallel_loop3A_132 : i32 to index
        %parallel_loop3A_325 = arith.constant 208 : index
        %parallel_loop3A_326 = tpu.vector_load %arg12[%parallel_loop3A_324, %parallel_loop3A_325] {strides = array<i32>} : memref<16x1024xf32, #tpu.memory_space<vmem>>, vector<1x16xf32>,
        %parallel_loop3A_327 = vector.shape_cast %parallel_loop3A_326 : vector<1x16xf32> to vector<16xf32>
        %parallel_loop3A_328 = vector.shape_cast %parallel_loop3A_323 : vector<16xf32> to vector<1x16xf32>
        tpu.vector_store %arg12[%parallel_loop3A_324, %parallel_loop3A_325], %parallel_loop3A_328 {strides = array<i32>} : memref<16x1024xf32, #tpu.memory_space<vmem>>, vector<1x16xf32>,
        %parallel_loop3A_329 = arith.index_cast %parallel_loop3A_132 : i32 to index
        %parallel_loop3A_330 = arith.constant 224 : index
        %parallel_loop3A_331 = tpu.vector_load %arg8[%parallel_loop3A_329, %parallel_loop3A_330] {strides = array<i32>} : memref<16x1024xf32, #tpu.memory_space<vmem>>, vector<1x16xf32>,
        %parallel_loop3A_332 = vector.shape_cast %parallel_loop3A_331 : vector<1x16xf32> to vector<16xf32>
        %parallel_loop3A_333 = arith.index_cast %parallel_loop3A_132 : i32 to index
        %parallel_loop3A_334 = arith.constant 224 : index
        %parallel_loop3A_335 = tpu.vector_load %arg10[%parallel_loop3A_333, %parallel_loop3A_334] {strides = array<i32>} : memref<16x1024xf32, #tpu.memory_space<vmem>>, vector<1x16xf32>,
        %parallel_loop3A_336 = vector.shape_cast %parallel_loop3A_335 : vector<1x16xf32> to vector<16xf32>
        %parallel_loop3A_337 = arith.addf %parallel_loop3A_332, %parallel_loop3A_336 : vector<16xf32>
        %parallel_loop3A_338 = arith.index_cast %parallel_loop3A_132 : i32 to index
        %parallel_loop3A_339 = arith.constant 224 : index
        %parallel_loop3A_340 = tpu.vector_load %arg12[%parallel_loop3A_338, %parallel_loop3A_339] {strides = array<i32>} : memref<16x1024xf32, #tpu.memory_space<vmem>>, vector<1x16xf32>,
        %parallel_loop3A_341 = vector.shape_cast %parallel_loop3A_340 : vector<1x16xf32> to vector<16xf32>
        %parallel_loop3A_342 = vector.shape_cast %parallel_loop3A_337 : vector<16xf32> to vector<1x16xf32>
        tpu.vector_store %arg12[%parallel_loop3A_338, %parallel_loop3A_339], %parallel_loop3A_342 {strides = array<i32>} : memref<16x1024xf32, #tpu.memory_space<vmem>>, vector<1x16xf32>,
        %parallel_loop3A_343 = arith.index_cast %parallel_loop3A_132 : i32 to index
        %parallel_loop3A_344 = arith.constant 240 : index
        %parallel_loop3A_345 = tpu.vector_load %arg8[%parallel_loop3A_343, %parallel_loop3A_344] {strides = array<i32>} : memref<16x1024xf32, #tpu.memory_space<vmem>>, vector<1x16xf32>,
        %parallel_loop3A_346 = vector.shape_cast %parallel_loop3A_345 : vector<1x16xf32> to vector<16xf32>
        %parallel_loop3A_347 = arith.index_cast %parallel_loop3A_132 : i32 to index
        %parallel_loop3A_348 = arith.constant 240 : index
        %parallel_loop3A_349 = tpu.vector_load %arg10[%parallel_loop3A_347, %parallel_loop3A_348] {strides = array<i32>} : memref<16x1024xf32, #tpu.memory_space<vmem>>, vector<1x16xf32>,
        %parallel_loop3A_350 = vector.shape_cast %parallel_loop3A_349 : vector<1x16xf32> to vector<16xf32>
        %parallel_loop3A_351 = arith.addf %parallel_loop3A_346, %parallel_loop3A_350 : vector<16xf32>
        %parallel_loop3A_352 = arith.index_cast %parallel_loop3A_132 : i32 to index
        %parallel_loop3A_353 = arith.constant 240 : index
        %parallel_loop3A_354 = tpu.vector_load %arg12[%parallel_loop3A_352, %parallel_loop3A_353] {strides = array<i32>} : memref<16x1024xf32, #tpu.memory_space<vmem>>, vector<1x16xf32>,
        %parallel_loop3A_355 = vector.shape_cast %parallel_loop3A_354 : vector<1x16xf32> to vector<16xf32>
        %parallel_loop3A_356 = vector.shape_cast %parallel_loop3A_351 : vector<16xf32> to vector<1x16xf32>
        tpu.vector_store %arg12[%parallel_loop3A_352, %parallel_loop3A_353], %parallel_loop3A_356 {strides = array<i32>} : memref<16x1024xf32, #tpu.memory_space<vmem>>, vector<1x16xf32>,
        %parallel_loop3A_357 = arith.index_cast %parallel_loop3A_132 : i32 to index
        %parallel_loop3A_358 = arith.constant 256 : index
        %parallel_loop3A_359 = tpu.vector_load %arg8[%parallel_loop3A_357, %parallel_loop3A_358] {strides = array<i32>} : memref<16x1024xf32, #tpu.memory_space<vmem>>, vector<1x16xf32>,
        %parallel_loop3A_360 = vector.shape_cast %parallel_loop3A_359 : vector<1x16xf32> to vector<16xf32>
        %parallel_loop3A_361 = arith.index_cast %parallel_loop3A_132 : i32 to index
        %parallel_loop3A_362 = arith.constant 256 : index
        %parallel_loop3A_363 = tpu.vector_load %arg10[%parallel_loop3A_361, %parallel_loop3A_362] {strides = array<i32>} : memref<16x1024xf32, #tpu.memory_space<vmem>>, vector<1x16xf32>,
        %parallel_loop3A_364 = vector.shape_cast %parallel_loop3A_363 : vector<1x16xf32> to vector<16xf32>
        %parallel_loop3A_365 = arith.addf %parallel_loop3A_360, %parallel_loop3A_364 : vector<16xf32>
        %parallel_loop3A_366 = arith.index_cast %parallel_loop3A_132 : i32 to index
        %parallel_loop3A_367 = arith.constant 256 : index
        %parallel_loop3A_368 = tpu.vector_load %arg12[%parallel_loop3A_366, %parallel_loop3A_367] {strides = array<i32>} : memref<16x1024xf32, #tpu.memory_space<vmem>>, vector<1x16xf32>,
        %parallel_loop3A_369 = vector.shape_cast %parallel_loop3A_368 : vector<1x16xf32> to vector<16xf32>
        %parallel_loop3A_370 = vector.shape_cast %parallel_loop3A_365 : vector<16xf32> to vector<1x16xf32>
        tpu.vector_store %arg12[%parallel_loop3A_366, %parallel_loop3A_367], %parallel_loop3A_370 {strides = array<i32>} : memref<16x1024xf32, #tpu.memory_space<vmem>>, vector<1x16xf32>,
        %parallel_loop3A_371 = arith.index_cast %parallel_loop3A_132 : i32 to index
        %parallel_loop3A_372 = arith.constant 272 : index
        %parallel_loop3A_373 = tpu.vector_load %arg8[%parallel_loop3A_371, %parallel_loop3A_372] {strides = array<i32>} : memref<16x1024xf32, #tpu.memory_space<vmem>>, vector<1x16xf32>,
        %parallel_loop3A_374 = vector.shape_cast %parallel_loop3A_373 : vector<1x16xf32> to vector<16xf32>
        %parallel_loop3A_375 = arith.index_cast %parallel_loop3A_132 : i32 to index
        %parallel_loop3A_376 = arith.constant 272 : index
        %parallel_loop3A_377 = tpu.vector_load %arg10[%parallel_loop3A_375, %parallel_loop3A_376] {strides = array<i32>} : memref<16x1024xf32, #tpu.memory_space<vmem>>, vector<1x16xf32>,
        %parallel_loop3A_378 = vector.shape_cast %parallel_loop3A_377 : vector<1x16xf32> to vector<16xf32>
        %parallel_loop3A_379 = arith.addf %parallel_loop3A_374, %parallel_loop3A_378 : vector<16xf32>
        %parallel_loop3A_380 = arith.index_cast %parallel_loop3A_132 : i32 to index
        %parallel_loop3A_381 = arith.constant 272 : index
        %parallel_loop3A_382 = tpu.vector_load %arg12[%parallel_loop3A_380, %parallel_loop3A_381] {strides = array<i32>} : memref<16x1024xf32, #tpu.memory_space<vmem>>, vector<1x16xf32>,
        %parallel_loop3A_383 = vector.shape_cast %parallel_loop3A_382 : vector<1x16xf32> to vector<16xf32>
        %parallel_loop3A_384 = vector.shape_cast %parallel_loop3A_379 : vector<16xf32> to vector<1x16xf32>
        tpu.vector_store %arg12[%parallel_loop3A_380, %parallel_loop3A_381], %parallel_loop3A_384 {strides = array<i32>} : memref<16x1024xf32, #tpu.memory_space<vmem>>, vector<1x16xf32>,
        %parallel_loop3A_385 = arith.index_cast %parallel_loop3A_132 : i32 to index
        %parallel_loop3A_386 = arith.constant 288 : index
        %parallel_loop3A_387 = tpu.vector_load %arg8[%parallel_loop3A_385, %parallel_loop3A_386] {strides = array<i32>} : memref<16x1024xf32, #tpu.memory_space<vmem>>, vector<1x16xf32>,
        %parallel_loop3A_388 = vector.shape_cast %parallel_loop3A_387 : vector<1x16xf32> to vector<16xf32>
        %parallel_loop3A_389 = arith.index_cast %parallel_loop3A_132 : i32 to index
        %parallel_loop3A_390 = arith.constant 288 : index
        %parallel_loop3A_391 = tpu.vector_load %arg10[%parallel_loop3A_389, %parallel_loop3A_390] {strides = array<i32>} : memref<16x1024xf32, #tpu.memory_space<vmem>>, vector<1x16xf32>,
        %parallel_loop3A_392 = vector.shape_cast %parallel_loop3A_391 : vector<1x16xf32> to vector<16xf32>
        %parallel_loop3A_393 = arith.addf %parallel_loop3A_388, %parallel_loop3A_392 : vector<16xf32>
        %parallel_loop3A_394 = arith.index_cast %parallel_loop3A_132 : i32 to index
        %parallel_loop3A_395 = arith.constant 288 : index
        %parallel_loop3A_396 = tpu.vector_load %arg12[%parallel_loop3A_394, %parallel_loop3A_395] {strides = array<i32>} : memref<16x1024xf32, #tpu.memory_space<vmem>>, vector<1x16xf32>,
        %parallel_loop3A_397 = vector.shape_cast %parallel_loop3A_396 : vector<1x16xf32> to vector<16xf32>
        %parallel_loop3A_398 = vector.shape_cast %parallel_loop3A_393 : vector<16xf32> to vector<1x16xf32>
        tpu.vector_store %arg12[%parallel_loop3A_394, %parallel_loop3A_395], %parallel_loop3A_398 {strides = array<i32>} : memref<16x1024xf32, #tpu.memory_space<vmem>>, vector<1x16xf32>,
        %parallel_loop3A_399 = arith.index_cast %parallel_loop3A_132 : i32 to index
        %parallel_loop3A_400 = arith.constant 304 : index
        %parallel_loop3A_401 = tpu.vector_load %arg8[%parallel_loop3A_399, %parallel_loop3A_400] {strides = array<i32>} : memref<16x1024xf32, #tpu.memory_space<vmem>>, vector<1x16xf32>,
        %parallel_loop3A_402 = vector.shape_cast %parallel_loop3A_401 : vector<1x16xf32> to vector<16xf32>
        %parallel_loop3A_403 = arith.index_cast %parallel_loop3A_132 : i32 to index
        %parallel_loop3A_404 = arith.constant 304 : index
        %parallel_loop3A_405 = tpu.vector_load %arg10[%parallel_loop3A_403, %parallel_loop3A_404] {strides = array<i32>} : memref<16x1024xf32, #tpu.memory_space<vmem>>, vector<1x16xf32>,
        %parallel_loop3A_406 = vector.shape_cast %parallel_loop3A_405 : vector<1x16xf32> to vector<16xf32>
        %parallel_loop3A_407 = arith.addf %parallel_loop3A_402, %parallel_loop3A_406 : vector<16xf32>
        %parallel_loop3A_408 = arith.index_cast %parallel_loop3A_132 : i32 to index
        %parallel_loop3A_409 = arith.constant 304 : index
        %parallel_loop3A_410 = tpu.vector_load %arg12[%parallel_loop3A_408, %parallel_loop3A_409] {strides = array<i32>} : memref<16x1024xf32, #tpu.memory_space<vmem>>, vector<1x16xf32>,
        %parallel_loop3A_411 = vector.shape_cast %parallel_loop3A_410 : vector<1x16xf32> to vector<16xf32>
        %parallel_loop3A_412 = vector.shape_cast %parallel_loop3A_407 : vector<16xf32> to vector<1x16xf32>
        tpu.vector_store %arg12[%parallel_loop3A_408, %parallel_loop3A_409], %parallel_loop3A_412 {strides = array<i32>} : memref<16x1024xf32, #tpu.memory_space<vmem>>, vector<1x16xf32>,
        %parallel_loop3A_413 = arith.index_cast %parallel_loop3A_132 : i32 to index
        %parallel_loop3A_414 = arith.constant 320 : index
        %parallel_loop3A_415 = tpu.vector_load %arg8[%parallel_loop3A_413, %parallel_loop3A_414] {strides = array<i32>} : memref<16x1024xf32, #tpu.memory_space<vmem>>, vector<1x16xf32>,
        %parallel_loop3A_416 = vector.shape_cast %parallel_loop3A_415 : vector<1x16xf32> to vector<16xf32>
        %parallel_loop3A_417 = arith.index_cast %parallel_loop3A_132 : i32 to index
        %parallel_loop3A_418 = arith.constant 320 : index
        %parallel_loop3A_419 = tpu.vector_load %arg10[%parallel_loop3A_417, %parallel_loop3A_418] {strides = array<i32>} : memref<16x1024xf32, #tpu.memory_space<vmem>>, vector<1x16xf32>,
        %parallel_loop3A_420 = vector.shape_cast %parallel_loop3A_419 : vector<1x16xf32> to vector<16xf32>
        %parallel_loop3A_421 = arith.addf %parallel_loop3A_416, %parallel_loop3A_420 : vector<16xf32>
        %parallel_loop3A_422 = arith.index_cast %parallel_loop3A_132 : i32 to index
        %parallel_loop3A_423 = arith.constant 320 : index
        %parallel_loop3A_424 = tpu.vector_load %arg12[%parallel_loop3A_422, %parallel_loop3A_423] {strides = array<i32>} : memref<16x1024xf32, #tpu.memory_space<vmem>>, vector<1x16xf32>,
        %parallel_loop3A_425 = vector.shape_cast %parallel_loop3A_424 : vector<1x16xf32> to vector<16xf32>
        %parallel_loop3A_426 = vector.shape_cast %parallel_loop3A_421 : vector<16xf32> to vector<1x16xf32>
        tpu.vector_store %arg12[%parallel_loop3A_422, %parallel_loop3A_423], %parallel_loop3A_426 {strides = array<i32>} : memref<16x1024xf32, #tpu.memory_space<vmem>>, vector<1x16xf32>,
        %parallel_loop3A_427 = arith.index_cast %parallel_loop3A_132 : i32 to index
        %parallel_loop3A_428 = arith.constant 336 : index
        %parallel_loop3A_429 = tpu.vector_load %arg8[%parallel_loop3A_427, %parallel_loop3A_428] {strides = array<i32>} : memref<16x1024xf32, #tpu.memory_space<vmem>>, vector<1x16xf32>,
        %parallel_loop3A_430 = vector.shape_cast %parallel_loop3A_429 : vector<1x16xf32> to vector<16xf32>
        %parallel_loop3A_431 = arith.index_cast %parallel_loop3A_132 : i32 to index
        %parallel_loop3A_432 = arith.constant 336 : index
        %parallel_loop3A_433 = tpu.vector_load %arg10[%parallel_loop3A_431, %parallel_loop3A_432] {strides = array<i32>} : memref<16x1024xf32, #tpu.memory_space<vmem>>, vector<1x16xf32>,
        %parallel_loop3A_434 = vector.shape_cast %parallel_loop3A_433 : vector<1x16xf32> to vector<16xf32>
        %parallel_loop3A_435 = arith.addf %parallel_loop3A_430, %parallel_loop3A_434 : vector<16xf32>
        %parallel_loop3A_436 = arith.index_cast %parallel_loop3A_132 : i32 to index
        %parallel_loop3A_437 = arith.constant 336 : index
        %parallel_loop3A_438 = tpu.vector_load %arg12[%parallel_loop3A_436, %parallel_loop3A_437] {strides = array<i32>} : memref<16x1024xf32, #tpu.memory_space<vmem>>, vector<1x16xf32>,
        %parallel_loop3A_439 = vector.shape_cast %parallel_loop3A_438 : vector<1x16xf32> to vector<16xf32>
        %parallel_loop3A_440 = vector.shape_cast %parallel_loop3A_435 : vector<16xf32> to vector<1x16xf32>
        tpu.vector_store %arg12[%parallel_loop3A_436, %parallel_loop3A_437], %parallel_loop3A_440 {strides = array<i32>} : memref<16x1024xf32, #tpu.memory_space<vmem>>, vector<1x16xf32>,
        %parallel_loop3A_441 = arith.index_cast %parallel_loop3A_132 : i32 to index
        %parallel_loop3A_442 = arith.constant 352 : index
        %parallel_loop3A_443 = tpu.vector_load %arg8[%parallel_loop3A_441, %parallel_loop3A_442] {strides = array<i32>} : memref<16x1024xf32, #tpu.memory_space<vmem>>, vector<1x16xf32>,
        %parallel_loop3A_444 = vector.shape_cast %parallel_loop3A_443 : vector<1x16xf32> to vector<16xf32>
        %parallel_loop3A_445 = arith.index_cast %parallel_loop3A_132 : i32 to index
        %parallel_loop3A_446 = arith.constant 352 : index
        %parallel_loop3A_447 = tpu.vector_load %arg10[%parallel_loop3A_445, %parallel_loop3A_446] {strides = array<i32>} : memref<16x1024xf32, #tpu.memory_space<vmem>>, vector<1x16xf32>,
        %parallel_loop3A_448 = vector.shape_cast %parallel_loop3A_447 : vector<1x16xf32> to vector<16xf32>
        %parallel_loop3A_449 = arith.addf %parallel_loop3A_444, %parallel_loop3A_448 : vector<16xf32>
        %parallel_loop3A_450 = arith.index_cast %parallel_loop3A_132 : i32 to index
        %parallel_loop3A_451 = arith.constant 352 : index
        %parallel_loop3A_452 = tpu.vector_load %arg12[%parallel_loop3A_450, %parallel_loop3A_451] {strides = array<i32>} : memref<16x1024xf32, #tpu.memory_space<vmem>>, vector<1x16xf32>,
        %parallel_loop3A_453 = vector.shape_cast %parallel_loop3A_452 : vector<1x16xf32> to vector<16xf32>
        %parallel_loop3A_454 = vector.shape_cast %parallel_loop3A_449 : vector<16xf32> to vector<1x16xf32>
        tpu.vector_store %arg12[%parallel_loop3A_450, %parallel_loop3A_451], %parallel_loop3A_454 {strides = array<i32>} : memref<16x1024xf32, #tpu.memory_space<vmem>>, vector<1x16xf32>,
        %parallel_loop3A_455 = arith.index_cast %parallel_loop3A_132 : i32 to index
        %parallel_loop3A_456 = arith.constant 368 : index
        %parallel_loop3A_457 = tpu.vector_load %arg8[%parallel_loop3A_455, %parallel_loop3A_456] {strides = array<i32>} : memref<16x1024xf32, #tpu.memory_space<vmem>>, vector<1x16xf32>,
        %parallel_loop3A_458 = vector.shape_cast %parallel_loop3A_457 : vector<1x16xf32> to vector<16xf32>
        %parallel_loop3A_459 = arith.index_cast %parallel_loop3A_132 : i32 to index
        %parallel_loop3A_460 = arith.constant 368 : index
        %parallel_loop3A_461 = tpu.vector_load %arg10[%parallel_loop3A_459, %parallel_loop3A_460] {strides = array<i32>} : memref<16x1024xf32, #tpu.memory_space<vmem>>, vector<1x16xf32>,
        %parallel_loop3A_462 = vector.shape_cast %parallel_loop3A_461 : vector<1x16xf32> to vector<16xf32>
        %parallel_loop3A_463 = arith.addf %parallel_loop3A_458, %parallel_loop3A_462 : vector<16xf32>
        %parallel_loop3A_464 = arith.index_cast %parallel_loop3A_132 : i32 to index
        %parallel_loop3A_465 = arith.constant 368 : index
        %parallel_loop3A_466 = tpu.vector_load %arg12[%parallel_loop3A_464, %parallel_loop3A_465] {strides = array<i32>} : memref<16x1024xf32, #tpu.memory_space<vmem>>, vector<1x16xf32>,
        %parallel_loop3A_467 = vector.shape_cast %parallel_loop3A_466 : vector<1x16xf32> to vector<16xf32>
        %parallel_loop3A_468 = vector.shape_cast %parallel_loop3A_463 : vector<16xf32> to vector<1x16xf32>
        tpu.vector_store %arg12[%parallel_loop3A_464, %parallel_loop3A_465], %parallel_loop3A_468 {strides = array<i32>} : memref<16x1024xf32, #tpu.memory_space<vmem>>, vector<1x16xf32>,
        %parallel_loop3A_469 = arith.index_cast %parallel_loop3A_132 : i32 to index
        %parallel_loop3A_470 = arith.constant 384 : index
        %parallel_loop3A_471 = tpu.vector_load %arg8[%parallel_loop3A_469, %parallel_loop3A_470] {strides = array<i32>} : memref<16x1024xf32, #tpu.memory_space<vmem>>, vector<1x16xf32>,
        %parallel_loop3A_472 = vector.shape_cast %parallel_loop3A_471 : vector<1x16xf32> to vector<16xf32>
        %parallel_loop3A_473 = arith.index_cast %parallel_loop3A_132 : i32 to index
        %parallel_loop3A_474 = arith.constant 384 : index
        %parallel_loop3A_475 = tpu.vector_load %arg10[%parallel_loop3A_473, %parallel_loop3A_474] {strides = array<i32>} : memref<16x1024xf32, #tpu.memory_space<vmem>>, vector<1x16xf32>,
        %parallel_loop3A_476 = vector.shape_cast %parallel_loop3A_475 : vector<1x16xf32> to vector<16xf32>
        %parallel_loop3A_477 = arith.addf %parallel_loop3A_472, %parallel_loop3A_476 : vector<16xf32>
        %parallel_loop3A_478 = arith.index_cast %parallel_loop3A_132 : i32 to index
        %parallel_loop3A_479 = arith.constant 384 : index
        %parallel_loop3A_480 = tpu.vector_load %arg12[%parallel_loop3A_478, %parallel_loop3A_479] {strides = array<i32>} : memref<16x1024xf32, #tpu.memory_space<vmem>>, vector<1x16xf32>,
        %parallel_loop3A_481 = vector.shape_cast %parallel_loop3A_480 : vector<1x16xf32> to vector<16xf32>
        %parallel_loop3A_482 = vector.shape_cast %parallel_loop3A_477 : vector<16xf32> to vector<1x16xf32>
        tpu.vector_store %arg12[%parallel_loop3A_478, %parallel_loop3A_479], %parallel_loop3A_482 {strides = array<i32>} : memref<16x1024xf32, #tpu.memory_space<vmem>>, vector<1x16xf32>,
        %parallel_loop3A_483 = arith.index_cast %parallel_loop3A_132 : i32 to index
        %parallel_loop3A_484 = arith.constant 400 : index
        %parallel_loop3A_485 = tpu.vector_load %arg8[%parallel_loop3A_483, %parallel_loop3A_484] {strides = array<i32>} : memref<16x1024xf32, #tpu.memory_space<vmem>>, vector<1x16xf32>,
        %parallel_loop3A_486 = vector.shape_cast %parallel_loop3A_485 : vector<1x16xf32> to vector<16xf32>
        %parallel_loop3A_487 = arith.index_cast %parallel_loop3A_132 : i32 to index
        %parallel_loop3A_488 = arith.constant 400 : index
        %parallel_loop3A_489 = tpu.vector_load %arg10[%parallel_loop3A_487, %parallel_loop3A_488] {strides = array<i32>} : memref<16x1024xf32, #tpu.memory_space<vmem>>, vector<1x16xf32>,
        %parallel_loop3A_490 = vector.shape_cast %parallel_loop3A_489 : vector<1x16xf32> to vector<16xf32>
        %parallel_loop3A_491 = arith.addf %parallel_loop3A_486, %parallel_loop3A_490 : vector<16xf32>
        %parallel_loop3A_492 = arith.index_cast %parallel_loop3A_132 : i32 to index
        %parallel_loop3A_493 = arith.constant 400 : index
        %parallel_loop3A_494 = tpu.vector_load %arg12[%parallel_loop3A_492, %parallel_loop3A_493] {strides = array<i32>} : memref<16x1024xf32, #tpu.memory_space<vmem>>, vector<1x16xf32>,
        %parallel_loop3A_495 = vector.shape_cast %parallel_loop3A_494 : vector<1x16xf32> to vector<16xf32>
        %parallel_loop3A_496 = vector.shape_cast %parallel_loop3A_491 : vector<16xf32> to vector<1x16xf32>
        tpu.vector_store %arg12[%parallel_loop3A_492, %parallel_loop3A_493], %parallel_loop3A_496 {strides = array<i32>} : memref<16x1024xf32, #tpu.memory_space<vmem>>, vector<1x16xf32>,
        %parallel_loop3A_497 = arith.index_cast %parallel_loop3A_132 : i32 to index
        %parallel_loop3A_498 = arith.constant 416 : index
        %parallel_loop3A_499 = tpu.vector_load %arg8[%parallel_loop3A_497, %parallel_loop3A_498] {strides = array<i32>} : memref<16x1024xf32, #tpu.memory_space<vmem>>, vector<1x16xf32>,
        %parallel_loop3A_500 = vector.shape_cast %parallel_loop3A_499 : vector<1x16xf32> to vector<16xf32>
        %parallel_loop3A_501 = arith.index_cast %parallel_loop3A_132 : i32 to index
        %parallel_loop3A_502 = arith.constant 416 : index
        %parallel_loop3A_503 = tpu.vector_load %arg10[%parallel_loop3A_501, %parallel_loop3A_502] {strides = array<i32>} : memref<16x1024xf32, #tpu.memory_space<vmem>>, vector<1x16xf32>,
        %parallel_loop3A_504 = vector.shape_cast %parallel_loop3A_503 : vector<1x16xf32> to vector<16xf32>
        %parallel_loop3A_505 = arith.addf %parallel_loop3A_500, %parallel_loop3A_504 : vector<16xf32>
        %parallel_loop3A_506 = arith.index_cast %parallel_loop3A_132 : i32 to index
        %parallel_loop3A_507 = arith.constant 416 : index
        %parallel_loop3A_508 = tpu.vector_load %arg12[%parallel_loop3A_506, %parallel_loop3A_507] {strides = array<i32>} : memref<16x1024xf32, #tpu.memory_space<vmem>>, vector<1x16xf32>,
        %parallel_loop3A_509 = vector.shape_cast %parallel_loop3A_508 : vector<1x16xf32> to vector<16xf32>
        %parallel_loop3A_510 = vector.shape_cast %parallel_loop3A_505 : vector<16xf32> to vector<1x16xf32>
        tpu.vector_store %arg12[%parallel_loop3A_506, %parallel_loop3A_507], %parallel_loop3A_510 {strides = array<i32>} : memref<16x1024xf32, #tpu.memory_space<vmem>>, vector<1x16xf32>,
        %parallel_loop3A_511 = arith.index_cast %parallel_loop3A_132 : i32 to index
        %parallel_loop3A_512 = arith.constant 432 : index
        %parallel_loop3A_513 = tpu.vector_load %arg8[%parallel_loop3A_511, %parallel_loop3A_512] {strides = array<i32>} : memref<16x1024xf32, #tpu.memory_space<vmem>>, vector<1x16xf32>,
        %parallel_loop3A_514 = vector.shape_cast %parallel_loop3A_513 : vector<1x16xf32> to vector<16xf32>
        %parallel_loop3A_515 = arith.index_cast %parallel_loop3A_132 : i32 to index
        %parallel_loop3A_516 = arith.constant 432 : index
        %parallel_loop3A_517 = tpu.vector_load %arg10[%parallel_loop3A_515, %parallel_loop3A_516] {strides = array<i32>} : memref<16x1024xf32, #tpu.memory_space<vmem>>, vector<1x16xf32>,
        %parallel_loop3A_518 = vector.shape_cast %parallel_loop3A_517 : vector<1x16xf32> to vector<16xf32>
        %parallel_loop3A_519 = arith.addf %parallel_loop3A_514, %parallel_loop3A_518 : vector<16xf32>
        %parallel_loop3A_520 = arith.index_cast %parallel_loop3A_132 : i32 to index
        %parallel_loop3A_521 = arith.constant 432 : index
        %parallel_loop3A_522 = tpu.vector_load %arg12[%parallel_loop3A_520, %parallel_loop3A_521] {strides = array<i32>} : memref<16x1024xf32, #tpu.memory_space<vmem>>, vector<1x16xf32>,
        %parallel_loop3A_523 = vector.shape_cast %parallel_loop3A_522 : vector<1x16xf32> to vector<16xf32>
        %parallel_loop3A_524 = vector.shape_cast %parallel_loop3A_519 : vector<16xf32> to vector<1x16xf32>
        tpu.vector_store %arg12[%parallel_loop3A_520, %parallel_loop3A_521], %parallel_loop3A_524 {strides = array<i32>} : memref<16x1024xf32, #tpu.memory_space<vmem>>, vector<1x16xf32>,
        %parallel_loop3A_525 = arith.index_cast %parallel_loop3A_132 : i32 to index
        %parallel_loop3A_526 = arith.constant 448 : index
        %parallel_loop3A_527 = tpu.vector_load %arg8[%parallel_loop3A_525, %parallel_loop3A_526] {strides = array<i32>} : memref<16x1024xf32, #tpu.memory_space<vmem>>, vector<1x16xf32>,
        %parallel_loop3A_528 = vector.shape_cast %parallel_loop3A_527 : vector<1x16xf32> to vector<16xf32>
        %parallel_loop3A_529 = arith.index_cast %parallel_loop3A_132 : i32 to index
        %parallel_loop3A_530 = arith.constant 448 : index
        %parallel_loop3A_531 = tpu.vector_load %arg10[%parallel_loop3A_529, %parallel_loop3A_530] {strides = array<i32>} : memref<16x1024xf32, #tpu.memory_space<vmem>>, vector<1x16xf32>,
        %parallel_loop3A_532 = vector.shape_cast %parallel_loop3A_531 : vector<1x16xf32> to vector<16xf32>
        %parallel_loop3A_533 = arith.addf %parallel_loop3A_528, %parallel_loop3A_532 : vector<16xf32>
        %parallel_loop3A_534 = arith.index_cast %parallel_loop3A_132 : i32 to index
        %parallel_loop3A_535 = arith.constant 448 : index
        %parallel_loop3A_536 = tpu.vector_load %arg12[%parallel_loop3A_534, %parallel_loop3A_535] {strides = array<i32>} : memref<16x1024xf32, #tpu.memory_space<vmem>>, vector<1x16xf32>,
        %parallel_loop3A_537 = vector.shape_cast %parallel_loop3A_536 : vector<1x16xf32> to vector<16xf32>
        %parallel_loop3A_538 = vector.shape_cast %parallel_loop3A_533 : vector<16xf32> to vector<1x16xf32>
        tpu.vector_store %arg12[%parallel_loop3A_534, %parallel_loop3A_535], %parallel_loop3A_538 {strides = array<i32>} : memref<16x1024xf32, #tpu.memory_space<vmem>>, vector<1x16xf32>,
        %parallel_loop3A_539 = arith.index_cast %parallel_loop3A_132 : i32 to index
        %parallel_loop3A_540 = arith.constant 464 : index
        %parallel_loop3A_541 = tpu.vector_load %arg8[%parallel_loop3A_539, %parallel_loop3A_540] {strides = array<i32>} : memref<16x1024xf32, #tpu.memory_space<vmem>>, vector<1x16xf32>,
        %parallel_loop3A_542 = vector.shape_cast %parallel_loop3A_541 : vector<1x16xf32> to vector<16xf32>
        %parallel_loop3A_543 = arith.index_cast %parallel_loop3A_132 : i32 to index
        %parallel_loop3A_544 = arith.constant 464 : index
        %parallel_loop3A_545 = tpu.vector_load %arg10[%parallel_loop3A_543, %parallel_loop3A_544] {strides = array<i32>} : memref<16x1024xf32, #tpu.memory_space<vmem>>, vector<1x16xf32>,
        %parallel_loop3A_546 = vector.shape_cast %parallel_loop3A_545 : vector<1x16xf32> to vector<16xf32>
        %parallel_loop3A_547 = arith.addf %parallel_loop3A_542, %parallel_loop3A_546 : vector<16xf32>
        %parallel_loop3A_548 = arith.index_cast %parallel_loop3A_132 : i32 to index
        %parallel_loop3A_549 = arith.constant 464 : index
        %parallel_loop3A_550 = tpu.vector_load %arg12[%parallel_loop3A_548, %parallel_loop3A_549] {strides = array<i32>} : memref<16x1024xf32, #tpu.memory_space<vmem>>, vector<1x16xf32>,
        %parallel_loop3A_551 = vector.shape_cast %parallel_loop3A_550 : vector<1x16xf32> to vector<16xf32>
        %parallel_loop3A_552 = vector.shape_cast %parallel_loop3A_547 : vector<16xf32> to vector<1x16xf32>
        tpu.vector_store %arg12[%parallel_loop3A_548, %parallel_loop3A_549], %parallel_loop3A_552 {strides = array<i32>} : memref<16x1024xf32, #tpu.memory_space<vmem>>, vector<1x16xf32>,
        %parallel_loop3A_553 = arith.index_cast %parallel_loop3A_132 : i32 to index
        %parallel_loop3A_554 = arith.constant 480 : index
        %parallel_loop3A_555 = tpu.vector_load %arg8[%parallel_loop3A_553, %parallel_loop3A_554] {strides = array<i32>} : memref<16x1024xf32, #tpu.memory_space<vmem>>, vector<1x16xf32>,
        %parallel_loop3A_556 = vector.shape_cast %parallel_loop3A_555 : vector<1x16xf32> to vector<16xf32>
        %parallel_loop3A_557 = arith.index_cast %parallel_loop3A_132 : i32 to index
        %parallel_loop3A_558 = arith.constant 480 : index
        %parallel_loop3A_559 = tpu.vector_load %arg10[%parallel_loop3A_557, %parallel_loop3A_558] {strides = array<i32>} : memref<16x1024xf32, #tpu.memory_space<vmem>>, vector<1x16xf32>,
        %parallel_loop3A_560 = vector.shape_cast %parallel_loop3A_559 : vector<1x16xf32> to vector<16xf32>
        %parallel_loop3A_561 = arith.addf %parallel_loop3A_556, %parallel_loop3A_560 : vector<16xf32>
        %parallel_loop3A_562 = arith.index_cast %parallel_loop3A_132 : i32 to index
        %parallel_loop3A_563 = arith.constant 480 : index
        %parallel_loop3A_564 = tpu.vector_load %arg12[%parallel_loop3A_562, %parallel_loop3A_563] {strides = array<i32>} : memref<16x1024xf32, #tpu.memory_space<vmem>>, vector<1x16xf32>,
        %parallel_loop3A_565 = vector.shape_cast %parallel_loop3A_564 : vector<1x16xf32> to vector<16xf32>
        %parallel_loop3A_566 = vector.shape_cast %parallel_loop3A_561 : vector<16xf32> to vector<1x16xf32>
        tpu.vector_store %arg12[%parallel_loop3A_562, %parallel_loop3A_563], %parallel_loop3A_566 {strides = array<i32>} : memref<16x1024xf32, #tpu.memory_space<vmem>>, vector<1x16xf32>,
        %parallel_loop3A_567 = arith.index_cast %parallel_loop3A_132 : i32 to index
        %parallel_loop3A_568 = arith.constant 496 : index
        %parallel_loop3A_569 = tpu.vector_load %arg8[%parallel_loop3A_567, %parallel_loop3A_568] {strides = array<i32>} : memref<16x1024xf32, #tpu.memory_space<vmem>>, vector<1x16xf32>,
        %parallel_loop3A_570 = vector.shape_cast %parallel_loop3A_569 : vector<1x16xf32> to vector<16xf32>
        %parallel_loop3A_571 = arith.index_cast %parallel_loop3A_132 : i32 to index
        %parallel_loop3A_572 = arith.constant 496 : index
        %parallel_loop3A_573 = tpu.vector_load %arg10[%parallel_loop3A_571, %parallel_loop3A_572] {strides = array<i32>} : memref<16x1024xf32, #tpu.memory_space<vmem>>, vector<1x16xf32>,
        %parallel_loop3A_574 = vector.shape_cast %parallel_loop3A_573 : vector<1x16xf32> to vector<16xf32>
        %parallel_loop3A_575 = arith.addf %parallel_loop3A_570, %parallel_loop3A_574 : vector<16xf32>
        %parallel_loop3A_576 = arith.index_cast %parallel_loop3A_132 : i32 to index
        %parallel_loop3A_577 = arith.constant 496 : index
        %parallel_loop3A_578 = tpu.vector_load %arg12[%parallel_loop3A_576, %parallel_loop3A_577] {strides = array<i32>} : memref<16x1024xf32, #tpu.memory_space<vmem>>, vector<1x16xf32>,
        %parallel_loop3A_579 = vector.shape_cast %parallel_loop3A_578 : vector<1x16xf32> to vector<16xf32>
        %parallel_loop3A_580 = vector.shape_cast %parallel_loop3A_575 : vector<16xf32> to vector<1x16xf32>
        tpu.vector_store %arg12[%parallel_loop3A_576, %parallel_loop3A_577], %parallel_loop3A_580 {strides = array<i32>} : memref<16x1024xf32, #tpu.memory_space<vmem>>, vector<1x16xf32>,
        %parallel_loop3A_581 = arith.index_cast %parallel_loop3A_132 : i32 to index
        %parallel_loop3A_582 = arith.constant 512 : index
        %parallel_loop3A_583 = tpu.vector_load %arg8[%parallel_loop3A_581, %parallel_loop3A_582] {strides = array<i32>} : memref<16x1024xf32, #tpu.memory_space<vmem>>, vector<1x16xf32>,
        %parallel_loop3A_584 = vector.shape_cast %parallel_loop3A_583 : vector<1x16xf32> to vector<16xf32>
        %parallel_loop3A_585 = arith.index_cast %parallel_loop3A_132 : i32 to index
        %parallel_loop3A_586 = arith.constant 512 : index
        %parallel_loop3A_587 = tpu.vector_load %arg10[%parallel_loop3A_585, %parallel_loop3A_586] {strides = array<i32>} : memref<16x1024xf32, #tpu.memory_space<vmem>>, vector<1x16xf32>,
        %parallel_loop3A_588 = vector.shape_cast %parallel_loop3A_587 : vector<1x16xf32> to vector<16xf32>
        %parallel_loop3A_589 = arith.addf %parallel_loop3A_584, %parallel_loop3A_588 : vector<16xf32>
        %parallel_loop3A_590 = arith.index_cast %parallel_loop3A_132 : i32 to index
        %parallel_loop3A_591 = arith.constant 512 : index
        %parallel_loop3A_592 = tpu.vector_load %arg12[%parallel_loop3A_590, %parallel_loop3A_591] {strides = array<i32>} : memref<16x1024xf32, #tpu.memory_space<vmem>>, vector<1x16xf32>,
        %parallel_loop3A_593 = vector.shape_cast %parallel_loop3A_592 : vector<1x16xf32> to vector<16xf32>
        %parallel_loop3A_594 = vector.shape_cast %parallel_loop3A_589 : vector<16xf32> to vector<1x16xf32>
        tpu.vector_store %arg12[%parallel_loop3A_590, %parallel_loop3A_591], %parallel_loop3A_594 {strides = array<i32>} : memref<16x1024xf32, #tpu.memory_space<vmem>>, vector<1x16xf32>,
        %parallel_loop3A_595 = arith.index_cast %parallel_loop3A_132 : i32 to index
        %parallel_loop3A_596 = arith.constant 528 : index
        %parallel_loop3A_597 = tpu.vector_load %arg8[%parallel_loop3A_595, %parallel_loop3A_596] {strides = array<i32>} : memref<16x1024xf32, #tpu.memory_space<vmem>>, vector<1x16xf32>,
        %parallel_loop3A_598 = vector.shape_cast %parallel_loop3A_597 : vector<1x16xf32> to vector<16xf32>
        %parallel_loop3A_599 = arith.index_cast %parallel_loop3A_132 : i32 to index
        %parallel_loop3A_600 = arith.constant 528 : index
        %parallel_loop3A_601 = tpu.vector_load %arg10[%parallel_loop3A_599, %parallel_loop3A_600] {strides = array<i32>} : memref<16x1024xf32, #tpu.memory_space<vmem>>, vector<1x16xf32>,
        %parallel_loop3A_602 = vector.shape_cast %parallel_loop3A_601 : vector<1x16xf32> to vector<16xf32>
        %parallel_loop3A_603 = arith.addf %parallel_loop3A_598, %parallel_loop3A_602 : vector<16xf32>
        %parallel_loop3A_604 = arith.index_cast %parallel_loop3A_132 : i32 to index
        %parallel_loop3A_605 = arith.constant 528 : index
        %parallel_loop3A_606 = tpu.vector_load %arg12[%parallel_loop3A_604, %parallel_loop3A_605] {strides = array<i32>} : memref<16x1024xf32, #tpu.memory_space<vmem>>, vector<1x16xf32>,
        %parallel_loop3A_607 = vector.shape_cast %parallel_loop3A_606 : vector<1x16xf32> to vector<16xf32>
        %parallel_loop3A_608 = vector.shape_cast %parallel_loop3A_603 : vector<16xf32> to vector<1x16xf32>
        tpu.vector_store %arg12[%parallel_loop3A_604, %parallel_loop3A_605], %parallel_loop3A_608 {strides = array<i32>} : memref<16x1024xf32, #tpu.memory_space<vmem>>, vector<1x16xf32>,
        %parallel_loop3A_609 = arith.index_cast %parallel_loop3A_132 : i32 to index
        %parallel_loop3A_610 = arith.constant 544 : index
        %parallel_loop3A_611 = tpu.vector_load %arg8[%parallel_loop3A_609, %parallel_loop3A_610] {strides = array<i32>} : memref<16x1024xf32, #tpu.memory_space<vmem>>, vector<1x16xf32>,
        %parallel_loop3A_612 = vector.shape_cast %parallel_loop3A_611 : vector<1x16xf32> to vector<16xf32>
        %parallel_loop3A_613 = arith.index_cast %parallel_loop3A_132 : i32 to index
        %parallel_loop3A_614 = arith.constant 544 : index
        %parallel_loop3A_615 = tpu.vector_load %arg10[%parallel_loop3A_613, %parallel_loop3A_614] {strides = array<i32>} : memref<16x1024xf32, #tpu.memory_space<vmem>>, vector<1x16xf32>,
        %parallel_loop3A_616 = vector.shape_cast %parallel_loop3A_615 : vector<1x16xf32> to vector<16xf32>
        %parallel_loop3A_617 = arith.addf %parallel_loop3A_612, %parallel_loop3A_616 : vector<16xf32>
        %parallel_loop3A_618 = arith.index_cast %parallel_loop3A_132 : i32 to index
        %parallel_loop3A_619 = arith.constant 544 : index
        %parallel_loop3A_620 = tpu.vector_load %arg12[%parallel_loop3A_618, %parallel_loop3A_619] {strides = array<i32>} : memref<16x1024xf32, #tpu.memory_space<vmem>>, vector<1x16xf32>,
        %parallel_loop3A_621 = vector.shape_cast %parallel_loop3A_620 : vector<1x16xf32> to vector<16xf32>
        %parallel_loop3A_622 = vector.shape_cast %parallel_loop3A_617 : vector<16xf32> to vector<1x16xf32>
        tpu.vector_store %arg12[%parallel_loop3A_618, %parallel_loop3A_619], %parallel_loop3A_622 {strides = array<i32>} : memref<16x1024xf32, #tpu.memory_space<vmem>>, vector<1x16xf32>,
        %parallel_loop3A_623 = arith.index_cast %parallel_loop3A_132 : i32 to index
        %parallel_loop3A_624 = arith.constant 560 : index
        %parallel_loop3A_625 = tpu.vector_load %arg8[%parallel_loop3A_623, %parallel_loop3A_624] {strides = array<i32>} : memref<16x1024xf32, #tpu.memory_space<vmem>>, vector<1x16xf32>,
        %parallel_loop3A_626 = vector.shape_cast %parallel_loop3A_625 : vector<1x16xf32> to vector<16xf32>
        %parallel_loop3A_627 = arith.index_cast %parallel_loop3A_132 : i32 to index
        %parallel_loop3A_628 = arith.constant 560 : index
        %parallel_loop3A_629 = tpu.vector_load %arg10[%parallel_loop3A_627, %parallel_loop3A_628] {strides = array<i32>} : memref<16x1024xf32, #tpu.memory_space<vmem>>, vector<1x16xf32>,
        %parallel_loop3A_630 = vector.shape_cast %parallel_loop3A_629 : vector<1x16xf32> to vector<16xf32>
        %parallel_loop3A_631 = arith.addf %parallel_loop3A_626, %parallel_loop3A_630 : vector<16xf32>
        %parallel_loop3A_632 = arith.index_cast %parallel_loop3A_132 : i32 to index
        %parallel_loop3A_633 = arith.constant 560 : index
        %parallel_loop3A_634 = tpu.vector_load %arg12[%parallel_loop3A_632, %parallel_loop3A_633] {strides = array<i32>} : memref<16x1024xf32, #tpu.memory_space<vmem>>, vector<1x16xf32>,
        %parallel_loop3A_635 = vector.shape_cast %parallel_loop3A_634 : vector<1x16xf32> to vector<16xf32>
        %parallel_loop3A_636 = vector.shape_cast %parallel_loop3A_631 : vector<16xf32> to vector<1x16xf32>
        tpu.vector_store %arg12[%parallel_loop3A_632, %parallel_loop3A_633], %parallel_loop3A_636 {strides = array<i32>} : memref<16x1024xf32, #tpu.memory_space<vmem>>, vector<1x16xf32>,
        %parallel_loop3A_637 = arith.index_cast %parallel_loop3A_132 : i32 to index
        %parallel_loop3A_638 = arith.constant 576 : index
        %parallel_loop3A_639 = tpu.vector_load %arg8[%parallel_loop3A_637, %parallel_loop3A_638] {strides = array<i32>} : memref<16x1024xf32, #tpu.memory_space<vmem>>, vector<1x16xf32>,
        %parallel_loop3A_640 = vector.shape_cast %parallel_loop3A_639 : vector<1x16xf32> to vector<16xf32>
        %parallel_loop3A_641 = arith.index_cast %parallel_loop3A_132 : i32 to index
        %parallel_loop3A_642 = arith.constant 576 : index
        %parallel_loop3A_643 = tpu.vector_load %arg10[%parallel_loop3A_641, %parallel_loop3A_642] {strides = array<i32>} : memref<16x1024xf32, #tpu.memory_space<vmem>>, vector<1x16xf32>,
        %parallel_loop3A_644 = vector.shape_cast %parallel_loop3A_643 : vector<1x16xf32> to vector<16xf32>
        %parallel_loop3A_645 = arith.addf %parallel_loop3A_640, %parallel_loop3A_644 : vector<16xf32>
        %parallel_loop3A_646 = arith.index_cast %parallel_loop3A_132 : i32 to index
        %parallel_loop3A_647 = arith.constant 576 : index
        %parallel_loop3A_648 = tpu.vector_load %arg12[%parallel_loop3A_646, %parallel_loop3A_647] {strides = array<i32>} : memref<16x1024xf32, #tpu.memory_space<vmem>>, vector<1x16xf32>,
        %parallel_loop3A_649 = vector.shape_cast %parallel_loop3A_648 : vector<1x16xf32> to vector<16xf32>
        %parallel_loop3A_650 = vector.shape_cast %parallel_loop3A_645 : vector<16xf32> to vector<1x16xf32>
        tpu.vector_store %arg12[%parallel_loop3A_646, %parallel_loop3A_647], %parallel_loop3A_650 {strides = array<i32>} : memref<16x1024xf32, #tpu.memory_space<vmem>>, vector<1x16xf32>,
        %parallel_loop3A_651 = arith.index_cast %parallel_loop3A_132 : i32 to index
        %parallel_loop3A_652 = arith.constant 592 : index
        %parallel_loop3A_653 = tpu.vector_load %arg8[%parallel_loop3A_651, %parallel_loop3A_652] {strides = array<i32>} : memref<16x1024xf32, #tpu.memory_space<vmem>>, vector<1x16xf32>,
        %parallel_loop3A_654 = vector.shape_cast %parallel_loop3A_653 : vector<1x16xf32> to vector<16xf32>
        %parallel_loop3A_655 = arith.index_cast %parallel_loop3A_132 : i32 to index
        %parallel_loop3A_656 = arith.constant 592 : index
        %parallel_loop3A_657 = tpu.vector_load %arg10[%parallel_loop3A_655, %parallel_loop3A_656] {strides = array<i32>} : memref<16x1024xf32, #tpu.memory_space<vmem>>, vector<1x16xf32>,
        %parallel_loop3A_658 = vector.shape_cast %parallel_loop3A_657 : vector<1x16xf32> to vector<16xf32>
        %parallel_loop3A_659 = arith.addf %parallel_loop3A_654, %parallel_loop3A_658 : vector<16xf32>
        %parallel_loop3A_660 = arith.index_cast %parallel_loop3A_132 : i32 to index
        %parallel_loop3A_661 = arith.constant 592 : index
        %parallel_loop3A_662 = tpu.vector_load %arg12[%parallel_loop3A_660, %parallel_loop3A_661] {strides = array<i32>} : memref<16x1024xf32, #tpu.memory_space<vmem>>, vector<1x16xf32>,
        %parallel_loop3A_663 = vector.shape_cast %parallel_loop3A_662 : vector<1x16xf32> to vector<16xf32>
        %parallel_loop3A_664 = vector.shape_cast %parallel_loop3A_659 : vector<16xf32> to vector<1x16xf32>
        tpu.vector_store %arg12[%parallel_loop3A_660, %parallel_loop3A_661], %parallel_loop3A_664 {strides = array<i32>} : memref<16x1024xf32, #tpu.memory_space<vmem>>, vector<1x16xf32>,
        %parallel_loop3A_665 = arith.index_cast %parallel_loop3A_132 : i32 to index
        %parallel_loop3A_666 = arith.constant 608 : index
        %parallel_loop3A_667 = tpu.vector_load %arg8[%parallel_loop3A_665, %parallel_loop3A_666] {strides = array<i32>} : memref<16x1024xf32, #tpu.memory_space<vmem>>, vector<1x16xf32>,
        %parallel_loop3A_668 = vector.shape_cast %parallel_loop3A_667 : vector<1x16xf32> to vector<16xf32>
        %parallel_loop3A_669 = arith.index_cast %parallel_loop3A_132 : i32 to index
        %parallel_loop3A_670 = arith.constant 608 : index
        %parallel_loop3A_671 = tpu.vector_load %arg10[%parallel_loop3A_669, %parallel_loop3A_670] {strides = array<i32>} : memref<16x1024xf32, #tpu.memory_space<vmem>>, vector<1x16xf32>,
        %parallel_loop3A_672 = vector.shape_cast %parallel_loop3A_671 : vector<1x16xf32> to vector<16xf32>
        %parallel_loop3A_673 = arith.addf %parallel_loop3A_668, %parallel_loop3A_672 : vector<16xf32>
        %parallel_loop3A_674 = arith.index_cast %parallel_loop3A_132 : i32 to index
        %parallel_loop3A_675 = arith.constant 608 : index
        %parallel_loop3A_676 = tpu.vector_load %arg12[%parallel_loop3A_674, %parallel_loop3A_675] {strides = array<i32>} : memref<16x1024xf32, #tpu.memory_space<vmem>>, vector<1x16xf32>,
        %parallel_loop3A_677 = vector.shape_cast %parallel_loop3A_676 : vector<1x16xf32> to vector<16xf32>
        %parallel_loop3A_678 = vector.shape_cast %parallel_loop3A_673 : vector<16xf32> to vector<1x16xf32>
        tpu.vector_store %arg12[%parallel_loop3A_674, %parallel_loop3A_675], %parallel_loop3A_678 {strides = array<i32>} : memref<16x1024xf32, #tpu.memory_space<vmem>>, vector<1x16xf32>,
        %parallel_loop3A_679 = arith.index_cast %parallel_loop3A_132 : i32 to index
        %parallel_loop3A_680 = arith.constant 624 : index
        %parallel_loop3A_681 = tpu.vector_load %arg8[%parallel_loop3A_679, %parallel_loop3A_680] {strides = array<i32>} : memref<16x1024xf32, #tpu.memory_space<vmem>>, vector<1x16xf32>,
        %parallel_loop3A_682 = vector.shape_cast %parallel_loop3A_681 : vector<1x16xf32> to vector<16xf32>
        %parallel_loop3A_683 = arith.index_cast %parallel_loop3A_132 : i32 to index
        %parallel_loop3A_684 = arith.constant 624 : index
        %parallel_loop3A_685 = tpu.vector_load %arg10[%parallel_loop3A_683, %parallel_loop3A_684] {strides = array<i32>} : memref<16x1024xf32, #tpu.memory_space<vmem>>, vector<1x16xf32>,
        %parallel_loop3A_686 = vector.shape_cast %parallel_loop3A_685 : vector<1x16xf32> to vector<16xf32>
        %parallel_loop3A_687 = arith.addf %parallel_loop3A_682, %parallel_loop3A_686 : vector<16xf32>
        %parallel_loop3A_688 = arith.index_cast %parallel_loop3A_132 : i32 to index
        %parallel_loop3A_689 = arith.constant 624 : index
        %parallel_loop3A_690 = tpu.vector_load %arg12[%parallel_loop3A_688, %parallel_loop3A_689] {strides = array<i32>} : memref<16x1024xf32, #tpu.memory_space<vmem>>, vector<1x16xf32>,
        %parallel_loop3A_691 = vector.shape_cast %parallel_loop3A_690 : vector<1x16xf32> to vector<16xf32>
        %parallel_loop3A_692 = vector.shape_cast %parallel_loop3A_687 : vector<16xf32> to vector<1x16xf32>
        tpu.vector_store %arg12[%parallel_loop3A_688, %parallel_loop3A_689], %parallel_loop3A_692 {strides = array<i32>} : memref<16x1024xf32, #tpu.memory_space<vmem>>, vector<1x16xf32>,
        %parallel_loop3A_693 = arith.index_cast %parallel_loop3A_132 : i32 to index
        %parallel_loop3A_694 = arith.constant 640 : index
        %parallel_loop3A_695 = tpu.vector_load %arg8[%parallel_loop3A_693, %parallel_loop3A_694] {strides = array<i32>} : memref<16x1024xf32, #tpu.memory_space<vmem>>, vector<1x16xf32>,
        %parallel_loop3A_696 = vector.shape_cast %parallel_loop3A_695 : vector<1x16xf32> to vector<16xf32>
        %parallel_loop3A_697 = arith.index_cast %parallel_loop3A_132 : i32 to index
        %parallel_loop3A_698 = arith.constant 640 : index
        %parallel_loop3A_699 = tpu.vector_load %arg10[%parallel_loop3A_697, %parallel_loop3A_698] {strides = array<i32>} : memref<16x1024xf32, #tpu.memory_space<vmem>>, vector<1x16xf32>,
        %parallel_loop3A_700 = vector.shape_cast %parallel_loop3A_699 : vector<1x16xf32> to vector<16xf32>
        %parallel_loop3A_701 = arith.addf %parallel_loop3A_696, %parallel_loop3A_700 : vector<16xf32>
        %parallel_loop3A_702 = arith.index_cast %parallel_loop3A_132 : i32 to index
        %parallel_loop3A_703 = arith.constant 640 : index
        %parallel_loop3A_704 = tpu.vector_load %arg12[%parallel_loop3A_702, %parallel_loop3A_703] {strides = array<i32>} : memref<16x1024xf32, #tpu.memory_space<vmem>>, vector<1x16xf32>,
        %parallel_loop3A_705 = vector.shape_cast %parallel_loop3A_704 : vector<1x16xf32> to vector<16xf32>
        %parallel_loop3A_706 = vector.shape_cast %parallel_loop3A_701 : vector<16xf32> to vector<1x16xf32>
        tpu.vector_store %arg12[%parallel_loop3A_702, %parallel_loop3A_703], %parallel_loop3A_706 {strides = array<i32>} : memref<16x1024xf32, #tpu.memory_space<vmem>>, vector<1x16xf32>,
        %parallel_loop3A_707 = arith.index_cast %parallel_loop3A_132 : i32 to index
        %parallel_loop3A_708 = arith.constant 656 : index
        %parallel_loop3A_709 = tpu.vector_load %arg8[%parallel_loop3A_707, %parallel_loop3A_708] {strides = array<i32>} : memref<16x1024xf32, #tpu.memory_space<vmem>>, vector<1x16xf32>,
        %parallel_loop3A_710 = vector.shape_cast %parallel_loop3A_709 : vector<1x16xf32> to vector<16xf32>
        %parallel_loop3A_711 = arith.index_cast %parallel_loop3A_132 : i32 to index
        %parallel_loop3A_712 = arith.constant 656 : index
        %parallel_loop3A_713 = tpu.vector_load %arg10[%parallel_loop3A_711, %parallel_loop3A_712] {strides = array<i32>} : memref<16x1024xf32, #tpu.memory_space<vmem>>, vector<1x16xf32>,
        %parallel_loop3A_714 = vector.shape_cast %parallel_loop3A_713 : vector<1x16xf32> to vector<16xf32>
        %parallel_loop3A_715 = arith.addf %parallel_loop3A_710, %parallel_loop3A_714 : vector<16xf32>
        %parallel_loop3A_716 = arith.index_cast %parallel_loop3A_132 : i32 to index
        %parallel_loop3A_717 = arith.constant 656 : index
        %parallel_loop3A_718 = tpu.vector_load %arg12[%parallel_loop3A_716, %parallel_loop3A_717] {strides = array<i32>} : memref<16x1024xf32, #tpu.memory_space<vmem>>, vector<1x16xf32>,
        %parallel_loop3A_719 = vector.shape_cast %parallel_loop3A_718 : vector<1x16xf32> to vector<16xf32>
        %parallel_loop3A_720 = vector.shape_cast %parallel_loop3A_715 : vector<16xf32> to vector<1x16xf32>
        tpu.vector_store %arg12[%parallel_loop3A_716, %parallel_loop3A_717], %parallel_loop3A_720 {strides = array<i32>} : memref<16x1024xf32, #tpu.memory_space<vmem>>, vector<1x16xf32>,
        %parallel_loop3A_721 = arith.index_cast %parallel_loop3A_132 : i32 to index
        %parallel_loop3A_722 = arith.constant 672 : index
        %parallel_loop3A_723 = tpu.vector_load %arg8[%parallel_loop3A_721, %parallel_loop3A_722] {strides = array<i32>} : memref<16x1024xf32, #tpu.memory_space<vmem>>, vector<1x16xf32>,
        %parallel_loop3A_724 = vector.shape_cast %parallel_loop3A_723 : vector<1x16xf32> to vector<16xf32>
        %parallel_loop3A_725 = arith.index_cast %parallel_loop3A_132 : i32 to index
        %parallel_loop3A_726 = arith.constant 672 : index
        %parallel_loop3A_727 = tpu.vector_load %arg10[%parallel_loop3A_725, %parallel_loop3A_726] {strides = array<i32>} : memref<16x1024xf32, #tpu.memory_space<vmem>>, vector<1x16xf32>,
        %parallel_loop3A_728 = vector.shape_cast %parallel_loop3A_727 : vector<1x16xf32> to vector<16xf32>
        %parallel_loop3A_729 = arith.addf %parallel_loop3A_724, %parallel_loop3A_728 : vector<16xf32>
        %parallel_loop3A_730 = arith.index_cast %parallel_loop3A_132 : i32 to index
        %parallel_loop3A_731 = arith.constant 672 : index
        %parallel_loop3A_732 = tpu.vector_load %arg12[%parallel_loop3A_730, %parallel_loop3A_731] {strides = array<i32>} : memref<16x1024xf32, #tpu.memory_space<vmem>>, vector<1x16xf32>,
        %parallel_loop3A_733 = vector.shape_cast %parallel_loop3A_732 : vector<1x16xf32> to vector<16xf32>
        %parallel_loop3A_734 = vector.shape_cast %parallel_loop3A_729 : vector<16xf32> to vector<1x16xf32>
        tpu.vector_store %arg12[%parallel_loop3A_730, %parallel_loop3A_731], %parallel_loop3A_734 {strides = array<i32>} : memref<16x1024xf32, #tpu.memory_space<vmem>>, vector<1x16xf32>,
        %parallel_loop3A_735 = arith.index_cast %parallel_loop3A_132 : i32 to index
        %parallel_loop3A_736 = arith.constant 688 : index
        %parallel_loop3A_737 = tpu.vector_load %arg8[%parallel_loop3A_735, %parallel_loop3A_736] {strides = array<i32>} : memref<16x1024xf32, #tpu.memory_space<vmem>>, vector<1x16xf32>,
        %parallel_loop3A_738 = vector.shape_cast %parallel_loop3A_737 : vector<1x16xf32> to vector<16xf32>
        %parallel_loop3A_739 = arith.index_cast %parallel_loop3A_132 : i32 to index
        %parallel_loop3A_740 = arith.constant 688 : index
        %parallel_loop3A_741 = tpu.vector_load %arg10[%parallel_loop3A_739, %parallel_loop3A_740] {strides = array<i32>} : memref<16x1024xf32, #tpu.memory_space<vmem>>, vector<1x16xf32>,
        %parallel_loop3A_742 = vector.shape_cast %parallel_loop3A_741 : vector<1x16xf32> to vector<16xf32>
        %parallel_loop3A_743 = arith.addf %parallel_loop3A_738, %parallel_loop3A_742 : vector<16xf32>
        %parallel_loop3A_744 = arith.index_cast %parallel_loop3A_132 : i32 to index
        %parallel_loop3A_745 = arith.constant 688 : index
        %parallel_loop3A_746 = tpu.vector_load %arg12[%parallel_loop3A_744, %parallel_loop3A_745] {strides = array<i32>} : memref<16x1024xf32, #tpu.memory_space<vmem>>, vector<1x16xf32>,
        %parallel_loop3A_747 = vector.shape_cast %parallel_loop3A_746 : vector<1x16xf32> to vector<16xf32>
        %parallel_loop3A_748 = vector.shape_cast %parallel_loop3A_743 : vector<16xf32> to vector<1x16xf32>
        tpu.vector_store %arg12[%parallel_loop3A_744, %parallel_loop3A_745], %parallel_loop3A_748 {strides = array<i32>} : memref<16x1024xf32, #tpu.memory_space<vmem>>, vector<1x16xf32>,
        %parallel_loop3A_749 = arith.index_cast %parallel_loop3A_132 : i32 to index
        %parallel_loop3A_750 = arith.constant 704 : index
        %parallel_loop3A_751 = tpu.vector_load %arg8[%parallel_loop3A_749, %parallel_loop3A_750] {strides = array<i32>} : memref<16x1024xf32, #tpu.memory_space<vmem>>, vector<1x16xf32>,
        %parallel_loop3A_752 = vector.shape_cast %parallel_loop3A_751 : vector<1x16xf32> to vector<16xf32>
        %parallel_loop3A_753 = arith.index_cast %parallel_loop3A_132 : i32 to index
        %parallel_loop3A_754 = arith.constant 704 : index
        %parallel_loop3A_755 = tpu.vector_load %arg10[%parallel_loop3A_753, %parallel_loop3A_754] {strides = array<i32>} : memref<16x1024xf32, #tpu.memory_space<vmem>>, vector<1x16xf32>,
        %parallel_loop3A_756 = vector.shape_cast %parallel_loop3A_755 : vector<1x16xf32> to vector<16xf32>
        %parallel_loop3A_757 = arith.addf %parallel_loop3A_752, %parallel_loop3A_756 : vector<16xf32>
        %parallel_loop3A_758 = arith.index_cast %parallel_loop3A_132 : i32 to index
        %parallel_loop3A_759 = arith.constant 704 : index
        %parallel_loop3A_760 = tpu.vector_load %arg12[%parallel_loop3A_758, %parallel_loop3A_759] {strides = array<i32>} : memref<16x1024xf32, #tpu.memory_space<vmem>>, vector<1x16xf32>,
        %parallel_loop3A_761 = vector.shape_cast %parallel_loop3A_760 : vector<1x16xf32> to vector<16xf32>
        %parallel_loop3A_762 = vector.shape_cast %parallel_loop3A_757 : vector<16xf32> to vector<1x16xf32>
        tpu.vector_store %arg12[%parallel_loop3A_758, %parallel_loop3A_759], %parallel_loop3A_762 {strides = array<i32>} : memref<16x1024xf32, #tpu.memory_space<vmem>>, vector<1x16xf32>,
        %parallel_loop3A_763 = arith.index_cast %parallel_loop3A_132 : i32 to index
        %parallel_loop3A_764 = arith.constant 720 : index
        %parallel_loop3A_765 = tpu.vector_load %arg8[%parallel_loop3A_763, %parallel_loop3A_764] {strides = array<i32>} : memref<16x1024xf32, #tpu.memory_space<vmem>>, vector<1x16xf32>,
        %parallel_loop3A_766 = vector.shape_cast %parallel_loop3A_765 : vector<1x16xf32> to vector<16xf32>
        %parallel_loop3A_767 = arith.index_cast %parallel_loop3A_132 : i32 to index
        %parallel_loop3A_768 = arith.constant 720 : index
        %parallel_loop3A_769 = tpu.vector_load %arg10[%parallel_loop3A_767, %parallel_loop3A_768] {strides = array<i32>} : memref<16x1024xf32, #tpu.memory_space<vmem>>, vector<1x16xf32>,
        %parallel_loop3A_770 = vector.shape_cast %parallel_loop3A_769 : vector<1x16xf32> to vector<16xf32>
        %parallel_loop3A_771 = arith.addf %parallel_loop3A_766, %parallel_loop3A_770 : vector<16xf32>
        %parallel_loop3A_772 = arith.index_cast %parallel_loop3A_132 : i32 to index
        %parallel_loop3A_773 = arith.constant 720 : index
        %parallel_loop3A_774 = tpu.vector_load %arg12[%parallel_loop3A_772, %parallel_loop3A_773] {strides = array<i32>} : memref<16x1024xf32, #tpu.memory_space<vmem>>, vector<1x16xf32>,
        %parallel_loop3A_775 = vector.shape_cast %parallel_loop3A_774 : vector<1x16xf32> to vector<16xf32>
        %parallel_loop3A_776 = vector.shape_cast %parallel_loop3A_771 : vector<16xf32> to vector<1x16xf32>
        tpu.vector_store %arg12[%parallel_loop3A_772, %parallel_loop3A_773], %parallel_loop3A_776 {strides = array<i32>} : memref<16x1024xf32, #tpu.memory_space<vmem>>, vector<1x16xf32>,
        %parallel_loop3A_777 = arith.index_cast %parallel_loop3A_132 : i32 to index
        %parallel_loop3A_778 = arith.constant 736 : index
        %parallel_loop3A_779 = tpu.vector_load %arg8[%parallel_loop3A_777, %parallel_loop3A_778] {strides = array<i32>} : memref<16x1024xf32, #tpu.memory_space<vmem>>, vector<1x16xf32>,
        %parallel_loop3A_780 = vector.shape_cast %parallel_loop3A_779 : vector<1x16xf32> to vector<16xf32>
        %parallel_loop3A_781 = arith.index_cast %parallel_loop3A_132 : i32 to index
        %parallel_loop3A_782 = arith.constant 736 : index
        %parallel_loop3A_783 = tpu.vector_load %arg10[%parallel_loop3A_781, %parallel_loop3A_782] {strides = array<i32>} : memref<16x1024xf32, #tpu.memory_space<vmem>>, vector<1x16xf32>,
        %parallel_loop3A_784 = vector.shape_cast %parallel_loop3A_783 : vector<1x16xf32> to vector<16xf32>
        %parallel_loop3A_785 = arith.addf %parallel_loop3A_780, %parallel_loop3A_784 : vector<16xf32>
        %parallel_loop3A_786 = arith.index_cast %parallel_loop3A_132 : i32 to index
        %parallel_loop3A_787 = arith.constant 736 : index
        %parallel_loop3A_788 = tpu.vector_load %arg12[%parallel_loop3A_786, %parallel_loop3A_787] {strides = array<i32>} : memref<16x1024xf32, #tpu.memory_space<vmem>>, vector<1x16xf32>,
        %parallel_loop3A_789 = vector.shape_cast %parallel_loop3A_788 : vector<1x16xf32> to vector<16xf32>
        %parallel_loop3A_790 = vector.shape_cast %parallel_loop3A_785 : vector<16xf32> to vector<1x16xf32>
        tpu.vector_store %arg12[%parallel_loop3A_786, %parallel_loop3A_787], %parallel_loop3A_790 {strides = array<i32>} : memref<16x1024xf32, #tpu.memory_space<vmem>>, vector<1x16xf32>,
        %parallel_loop3A_791 = arith.index_cast %parallel_loop3A_132 : i32 to index
        %parallel_loop3A_792 = arith.constant 752 : index
        %parallel_loop3A_793 = tpu.vector_load %arg8[%parallel_loop3A_791, %parallel_loop3A_792] {strides = array<i32>} : memref<16x1024xf32, #tpu.memory_space<vmem>>, vector<1x16xf32>,
        %parallel_loop3A_794 = vector.shape_cast %parallel_loop3A_793 : vector<1x16xf32> to vector<16xf32>
        %parallel_loop3A_795 = arith.index_cast %parallel_loop3A_132 : i32 to index
        %parallel_loop3A_796 = arith.constant 752 : index
        %parallel_loop3A_797 = tpu.vector_load %arg10[%parallel_loop3A_795, %parallel_loop3A_796] {strides = array<i32>} : memref<16x1024xf32, #tpu.memory_space<vmem>>, vector<1x16xf32>,
        %parallel_loop3A_798 = vector.shape_cast %parallel_loop3A_797 : vector<1x16xf32> to vector<16xf32>
        %parallel_loop3A_799 = arith.addf %parallel_loop3A_794, %parallel_loop3A_798 : vector<16xf32>
        %parallel_loop3A_800 = arith.index_cast %parallel_loop3A_132 : i32 to index
        %parallel_loop3A_801 = arith.constant 752 : index
        %parallel_loop3A_802 = tpu.vector_load %arg12[%parallel_loop3A_800, %parallel_loop3A_801] {strides = array<i32>} : memref<16x1024xf32, #tpu.memory_space<vmem>>, vector<1x16xf32>,
        %parallel_loop3A_803 = vector.shape_cast %parallel_loop3A_802 : vector<1x16xf32> to vector<16xf32>
        %parallel_loop3A_804 = vector.shape_cast %parallel_loop3A_799 : vector<16xf32> to vector<1x16xf32>
        tpu.vector_store %arg12[%parallel_loop3A_800, %parallel_loop3A_801], %parallel_loop3A_804 {strides = array<i32>} : memref<16x1024xf32, #tpu.memory_space<vmem>>, vector<1x16xf32>,
        %parallel_loop3A_805 = arith.index_cast %parallel_loop3A_132 : i32 to index
        %parallel_loop3A_806 = arith.constant 768 : index
        %parallel_loop3A_807 = tpu.vector_load %arg8[%parallel_loop3A_805, %parallel_loop3A_806] {strides = array<i32>} : memref<16x1024xf32, #tpu.memory_space<vmem>>, vector<1x16xf32>,
        %parallel_loop3A_808 = vector.shape_cast %parallel_loop3A_807 : vector<1x16xf32> to vector<16xf32>
        %parallel_loop3A_809 = arith.index_cast %parallel_loop3A_132 : i32 to index
        %parallel_loop3A_810 = arith.constant 768 : index
        %parallel_loop3A_811 = tpu.vector_load %arg10[%parallel_loop3A_809, %parallel_loop3A_810] {strides = array<i32>} : memref<16x1024xf32, #tpu.memory_space<vmem>>, vector<1x16xf32>,
        %parallel_loop3A_812 = vector.shape_cast %parallel_loop3A_811 : vector<1x16xf32> to vector<16xf32>
        %parallel_loop3A_813 = arith.addf %parallel_loop3A_808, %parallel_loop3A_812 : vector<16xf32>
        %parallel_loop3A_814 = arith.index_cast %parallel_loop3A_132 : i32 to index
        %parallel_loop3A_815 = arith.constant 768 : index
        %parallel_loop3A_816 = tpu.vector_load %arg12[%parallel_loop3A_814, %parallel_loop3A_815] {strides = array<i32>} : memref<16x1024xf32, #tpu.memory_space<vmem>>, vector<1x16xf32>,
        %parallel_loop3A_817 = vector.shape_cast %parallel_loop3A_816 : vector<1x16xf32> to vector<16xf32>
        %parallel_loop3A_818 = vector.shape_cast %parallel_loop3A_813 : vector<16xf32> to vector<1x16xf32>
        tpu.vector_store %arg12[%parallel_loop3A_814, %parallel_loop3A_815], %parallel_loop3A_818 {strides = array<i32>} : memref<16x1024xf32, #tpu.memory_space<vmem>>, vector<1x16xf32>,
        %parallel_loop3A_819 = arith.index_cast %parallel_loop3A_132 : i32 to index
        %parallel_loop3A_820 = arith.constant 784 : index
        %parallel_loop3A_821 = tpu.vector_load %arg8[%parallel_loop3A_819, %parallel_loop3A_820] {strides = array<i32>} : memref<16x1024xf32, #tpu.memory_space<vmem>>, vector<1x16xf32>,
        %parallel_loop3A_822 = vector.shape_cast %parallel_loop3A_821 : vector<1x16xf32> to vector<16xf32>
        %parallel_loop3A_823 = arith.index_cast %parallel_loop3A_132 : i32 to index
        %parallel_loop3A_824 = arith.constant 784 : index
        %parallel_loop3A_825 = tpu.vector_load %arg10[%parallel_loop3A_823, %parallel_loop3A_824] {strides = array<i32>} : memref<16x1024xf32, #tpu.memory_space<vmem>>, vector<1x16xf32>,
        %parallel_loop3A_826 = vector.shape_cast %parallel_loop3A_825 : vector<1x16xf32> to vector<16xf32>
        %parallel_loop3A_827 = arith.addf %parallel_loop3A_822, %parallel_loop3A_826 : vector<16xf32>
        %parallel_loop3A_828 = arith.index_cast %parallel_loop3A_132 : i32 to index
        %parallel_loop3A_829 = arith.constant 784 : index
        %parallel_loop3A_830 = tpu.vector_load %arg12[%parallel_loop3A_828, %parallel_loop3A_829] {strides = array<i32>} : memref<16x1024xf32, #tpu.memory_space<vmem>>, vector<1x16xf32>,
        %parallel_loop3A_831 = vector.shape_cast %parallel_loop3A_830 : vector<1x16xf32> to vector<16xf32>
        %parallel_loop3A_832 = vector.shape_cast %parallel_loop3A_827 : vector<16xf32> to vector<1x16xf32>
        tpu.vector_store %arg12[%parallel_loop3A_828, %parallel_loop3A_829], %parallel_loop3A_832 {strides = array<i32>} : memref<16x1024xf32, #tpu.memory_space<vmem>>, vector<1x16xf32>,
        %parallel_loop3A_833 = arith.index_cast %parallel_loop3A_132 : i32 to index
        %parallel_loop3A_834 = arith.constant 800 : index
        %parallel_loop3A_835 = tpu.vector_load %arg8[%parallel_loop3A_833, %parallel_loop3A_834] {strides = array<i32>} : memref<16x1024xf32, #tpu.memory_space<vmem>>, vector<1x16xf32>,
        %parallel_loop3A_836 = vector.shape_cast %parallel_loop3A_835 : vector<1x16xf32> to vector<16xf32>
        %parallel_loop3A_837 = arith.index_cast %parallel_loop3A_132 : i32 to index
        %parallel_loop3A_838 = arith.constant 800 : index
        %parallel_loop3A_839 = tpu.vector_load %arg10[%parallel_loop3A_837, %parallel_loop3A_838] {strides = array<i32>} : memref<16x1024xf32, #tpu.memory_space<vmem>>, vector<1x16xf32>,
        %parallel_loop3A_840 = vector.shape_cast %parallel_loop3A_839 : vector<1x16xf32> to vector<16xf32>
        %parallel_loop3A_841 = arith.addf %parallel_loop3A_836, %parallel_loop3A_840 : vector<16xf32>
        %parallel_loop3A_842 = arith.index_cast %parallel_loop3A_132 : i32 to index
        %parallel_loop3A_843 = arith.constant 800 : index
        %parallel_loop3A_844 = tpu.vector_load %arg12[%parallel_loop3A_842, %parallel_loop3A_843] {strides = array<i32>} : memref<16x1024xf32, #tpu.memory_space<vmem>>, vector<1x16xf32>,
        %parallel_loop3A_845 = vector.shape_cast %parallel_loop3A_844 : vector<1x16xf32> to vector<16xf32>
        %parallel_loop3A_846 = vector.shape_cast %parallel_loop3A_841 : vector<16xf32> to vector<1x16xf32>
        tpu.vector_store %arg12[%parallel_loop3A_842, %parallel_loop3A_843], %parallel_loop3A_846 {strides = array<i32>} : memref<16x1024xf32, #tpu.memory_space<vmem>>, vector<1x16xf32>,
        %parallel_loop3A_847 = arith.index_cast %parallel_loop3A_132 : i32 to index
        %parallel_loop3A_848 = arith.constant 816 : index
        %parallel_loop3A_849 = tpu.vector_load %arg8[%parallel_loop3A_847, %parallel_loop3A_848] {strides = array<i32>} : memref<16x1024xf32, #tpu.memory_space<vmem>>, vector<1x16xf32>,
        %parallel_loop3A_850 = vector.shape_cast %parallel_loop3A_849 : vector<1x16xf32> to vector<16xf32>
        %parallel_loop3A_851 = arith.index_cast %parallel_loop3A_132 : i32 to index
        %parallel_loop3A_852 = arith.constant 816 : index
        %parallel_loop3A_853 = tpu.vector_load %arg10[%parallel_loop3A_851, %parallel_loop3A_852] {strides = array<i32>} : memref<16x1024xf32, #tpu.memory_space<vmem>>, vector<1x16xf32>,
        %parallel_loop3A_854 = vector.shape_cast %parallel_loop3A_853 : vector<1x16xf32> to vector<16xf32>
        %parallel_loop3A_855 = arith.addf %parallel_loop3A_850, %parallel_loop3A_854 : vector<16xf32>
        %parallel_loop3A_856 = arith.index_cast %parallel_loop3A_132 : i32 to index
        %parallel_loop3A_857 = arith.constant 816 : index
        %parallel_loop3A_858 = tpu.vector_load %arg12[%parallel_loop3A_856, %parallel_loop3A_857] {strides = array<i32>} : memref<16x1024xf32, #tpu.memory_space<vmem>>, vector<1x16xf32>,
        %parallel_loop3A_859 = vector.shape_cast %parallel_loop3A_858 : vector<1x16xf32> to vector<16xf32>
        %parallel_loop3A_860 = vector.shape_cast %parallel_loop3A_855 : vector<16xf32> to vector<1x16xf32>
        tpu.vector_store %arg12[%parallel_loop3A_856, %parallel_loop3A_857], %parallel_loop3A_860 {strides = array<i32>} : memref<16x1024xf32, #tpu.memory_space<vmem>>, vector<1x16xf32>,
        %parallel_loop3A_861 = arith.index_cast %parallel_loop3A_132 : i32 to index
        %parallel_loop3A_862 = arith.constant 832 : index
        %parallel_loop3A_863 = tpu.vector_load %arg8[%parallel_loop3A_861, %parallel_loop3A_862] {strides = array<i32>} : memref<16x1024xf32, #tpu.memory_space<vmem>>, vector<1x16xf32>,
        %parallel_loop3A_864 = vector.shape_cast %parallel_loop3A_863 : vector<1x16xf32> to vector<16xf32>
        %parallel_loop3A_865 = arith.index_cast %parallel_loop3A_132 : i32 to index
        %parallel_loop3A_866 = arith.constant 832 : index
        %parallel_loop3A_867 = tpu.vector_load %arg10[%parallel_loop3A_865, %parallel_loop3A_866] {strides = array<i32>} : memref<16x1024xf32, #tpu.memory_space<vmem>>, vector<1x16xf32>,
        %parallel_loop3A_868 = vector.shape_cast %parallel_loop3A_867 : vector<1x16xf32> to vector<16xf32>
        %parallel_loop3A_869 = arith.addf %parallel_loop3A_864, %parallel_loop3A_868 : vector<16xf32>
        %parallel_loop3A_870 = arith.index_cast %parallel_loop3A_132 : i32 to index
        %parallel_loop3A_871 = arith.constant 832 : index
        %parallel_loop3A_872 = tpu.vector_load %arg12[%parallel_loop3A_870, %parallel_loop3A_871] {strides = array<i32>} : memref<16x1024xf32, #tpu.memory_space<vmem>>, vector<1x16xf32>,
        %parallel_loop3A_873 = vector.shape_cast %parallel_loop3A_872 : vector<1x16xf32> to vector<16xf32>
        %parallel_loop3A_874 = vector.shape_cast %parallel_loop3A_869 : vector<16xf32> to vector<1x16xf32>
        tpu.vector_store %arg12[%parallel_loop3A_870, %parallel_loop3A_871], %parallel_loop3A_874 {strides = array<i32>} : memref<16x1024xf32, #tpu.memory_space<vmem>>, vector<1x16xf32>,
        %parallel_loop3A_875 = arith.index_cast %parallel_loop3A_132 : i32 to index
        %parallel_loop3A_876 = arith.constant 848 : index
        %parallel_loop3A_877 = tpu.vector_load %arg8[%parallel_loop3A_875, %parallel_loop3A_876] {strides = array<i32>} : memref<16x1024xf32, #tpu.memory_space<vmem>>, vector<1x16xf32>,
        %parallel_loop3A_878 = vector.shape_cast %parallel_loop3A_877 : vector<1x16xf32> to vector<16xf32>
        %parallel_loop3A_879 = arith.index_cast %parallel_loop3A_132 : i32 to index
        %parallel_loop3A_880 = arith.constant 848 : index
        %parallel_loop3A_881 = tpu.vector_load %arg10[%parallel_loop3A_879, %parallel_loop3A_880] {strides = array<i32>} : memref<16x1024xf32, #tpu.memory_space<vmem>>, vector<1x16xf32>,
        %parallel_loop3A_882 = vector.shape_cast %parallel_loop3A_881 : vector<1x16xf32> to vector<16xf32>
        %parallel_loop3A_883 = arith.addf %parallel_loop3A_878, %parallel_loop3A_882 : vector<16xf32>
        %parallel_loop3A_884 = arith.index_cast %parallel_loop3A_132 : i32 to index
        %parallel_loop3A_885 = arith.constant 848 : index
        %parallel_loop3A_886 = tpu.vector_load %arg12[%parallel_loop3A_884, %parallel_loop3A_885] {strides = array<i32>} : memref<16x1024xf32, #tpu.memory_space<vmem>>, vector<1x16xf32>,
        %parallel_loop3A_887 = vector.shape_cast %parallel_loop3A_886 : vector<1x16xf32> to vector<16xf32>
        %parallel_loop3A_888 = vector.shape_cast %parallel_loop3A_883 : vector<16xf32> to vector<1x16xf32>
        tpu.vector_store %arg12[%parallel_loop3A_884, %parallel_loop3A_885], %parallel_loop3A_888 {strides = array<i32>} : memref<16x1024xf32, #tpu.memory_space<vmem>>, vector<1x16xf32>,
        %parallel_loop3A_889 = arith.index_cast %parallel_loop3A_132 : i32 to index
        %parallel_loop3A_890 = arith.constant 864 : index
        %parallel_loop3A_891 = tpu.vector_load %arg8[%parallel_loop3A_889, %parallel_loop3A_890] {strides = array<i32>} : memref<16x1024xf32, #tpu.memory_space<vmem>>, vector<1x16xf32>,
        %parallel_loop3A_892 = vector.shape_cast %parallel_loop3A_891 : vector<1x16xf32> to vector<16xf32>
        %parallel_loop3A_893 = arith.index_cast %parallel_loop3A_132 : i32 to index
        %parallel_loop3A_894 = arith.constant 864 : index
        %parallel_loop3A_895 = tpu.vector_load %arg10[%parallel_loop3A_893, %parallel_loop3A_894] {strides = array<i32>} : memref<16x1024xf32, #tpu.memory_space<vmem>>, vector<1x16xf32>,
        %parallel_loop3A_896 = vector.shape_cast %parallel_loop3A_895 : vector<1x16xf32> to vector<16xf32>
        %parallel_loop3A_897 = arith.addf %parallel_loop3A_892, %parallel_loop3A_896 : vector<16xf32>
        %parallel_loop3A_898 = arith.index_cast %parallel_loop3A_132 : i32 to index
        %parallel_loop3A_899 = arith.constant 864 : index
        %parallel_loop3A_900 = tpu.vector_load %arg12[%parallel_loop3A_898, %parallel_loop3A_899] {strides = array<i32>} : memref<16x1024xf32, #tpu.memory_space<vmem>>, vector<1x16xf32>,
        %parallel_loop3A_901 = vector.shape_cast %parallel_loop3A_900 : vector<1x16xf32> to vector<16xf32>
        %parallel_loop3A_902 = vector.shape_cast %parallel_loop3A_897 : vector<16xf32> to vector<1x16xf32>
        tpu.vector_store %arg12[%parallel_loop3A_898, %parallel_loop3A_899], %parallel_loop3A_902 {strides = array<i32>} : memref<16x1024xf32, #tpu.memory_space<vmem>>, vector<1x16xf32>,
        %parallel_loop3A_903 = arith.index_cast %parallel_loop3A_132 : i32 to index
        %parallel_loop3A_904 = arith.constant 880 : index
        %parallel_loop3A_905 = tpu.vector_load %arg8[%parallel_loop3A_903, %parallel_loop3A_904] {strides = array<i32>} : memref<16x1024xf32, #tpu.memory_space<vmem>>, vector<1x16xf32>,
        %parallel_loop3A_906 = vector.shape_cast %parallel_loop3A_905 : vector<1x16xf32> to vector<16xf32>
        %parallel_loop3A_907 = arith.index_cast %parallel_loop3A_132 : i32 to index
        %parallel_loop3A_908 = arith.constant 880 : index
        %parallel_loop3A_909 = tpu.vector_load %arg10[%parallel_loop3A_907, %parallel_loop3A_908] {strides = array<i32>} : memref<16x1024xf32, #tpu.memory_space<vmem>>, vector<1x16xf32>,
        %parallel_loop3A_910 = vector.shape_cast %parallel_loop3A_909 : vector<1x16xf32> to vector<16xf32>
        %parallel_loop3A_911 = arith.addf %parallel_loop3A_906, %parallel_loop3A_910 : vector<16xf32>
        %parallel_loop3A_912 = arith.index_cast %parallel_loop3A_132 : i32 to index
        %parallel_loop3A_913 = arith.constant 880 : index
        %parallel_loop3A_914 = tpu.vector_load %arg12[%parallel_loop3A_912, %parallel_loop3A_913] {strides = array<i32>} : memref<16x1024xf32, #tpu.memory_space<vmem>>, vector<1x16xf32>,
        %parallel_loop3A_915 = vector.shape_cast %parallel_loop3A_914 : vector<1x16xf32> to vector<16xf32>
        %parallel_loop3A_916 = vector.shape_cast %parallel_loop3A_911 : vector<16xf32> to vector<1x16xf32>
        tpu.vector_store %arg12[%parallel_loop3A_912, %parallel_loop3A_913], %parallel_loop3A_916 {strides = array<i32>} : memref<16x1024xf32, #tpu.memory_space<vmem>>, vector<1x16xf32>,
        %parallel_loop3A_917 = arith.index_cast %parallel_loop3A_132 : i32 to index
        %parallel_loop3A_918 = arith.constant 896 : index
        %parallel_loop3A_919 = tpu.vector_load %arg8[%parallel_loop3A_917, %parallel_loop3A_918] {strides = array<i32>} : memref<16x1024xf32, #tpu.memory_space<vmem>>, vector<1x16xf32>,
        %parallel_loop3A_920 = vector.shape_cast %parallel_loop3A_919 : vector<1x16xf32> to vector<16xf32>
        %parallel_loop3A_921 = arith.index_cast %parallel_loop3A_132 : i32 to index
        %parallel_loop3A_922 = arith.constant 896 : index
        %parallel_loop3A_923 = tpu.vector_load %arg10[%parallel_loop3A_921, %parallel_loop3A_922] {strides = array<i32>} : memref<16x1024xf32, #tpu.memory_space<vmem>>, vector<1x16xf32>,
        %parallel_loop3A_924 = vector.shape_cast %parallel_loop3A_923 : vector<1x16xf32> to vector<16xf32>
        %parallel_loop3A_925 = arith.addf %parallel_loop3A_920, %parallel_loop3A_924 : vector<16xf32>
        %parallel_loop3A_926 = arith.index_cast %parallel_loop3A_132 : i32 to index
        %parallel_loop3A_927 = arith.constant 896 : index
        %parallel_loop3A_928 = tpu.vector_load %arg12[%parallel_loop3A_926, %parallel_loop3A_927] {strides = array<i32>} : memref<16x1024xf32, #tpu.memory_space<vmem>>, vector<1x16xf32>,
        %parallel_loop3A_929 = vector.shape_cast %parallel_loop3A_928 : vector<1x16xf32> to vector<16xf32>
        %parallel_loop3A_930 = vector.shape_cast %parallel_loop3A_925 : vector<16xf32> to vector<1x16xf32>
        tpu.vector_store %arg12[%parallel_loop3A_926, %parallel_loop3A_927], %parallel_loop3A_930 {strides = array<i32>} : memref<16x1024xf32, #tpu.memory_space<vmem>>, vector<1x16xf32>,
        %parallel_loop3A_931 = arith.index_cast %parallel_loop3A_132 : i32 to index
        %parallel_loop3A_932 = arith.constant 912 : index
        %parallel_loop3A_933 = tpu.vector_load %arg8[%parallel_loop3A_931, %parallel_loop3A_932] {strides = array<i32>} : memref<16x1024xf32, #tpu.memory_space<vmem>>, vector<1x16xf32>,
        %parallel_loop3A_934 = vector.shape_cast %parallel_loop3A_933 : vector<1x16xf32> to vector<16xf32>
        %parallel_loop3A_935 = arith.index_cast %parallel_loop3A_132 : i32 to index
        %parallel_loop3A_936 = arith.constant 912 : index
        %parallel_loop3A_937 = tpu.vector_load %arg10[%parallel_loop3A_935, %parallel_loop3A_936] {strides = array<i32>} : memref<16x1024xf32, #tpu.memory_space<vmem>>, vector<1x16xf32>,
        %parallel_loop3A_938 = vector.shape_cast %parallel_loop3A_937 : vector<1x16xf32> to vector<16xf32>
        %parallel_loop3A_939 = arith.addf %parallel_loop3A_934, %parallel_loop3A_938 : vector<16xf32>
        %parallel_loop3A_940 = arith.index_cast %parallel_loop3A_132 : i32 to index
        %parallel_loop3A_941 = arith.constant 912 : index
        %parallel_loop3A_942 = tpu.vector_load %arg12[%parallel_loop3A_940, %parallel_loop3A_941] {strides = array<i32>} : memref<16x1024xf32, #tpu.memory_space<vmem>>, vector<1x16xf32>,
        %parallel_loop3A_943 = vector.shape_cast %parallel_loop3A_942 : vector<1x16xf32> to vector<16xf32>
        %parallel_loop3A_944 = vector.shape_cast %parallel_loop3A_939 : vector<16xf32> to vector<1x16xf32>
        tpu.vector_store %arg12[%parallel_loop3A_940, %parallel_loop3A_941], %parallel_loop3A_944 {strides = array<i32>} : memref<16x1024xf32, #tpu.memory_space<vmem>>, vector<1x16xf32>,
        %parallel_loop3A_945 = arith.index_cast %parallel_loop3A_132 : i32 to index
        %parallel_loop3A_946 = arith.constant 928 : index
        %parallel_loop3A_947 = tpu.vector_load %arg8[%parallel_loop3A_945, %parallel_loop3A_946] {strides = array<i32>} : memref<16x1024xf32, #tpu.memory_space<vmem>>, vector<1x16xf32>,
        %parallel_loop3A_948 = vector.shape_cast %parallel_loop3A_947 : vector<1x16xf32> to vector<16xf32>
        %parallel_loop3A_949 = arith.index_cast %parallel_loop3A_132 : i32 to index
        %parallel_loop3A_950 = arith.constant 928 : index
        %parallel_loop3A_951 = tpu.vector_load %arg10[%parallel_loop3A_949, %parallel_loop3A_950] {strides = array<i32>} : memref<16x1024xf32, #tpu.memory_space<vmem>>, vector<1x16xf32>,
        %parallel_loop3A_952 = vector.shape_cast %parallel_loop3A_951 : vector<1x16xf32> to vector<16xf32>
        %parallel_loop3A_953 = arith.addf %parallel_loop3A_948, %parallel_loop3A_952 : vector<16xf32>
        %parallel_loop3A_954 = arith.index_cast %parallel_loop3A_132 : i32 to index
        %parallel_loop3A_955 = arith.constant 928 : index
        %parallel_loop3A_956 = tpu.vector_load %arg12[%parallel_loop3A_954, %parallel_loop3A_955] {strides = array<i32>} : memref<16x1024xf32, #tpu.memory_space<vmem>>, vector<1x16xf32>,
        %parallel_loop3A_957 = vector.shape_cast %parallel_loop3A_956 : vector<1x16xf32> to vector<16xf32>
        %parallel_loop3A_958 = vector.shape_cast %parallel_loop3A_953 : vector<16xf32> to vector<1x16xf32>
        tpu.vector_store %arg12[%parallel_loop3A_954, %parallel_loop3A_955], %parallel_loop3A_958 {strides = array<i32>} : memref<16x1024xf32, #tpu.memory_space<vmem>>, vector<1x16xf32>,
        %parallel_loop3A_959 = arith.index_cast %parallel_loop3A_132 : i32 to index
        %parallel_loop3A_960 = arith.constant 944 : index
        %parallel_loop3A_961 = tpu.vector_load %arg8[%parallel_loop3A_959, %parallel_loop3A_960] {strides = array<i32>} : memref<16x1024xf32, #tpu.memory_space<vmem>>, vector<1x16xf32>,
        %parallel_loop3A_962 = vector.shape_cast %parallel_loop3A_961 : vector<1x16xf32> to vector<16xf32>
        %parallel_loop3A_963 = arith.index_cast %parallel_loop3A_132 : i32 to index
        %parallel_loop3A_964 = arith.constant 944 : index
        %parallel_loop3A_965 = tpu.vector_load %arg10[%parallel_loop3A_963, %parallel_loop3A_964] {strides = array<i32>} : memref<16x1024xf32, #tpu.memory_space<vmem>>, vector<1x16xf32>,
        %parallel_loop3A_966 = vector.shape_cast %parallel_loop3A_965 : vector<1x16xf32> to vector<16xf32>
        %parallel_loop3A_967 = arith.addf %parallel_loop3A_962, %parallel_loop3A_966 : vector<16xf32>
        %parallel_loop3A_968 = arith.index_cast %parallel_loop3A_132 : i32 to index
        %parallel_loop3A_969 = arith.constant 944 : index
        %parallel_loop3A_970 = tpu.vector_load %arg12[%parallel_loop3A_968, %parallel_loop3A_969] {strides = array<i32>} : memref<16x1024xf32, #tpu.memory_space<vmem>>, vector<1x16xf32>,
        %parallel_loop3A_971 = vector.shape_cast %parallel_loop3A_970 : vector<1x16xf32> to vector<16xf32>
        %parallel_loop3A_972 = vector.shape_cast %parallel_loop3A_967 : vector<16xf32> to vector<1x16xf32>
        tpu.vector_store %arg12[%parallel_loop3A_968, %parallel_loop3A_969], %parallel_loop3A_972 {strides = array<i32>} : memref<16x1024xf32, #tpu.memory_space<vmem>>, vector<1x16xf32>,
        %parallel_loop3A_973 = arith.index_cast %parallel_loop3A_132 : i32 to index
        %parallel_loop3A_974 = arith.constant 960 : index
        %parallel_loop3A_975 = tpu.vector_load %arg8[%parallel_loop3A_973, %parallel_loop3A_974] {strides = array<i32>} : memref<16x1024xf32, #tpu.memory_space<vmem>>, vector<1x16xf32>,
        %parallel_loop3A_976 = vector.shape_cast %parallel_loop3A_975 : vector<1x16xf32> to vector<16xf32>
        %parallel_loop3A_977 = arith.index_cast %parallel_loop3A_132 : i32 to index
        %parallel_loop3A_978 = arith.constant 960 : index
        %parallel_loop3A_979 = tpu.vector_load %arg10[%parallel_loop3A_977, %parallel_loop3A_978] {strides = array<i32>} : memref<16x1024xf32, #tpu.memory_space<vmem>>, vector<1x16xf32>,
        %parallel_loop3A_980 = vector.shape_cast %parallel_loop3A_979 : vector<1x16xf32> to vector<16xf32>
        %parallel_loop3A_981 = arith.addf %parallel_loop3A_976, %parallel_loop3A_980 : vector<16xf32>
        %parallel_loop3A_982 = arith.index_cast %parallel_loop3A_132 : i32 to index
        %parallel_loop3A_983 = arith.constant 960 : index
        %parallel_loop3A_984 = tpu.vector_load %arg12[%parallel_loop3A_982, %parallel_loop3A_983] {strides = array<i32>} : memref<16x1024xf32, #tpu.memory_space<vmem>>, vector<1x16xf32>,
        %parallel_loop3A_985 = vector.shape_cast %parallel_loop3A_984 : vector<1x16xf32> to vector<16xf32>
        %parallel_loop3A_986 = vector.shape_cast %parallel_loop3A_981 : vector<16xf32> to vector<1x16xf32>
        tpu.vector_store %arg12[%parallel_loop3A_982, %parallel_loop3A_983], %parallel_loop3A_986 {strides = array<i32>} : memref<16x1024xf32, #tpu.memory_space<vmem>>, vector<1x16xf32>,
        %parallel_loop3A_987 = arith.index_cast %parallel_loop3A_132 : i32 to index
        %parallel_loop3A_988 = arith.constant 976 : index
        %parallel_loop3A_989 = tpu.vector_load %arg8[%parallel_loop3A_987, %parallel_loop3A_988] {strides = array<i32>} : memref<16x1024xf32, #tpu.memory_space<vmem>>, vector<1x16xf32>,
        %parallel_loop3A_990 = vector.shape_cast %parallel_loop3A_989 : vector<1x16xf32> to vector<16xf32>
        %parallel_loop3A_991 = arith.index_cast %parallel_loop3A_132 : i32 to index
        %parallel_loop3A_992 = arith.constant 976 : index
        %parallel_loop3A_993 = tpu.vector_load %arg10[%parallel_loop3A_991, %parallel_loop3A_992] {strides = array<i32>} : memref<16x1024xf32, #tpu.memory_space<vmem>>, vector<1x16xf32>,
        %parallel_loop3A_994 = vector.shape_cast %parallel_loop3A_993 : vector<1x16xf32> to vector<16xf32>
        %parallel_loop3A_995 = arith.addf %parallel_loop3A_990, %parallel_loop3A_994 : vector<16xf32>
        %parallel_loop3A_996 = arith.index_cast %parallel_loop3A_132 : i32 to index
        %parallel_loop3A_997 = arith.constant 976 : index
        %parallel_loop3A_998 = tpu.vector_load %arg12[%parallel_loop3A_996, %parallel_loop3A_997] {strides = array<i32>} : memref<16x1024xf32, #tpu.memory_space<vmem>>, vector<1x16xf32>,
        %parallel_loop3A_999 = vector.shape_cast %parallel_loop3A_998 : vector<1x16xf32> to vector<16xf32>
        %parallel_loop3A_1000 = vector.shape_cast %parallel_loop3A_995 : vector<16xf32> to vector<1x16xf32>
        tpu.vector_store %arg12[%parallel_loop3A_996, %parallel_loop3A_997], %parallel_loop3A_1000 {strides = array<i32>} : memref<16x1024xf32, #tpu.memory_space<vmem>>, vector<1x16xf32>,
        %parallel_loop3A_1001 = arith.index_cast %parallel_loop3A_132 : i32 to index
        %parallel_loop3A_1002 = arith.constant 992 : index
        %parallel_loop3A_1003 = tpu.vector_load %arg8[%parallel_loop3A_1001, %parallel_loop3A_1002] {strides = array<i32>} : memref<16x1024xf32, #tpu.memory_space<vmem>>, vector<1x16xf32>,
        %parallel_loop3A_1004 = vector.shape_cast %parallel_loop3A_1003 : vector<1x16xf32> to vector<16xf32>
        %parallel_loop3A_1005 = arith.index_cast %parallel_loop3A_132 : i32 to index
        %parallel_loop3A_1006 = arith.constant 992 : index
        %parallel_loop3A_1007 = tpu.vector_load %arg10[%parallel_loop3A_1005, %parallel_loop3A_1006] {strides = array<i32>} : memref<16x1024xf32, #tpu.memory_space<vmem>>, vector<1x16xf32>,
        %parallel_loop3A_1008 = vector.shape_cast %parallel_loop3A_1007 : vector<1x16xf32> to vector<16xf32>
        %parallel_loop3A_1009 = arith.addf %parallel_loop3A_1004, %parallel_loop3A_1008 : vector<16xf32>
        %parallel_loop3A_1010 = arith.index_cast %parallel_loop3A_132 : i32 to index
        %parallel_loop3A_1011 = arith.constant 992 : index
        %parallel_loop3A_1012 = tpu.vector_load %arg12[%parallel_loop3A_1010, %parallel_loop3A_1011] {strides = array<i32>} : memref<16x1024xf32, #tpu.memory_space<vmem>>, vector<1x16xf32>,
        %parallel_loop3A_1013 = vector.shape_cast %parallel_loop3A_1012 : vector<1x16xf32> to vector<16xf32>
        %parallel_loop3A_1014 = vector.shape_cast %parallel_loop3A_1009 : vector<16xf32> to vector<1x16xf32>
        tpu.vector_store %arg12[%parallel_loop3A_1010, %parallel_loop3A_1011], %parallel_loop3A_1014 {strides = array<i32>} : memref<16x1024xf32, #tpu.memory_space<vmem>>, vector<1x16xf32>,
        %parallel_loop3A_1015 = arith.index_cast %parallel_loop3A_132 : i32 to index
        %parallel_loop3A_1016 = arith.constant 1008 : index
        %parallel_loop3A_1017 = tpu.vector_load %arg8[%parallel_loop3A_1015, %parallel_loop3A_1016] {strides = array<i32>} : memref<16x1024xf32, #tpu.memory_space<vmem>>, vector<1x16xf32>,
        %parallel_loop3A_1018 = vector.shape_cast %parallel_loop3A_1017 : vector<1x16xf32> to vector<16xf32>
        %parallel_loop3A_1019 = arith.index_cast %parallel_loop3A_132 : i32 to index
        %parallel_loop3A_1020 = arith.constant 1008 : index
        %parallel_loop3A_1021 = tpu.vector_load %arg10[%parallel_loop3A_1019, %parallel_loop3A_1020] {strides = array<i32>} : memref<16x1024xf32, #tpu.memory_space<vmem>>, vector<1x16xf32>,
        %parallel_loop3A_1022 = vector.shape_cast %parallel_loop3A_1021 : vector<1x16xf32> to vector<16xf32>
        %parallel_loop3A_1023 = arith.addf %parallel_loop3A_1018, %parallel_loop3A_1022 : vector<16xf32>
        %parallel_loop3A_1024 = arith.index_cast %parallel_loop3A_132 : i32 to index
        %parallel_loop3A_1025 = arith.constant 1008 : index
        %parallel_loop3A_1026 = tpu.vector_load %arg12[%parallel_loop3A_1024, %parallel_loop3A_1025] {strides = array<i32>} : memref<16x1024xf32, #tpu.memory_space<vmem>>, vector<1x16xf32>,
        %parallel_loop3A_1027 = vector.shape_cast %parallel_loop3A_1026 : vector<1x16xf32> to vector<16xf32>
        %parallel_loop3A_1028 = vector.shape_cast %parallel_loop3A_1023 : vector<16xf32> to vector<1x16xf32>
        tpu.vector_store %arg12[%parallel_loop3A_1024, %parallel_loop3A_1025], %parallel_loop3A_1028 {strides = array<i32>} : memref<16x1024xf32, #tpu.memory_space<vmem>>, vector<1x16xf32>,
      } {sc.loop_unroll_factor = 1 : i64, sc.parallel_access}
      %mul3A_118 = arith.constant 16 : i32
      %mul3A_119 = arith.muli %add3A_94, %mul3A_118 : i32
      %add3A_120 = arith.addi %mul3A_4, %mul3A_119 : i32
      %dma_start3A_121 = tpu.memref_reshape %arg5 : memref<4096x4x1024xf32, #tpu.memory_space<hbm>> -> memref<16384x1024xf32, #tpu.memory_space<hbm>>
      %dma_start3A_122 = arith.constant 0 : i32
      %dma_start3A_123 = tpu.memref_slice %dma_start3A_121[%add3A_120, %dma_start3A_122] : memref<16384x1024xf32, #tpu.memory_space<hbm>> -> memref<16x1024xf32, #tpu.memory_space<hbm>>
      %dma_start3A_124 = tpu.memref_reshape %arg5 : memref<4096x4x1024xf32, #tpu.memory_space<hbm>> -> memref<16384x1024xf32, #tpu.memory_space<hbm>>
      %dma_start3A_125 = arith.constant 0 : i32
      %dma_start3A_126 = tpu.memref_slice %dma_start3A_124[%add3A_120, %dma_start3A_125] : memref<16384x1024xf32, #tpu.memory_space<hbm>> -> memref<16x1024xf32, #tpu.memory_space<hbm>>
      tpu.enqueue_dma source(%arg12 : memref<16x1024xf32, #tpu.memory_space<vmem>>) target(%dma_start3A_126 : memref<16x1024xf32, #tpu.memory_space<hbm>>) target_semaphore(%arg18 : memref<!tpu.dma_semaphore, #tpu.memory_space<semaphore_mem>>)
      %lt3A_127 = arith.constant 15 : i32
      %lt3A_128 = arith.cmpi slt, %scan3A_54, %lt3A_127 : i32
      %convert_element_type3A_129 = arith.extui %lt3A_128 : i1 to i32
      %cond3A_130 = arith.constant 0 : i32
      %cond3A_131 = arith.cmpi ne, %convert_element_type3A_129, %cond3A_130 : i32
      scf.if %cond3A_131 {
        %add3A_132 = arith.constant 2 : i32
        %add3A_133 = arith.addi %add3A_94, %add3A_132 : i32
        %mul3A_134 = arith.constant 16 : i32
        %mul3A_135 = arith.muli %add3A_133, %mul3A_134 : i32
        %add3A_136 = arith.addi %mul3A_4, %mul3A_135 : i32
        %dma_start3A_137 = tpu.memref_reshape %arg4 : memref<4096x4x1024xf32, #tpu.memory_space<hbm>> -> memref<16384x1024xf32, #tpu.memory_space<hbm>>
        %dma_start3A_138 = arith.constant 0 : i32
        %dma_start3A_139 = tpu.memref_slice %dma_start3A_137[%add3A_136, %dma_start3A_138] : memref<16384x1024xf32, #tpu.memory_space<hbm>> -> memref<16x1024xf32, #tpu.memory_space<hbm>>
        %dma_start3A_140 = tpu.memref_reshape %arg4 : memref<4096x4x1024xf32, #tpu.memory_space<hbm>> -> memref<16384x1024xf32, #tpu.memory_space<hbm>>
        %dma_start3A_141 = arith.constant 0 : i32
        %dma_start3A_142 = tpu.memref_slice %dma_start3A_140[%add3A_136, %dma_start3A_141] : memref<16384x1024xf32, #tpu.memory_space<hbm>> -> memref<16x1024xf32, #tpu.memory_space<hbm>>
        tpu.enqueue_dma source(%dma_start3A_142 : memref<16x1024xf32, #tpu.memory_space<hbm>>) target(%arg8 : memref<16x1024xf32, #tpu.memory_space<vmem>>) target_semaphore(%arg14 : memref<!tpu.dma_semaphore, #tpu.memory_space<semaphore_mem>>)
        %dma_start3A_143 = arith.constant 0 : i32
        %dma_start3A_144 = tpu.memref_slice %arg6[%add3A_133, %dma_start3A_143] : memref<32x16xi32, #tpu.memory_space<vmem>> -> memref<1x16xi32, #tpu.memory_space<vmem>>
        %dma_start3A_145 = tpu.memref_squeeze %dma_start3A_144 : memref<1x16xi32, #tpu.memory_space<vmem>> -> memref<16xi32, #tpu.memory_space<vmem>>
        %dma_start3A_146 = arith.constant 0 : i32
        %dma_start3A_147 = arith.constant 0 : i32
        %dma_start3A_148 = tpu.memref_slice %arg2[%dma_start3A_146, %dma_start3A_147] : memref<8192x1024xf32, #tpu.memory_space<hbm>> -> memref<8192x1024xf32, #tpu.memory_space<hbm>>
        tpu.enqueue_indirect_dma source(%dma_start3A_148 : memref<8192x1024xf32, #tpu.memory_space<hbm>>) target(%arg10 : memref<16x1024xf32, #tpu.memory_space<vmem>>) offsets(%dma_start3A_145 : memref<16xi32, #tpu.memory_space<vmem>>) semaphore(%arg16 : memref<!tpu.dma_semaphore, #tpu.memory_space<semaphore_mem>>)
      } else {
      }
    }
    %scan3A_38 = arith.constant 16 : i32
    %dma_wait3A = tpu.memref_reshape %arg5 : memref<4096x4x1024xf32, #tpu.memory_space<hbm>> -> memref<16384x1024xf32, #tpu.memory_space<hbm>>
    %dma_wait3A_39 = arith.constant 0 : i32
    %dma_wait3A_40 = arith.constant 0 : i32
    %dma_wait3A_41 = tpu.memref_slice %dma_wait3A[%dma_wait3A_39, %dma_wait3A_40] : memref<16384x1024xf32, #tpu.memory_space<hbm>> -> memref<16x1024xf32, #tpu.memory_space<hbm>>
    %dma_wait3A_42 = tpu.memref_reshape %arg5 : memref<4096x4x1024xf32, #tpu.memory_space<hbm>> -> memref<16384x1024xf32, #tpu.memory_space<hbm>>
    %dma_wait3A_43 = arith.constant 0 : i32
    %dma_wait3A_44 = arith.constant 0 : i32
    %dma_wait3A_45 = tpu.memref_slice %dma_wait3A_42[%dma_wait3A_43, %dma_wait3A_44] : memref<16384x1024xf32, #tpu.memory_space<hbm>> -> memref<16x1024xf32, #tpu.memory_space<hbm>>
    tpu.wait_dma2 semaphore(%arg17 : memref<!tpu.dma_semaphore, #tpu.memory_space<semaphore_mem>>) src(%arg11 : memref<16x1024xf32, #tpu.memory_space<vmem>>) dst(%dma_wait3A_45 : memref<16x1024xf32, #tpu.memory_space<hbm>>)
    %dma_wait3A_46 = tpu.memref_reshape %arg5 : memref<4096x4x1024xf32, #tpu.memory_space<hbm>> -> memref<16384x1024xf32, #tpu.memory_space<hbm>>
    %dma_wait3A_47 = arith.constant 0 : i32
    %dma_wait3A_48 = arith.constant 0 : i32
    %dma_wait3A_49 = tpu.memref_slice %dma_wait3A_46[%dma_wait3A_47, %dma_wait3A_48] : memref<16384x1024xf32, #tpu.memory_space<hbm>> -> memref<16x1024xf32, #tpu.memory_space<hbm>>
    %dma_wait3A_50 = tpu.memref_reshape %arg5 : memref<4096x4x1024xf32, #tpu.memory_space<hbm>> -> memref<16384x1024xf32, #tpu.memory_space<hbm>>
    %dma_wait3A_51 = arith.constant 0 : i32
    %dma_wait3A_52 = arith.constant 0 : i32
    %dma_wait3A_53 = tpu.memref_slice %dma_wait3A_50[%dma_wait3A_51, %dma_wait3A_52] : memref<16384x1024xf32, #tpu.memory_space<hbm>> -> memref<16x1024xf32, #tpu.memory_space<hbm>>
    tpu.wait_dma2 semaphore(%arg18 : memref<!tpu.dma_semaphore, #tpu.memory_space<semaphore_mem>>) src(%arg12 : memref<16x1024xf32, #tpu.memory_space<vmem>>) dst(%dma_wait3A_53 : memref<16x1024xf32, #tpu.memory_space<hbm>>)
    return
  }
}

</mosaic_0001>

<sc_bundles>
// kernel: _pe_add.3.cloned.1.call-start
scs
__scs_entry_jumppad:
0x0: {  	(pc) =	sbr.rel $0x88, $3  }
0x1: {  	(tag) =	ssettag $0x0;
	lr =	simm.s32 $0x1  }
0x2: {  	[smem:$0x3F9E] =	sst lr;
	_ =	strace $0xD0000000  }
0x3: {  	_ = 	snop  }
0x4: {  	_ = 	snop  }
0x5: {  	_ = 	snop  }
0x6: {  	_ = 	snop  }
0x7: {  	_ = 	snop  }
__scs_overlays_trampoline_lowered:
0x8: {  	[smem:$0x3FAD] =	sst s0  }
0x9: {  	[smem:$0x3FAE] =	sst s1  }
0xa: {  	[smem:$0x3FAF] =	sst s2  }
0xb: {  	[smem:$0x3FB0] =	sst s3  }
0xc: {  	[smem:$0x3FB1] =	sst s4  }
0xd: {  	[smem:$0x3FB2] =	sst s5  }
0xe: {  	[smem:$0x3FB3] =	sst s6  }
0xf: {  	[smem:$0x3FB4] =	sst s7  }
0x10: {  	[smem:$0x3FB5] =	sst s8  }
0x11: {  	[smem:$0x3FB6] =	sst s9;
	s0 =	simm.s32 @!p0 $0x0  }
0x12: {  	s1 =	sld [smem:$0x3F9C];
	s0 =	simm.s32 @p0 $0x1  }
0x13: {  	[smem:$0x3FB7] =	sst s0;
	s0 =	simm.s32 @!p1 $0x0  }
0x14: {  	s2 =	sld [smem:$0x3F9B];
	s0 =	simm.s32 @p1 $0x1  }
0x15: {  	[smem:$0x3FB8] =	sst s0;
	s0 =	simm.s32 @!p2 $0x0  }
0x16: {  	s3 =	sld [smem:$0x3FDB];
	s0 =	simm.s32 @p2 $0x1  }
0x17: {  	s4 =	simm.s32 $0x1BF5;
	[smem:$0x3FBA] =	sst s0  }
0x18: {  	s0 =	sld [smem:$0x3F9D];
	_ =	swait.ge [sflag:s4], $0x0  }
0x19: {  	s7 =	sld [smem:$0x3F9E]  }
0x1a: {  	s8 =	sadd.s32 $0xFFFFE003, lr  }
0x1b: {  	s9 =	sadd.s32 $0xFFFFFEF7, lr;
	s5 =	simm.s32 $0xFFFFFFFF;
	p2 =	slt.u32 s8, $0xFFFFF086  }
0x1c: {  	p1 =	slt.u32 s9, $0xF7A;
	s5 =	simm.s32 @!p2 $0x0  }
0x1d: {  	s5 =	simm.s32 @p1 $0x1;
	p0 =	seq.s32 s7, s2  }
0x1e: {  	s7 =	smul.u32 @!p0 $0xF7A, s2;
	p2 =	seq.s32 @!p0 s5, $0x0  }
0x1f: {  	s9 =	smul.u32 $0xF7A, s1;
	s8 =	simm.s32 @!p0 $0x1BF5;
	p2 =	por !p2, p0  }
0x20: {  	[sflag:s8] =	ssyncset.s32 @!p0 $0xFFFFF086;
	s6 =	sadd.s32 @!p0 s3, s7;
	s7 =	simm.s32 @!p0 $0x108  }
0x21: {  	s3 =	sadd.s32 s3, s9;
	s6 =	sadd.s32 @!p0 $0x88, s6;
	s7 =	simm.s32 @p2 $0x1082  }
0x22: {  	[simem:s7], [sflag:s8] =	dma.local @!p0 [hbm:s6], $0xF7A  }
0x23: {  	s9 =	sor.u32 $0xD0000000, s2;
	s6 =	simm.s32 $0x108;
	_ =	swait.ge @!p0 [sflag:s8], $0x0  }
0x24: {  	s3 =	sadd.s32 $0x88, s3;
	s6 =	simm.s32 @!p1 $0x1082;
	[sflag:s4] =	ssyncset.s32 $0xFFFFF086  }
0x25: {  	[simem:s6], [sflag:s4] =	dma.local [hbm:s3], $0xF7A  }
0x26: {  	[smem:$0x3F9E] =	sst s1;
	(tag) =	ssettag s2;
	_ =	strace s9  }
0x27: {  	s1 =	sld [smem:$0x3FAE]  }
0x28: {  	s2 =	sld [smem:$0x3FAF]  }
0x29: {  	s4 =	sld [smem:$0x3FB1]  }
0x2a: {  	p0 =	seq.s32 s5, $0x0;
	s5 =	sld [smem:$0x3FB2]  }
0x2b: {  	s6 =	sld [smem:$0x3FB3]  }
0x2c: {  	s7 =	sld [smem:$0x3FB4]  }
0x2d: {  	s3 =	simm.s32 $0x108;
	s8 =	sld [smem:$0x3FB5]  }
0x2e: {  	s3 =	simm.s32 @!p0 $0x1082;
	s9 =	sld [smem:$0x3FB6]  }
0x2f: {  	lr =	sadd.s32 s0, s3;
	s0 =	sld [smem:$0x3FAD]  }
0x30: {  	s3 =	sld [smem:$0x3FB0]  }
0x31: {  	[smem:$0x3FB9] =	sst s10  }
0x32: {  	s10 =	sld [smem:$0x3FB7];
	_ =	sdelay $0x3  }
0x33: {  	p0 =	seq.s32 s10, $0x1;
	s10 =	sld [smem:$0x3FB9];
	_ =	sdelay $0x3  }
0x34: {  	[smem:$0x3FB9] =	sst s10  }
0x35: {  	s10 =	sld [smem:$0x3FB8];
	_ =	sdelay $0x3  }
0x36: {  	p1 =	seq.s32 s10, $0x1;
	s10 =	sld [smem:$0x3FB9];
	_ =	sdelay $0x3  }
0x37: {  	[smem:$0x3FB9] =	sst s10  }
0x38: {  	s10 =	sld [smem:$0x3FBA]  }
0x39: {  	_ = 	snop;
	(pc) =	sbr.ind lr, $3  }
0x3a: {  	_ = 	snop  }
0x3b: {  	_ = 	snop  }
0x3c: {  	p2 =	seq.s32 s10, $0x1;
	s10 =	sld [smem:$0x3FB9]  }
0x3d: {  	_ =	shalt  }
0x3e: {  	_ =	shalt  }
0x3f: {  	_ =	shalt  }
0x40: {  	_ =	shalt  }
0x41: {  	_ =	shalt  }
0x42: {  	_ =	shalt  }
0x43: {  	_ =	shalt  }
0x44: {  	_ =	shalt  }
0x45: {  	_ =	shalt  }
0x46: {  	_ =	shalt  }
0x47: {  	_ =	shalt  }
0x48: {  	_ =	shalt  }
0x49: {  	_ =	shalt  }
0x4a: {  	_ =	shalt  }
0x4b: {  	_ =	shalt  }
0x4c: {  	_ =	shalt  }
0x4d: {  	_ =	shalt  }
0x4e: {  	_ =	shalt  }
0x4f: {  	_ =	shalt  }
0x50: {  	_ =	shalt  }
0x51: {  	_ =	shalt  }
0x52: {  	_ =	shalt  }
0x53: {  	_ =	shalt  }
0x54: {  	_ =	shalt  }
0x55: {  	_ =	shalt  }
0x56: {  	_ =	shalt  }
0x57: {  	_ =	shalt  }
0x58: {  	_ =	shalt  }
0x59: {  	_ =	shalt  }
0x5a: {  	_ =	shalt  }
0x5b: {  	_ =	shalt  }
0x5c: {  	_ =	shalt  }
0x5d: {  	_ =	shalt  }
0x5e: {  	_ =	shalt  }
0x5f: {  	_ =	shalt  }
0x60: {  	_ =	shalt  }
0x61: {  	_ =	shalt  }
0x62: {  	_ =	shalt  }
0x63: {  	_ =	shalt  }
0x64: {  	_ =	shalt  }
0x65: {  	_ =	shalt  }
0x66: {  	_ =	shalt  }
0x67: {  	_ =	shalt  }
0x68: {  	_ =	shalt  }
0x69: {  	_ =	shalt  }
0x6a: {  	_ =	shalt  }
0x6b: {  	_ =	shalt  }
0x6c: {  	_ =	shalt  }
0x6d: {  	_ =	shalt  }
0x6e: {  	_ =	shalt  }
0x6f: {  	_ =	shalt  }
0x70: {  	_ =	shalt  }
0x71: {  	_ =	shalt  }
0x72: {  	_ =	shalt  }
0x73: {  	_ =	shalt  }
0x74: {  	_ =	shalt  }
0x75: {  	_ =	shalt  }
0x76: {  	_ =	shalt  }
0x77: {  	_ =	shalt  }
0x78: {  	_ =	shalt  }
0x79: {  	_ =	shalt  }
0x7a: {  	_ =	shalt  }
0x7b: {  	_ =	shalt  }
0x7c: {  	_ =	shalt  }
0x7d: {  	_ =	shalt  }
0x7e: {  	_ =	shalt  }
0x7f: {  	_ =	shalt  }
0x80: {  	_ =	shalt  }
0x81: {  	_ =	shalt  }
0x82: {  	_ =	shalt  }
0x83: {  	_ =	shalt  }
0x84: {  	_ =	shalt  }
0x85: {  	_ =	shalt  }
0x86: {  	_ =	shalt  }
0x87: {  	_ =	shalt  }
.Lfunc_end0:
.L_simem_size_0:
called_computation_lowered:
.L_overlay_start_0:
0x88: {  	s2 =	sld [smem:$0x3FD9]  }
0x89: {  	s3 =	sld [smem:$0x3FFE];
	_ =	sdelay $0x1  }
0x8a: {  	s1 =	srdreg.scid  }
0x8b: {  	s0 =	sand.u32 $0x1, s1  }
0x8c: {  	s17 =	sshll.u32 s0, $0xA;
	s2 =	sadd.s32 s3, s2  }
0x8d: {  	s2 =	sadd.s32 s2, s17  }
0x8e: {  	[smem:$0x3FC5] =	sst s2  }
0x8f: {  	_ = 	snop  }
0x90: {  	s2 =	sld [smem:$0x3FC9]  }
0x91: {  	s18 =	sld [smem:$0x3FC7]  }
0x92: {  	s4 =	sld [smem:$0x3FD0];
	(tm) =	ssettm $0x1  }
0x93: {  	s5 =	sld [smem:$0x3FFB];
	_ =	sdelay $0x3  }
0x94: {  	_ =	strace s5  }
0x95: {  	s5 =	sld [smem:$0x3FFC];
	_ =	sdelay $0x3  }
0x96: {  	_ =	strace s5  }
0x97: {  	s5 =	sld [smem:$0x3FFD];
	_ =	sdelay $0x3  }
0x98: {  	_ =	strace s5  }
0x99: {  	_ =	strace $0x8FFFFFFF  }
0x9a: {  	s19 =	sld [smem:$0x3FDB];
	_ =	sdelay $0x1  }
0x9b: {  	s6 =	simm.s32 $_scs_section_size  }
0x9c: {  	s7 =	simm.s32 $_size__tile_overlayer_lowered;
	s8 =	simm.s32 $_tile_overlayer_lowered  }
0x9d: {  	s22 =	simm.s32 $0x1BFF;
	s21 =	sshll.u32 s8, $0x1;
	s5 =	sadd.s32 s6, s19  }
0x9e: {  	s9 =	simm.s32 $0x0;
	s20 =	sshll.u32 s7, $0x1;
	s7 =	sadd.s32 s21, s5  }
0x9f: {  	[timem:s9], [sflag:s22] =	dma.local [hbm:s7], s20  }
0xa0: {  	_ =	swait.ge [sflag:s22], s20  }
0xa1: {  	s6 =	ssub.s32 $0x0, s20;
	[sflag:s22] =	ssyncset.done $0x0  }
0xa2: {  	[sflag:s22] =	ssyncadd.s32 s6;
	_ =	sdelay $0x1  }
0xa3: {  	s23 =	simm.s32 $0x1B8B  }
0xa4: {  	_ =	swait.ge [sflag:s23], $0x1  }
0xa5: {  	[sflag:s23] =	ssyncset.done $0x0  }
0xa6: {  	s25 =	simm.s32 $0x1B8E;
	s24 =	sld [smem:$0x3FFE];
	[sflag:s23] =	ssyncadd.s32 $0xFFFFFFFF  }
0xa7: {  	s26 =	simm.s32 $execute0_lowered;
	[smem:$0x3FD2] =	sst s25  }
0xa8: {  	s7 =	sshll.u32 s26, $0x1;
	_ =	strace $0x80000046;
	[dreg:$0x1] =	wrdreg $0xFFFFFFFF  }
0xa9: {  	s28 =	simm.s32 $_size_execute0_lowered;
	s5 =	sadd.s32 s5, s7;
	[dreg:$0x0] =	wrdreg $0x0  }
0xaa: {  	s7 =	sshll.u32 s28, $0x1;
	[dreg:$0x2] =	wrdreg s5  }
0xab: {  	[dreg:$0x3] =	wrdreg s7  }
0xac: {  	[dreg:$0x4] =	wrdreg $0xC0  }
0xad: {  	_ =	task [dreg:s9], $0x5FFFF  }
0xae: {  	[dreg:$0x1] =	wrdreg $0xFFFFFFFF  }
0xaf: {  	[dreg:$0x0] =	wrdreg $0x60  }
0xb0: {  	[dreg:$0x2] =	wrdreg s2  }
0xb1: {  	[dreg:$0x3] =	wrdreg s24  }
0xb2: {  	[dreg:$0x4] =	wrdreg s18  }
0xb3: {  	[dreg:$0x5] =	wrdreg s4  }
0xb4: {  	[dreg:$0x6] =	wrdreg $0x9  }
0xb5: {  	_ =	task.clear_ibuf [dreg:s9], $0x7FFFF;
	_ =	strace $0x90000046  }
0xb6: {  	s29 =	simm.s32 $0x9;
	_ =	strace $0x80000048  }
0xb7: {  	_ =	swait.ge [sflag:s29], $0x1  }
0xb8: {  	[sflag:s29] =	ssyncadd.s32 $0xFFFFFFFF  }
0xb9: {  	_ =	strace $0x90000048  }
0xba: {  	_ =	sfence  }
0xbb: {  	s30 =	sld [smem:$0x0];
	_ =	sdelay $0x2  }
0xbc: {  	s31 =	sshll.u32 s1, $0xD;
	s1 =	sshrl.u32 s1, $0x2  }
0xbd: {  	s3 =	sand.u32 $0x4000, s31;
	s1 =	sadd.s32 s1, s30  }
0xbe: {  	s0 =	sor.u32 s3, s0;
	s1 =	sshll.u32 s1, $0x11  }
0xbf: {  	s0 =	sor.u32 s1, s0  }
0xc0: {  	s0 =	sadd.s32 $0x8F2B, s0  }
0xc1: {  	[sflag:s0] =	ssyncadd.remote.s32 $0x1  }
0xc2: {  	_ =	sfence.sel $0xFFFF  }
0xc3: {  	[dreg:$0x0] =	wrdreg $0xFFFFFFFF;
	(pc) =	sbr.abs _section_cstart, $3  }
0xc4: {  	[dreg:$0x1] =	wrdreg $0xFFFFFFFF  }
0xc5: {  	_ =	task.clear_ibuf [dreg:s9], $0x2FFFF;
	_ =	strace $0x9FFFFFFF  }
0xc6: {  	(tm) =	ssettm $0x7FFFFFFF  }
0xc7: {  	_ =	shalt  }
tec
execute0_lowered:
.L_overlay_start_1:
0x0: {  	(tag) =	ssettag $0x1  }
0x1: {  	s1 =	rddreg [dreg:$0x0]  }
0x2: {  	s0 =	rddreg [dreg:$0x1]  }
0x3: {  	s2 =	rddreg [dreg:$0x2]  }
0x4: {  	s3 =	srdreg.scid;
	s6 =	stileid.u32  }
0x5: {  	s4 =	rddreg [dreg:$0x3];
	s13 =	simm.s32 $0x200;
	s14 =	simm.s32 $0x1000  }
0x6: {  	s18 =	simm.s32 $0x2;
	s11 =	simm.s32 $0x17400;
	s15 =	simm.s32 $0x17800  }
0x7: {  	s17 =	simm.s32 $0x17C00;
	s5 =	sand.u32 $0x1, s3;
	s6 =	sshll.u32 s6, $0x1  }
0x8: {  	s19 =	simm.s32 $0x18000;
	s3 =	simm.s32 $0x0;
	s6 =	sor.u32 s5, s6  }
0x9: {  	[smem:$0x7FF] =	sst s3;
	s5 =	ssub.s32 $0x2, s5;
	s7 =	sshll.u32 s6, $0x9  }
0xa: {  	s22 =	sshrl.u32 s5, $0x1;
	s10 =	sshll.u32 s6, $0x10;
	s0 =	sadd.s32 s7, s0  }
0xb: {  	s9 =	ssub.s32 s5, s22;
	s5 =	sadd.s32 s2, s10;
	s0 =	sadd.s32 $0x400, s0  }
0xc: {  	_ =	strace $0x80000047;
	s23 =	sadd.s32 $0x800, s5;
	[dreg:$0x5] =	wrdreg s0  }
0xd: {  	s21 =	simm.s32 $0x18400;
	s24 =	smax.u32 s9, $0x1;
	[dreg:$0x6] =	wrdreg s23  }
0xe: {  	s8 =	sadd.s32 $0x300, s1;
	s25 =	sadd.s32 $0x40, s5;
	[dreg:$0x7] =	wrdreg s24  }
0xf: {  	s6 =	sadd.s32 $0x100, s1;
	s26 =	sadd.s32 $0x80, s5;
	[dreg:$0x8] =	wrdreg s25  }
0x10: {  	s7 =	sadd.s32 $0x200, s1;
	s28 =	sadd.s32 $0xC0, s5;
	[dreg:$0x9] =	wrdreg s26  }
.Ltmp0:
0x11: {  	s29 =	sadd.s32 $0x100, s5;
	[dreg:$0xa] =	wrdreg s28;
	(pc) =	sbr.rel .LBB2_1-.Ltmp0, $4  }
0x12: {  	s10 =	sadd.s32 s4, s10;
	s30 =	sadd.s32 $0x140, s5;
	[dreg:$0xb] =	wrdreg s29  }
0x13: {  	v2 =	vlaneseq.u32;
	s4 =	simm.s32 $0x0;
	s31 =	sadd.s32 $0x180, s5;
	[dreg:$0xc] =	wrdreg s30  }
0x14: {  	v0 =	vand.u32 $0x7, v2;
	v1 =	vshrl.u32 v2, $0x3;
	s9 =	simm.s32 $0x4;
	[dreg:$0xd] =	wrdreg s31;
	s24 =	simm.s32 $0x1  }
0x15: {  	vm0 =	vmmov $0xffff;
	v2 =	vor.u32 $0x8, v2;
	v1 =	vmul.u32 $0x8, v1;
	[tilespmem:$0x1FFF0] =	vst v0;
	s26 =	simm.s32 $0x3;
	s23 =	simm.s32 $0x18800;
	s25 =	simm.s32 $0x18C00  }
.LBB2_10:
0x16: {  	s0 =	simm.s32 $0x5  }
0x17: {  	_ =	swait.ge [sflag:s0], $0x4000  }
0x18: {  	[sflag:s0] =	ssyncset.done $0x0  }
0x19: {  	s2 =	simm.s32 $0x6;
	[sflag:s0] =	ssyncadd.s32 $0xFFFFC000  }
0x1a: {  	_ =	swait.ge [sflag:s2], $0x4000  }
0x1b: {  	s4 =	rddreg [dreg:$0xe]  }
0x1c: {  	s31 =	rddreg [dreg:$0x7];
	s4 =	sadd.s32 $0x1, s4  }
0x1d: {  	p0 =	sne.s32 s4, s31  }
.Ltmp1:
0x1e: {  	_ = 	snop;
	(pc) =	sbr.rel @!p0 .LBB2_11-.Ltmp1, $3  }
0x1f: {  	_ =	sdelay $0x1  }
0x20: {  	[sflag:s2] =	ssyncset.done $0x0  }
0x21: {  	[sflag:s2] =	ssyncadd.s32 $0xFFFFC000  }
.LBB2_1:
0x22: {  	[dreg:$0xe] =	wrdreg s4  }
0x23: {  	s0 =	rddreg [dreg:$0x5];
	s28 =	simm.s32 $0x7  }
0x24: {  	[tilespmem:s3], [sflag:$0x7] =	stream.linear.gather [hbm4b:s0+s3], $0x1000, $0x38;
	[tilespmem:$0x19000] =	vst v63  }
0x25: {  	_ =	swait.ge [sflag:s28], $0x1000  }
0x26: {  	[sflag:s28] =	ssyncset.done $0x0  }
0x27: {  	[sflag:s28] =	ssyncadd.s32 $0xFFFFF000  }
0x28: {  	[tilespmem:s14], [sflag:$0x1] =	stream.strided.gather [hbm4b:s5+s13], $0x400, s14, s13, $0x38;
	[tilespmem:$0x19000] =	vst v63  }
0x29: {  	s2 =	simm.s32 $0x1400;
	s29 =	rddreg [dreg:$0x8]  }
0x2a: {  	[tilespmem:s2], [sflag:$0x1] =	stream.strided.gather [hbm4b:s29+s13], $0x400, s14, s13, $0x38;
	[tilespmem:$0x19000] =	vst v63  }
0x2b: {  	s31 =	simm.s32 $0x1800;
	s30 =	rddreg [dreg:$0x9]  }
0x2c: {  	[tilespmem:s31], [sflag:$0x1] =	stream.strided.gather [hbm4b:s30+s13], $0x400, s14, s13, $0x38;
	[tilespmem:$0x19000] =	vst v63  }
0x2d: {  	s4 =	simm.s32 $0x1C00;
	s2 =	rddreg [dreg:$0xa]  }
0x2e: {  	[tilespmem:s4], [sflag:$0x1] =	stream.strided.gather [hbm4b:s2+s13], $0x400, s14, s13, $0x38;
	[tilespmem:$0x19000] =	vst v63  }
0x2f: {  	s16 =	simm.s32 $0x2000;
	s12 =	rddreg [dreg:$0xb]  }
0x30: {  	[tilespmem:s16], [sflag:$0x1] =	stream.strided.gather [hbm4b:s12+s13], $0x400, s14, s13, $0x38;
	[tilespmem:$0x19000] =	vst v63  }
0x31: {  	s22 =	simm.s32 $0x2400;
	s20 =	rddreg [dreg:$0xc]  }
0x32: {  	[tilespmem:s22], [sflag:$0x1] =	stream.strided.gather [hbm4b:s20+s13], $0x400, s14, s13, $0x38;
	[tilespmem:$0x19000] =	vst v63  }
0x33: {  	s28 =	rddreg [dreg:$0xd];
	s29 =	simm.s32 $0x2800  }
0x34: {  	[tilespmem:s29], [sflag:$0x1] =	stream.strided.gather [hbm4b:s28+s13], $0x400, s14, s13, $0x38;
	[tilespmem:$0x19000] =	vst v63  }
0x35: {  	s30 =	sadd.s32 $0x1C0, s5;
	s31 =	simm.s32 $0x2C00  }
0x36: {  	[tilespmem:s31], [sflag:$0x1] =	stream.strided.gather [hbm4b:s30+s13], $0x400, s14, s13, $0x38;
	[tilespmem:$0x19000] =	vst v63  }
0x37: {  	s0 =	sadd.s32 $0x400, s5;
	s4 =	simm.s32 $0x3000  }
0x38: {  	[tilespmem:s4], [sflag:$0x1] =	stream.strided.gather [hbm4b:s0+s13], $0x400, s14, s13, $0x38;
	[tilespmem:$0x19000] =	vst v63  }
0x39: {  	s12 =	sadd.s32 $0x440, s5;
	s16 =	simm.s32 $0x3400  }
0x3a: {  	[tilespmem:s16], [sflag:$0x1] =	stream.strided.gather [hbm4b:s12+s13], $0x400, s14, s13, $0x38;
	[tilespmem:$0x19000] =	vst v63  }
0x3b: {  	s20 =	sadd.s32 $0x480, s5;
	s22 =	simm.s32 $0x3800  }
0x3c: {  	[tilespmem:s22], [sflag:$0x1] =	stream.strided.gather [hbm4b:s20+s13], $0x400, s14, s13, $0x38;
	[tilespmem:$0x19000] =	vst v63  }
0x3d: {  	s28 =	sadd.s32 $0x4C0, s5;
	s29 =	simm.s32 $0x3C00  }
0x3e: {  	[tilespmem:s29], [sflag:$0x1] =	stream.strided.gather [hbm4b:s28+s13], $0x400, s14, s13, $0x38;
	[tilespmem:$0x19000] =	vst v63  }
0x3f: {  	s30 =	sadd.s32 $0x500, s5;
	s31 =	simm.s32 $0x4000  }
0x40: {  	[tilespmem:s31], [sflag:$0x1] =	stream.strided.gather [hbm4b:s30+s13], $0x400, s14, s13, $0x38;
	[tilespmem:$0x19000] =	vst v63  }
0x41: {  	s4 =	sadd.s32 $0x540, s5;
	s12 =	simm.s32 $0x4400  }
0x42: {  	[tilespmem:s12], [sflag:$0x1] =	stream.strided.gather [hbm4b:s4+s13], $0x400, s14, s13, $0x38;
	[tilespmem:$0x19000] =	vst v63  }
0x43: {  	s16 =	sadd.s32 $0x580, s5;
	s20 =	simm.s32 $0x4800  }
0x44: {  	[tilespmem:s20], [sflag:$0x1] =	stream.strided.gather [hbm4b:s16+s13], $0x400, s14, s13, $0x38;
	[tilespmem:$0x19000] =	vst v63  }
0x45: {  	s22 =	sadd.s32 $0x5C0, s5;
	s28 =	simm.s32 $0x4C00  }
0x46: {  	[tilespmem:s28], [sflag:$0x1] =	stream.strided.gather [hbm4b:s22+s13], $0x400, s14, s13, $0x38;
	[tilespmem:$0x19000] =	vst v63  }
0x47: {  	v3 =	vld [tilespmem:$0x0];
	_ =	sdelay $0x2  }
0x48: {  	v0 =	vld [tilespmem:$0x1FFF0];
	_ =	sdelay $0x1  }
0x49: {  	v4 =	vshll.u32 v3, $0x3  }
0x4a: {  	v3 =	vand.u32 $0x7, v3;
	v4 =	vand.u32 $0xFFFFFFC0, v4  }
0x4b: {  	v3 =	vor.u32 v3, v4  }
0x4c: {  	v4 =	vperm.xlane v3, v0;
	_ =	sdelay $0x1  }
0x4d: {  	v4 =	vadd.s32 v1, v4;
	_ =	sdelay $0x3  }
0x4e: {  	s29 =	simm.s32 $0x9000  }
0x4f: {  	[tilespmem:s29], [sflag:$0x3] =	stream.indirect_vreg.gather [hbm4b:s1+s3], $0x80, v4, vm0, $0xb8;
	[tilespmem:$0x19000] =	vst v63  }
0x50: {  	s30 =	simm.s32 $0x9800;
	v3 =	vperm.xlane v3, v2  }
0x51: {  	[tilespmem:s30], [sflag:$0x3] =	stream.indirect_vreg.gather [hbm4b:s6+s3], $0x80, v4, vm0, $0xb8;
	[tilespmem:$0x19000] =	vst v63  }
0x52: {  	s31 =	simm.s32 $0xA000;
	v3 =	vadd.s32 v1, v3  }
0x53: {  	[tilespmem:s31], [sflag:$0x3] =	stream.indirect_vreg.gather [hbm4b:s7+s3], $0x80, v4, vm0, $0xb8;
	[tilespmem:$0x19000] =	vst v63  }
0x54: {  	s2 =	simm.s32 $0xA800  }
0x55: {  	[tilespmem:s2], [sflag:$0x3] =	stream.indirect_vreg.gather [hbm4b:s8+s3], $0x80, v4, vm0, $0xb8;
	[tilespmem:$0x19000] =	vst v63  }
0x56: {  	s4 =	simm.s32 $0xB000  }
0x57: {  	[tilespmem:s4], [sflag:$0x3] =	stream.indirect_vreg.gather [hbm4b:s1+s3], $0x80, v3, vm0, $0xb8;
	[tilespmem:$0x19000] =	vst v63  }
0x58: {  	s12 =	simm.s32 $0xB800  }
0x59: {  	[tilespmem:s12], [sflag:$0x3] =	stream.indirect_vreg.gather [hbm4b:s6+s3], $0x80, v3, vm0, $0xb8;
	[tilespmem:$0x19000] =	vst v63  }
0x5a: {  	s16 =	simm.s32 $0xC000  }
0x5b: {  	[tilespmem:s16], [sflag:$0x3] =	stream.indirect_vreg.gather [hbm4b:s7+s3], $0x80, v3, vm0, $0xb8;
	[tilespmem:$0x19000] =	vst v63  }
0x5c: {  	s20 =	simm.s32 $0xC800  }
0x5d: {  	[tilespmem:s20], [sflag:$0x3] =	stream.indirect_vreg.gather [hbm4b:s8+s3], $0x80, v3, vm0, $0xb8;
	[tilespmem:$0x19000] =	vst v63  }
0x5e: {  	s0 =	rddreg [dreg:$0x6];
	s22 =	simm.s32 $0x5000  }
0x5f: {  	[tilespmem:s22], [sflag:$0x2] =	stream.strided.gather [hbm4b:s0+s13], $0x400, s14, s13, $0x38;
	[tilespmem:$0x19000] =	vst v63  }
0x60: {  	s28 =	sadd.s32 $0x40, s0;
	s29 =	simm.s32 $0x5400  }
0x61: {  	[tilespmem:s29], [sflag:$0x2] =	stream.strided.gather [hbm4b:s28+s13], $0x400, s14, s13, $0x38;
	[tilespmem:$0x19000] =	vst v63  }
0x62: {  	s30 =	sadd.s32 $0x80, s0;
	s31 =	simm.s32 $0x5800  }
0x63: {  	[tilespmem:s31], [sflag:$0x2] =	stream.strided.gather [hbm4b:s30+s13], $0x400, s14, s13, $0x38;
	[tilespmem:$0x19000] =	vst v63  }
0x64: {  	s12 =	sadd.s32 $0xC0, s0;
	s16 =	simm.s32 $0x5C00  }
0x65: {  	[tilespmem:s16], [sflag:$0x2] =	stream.strided.gather [hbm4b:s12+s13], $0x400, s14, s13, $0x38;
	[tilespmem:$0x19000] =	vst v63  }
0x66: {  	s20 =	sadd.s32 $0x100, s0;
	s22 =	simm.s32 $0x6000  }
0x67: {  	[tilespmem:s22], [sflag:$0x2] =	stream.strided.gather [hbm4b:s20+s13], $0x400, s14, s13, $0x38;
	[tilespmem:$0x19000] =	vst v63  }
0x68: {  	s28 =	sadd.s32 $0x140, s0;
	s29 =	simm.s32 $0x6400  }
0x69: {  	[tilespmem:s29], [sflag:$0x2] =	stream.strided.gather [hbm4b:s28+s13], $0x400, s14, s13, $0x38;
	[tilespmem:$0x19000] =	vst v63  }
0x6a: {  	s30 =	sadd.s32 $0x180, s0;
	s31 =	simm.s32 $0x6800  }
0x6b: {  	[tilespmem:s31], [sflag:$0x2] =	stream.strided.gather [hbm4b:s30+s13], $0x400, s14, s13, $0x38;
	[tilespmem:$0x19000] =	vst v63  }
0x6c: {  	s12 =	sadd.s32 $0x1C0, s0;
	s16 =	simm.s32 $0x6C00  }
0x6d: {  	[tilespmem:s16], [sflag:$0x2] =	stream.strided.gather [hbm4b:s12+s13], $0x400, s14, s13, $0x38;
	[tilespmem:$0x19000] =	vst v63  }
0x6e: {  	s20 =	sadd.s32 $0x400, s0;
	s22 =	simm.s32 $0x7000  }
0x6f: {  	[tilespmem:s22], [sflag:$0x2] =	stream.strided.gather [hbm4b:s20+s13], $0x400, s14, s13, $0x38;
	[tilespmem:$0x19000] =	vst v63  }
0x70: {  	s28 =	sadd.s32 $0x440, s0;
	s29 =	simm.s32 $0x7400  }
0x71: {  	[tilespmem:s29], [sflag:$0x2] =	stream.strided.gather [hbm4b:s28+s13], $0x400, s14, s13, $0x38;
	[tilespmem:$0x19000] =	vst v63  }
0x72: {  	s30 =	sadd.s32 $0x480, s0;
	s31 =	simm.s32 $0x7800  }
0x73: {  	[tilespmem:s31], [sflag:$0x2] =	stream.strided.gather [hbm4b:s30+s13], $0x400, s14, s13, $0x38;
	[tilespmem:$0x19000] =	vst v63  }
0x74: {  	s12 =	sadd.s32 $0x4C0, s0;
	s16 =	simm.s32 $0x7C00  }
0x75: {  	[tilespmem:s16], [sflag:$0x2] =	stream.strided.gather [hbm4b:s12+s13], $0x400, s14, s13, $0x38;
	[tilespmem:$0x19000] =	vst v63  }
0x76: {  	s20 =	sadd.s32 $0x500, s0;
	s22 =	simm.s32 $0x8000  }
0x77: {  	[tilespmem:s22], [sflag:$0x2] =	stream.strided.gather [hbm4b:s20+s13], $0x400, s14, s13, $0x38;
	[tilespmem:$0x19000] =	vst v63  }
0x78: {  	s28 =	sadd.s32 $0x540, s0;
	s29 =	simm.s32 $0x8400  }
0x79: {  	[tilespmem:s29], [sflag:$0x2] =	stream.strided.gather [hbm4b:s28+s13], $0x400, s14, s13, $0x38;
	[tilespmem:$0x19000] =	vst v63  }
0x7a: {  	s30 =	sadd.s32 $0x580, s0;
	s31 =	simm.s32 $0x8800  }
0x7b: {  	[tilespmem:s31], [sflag:$0x2] =	stream.strided.gather [hbm4b:s30+s13], $0x400, s14, s13, $0x38;
	[tilespmem:$0x19000] =	vst v63  }
0x7c: {  	s4 =	simm.s32 $0x8C00;
	s0 =	sadd.s32 $0x5C0, s0  }
0x7d: {  	[tilespmem:s4], [sflag:$0x2] =	stream.strided.gather [hbm4b:s0+s13], $0x400, s14, s13, $0x38;
	[tilespmem:$0x19000] =	vst v63  }
0x7e: {  	v3 =	vld [tilespmem:$0x80];
	_ =	sdelay $0x4  }
0x7f: {  	v63 =	vshll.u32 v3, $0x3  }
0x80: {  	v3 =	vand.u32 $0x7, v3;
	v4 =	vand.u32 $0xFFFFFFC0, v63  }
0x81: {  	v3 =	vor.u32 v3, v4  }
0x82: {  	v4 =	vperm.xlane v3, v0;
	_ =	sdelay $0x1  }
0x83: {  	v4 =	vadd.s32 v1, v4;
	_ =	sdelay $0x3  }
0x84: {  	s12 =	simm.s32 $0xD000  }
0x85: {  	[tilespmem:s12], [sflag:$0x4] =	stream.indirect_vreg.gather [hbm4b:s1+s3], $0x80, v4, vm0, $0xb8;
	[tilespmem:$0x19000] =	vst v63  }
0x86: {  	s16 =	simm.s32 $0xD800;
	v3 =	vperm.xlane v3, v2  }
0x87: {  	[tilespmem:s16], [sflag:$0x4] =	stream.indirect_vreg.gather [hbm4b:s6+s3], $0x80, v4, vm0, $0xb8;
	[tilespmem:$0x19000] =	vst v63  }
0x88: {  	s20 =	simm.s32 $0xE000;
	v3 =	vadd.s32 v1, v3  }
0x89: {  	[tilespmem:s20], [sflag:$0x4] =	stream.indirect_vreg.gather [hbm4b:s7+s3], $0x80, v4, vm0, $0xb8;
	[tilespmem:$0x19000] =	vst v63  }
0x8a: {  	s22 =	simm.s32 $0xE800  }
0x8b: {  	[tilespmem:s22], [sflag:$0x4] =	stream.indirect_vreg.gather [hbm4b:s8+s3], $0x80, v4, vm0, $0xb8;
	[tilespmem:$0x19000] =	vst v63  }
0x8c: {  	s28 =	simm.s32 $0xF000  }
0x8d: {  	[tilespmem:s28], [sflag:$0x4] =	stream.indirect_vreg.gather [hbm4b:s1+s3], $0x80, v3, vm0, $0xb8;
	[tilespmem:$0x19000] =	vst v63  }
0x8e: {  	s29 =	simm.s32 $0xF800  }
0x8f: {  	[tilespmem:s29], [sflag:$0x4] =	stream.indirect_vreg.gather [hbm4b:s6+s3], $0x80, v3, vm0, $0xb8;
	[tilespmem:$0x19000] =	vst v63  }
0x90: {  	s30 =	simm.s32 $0x10000  }
0x91: {  	[tilespmem:s30], [sflag:$0x4] =	stream.indirect_vreg.gather [hbm4b:s7+s3], $0x80, v3, vm0, $0xb8;
	[tilespmem:$0x19000] =	vst v63  }
0x92: {  	s31 =	simm.s32 $0x10800;
	s12 =	simm.s32 $0x0  }
0x93: {  	[tilespmem:s31], [sflag:$0x4] =	stream.indirect_vreg.gather [hbm4b:s8+s3], $0x80, v3, vm0, $0xb8;
	[tilespmem:$0x19000] =	vst v63  }
.LBB2_2:
0x94: {  	_ =	swait.ge [sflag:s24], $0x4000  }
0x95: {  	[sflag:s24] =	ssyncset.done $0x0  }
0x96: {  	[sflag:s24] =	ssyncadd.s32 $0xFFFFC000  }
0x97: {  	_ =	swait.ge [sflag:s26], $0x4000  }
0x98: {  	p0 =	seq.s32 s12, $0x0;
	[sflag:s26] =	ssyncset.done $0x0  }
0x99: {  	s2 =	simm.s32 @!p0 $0x5;
	[sflag:s26] =	ssyncadd.s32 $0xFFFFC000  }
0x9a: {  	s20 =	simm.s32 $0x0;
	s16 =	simm.s32 $0x0;
	_ =	swait.ge @!p0 [sflag:s2], $0x4000  }
0x9b: {  	s16 =	sand.u32 $0x2000, s16;
	s22 =	sand.u32 $0x380, s20;
	[sflag:s2] =	ssyncset.done @!p0 $0x0  }
0x9c: {  	s22 =	sor.u32 s22, s16;
	[sflag:s2] =	ssyncadd.s32 @!p0 $0xFFFFC000  }
0x9d: {  	v3 =	vld [tilespmem:s22+$0x1000]  }
0x9e: {  	v4 =	vld [tilespmem:s22+$0x9000]  }
0x9f: {  	v5 =	vld [tilespmem:s22+$0x1010]  }
0xa0: {  	v6 =	vld [tilespmem:s22+$0x9010]  }
0xa1: {  	v7 =	vld [tilespmem:s22+$0x1020]  }
0xa2: {  	v8 =	vld [tilespmem:s22+$0x9020]  }
0xa3: {  	v9 =	vld [tilespmem:s22+$0x1030]  }
0xa4: {  	v10 =	vld [tilespmem:s22+$0x9030]  }
0xa5: {  	v11 =	vld [tilespmem:s22+$0x1040]  }
0xa6: {  	v12 =	vld [tilespmem:s22+$0x9040]  }
0xa7: {  	v13 =	vld [tilespmem:s22+$0x1050]  }
0xa8: {  	v14 =	vld [tilespmem:s22+$0x9050]  }
0xa9: {  	v15 =	vld [tilespmem:s22+$0x1060]  }
0xaa: {  	v16 =	vld [tilespmem:s22+$0x9060]  }
0xab: {  	v17 =	vld [tilespmem:s22+$0x1070]  }
0xac: {  	v18 =	vld [tilespmem:s22+$0x9070]  }
0xad: {  	v19 =	vld [tilespmem:s22+$0x1400]  }
0xae: {  	v20 =	vld [tilespmem:s22+$0x9400]  }
0xaf: {  	v21 =	vld [tilespmem:s22+$0x1410]  }
0xb0: {  	v22 =	vld [tilespmem:s22+$0x9410]  }
0xb1: {  	v23 =	vld [tilespmem:s22+$0x1420]  }
0xb2: {  	v24 =	vld [tilespmem:s22+$0x9420]  }
0xb3: {  	v25 =	vld [tilespmem:s22+$0x1430]  }
0xb4: {  	v26 =	vld [tilespmem:s22+$0x9430]  }
0xb5: {  	v27 =	vld [tilespmem:s22+$0x1440]  }
0xb6: {  	v28 =	vld [tilespmem:s22+$0x9440]  }
0xb7: {  	v29 =	vld [tilespmem:s22+$0x1450]  }
0xb8: {  	v30 =	vld [tilespmem:s22+$0x9450]  }
0xb9: {  	v31 =	vld [tilespmem:s22+$0x1460]  }
0xba: {  	v32 =	vld [tilespmem:s22+$0x9460]  }
0xbb: {  	v33 =	vld [tilespmem:s22+$0x1470]  }
0xbc: {  	v34 =	vld [tilespmem:s22+$0x9470]  }
0xbd: {  	v35 =	vld [tilespmem:s22+$0x1800]  }
0xbe: {  	v36 =	vld [tilespmem:s22+$0x9800]  }
0xbf: {  	v37 =	vld [tilespmem:s22+$0x1810]  }
0xc0: {  	v38 =	vld [tilespmem:s22+$0x9810]  }
0xc1: {  	v39 =	vld [tilespmem:s22+$0x1820]  }
0xc2: {  	v40 =	vld [tilespmem:s22+$0x9820]  }
0xc3: {  	v41 =	vld [tilespmem:s22+$0x1830]  }
0xc4: {  	v42 =	vld [tilespmem:s22+$0x9830]  }
0xc5: {  	v43 =	vld [tilespmem:s22+$0x1840]  }
0xc6: {  	v44 =	vld [tilespmem:s22+$0x9840]  }
0xc7: {  	v45 =	vld [tilespmem:s22+$0x1850]  }
0xc8: {  	v46 =	vld [tilespmem:s22+$0x9850]  }
0xc9: {  	v47 =	vld [tilespmem:s22+$0x1860]  }
0xca: {  	v48 =	vld [tilespmem:s22+$0x9860]  }
0xcb: {  	v49 =	vld [tilespmem:s22+$0x1870]  }
0xcc: {  	v50 =	vld [tilespmem:s22+$0x9870]  }
0xcd: {  	v51 =	vld [tilespmem:s22+$0x1C00]  }
0xce: {  	v52 =	vld [tilespmem:s22+$0x9C00]  }
0xcf: {  	v53 =	vld [tilespmem:s22+$0x1C10]  }
0xd0: {  	v54 =	vld [tilespmem:s22+$0x9C10]  }
0xd1: {  	v55 =	vld [tilespmem:s22+$0x1C20]  }
0xd2: {  	v56 =	vld [tilespmem:s22+$0x9C20]  }
0xd3: {  	v57 =	vld [tilespmem:s22+$0x1C30]  }
0xd4: {  	v58 =	vld [tilespmem:s22+$0x9C30]  }
0xd5: {  	v59 =	vld [tilespmem:s22+$0x1C40]  }
0xd6: {  	v60 =	vld [tilespmem:s22+$0x9C40]  }
0xd7: {  	v61 =	vld [tilespmem:s22+$0x1C50]  }
0xd8: {  	v62 =	vld [tilespmem:s22+$0x9C50]  }
0xd9: {  	v63 =	vld [tilespmem:s22+$0x1C60]  }
0xda: {  	v0 =	vld [tilespmem:s22+$0x1C70];
	v3 =	vadd.f32 v4, v3  }
0xdb: {  	v4 =	vld [tilespmem:s22+$0x9C60];
	v5 =	vadd.f32 v6, v5  }
0xdc: {  	v6 =	vadd.f32 v8, v7;
	v8 =	vld [tilespmem:s22+$0xA010];
	[tilespmem:s22+$0x11000] =	vst v3  }
0xdd: {  	v7 =	vadd.f32 v10, v9;
	v9 =	vld [tilespmem:s22+$0x2020];
	[tilespmem:s22+$0x11010] =	vst v5  }
0xde: {  	v12 =	vadd.f32 v12, v11;
	v10 =	vld [tilespmem:s22+$0xA020];
	[tilespmem:s22+$0x11020] =	vst v6  }
0xdf: {  	v14 =	vadd.f32 v14, v13;
	v15 =	vadd.f32 v16, v15;
	v11 =	vld [tilespmem:s22+$0x2030];
	[tilespmem:s22+$0x11030] =	vst v7  }
0xe0: {  	v16 =	vadd.f32 v18, v17;
	v17 =	vadd.f32 v20, v19;
	v13 =	vld [tilespmem:s22+$0x2040];
	[tilespmem:s22+$0x11040] =	vst v12  }
0xe1: {  	v20 =	vadd.f32 v26, v25;
	v25 =	vadd.f32 v36, v35;
	v36 =	vld [tilespmem:s22+$0x2440];
	[tilespmem:s22+$0x11050] =	vst v14  }
0xe2: {  	v18 =	vadd.f32 v22, v21;
	v26 =	vadd.f32 v38, v37;
	v38 =	vld [tilespmem:s22+$0xA440];
	[tilespmem:s22+$0x11060] =	vst v15  }
0xe3: {  	v21 =	vadd.f32 v28, v27;
	v27 =	vadd.f32 v40, v39;
	v40 =	vld [tilespmem:s22+$0x2450];
	[tilespmem:s22+$0x11070] =	vst v16  }
0xe4: {  	v19 =	vadd.f32 v24, v23;
	v28 =	vadd.f32 v42, v41;
	v42 =	vld [tilespmem:s22+$0xA450];
	[tilespmem:s22+$0x11400] =	vst v17  }
0xe5: {  	v22 =	vadd.f32 v30, v29;
	v29 =	vadd.f32 v44, v43;
	v43 =	vld [tilespmem:s22+$0x2460];
	[tilespmem:s22+$0x11410] =	vst v18  }
0xe6: {  	v30 =	vadd.f32 v46, v45;
	v46 =	vld [tilespmem:s22+$0xA810];
	[tilespmem:s22+$0x11420] =	vst v19  }
0xe7: {  	v23 =	vadd.f32 v32, v31;
	v31 =	vadd.f32 v48, v47;
	v48 =	vld [tilespmem:s22+$0x2820];
	[tilespmem:s22+$0x11430] =	vst v20  }
0xe8: {  	v32 =	vadd.f32 v50, v49;
	v50 =	vld [tilespmem:s22+$0xA820];
	[tilespmem:s22+$0x11440] =	vst v21  }
0xe9: {  	v24 =	vadd.f32 v34, v33;
	v33 =	vadd.f32 v52, v51;
	v52 =	vld [tilespmem:s22+$0x2830];
	[tilespmem:s22+$0x11450] =	vst v22  }
0xea: {  	v34 =	vadd.f32 v54, v53;
	v54 =	vld [tilespmem:s22+$0xA830];
	[tilespmem:s22+$0x11460] =	vst v23  }
0xeb: {  	v35 =	vadd.f32 v56, v55;
	v56 =	vld [tilespmem:s22+$0x2840];
	[tilespmem:s22+$0x11470] =	vst v24  }
0xec: {  	v37 =	vadd.f32 v58, v57;
	v58 =	vld [tilespmem:s22+$0xA840];
	[tilespmem:s22+$0x11800] =	vst v25  }
0xed: {  	v3 =	vld [tilespmem:s22+$0x9C70];
	[tilespmem:s22+$0x11810] =	vst v26  }
0xee: {  	v5 =	vld [tilespmem:s22+$0x2000];
	[tilespmem:s22+$0x11820] =	vst v27  }
0xef: {  	v6 =	vld [tilespmem:s22+$0xA000];
	[tilespmem:s22+$0x11830] =	vst v28  }
0xf0: {  	v7 =	vld [tilespmem:s22+$0x2010];
	[tilespmem:s22+$0x11840] =	vst v29  }
0xf1: {  	v12 =	vld [tilespmem:s22+$0xA030];
	[tilespmem:s22+$0x11850] =	vst v30  }
0xf2: {  	v14 =	vld [tilespmem:s22+$0xA040];
	[tilespmem:s22+$0x11860] =	vst v31  }
0xf3: {  	v15 =	vld [tilespmem:s22+$0x2050];
	[tilespmem:s22+$0x11870] =	vst v32  }
0xf4: {  	v16 =	vld [tilespmem:s22+$0xA050];
	[tilespmem:s22+$0x11C00] =	vst v33  }
0xf5: {  	v17 =	vld [tilespmem:s22+$0x2060];
	[tilespmem:s22+$0x11C10] =	vst v34  }
0xf6: {  	v39 =	vadd.f32 v60, v59;
	v18 =	vld [tilespmem:s22+$0xA060];
	[tilespmem:s22+$0x11C20] =	vst v35  }
0xf7: {  	v41 =	vadd.f32 v62, v61;
	v19 =	vld [tilespmem:s22+$0x2070];
	[tilespmem:s22+$0x11C30] =	vst v37  }
0xf8: {  	v20 =	vld [tilespmem:s22+$0xA070];
	[tilespmem:s22+$0x11C40] =	vst v39;
	v4 =	vadd.f32 v4, v63  }
0xf9: {  	v21 =	vld [tilespmem:s22+$0x2400];
	[tilespmem:s22+$0x11C50] =	vst v41;
	v59 =	vadd.f32 v38, v36  }
0xfa: {  	v22 =	vld [tilespmem:s22+$0xA400];
	v61 =	vadd.f32 v42, v40;
	[tilespmem:s22+$0x11C60] =	vst v4  }
0xfb: {  	v23 =	vld [tilespmem:s22+$0x2410];
	v0 =	vadd.f32 v3, v0;
	[tilespmem:s22+$0x12440] =	vst v59  }
0xfc: {  	v24 =	vld [tilespmem:s22+$0xA410];
	v4 =	vadd.f32 v6, v5;
	[tilespmem:s22+$0x12450] =	vst v61  }
0xfd: {  	v25 =	vld [tilespmem:s22+$0x2420];
	v5 =	vadd.f32 v8, v7;
	[tilespmem:s22+$0x11C70] =	vst v0  }
0xfe: {  	v26 =	vld [tilespmem:s22+$0xA420];
	v6 =	vadd.f32 v10, v9;
	[tilespmem:s22+$0x12000] =	vst v4  }
0xff: {  	v27 =	vld [tilespmem:s22+$0x2430];
	v7 =	vadd.f32 v12, v11;
	[tilespmem:s22+$0x12010] =	vst v5  }
0x100: {  	v28 =	vld [tilespmem:s22+$0xA430];
	v44 =	vadd.f32 v14, v13;
	[tilespmem:s22+$0x12020] =	vst v6  }
0x101: {  	v3 =	vld [tilespmem:s22+$0xA460];
	v45 =	vadd.f32 v16, v15;
	[tilespmem:s22+$0x12030] =	vst v7  }
0x102: {  	v47 =	vadd.f32 v18, v17;
	v0 =	vld [tilespmem:s22+$0x2470];
	[tilespmem:s22+$0x12040] =	vst v44  }
0x103: {  	v49 =	vadd.f32 v20, v19;
	v4 =	vld [tilespmem:s22+$0xA470];
	[tilespmem:s22+$0x12050] =	vst v45  }
0x104: {  	v51 =	vadd.f32 v22, v21;
	v5 =	vld [tilespmem:s22+$0x2800];
	[tilespmem:s22+$0x12060] =	vst v47  }
0x105: {  	v53 =	vadd.f32 v24, v23;
	v6 =	vld [tilespmem:s22+$0xA800];
	[tilespmem:s22+$0x12070] =	vst v49  }
0x106: {  	v55 =	vadd.f32 v26, v25;
	v7 =	vld [tilespmem:s22+$0x2810];
	[tilespmem:s22+$0x12400] =	vst v51  }
0x107: {  	v60 =	vld [tilespmem:s22+$0x2850];
	v57 =	vadd.f32 v28, v27;
	[tilespmem:s22+$0x12410] =	vst v53  }
0x108: {  	v62 =	vld [tilespmem:s22+$0xA850];
	[tilespmem:s22+$0x12420] =	vst v55;
	v3 =	vadd.f32 v3, v43  }
0x109: {  	v63 =	vld [tilespmem:s22+$0x2860];
	[tilespmem:s22+$0x12430] =	vst v57;
	v0 =	vadd.f32 v4, v0  }
0x10a: {  	[tilespmem:s22+$0x12460] =	vst v3;
	v3 =	vld [tilespmem:s22+$0xA860];
	v4 =	vadd.f32 v6, v5  }
0x10b: {  	v5 =	vadd.f32 v46, v7;
	v6 =	vld [tilespmem:s22+$0xA870];
	[tilespmem:s22+$0x12470] =	vst v0  }
0x10c: {  	v0 =	vld [tilespmem:s22+$0x2870];
	[tilespmem:s22+$0x12800] =	vst v4;
	v4 =	vadd.f32 v50, v48  }
0x10d: {  	[tilespmem:s22+$0x12810] =	vst v5;
	v5 =	vadd.f32 v54, v52  }
0x10e: {  	[tilespmem:s22+$0x12820] =	vst v4;
	v4 =	vadd.f32 v58, v56  }
0x10f: {  	[tilespmem:s22+$0x12830] =	vst v5;
	v5 =	vadd.f32 v62, v60  }
0x110: {  	s28 =	simm.s32 $0xFFFFC000;
	s29 =	simm.s32 $0x80;
	s31 =	sand.u32 $0x7, s20;
	v3 =	vadd.f32 v3, v63;
	[tilespmem:s22+$0x12840] =	vst v4  }
0x111: {  	s30 =	simm.s32 $0x0;
	s16 =	sshll.u32 s12, $0x1;
	s2 =	sshll.u32 s31, $0x7;
	[tilespmem:s22+$0x12850] =	vst v5;
	v4 =	vadd.f32 v6, v0  }
.LBB2_3:
0x112: {  	p1 =	sne.s32 s29, $0x780;
	s31 =	sadd.s32 s2, s20;
	[tilespmem:s22+$0x12860] =	vst v3;
	s28 =	sadd.s32 $0x400, s28  }
0x113: {  	s2 =	sadd.s32 $0x4000, s28;
	[tilespmem:s22+$0x12870] =	vst v4;
	s0 =	sor.u32 $0x1C00, s31  }
0x114: {  	s22 =	sand.u32 $0x380, s29;
	s2 =	sand.u32 $0x2000, s2;
	v0 =	vld [tilespmem:s0+$0x1000]  }
0x115: {  	s22 =	sor.u32 s22, s2;
	v7 =	vld [tilespmem:s0+$0x9000]  }
0x116: {  	v3 =	vld [tilespmem:s22+$0x1000]  }
0x117: {  	v6 =	vld [tilespmem:s22+$0x9000]  }
0x118: {  	v4 =	vld [tilespmem:s22+$0x1010]  }
0x119: {  	v8 =	vld [tilespmem:s22+$0x9010]  }
0x11a: {  	v5 =	vld [tilespmem:s22+$0x1020];
	v0 =	vadd.f32 v7, v0  }
0x11b: {  	v9 =	vld [tilespmem:s22+$0x9020]  }
0x11c: {  	v7 =	vld [tilespmem:s22+$0x1030];
	[tilespmem:s0+$0x11000] =	vst v0;
	s0 =	sor.u32 $0x1C10, s31  }
0x11d: {  	v0 =	vld [tilespmem:s0+$0x1000]  }
0x11e: {  	v12 =	vld [tilespmem:s0+$0x9000]  }
0x11f: {  	v13 =	vld [tilespmem:s22+$0x9030]  }
0x120: {  	v10 =	vld [tilespmem:s22+$0x1040]  }
0x121: {  	v14 =	vld [tilespmem:s22+$0x9040]  }
0x122: {  	v11 =	vld [tilespmem:s22+$0x1050]  }
0x123: {  	v15 =	vld [tilespmem:s22+$0x9050];
	v0 =	vadd.f32 v12, v0  }
0x124: {  	v12 =	vld [tilespmem:s22+$0x1060]  }
0x125: {  	v16 =	vld [tilespmem:s22+$0x9060];
	[tilespmem:s0+$0x11000] =	vst v0;
	s0 =	sor.u32 $0x1C20, s31  }
0x126: {  	v0 =	vld [tilespmem:s0+$0x1000]  }
0x127: {  	v20 =	vld [tilespmem:s0+$0x9000]  }
0x128: {  	v17 =	vld [tilespmem:s22+$0x1070]  }
0x129: {  	v21 =	vld [tilespmem:s22+$0x9070]  }
0x12a: {  	v18 =	vld [tilespmem:s22+$0x1400]  }
0x12b: {  	v22 =	vld [tilespmem:s22+$0x9400]  }
0x12c: {  	v19 =	vld [tilespmem:s22+$0x1410];
	v0 =	vadd.f32 v20, v0  }
0x12d: {  	v23 =	vld [tilespmem:s22+$0x9410]  }
0x12e: {  	v20 =	vld [tilespmem:s22+$0x1420];
	[tilespmem:s0+$0x11000] =	vst v0;
	s0 =	sor.u32 $0x1C30, s31  }
0x12f: {  	v0 =	vld [tilespmem:s0+$0x1000]  }
0x130: {  	v26 =	vld [tilespmem:s0+$0x9000]  }
0x131: {  	v27 =	vld [tilespmem:s22+$0x9420]  }
0x132: {  	v24 =	vld [tilespmem:s22+$0x1430]  }
0x133: {  	v28 =	vld [tilespmem:s22+$0x9430]  }
0x134: {  	v25 =	vld [tilespmem:s22+$0x1440]  }
0x135: {  	v29 =	vld [tilespmem:s22+$0x9440];
	v0 =	vadd.f32 v26, v0  }
0x136: {  	v26 =	vld [tilespmem:s22+$0x1450]  }
0x137: {  	v30 =	vld [tilespmem:s22+$0x9450];
	[tilespmem:s0+$0x11000] =	vst v0;
	s0 =	sor.u32 $0x1C40, s31  }
0x138: {  	v0 =	vld [tilespmem:s0+$0x1000]  }
0x139: {  	v34 =	vld [tilespmem:s0+$0x9000]  }
0x13a: {  	v31 =	vld [tilespmem:s22+$0x1460]  }
0x13b: {  	v35 =	vld [tilespmem:s22+$0x9460]  }
0x13c: {  	v32 =	vld [tilespmem:s22+$0x1470]  }
0x13d: {  	v36 =	vld [tilespmem:s22+$0x9470]  }
0x13e: {  	v33 =	vld [tilespmem:s22+$0x1800];
	v0 =	vadd.f32 v34, v0  }
0x13f: {  	v37 =	vld [tilespmem:s22+$0x9800]  }
0x140: {  	v34 =	vld [tilespmem:s22+$0x1810];
	[tilespmem:s0+$0x11000] =	vst v0;
	s0 =	sor.u32 $0x1C50, s31  }
0x141: {  	v0 =	vld [tilespmem:s0+$0x1000]  }
0x142: {  	v40 =	vld [tilespmem:s0+$0x9000]  }
0x143: {  	v41 =	vld [tilespmem:s22+$0x9810]  }
0x144: {  	v38 =	vld [tilespmem:s22+$0x1820]  }
0x145: {  	v42 =	vld [tilespmem:s22+$0x9820]  }
0x146: {  	v39 =	vld [tilespmem:s22+$0x1830]  }
0x147: {  	v43 =	vld [tilespmem:s22+$0x9830];
	v0 =	vadd.f32 v40, v0  }
0x148: {  	v40 =	vld [tilespmem:s22+$0x1840]  }
0x149: {  	v44 =	vld [tilespmem:s22+$0x9840];
	[tilespmem:s0+$0x11000] =	vst v0;
	s0 =	sor.u32 $0x1C60, s31  }
0x14a: {  	v0 =	vld [tilespmem:s0+$0x1000]  }
0x14b: {  	v48 =	vld [tilespmem:s0+$0x9000]  }
0x14c: {  	v45 =	vld [tilespmem:s22+$0x1850]  }
0x14d: {  	v49 =	vld [tilespmem:s22+$0x9850]  }
0x14e: {  	v46 =	vld [tilespmem:s22+$0x1860]  }
0x14f: {  	v50 =	vld [tilespmem:s22+$0x9860]  }
0x150: {  	v47 =	vld [tilespmem:s22+$0x1870];
	v0 =	vadd.f32 v48, v0  }
0x151: {  	v51 =	vld [tilespmem:s22+$0x9870]  }
0x152: {  	v48 =	vld [tilespmem:s22+$0x1C00];
	[tilespmem:s0+$0x11000] =	vst v0;
	s0 =	sor.u32 $0x1C70, s31  }
0x153: {  	v0 =	vld [tilespmem:s0+$0x1000]  }
0x154: {  	v52 =	vld [tilespmem:s0+$0x9000]  }
0x155: {  	v53 =	vld [tilespmem:s22+$0x9C00]  }
0x156: {  	v54 =	vld [tilespmem:s22+$0x1C10]  }
0x157: {  	v55 =	vld [tilespmem:s22+$0x9C10]  }
0x158: {  	v56 =	vld [tilespmem:s22+$0x1C20]  }
0x159: {  	v57 =	vld [tilespmem:s22+$0x9C20];
	v0 =	vadd.f32 v52, v0  }
0x15a: {  	v52 =	vld [tilespmem:s22+$0x1C30]  }
0x15b: {  	v58 =	vld [tilespmem:s22+$0x9C30];
	[tilespmem:s0+$0x11000] =	vst v0  }
0x15c: {  	v0 =	vld [tilespmem:s22+$0x1C40]  }
0x15d: {  	v59 =	vld [tilespmem:s22+$0x9C40]  }
0x15e: {  	v60 =	vld [tilespmem:s22+$0x1C50]  }
0x15f: {  	v61 =	vld [tilespmem:s22+$0x9C50]  }
0x160: {  	v62 =	vld [tilespmem:s22+$0x1C60]  }
0x161: {  	v3 =	vadd.f32 v6, v3;
	v6 =	vld [tilespmem:s22+$0x9C60]  }
0x162: {  	v4 =	vadd.f32 v8, v4;
	v8 =	vld [tilespmem:s22+$0x1C70]  }
0x163: {  	[tilespmem:s22+$0x11000] =	vst v3;
	v3 =	vadd.f32 v9, v5;
	v5 =	vld [tilespmem:s22+$0x9C70]  }
0x164: {  	[tilespmem:s22+$0x11010] =	vst v4;
	v4 =	vadd.f32 v13, v7;
	v7 =	vld [tilespmem:s22+$0x2000]  }
0x165: {  	[tilespmem:s22+$0x11020] =	vst v3;
	v3 =	vadd.f32 v14, v10;
	v9 =	vld [tilespmem:s22+$0xA000]  }
0x166: {  	[tilespmem:s22+$0x11030] =	vst v4;
	v4 =	vadd.f32 v15, v11;
	v10 =	vld [tilespmem:s22+$0x2010]  }
0x167: {  	[tilespmem:s22+$0x11040] =	vst v3;
	v3 =	vadd.f32 v16, v12;
	v11 =	vld [tilespmem:s22+$0xA010]  }
0x168: {  	[tilespmem:s22+$0x11050] =	vst v4;
	v4 =	vadd.f32 v21, v17;
	v12 =	vld [tilespmem:s22+$0x2020]  }
0x169: {  	[tilespmem:s22+$0x11060] =	vst v3;
	v3 =	vadd.f32 v22, v18;
	v13 =	vld [tilespmem:s22+$0xA020]  }
0x16a: {  	[tilespmem:s22+$0x11070] =	vst v4;
	v4 =	vadd.f32 v23, v19;
	v14 =	vld [tilespmem:s22+$0x2030]  }
0x16b: {  	[tilespmem:s22+$0x11400] =	vst v3;
	v3 =	vadd.f32 v27, v20;
	v15 =	vld [tilespmem:s22+$0xA030]  }
0x16c: {  	[tilespmem:s22+$0x11410] =	vst v4;
	v4 =	vadd.f32 v28, v24;
	v16 =	vld [tilespmem:s22+$0x2040]  }
0x16d: {  	[tilespmem:s22+$0x11420] =	vst v3;
	v3 =	vadd.f32 v29, v25;
	v17 =	vld [tilespmem:s22+$0xA040]  }
0x16e: {  	[tilespmem:s22+$0x11430] =	vst v4;
	v4 =	vadd.f32 v30, v26;
	v18 =	vld [tilespmem:s22+$0x2050]  }
0x16f: {  	[tilespmem:s22+$0x11440] =	vst v3;
	v3 =	vadd.f32 v35, v31;
	v19 =	vld [tilespmem:s22+$0xA050]  }
0x170: {  	[tilespmem:s22+$0x11450] =	vst v4;
	v4 =	vadd.f32 v36, v32;
	v20 =	vld [tilespmem:s22+$0x2060]  }
0x171: {  	[tilespmem:s22+$0x11460] =	vst v3;
	v3 =	vadd.f32 v37, v33;
	v21 =	vld [tilespmem:s22+$0xA060]  }
0x172: {  	[tilespmem:s22+$0x11470] =	vst v4;
	v4 =	vadd.f32 v41, v34;
	v22 =	vld [tilespmem:s22+$0x2070]  }
0x173: {  	[tilespmem:s22+$0x11800] =	vst v3;
	v3 =	vadd.f32 v42, v38;
	v23 =	vld [tilespmem:s22+$0xA070]  }
0x174: {  	[tilespmem:s22+$0x11810] =	vst v4;
	v4 =	vadd.f32 v43, v39;
	v24 =	vld [tilespmem:s22+$0x2400]  }
0x175: {  	[tilespmem:s22+$0x11820] =	vst v3;
	v3 =	vadd.f32 v44, v40;
	v25 =	vld [tilespmem:s22+$0xA400]  }
0x176: {  	[tilespmem:s22+$0x11830] =	vst v4;
	v4 =	vadd.f32 v49, v45;
	v26 =	vld [tilespmem:s22+$0x2410]  }
0x177: {  	[tilespmem:s22+$0x11840] =	vst v3;
	v3 =	vadd.f32 v50, v46;
	v27 =	vld [tilespmem:s22+$0xA410]  }
0x178: {  	[tilespmem:s22+$0x11850] =	vst v4;
	v4 =	vadd.f32 v51, v47;
	v28 =	vld [tilespmem:s22+$0x2420]  }
0x179: {  	[tilespmem:s22+$0x11860] =	vst v3;
	v3 =	vadd.f32 v53, v48;
	v29 =	vld [tilespmem:s22+$0xA420]  }
0x17a: {  	[tilespmem:s22+$0x11870] =	vst v4;
	v4 =	vadd.f32 v55, v54;
	v30 =	vld [tilespmem:s22+$0x2430]  }
0x17b: {  	[tilespmem:s22+$0x11C00] =	vst v3;
	v3 =	vadd.f32 v57, v56;
	v31 =	vld [tilespmem:s22+$0xA430]  }
0x17c: {  	[tilespmem:s22+$0x11C10] =	vst v4;
	v4 =	vadd.f32 v58, v52;
	v32 =	vld [tilespmem:s22+$0x2440]  }
0x17d: {  	v0 =	vadd.f32 v59, v0;
	[tilespmem:s22+$0x11C20] =	vst v3;
	v3 =	vld [tilespmem:s22+$0xA440]  }
0x17e: {  	[tilespmem:s22+$0x11C30] =	vst v4;
	v4 =	vadd.f32 v61, v60;
	v33 =	vld [tilespmem:s22+$0x2450]  }
0x17f: {  	[tilespmem:s22+$0x11C40] =	vst v0;
	v0 =	vadd.f32 v6, v62;
	v6 =	vld [tilespmem:s22+$0xA450]  }
0x180: {  	[tilespmem:s22+$0x11C50] =	vst v4;
	v4 =	vadd.f32 v5, v8;
	v5 =	vld [tilespmem:s22+$0x2460]  }
0x181: {  	[tilespmem:s22+$0x11C60] =	vst v0;
	v0 =	vadd.f32 v9, v7;
	v7 =	vld [tilespmem:s22+$0xA460]  }
0x182: {  	[tilespmem:s22+$0x11C70] =	vst v4;
	v4 =	vadd.f32 v11, v10;
	v8 =	vld [tilespmem:s22+$0x2470]  }
0x183: {  	[tilespmem:s22+$0x12000] =	vst v0;
	v0 =	vadd.f32 v13, v12;
	v9 =	vld [tilespmem:s22+$0xA470]  }
0x184: {  	[tilespmem:s22+$0x12010] =	vst v4;
	v4 =	vadd.f32 v15, v14;
	v10 =	vld [tilespmem:s22+$0x2800]  }
0x185: {  	[tilespmem:s22+$0x12020] =	vst v0;
	v0 =	vadd.f32 v17, v16;
	v11 =	vld [tilespmem:s22+$0xA800]  }
0x186: {  	[tilespmem:s22+$0x12030] =	vst v4;
	v4 =	vadd.f32 v19, v18;
	v12 =	vld [tilespmem:s22+$0x2810]  }
0x187: {  	[tilespmem:s22+$0x12040] =	vst v0;
	v0 =	vadd.f32 v21, v20;
	v13 =	vld [tilespmem:s22+$0xA810]  }
0x188: {  	[tilespmem:s22+$0x12050] =	vst v4;
	v4 =	vadd.f32 v23, v22;
	v14 =	vld [tilespmem:s22+$0x2820]  }
0x189: {  	[tilespmem:s22+$0x12060] =	vst v0;
	v0 =	vadd.f32 v25, v24;
	v15 =	vld [tilespmem:s22+$0xA820]  }
0x18a: {  	[tilespmem:s22+$0x12070] =	vst v4;
	v4 =	vadd.f32 v27, v26;
	v16 =	vld [tilespmem:s22+$0x2830]  }
0x18b: {  	[tilespmem:s22+$0x12400] =	vst v0;
	v0 =	vadd.f32 v29, v28;
	v17 =	vld [tilespmem:s22+$0xA830]  }
0x18c: {  	[tilespmem:s22+$0x12410] =	vst v4;
	v4 =	vadd.f32 v31, v30;
	v18 =	vld [tilespmem:s22+$0x2840]  }
0x18d: {  	[tilespmem:s22+$0x12420] =	vst v0;
	v0 =	vadd.f32 v3, v32;
	v3 =	vld [tilespmem:s22+$0xA840]  }
0x18e: {  	[tilespmem:s22+$0x12430] =	vst v4;
	v4 =	vadd.f32 v6, v33;
	v6 =	vld [tilespmem:s22+$0x2850]  }
0x18f: {  	[tilespmem:s22+$0x12440] =	vst v0;
	v0 =	vadd.f32 v7, v5;
	v5 =	vld [tilespmem:s22+$0xA850]  }
0x190: {  	[tilespmem:s22+$0x12450] =	vst v4;
	v4 =	vadd.f32 v9, v8;
	v7 =	vld [tilespmem:s22+$0x2860]  }
0x191: {  	[tilespmem:s22+$0x12460] =	vst v0;
	v0 =	vadd.f32 v11, v10;
	v8 =	vld [tilespmem:s22+$0xA860]  }
0x192: {  	[tilespmem:s22+$0x12470] =	vst v4;
	v4 =	vadd.f32 v13, v12;
	v9 =	vld [tilespmem:s22+$0x2870]  }
0x193: {  	[tilespmem:s22+$0x12800] =	vst v0;
	v0 =	vadd.f32 v15, v14;
	v10 =	vld [tilespmem:s22+$0xA870]  }
.Ltmp2:
0x194: {  	[tilespmem:s22+$0x12810] =	vst v4;
	v4 =	vadd.f32 v17, v16;
	(pc) =	sbr.rel @p1 .LBB2_3-.Ltmp2, $4  }
0x195: {  	[tilespmem:s22+$0x12820] =	vst v0;
	v0 =	vadd.f32 v3, v18  }
0x196: {  	s30 =	sadd.s32 $0x1, s30;
	[tilespmem:s22+$0x12830] =	vst v4;
	v4 =	vadd.f32 v5, v6  }
0x197: {  	s0 =	sand.u32 $0x7, s30;
	v3 =	vadd.f32 v8, v7;
	[tilespmem:s22+$0x12840] =	vst v0  }
0x198: {  	s20 =	sadd.s32 $0x400, s20;
	s29 =	sadd.s32 $0x80, s29;
	s2 =	sshll.u32 s0, $0x7;
	[tilespmem:s22+$0x12850] =	vst v4;
	v4 =	vadd.f32 v10, v9  }
0x199: {  	s0 =	sadd.s32 s2, s20;
	[tilespmem:s22+$0x12860] =	vst v3  }
0x19a: {  	[tilespmem:s22+$0x12870] =	vst v4;
	s2 =	sor.u32 $0x1C00, s0  }
0x19b: {  	v0 =	vld [tilespmem:s2+$0x1000]  }
0x19c: {  	v3 =	vld [tilespmem:s2+$0x9000];
	_ =	sdelay $0x4  }
0x19d: {  	v0 =	vadd.f32 v3, v0;
	_ =	sdelay $0x1  }
0x19e: {  	s4 =	sor.u32 $0x1C10, s0;
	[tilespmem:s2+$0x11000] =	vst v0  }
0x19f: {  	v0 =	vld [tilespmem:s4+$0x1000]  }
0x1a0: {  	v3 =	vld [tilespmem:s4+$0x9000];
	_ =	sdelay $0x4  }
0x1a1: {  	v0 =	vadd.f32 v3, v0;
	_ =	sdelay $0x1  }
0x1a2: {  	s20 =	sor.u32 $0x1C20, s0;
	[tilespmem:s4+$0x11000] =	vst v0  }
0x1a3: {  	v0 =	vld [tilespmem:s20+$0x1000]  }
0x1a4: {  	v3 =	vld [tilespmem:s20+$0x9000];
	_ =	sdelay $0x4  }
0x1a5: {  	v0 =	vadd.f32 v3, v0;
	_ =	sdelay $0x1  }
0x1a6: {  	s22 =	sor.u32 $0x1C30, s0;
	[tilespmem:s20+$0x11000] =	vst v0  }
0x1a7: {  	v0 =	vld [tilespmem:s22+$0x1000]  }
0x1a8: {  	v3 =	vld [tilespmem:s22+$0x9000];
	_ =	sdelay $0x4  }
0x1a9: {  	v0 =	vadd.f32 v3, v0;
	_ =	sdelay $0x1  }
0x1aa: {  	s28 =	sor.u32 $0x1C40, s0;
	[tilespmem:s22+$0x11000] =	vst v0  }
0x1ab: {  	v0 =	vld [tilespmem:s28+$0x1000]  }
0x1ac: {  	v3 =	vld [tilespmem:s28+$0x9000];
	_ =	sdelay $0x4  }
0x1ad: {  	v0 =	vadd.f32 v3, v0;
	_ =	sdelay $0x1  }
0x1ae: {  	s29 =	sor.u32 $0x1C50, s0;
	[tilespmem:s28+$0x11000] =	vst v0  }
0x1af: {  	v0 =	vld [tilespmem:s29+$0x1000]  }
0x1b0: {  	v3 =	vld [tilespmem:s29+$0x9000];
	_ =	sdelay $0x4  }
0x1b1: {  	v0 =	vadd.f32 v3, v0;
	_ =	sdelay $0x1  }
0x1b2: {  	s30 =	sor.u32 $0x1C60, s0;
	[tilespmem:s29+$0x11000] =	vst v0  }
0x1b3: {  	v0 =	vld [tilespmem:s30+$0x1000]  }
0x1b4: {  	v3 =	vld [tilespmem:s30+$0x9000];
	_ =	sdelay $0x4  }
0x1b5: {  	v0 =	vadd.f32 v3, v0;
	_ =	sdelay $0x1  }
0x1b6: {  	s0 =	sor.u32 $0x1C70, s0;
	[tilespmem:s30+$0x11000] =	vst v0  }
0x1b7: {  	v0 =	vld [tilespmem:s0+$0x1000]  }
0x1b8: {  	v3 =	vld [tilespmem:s0+$0x9000];
	_ =	sdelay $0x4  }
0x1b9: {  	v0 =	vadd.f32 v3, v0  }
0x1ba: {  	s31 =	sshll.u32 s12, $0xC  }
0x1bb: {  	s2 =	simm.s32 $0x11000;
	s20 =	sadd.s32 s31, s10;
	[tilespmem:s0+$0x11000] =	vst v0  }
0x1bc: {  	[hbm4b:s20+s13] =	stream.strided.scatter [tilespmem:s2], [sflag:$0x5], $0x400, s14, s13, $0x38;
	[tilespmem:$0x19000] =	vst v63  }
0x1bd: {  	s4 =	sadd.s32 $0x40, s20;
	s22 =	simm.s32 $0x11400  }
0x1be: {  	[hbm4b:s4+s13] =	stream.strided.scatter [tilespmem:s22], [sflag:$0x5], $0x400, s14, s13, $0x38;
	[tilespmem:$0x19000] =	vst v63  }
0x1bf: {  	s28 =	sadd.s32 $0x80, s20;
	s29 =	simm.s32 $0x11800  }
0x1c0: {  	[hbm4b:s28+s13] =	stream.strided.scatter [tilespmem:s29], [sflag:$0x5], $0x400, s14, s13, $0x38;
	[tilespmem:$0x19000] =	vst v63  }
0x1c1: {  	s31 =	simm.s32 $0x11C00;
	s30 =	sadd.s32 $0xC0, s20  }
0x1c2: {  	[hbm4b:s30+s13] =	stream.strided.scatter [tilespmem:s31], [sflag:$0x5], $0x400, s14, s13, $0x38;
	[tilespmem:$0x19000] =	vst v63  }
0x1c3: {  	s4 =	sadd.s32 $0x100, s20;
	s22 =	simm.s32 $0x12000  }
0x1c4: {  	[hbm4b:s4+s13] =	stream.strided.scatter [tilespmem:s22], [sflag:$0x5], $0x400, s14, s13, $0x38;
	[tilespmem:$0x19000] =	vst v63  }
0x1c5: {  	s28 =	sadd.s32 $0x140, s20;
	s29 =	simm.s32 $0x12400  }
0x1c6: {  	[hbm4b:s28+s13] =	stream.strided.scatter [tilespmem:s29], [sflag:$0x5], $0x400, s14, s13, $0x38;
	[tilespmem:$0x19000] =	vst v63  }
0x1c7: {  	s30 =	sadd.s32 $0x180, s20;
	s31 =	simm.s32 $0x12800  }
0x1c8: {  	[hbm4b:s30+s13] =	stream.strided.scatter [tilespmem:s31], [sflag:$0x5], $0x400, s14, s13, $0x38;
	[tilespmem:$0x19000] =	vst v63  }
0x1c9: {  	s4 =	sadd.s32 $0x1C0, s20;
	s22 =	simm.s32 $0x12C00  }
0x1ca: {  	[hbm4b:s4+s13] =	stream.strided.scatter [tilespmem:s22], [sflag:$0x5], $0x400, s14, s13, $0x38;
	[tilespmem:$0x19000] =	vst v63  }
0x1cb: {  	s28 =	sadd.s32 $0x400, s20;
	s29 =	simm.s32 $0x13000  }
0x1cc: {  	[hbm4b:s28+s13] =	stream.strided.scatter [tilespmem:s29], [sflag:$0x5], $0x400, s14, s13, $0x38;
	[tilespmem:$0x19000] =	vst v63  }
0x1cd: {  	s30 =	sadd.s32 $0x440, s20;
	s31 =	simm.s32 $0x13400  }
0x1ce: {  	[hbm4b:s30+s13] =	stream.strided.scatter [tilespmem:s31], [sflag:$0x5], $0x400, s14, s13, $0x38;
	[tilespmem:$0x19000] =	vst v63  }
0x1cf: {  	s4 =	sadd.s32 $0x480, s20;
	s22 =	simm.s32 $0x13800  }
0x1d0: {  	[hbm4b:s4+s13] =	stream.strided.scatter [tilespmem:s22], [sflag:$0x5], $0x400, s14, s13, $0x38;
	[tilespmem:$0x19000] =	vst v63  }
0x1d1: {  	s28 =	sadd.s32 $0x4C0, s20;
	s29 =	simm.s32 $0x13C00  }
0x1d2: {  	[hbm4b:s28+s13] =	stream.strided.scatter [tilespmem:s29], [sflag:$0x5], $0x400, s14, s13, $0x38;
	[tilespmem:$0x19000] =	vst v63  }
0x1d3: {  	s30 =	sadd.s32 $0x500, s20;
	s31 =	simm.s32 $0x14000  }
0x1d4: {  	[hbm4b:s30+s13] =	stream.strided.scatter [tilespmem:s31], [sflag:$0x5], $0x400, s14, s13, $0x38;
	[tilespmem:$0x19000] =	vst v63  }
0x1d5: {  	p1 =	seq.s32 s12, $0xF;
	s4 =	sadd.s32 $0x540, s20;
	s22 =	simm.s32 $0x14400  }
0x1d6: {  	[hbm4b:s4+s13] =	stream.strided.scatter [tilespmem:s22], [sflag:$0x5], $0x400, s14, s13, $0x38;
	[tilespmem:$0x19000] =	vst v63  }
.Ltmp3:
0x1d7: {  	_ = 	snop;
	(pc) =	sbr.rel @p1 .LBB2_6-.Ltmp3, $4  }
0x1d8: {  	s28 =	sadd.s32 $0x580, s20;
	s29 =	simm.s32 $0x14800  }
0x1d9: {  	[hbm4b:s28+s13] =	stream.strided.scatter [tilespmem:s29], [sflag:$0x5], $0x400, s14, s13, $0x38;
	[tilespmem:$0x19000] =	vst v63  }
0x1da: {  	s30 =	sadd.s32 $0x5C0, s20;
	s31 =	simm.s32 $0x14C00  }
0x1db: {  	[hbm4b:s30+s13] =	stream.strided.scatter [tilespmem:s31], [sflag:$0x5], $0x400, s14, s13, $0x38;
	[tilespmem:$0x19000] =	vst v63  }
0x1dc: {  	s0 =	sadd.s32 $0x2, s16  }
0x1dd: {  	s2 =	sshll.u32 s0, $0xB  }
0x1de: {  	s2 =	sadd.s32 s2, s5  }
0x1df: {  	[tilespmem:s14], [sflag:$0x1] =	stream.strided.gather [hbm4b:s2+s13], $0x400, s14, s13, $0x38;
	[tilespmem:$0x19000] =	vst v63  }
0x1e0: {  	s4 =	simm.s32 $0x1400;
	s22 =	sadd.s32 $0x40, s2  }
0x1e1: {  	[tilespmem:s4], [sflag:$0x1] =	stream.strided.gather [hbm4b:s22+s13], $0x400, s14, s13, $0x38;
	[tilespmem:$0x19000] =	vst v63  }
0x1e2: {  	s29 =	simm.s32 $0x1800;
	s28 =	sadd.s32 $0x80, s2  }
0x1e3: {  	[tilespmem:s29], [sflag:$0x1] =	stream.strided.gather [hbm4b:s28+s13], $0x400, s14, s13, $0x38;
	[tilespmem:$0x19000] =	vst v63  }
0x1e4: {  	s31 =	simm.s32 $0x1C00;
	s30 =	sadd.s32 $0xC0, s2  }
0x1e5: {  	[tilespmem:s31], [sflag:$0x1] =	stream.strided.gather [hbm4b:s30+s13], $0x400, s14, s13, $0x38;
	[tilespmem:$0x19000] =	vst v63  }
0x1e6: {  	s28 =	sadd.s32 $0x100, s2;
	s29 =	simm.s32 $0x2000  }
0x1e7: {  	[tilespmem:s29], [sflag:$0x1] =	stream.strided.gather [hbm4b:s28+s13], $0x400, s14, s13, $0x38;
	[tilespmem:$0x19000] =	vst v63  }
0x1e8: {  	s30 =	sadd.s32 $0x140, s2;
	s31 =	simm.s32 $0x2400  }
0x1e9: {  	[tilespmem:s31], [sflag:$0x1] =	stream.strided.gather [hbm4b:s30+s13], $0x400, s14, s13, $0x38;
	[tilespmem:$0x19000] =	vst v63  }
0x1ea: {  	s28 =	sadd.s32 $0x180, s2;
	s29 =	simm.s32 $0x2800  }
0x1eb: {  	[tilespmem:s29], [sflag:$0x1] =	stream.strided.gather [hbm4b:s28+s13], $0x400, s14, s13, $0x38;
	[tilespmem:$0x19000] =	vst v63  }
0x1ec: {  	s30 =	sadd.s32 $0x1C0, s2;
	s31 =	simm.s32 $0x2C00  }
0x1ed: {  	[tilespmem:s31], [sflag:$0x1] =	stream.strided.gather [hbm4b:s30+s13], $0x400, s14, s13, $0x38;
	[tilespmem:$0x19000] =	vst v63  }
0x1ee: {  	s28 =	sadd.s32 $0x400, s2;
	s29 =	simm.s32 $0x3000  }
0x1ef: {  	[tilespmem:s29], [sflag:$0x1] =	stream.strided.gather [hbm4b:s28+s13], $0x400, s14, s13, $0x38;
	[tilespmem:$0x19000] =	vst v63  }
0x1f0: {  	s30 =	sadd.s32 $0x440, s2;
	s31 =	simm.s32 $0x3400  }
0x1f1: {  	[tilespmem:s31], [sflag:$0x1] =	stream.strided.gather [hbm4b:s30+s13], $0x400, s14, s13, $0x38;
	[tilespmem:$0x19000] =	vst v63  }
0x1f2: {  	s28 =	sadd.s32 $0x480, s2;
	s29 =	simm.s32 $0x3800  }
0x1f3: {  	[tilespmem:s29], [sflag:$0x1] =	stream.strided.gather [hbm4b:s28+s13], $0x400, s14, s13, $0x38;
	[tilespmem:$0x19000] =	vst v63  }
0x1f4: {  	s30 =	sadd.s32 $0x4C0, s2;
	s31 =	simm.s32 $0x3C00  }
0x1f5: {  	[tilespmem:s31], [sflag:$0x1] =	stream.strided.gather [hbm4b:s30+s13], $0x400, s14, s13, $0x38;
	[tilespmem:$0x19000] =	vst v63  }
0x1f6: {  	s28 =	sadd.s32 $0x500, s2;
	s29 =	simm.s32 $0x4000  }
0x1f7: {  	[tilespmem:s29], [sflag:$0x1] =	stream.strided.gather [hbm4b:s28+s13], $0x400, s14, s13, $0x38;
	[tilespmem:$0x19000] =	vst v63  }
0x1f8: {  	s30 =	sadd.s32 $0x540, s2;
	s31 =	simm.s32 $0x4400  }
0x1f9: {  	[tilespmem:s31], [sflag:$0x1] =	stream.strided.gather [hbm4b:s30+s13], $0x400, s14, s13, $0x38;
	[tilespmem:$0x19000] =	vst v63  }
0x1fa: {  	s0 =	sshll.u32 s0, $0x7;
	s28 =	sadd.s32 $0x580, s2;
	s29 =	simm.s32 $0x4800  }
0x1fb: {  	[tilespmem:s29], [sflag:$0x1] =	stream.strided.gather [hbm4b:s28+s13], $0x400, s14, s13, $0x38;
	[tilespmem:$0x19000] =	vst v63  }
0x1fc: {  	s0 =	sand.u32 $0x3FFFFF80, s0;
	s2 =	sadd.s32 $0x5C0, s2;
	s30 =	simm.s32 $0x4C00  }
0x1fd: {  	[tilespmem:s30], [sflag:$0x1] =	stream.strided.gather [hbm4b:s2+s13], $0x400, s14, s13, $0x38;
	[tilespmem:$0x19000] =	vst v63  }
0x1fe: {  	v0 =	vld [tilespmem:s0+$0x0];
	_ =	sdelay $0x4  }
0x1ff: {  	v3 =	vshll.u32 v0, $0x3  }
0x200: {  	v0 =	vand.u32 $0x7, v0;
	v3 =	vand.u32 $0xFFFFFFC0, v3  }
0x201: {  	v0 =	vor.u32 v0, v3;
	v3 =	vld [tilespmem:$0x1FFF0];
	_ =	sdelay $0x4  }
0x202: {  	v3 =	vperm.xlane v0, v3;
	_ =	sdelay $0x1  }
0x203: {  	v3 =	vadd.s32 v1, v3;
	_ =	sdelay $0x3  }
0x204: {  	s31 =	simm.s32 $0x9000  }
0x205: {  	[tilespmem:s31], [sflag:$0x3] =	stream.indirect_vreg.gather [hbm4b:s1+s3], $0x80, v3, vm0, $0xb8;
	[tilespmem:$0x19000] =	vst v63  }
0x206: {  	s2 =	simm.s32 $0x9800;
	v0 =	vperm.xlane v0, v2  }
0x207: {  	[tilespmem:s2], [sflag:$0x3] =	stream.indirect_vreg.gather [hbm4b:s6+s3], $0x80, v3, vm0, $0xb8;
	[tilespmem:$0x19000] =	vst v63  }
0x208: {  	s4 =	simm.s32 $0xA000;
	v0 =	vadd.s32 v1, v0  }
0x209: {  	[tilespmem:s4], [sflag:$0x3] =	stream.indirect_vreg.gather [hbm4b:s7+s3], $0x80, v3, vm0, $0xb8;
	[tilespmem:$0x19000] =	vst v63  }
0x20a: {  	s22 =	simm.s32 $0xA800  }
0x20b: {  	[tilespmem:s22], [sflag:$0x3] =	stream.indirect_vreg.gather [hbm4b:s8+s3], $0x80, v3, vm0, $0xb8;
	[tilespmem:$0x19000] =	vst v63  }
0x20c: {  	s28 =	simm.s32 $0xB000  }
0x20d: {  	[tilespmem:s28], [sflag:$0x3] =	stream.indirect_vreg.gather [hbm4b:s1+s3], $0x80, v0, vm0, $0xb8;
	[tilespmem:$0x19000] =	vst v63  }
0x20e: {  	s29 =	simm.s32 $0xB800  }
0x20f: {  	[tilespmem:s29], [sflag:$0x3] =	stream.indirect_vreg.gather [hbm4b:s6+s3], $0x80, v0, vm0, $0xb8;
	[tilespmem:$0x19000] =	vst v63  }
0x210: {  	s30 =	simm.s32 $0xC000  }
0x211: {  	[tilespmem:s30], [sflag:$0x3] =	stream.indirect_vreg.gather [hbm4b:s7+s3], $0x80, v0, vm0, $0xb8;
	[tilespmem:$0x19000] =	vst v63  }
0x212: {  	s31 =	simm.s32 $0xC800  }
0x213: {  	[tilespmem:s31], [sflag:$0x3] =	stream.indirect_vreg.gather [hbm4b:s8+s3], $0x80, v0, vm0, $0xb8;
	[tilespmem:$0x19000] =	vst v63  }
.LBB2_6:
0x214: {  	_ =	swait.ge [sflag:s18], $0x4000  }
0x215: {  	[sflag:s18] =	ssyncset.done $0x0  }
0x216: {  	[sflag:s18] =	ssyncadd.s32 $0xFFFFC000  }
0x217: {  	_ =	swait.ge [sflag:s9], $0x4000  }
0x218: {  	[sflag:s9] =	ssyncset.done $0x0  }
0x219: {  	s0 =	simm.s32 @!p0 $0x6;
	[sflag:s9] =	ssyncadd.s32 $0xFFFFC000  }
0x21a: {  	s22 =	simm.s32 $0x0;
	s2 =	simm.s32 $0x0;
	_ =	swait.ge @!p0 [sflag:s0], $0x4000  }
0x21b: {  	s2 =	sand.u32 $0x2000, s2;
	s28 =	sand.u32 $0x380, s22;
	[sflag:s0] =	ssyncset.done @!p0 $0x0  }
0x21c: {  	s28 =	sor.u32 s28, s2;
	[sflag:s0] =	ssyncadd.s32 @!p0 $0xFFFFC000  }
0x21d: {  	v0 =	vld [tilespmem:s28+$0x5000]  }
0x21e: {  	v3 =	vld [tilespmem:s28+$0xD000]  }
0x21f: {  	v4 =	vld [tilespmem:s28+$0x5010]  }
0x220: {  	v5 =	vld [tilespmem:s28+$0xD010]  }
0x221: {  	v6 =	vld [tilespmem:s28+$0x5020]  }
0x222: {  	v7 =	vld [tilespmem:s28+$0xD020]  }
0x223: {  	v8 =	vld [tilespmem:s28+$0x5030]  }
0x224: {  	v9 =	vld [tilespmem:s28+$0xD030]  }
0x225: {  	v10 =	vld [tilespmem:s28+$0x5040]  }
0x226: {  	v11 =	vld [tilespmem:s28+$0xD040]  }
0x227: {  	v12 =	vld [tilespmem:s28+$0x5050]  }
0x228: {  	v13 =	vld [tilespmem:s28+$0xD050]  }
0x229: {  	v14 =	vld [tilespmem:s28+$0x5060]  }
0x22a: {  	v15 =	vld [tilespmem:s28+$0xD060]  }
0x22b: {  	v16 =	vld [tilespmem:s28+$0x5070]  }
0x22c: {  	v17 =	vld [tilespmem:s28+$0xD070]  }
0x22d: {  	v18 =	vld [tilespmem:s28+$0x5400]  }
0x22e: {  	v19 =	vld [tilespmem:s28+$0xD400]  }
0x22f: {  	v20 =	vld [tilespmem:s28+$0x5410]  }
0x230: {  	v21 =	vld [tilespmem:s28+$0xD410]  }
0x231: {  	v22 =	vld [tilespmem:s28+$0x5420]  }
0x232: {  	v23 =	vld [tilespmem:s28+$0xD420]  }
0x233: {  	v24 =	vld [tilespmem:s28+$0x5430]  }
0x234: {  	v25 =	vld [tilespmem:s28+$0xD430]  }
0x235: {  	v26 =	vld [tilespmem:s28+$0x5440]  }
0x236: {  	v27 =	vld [tilespmem:s28+$0xD440]  }
0x237: {  	v28 =	vld [tilespmem:s28+$0x5450]  }
0x238: {  	v29 =	vld [tilespmem:s28+$0xD450]  }
0x239: {  	v30 =	vld [tilespmem:s28+$0x5460]  }
0x23a: {  	v31 =	vld [tilespmem:s28+$0xD460]  }
0x23b: {  	v32 =	vld [tilespmem:s28+$0x5470]  }
0x23c: {  	v33 =	vld [tilespmem:s28+$0xD470]  }
0x23d: {  	v34 =	vld [tilespmem:s28+$0x5800]  }
0x23e: {  	v35 =	vld [tilespmem:s28+$0xD800]  }
0x23f: {  	v36 =	vld [tilespmem:s28+$0x5810]  }
0x240: {  	v37 =	vld [tilespmem:s28+$0xD810]  }
0x241: {  	v38 =	vld [tilespmem:s28+$0x5820]  }
0x242: {  	v39 =	vld [tilespmem:s28+$0xD820]  }
0x243: {  	v40 =	vld [tilespmem:s28+$0x5830]  }
0x244: {  	v41 =	vld [tilespmem:s28+$0xD830]  }
0x245: {  	v42 =	vld [tilespmem:s28+$0x5840]  }
0x246: {  	v43 =	vld [tilespmem:s28+$0xD840]  }
0x247: {  	v44 =	vld [tilespmem:s28+$0x5850]  }
0x248: {  	v45 =	vld [tilespmem:s28+$0xD850]  }
0x249: {  	v46 =	vld [tilespmem:s28+$0x5860]  }
0x24a: {  	v47 =	vld [tilespmem:s28+$0xD860]  }
0x24b: {  	v48 =	vld [tilespmem:s28+$0x5870]  }
0x24c: {  	v49 =	vld [tilespmem:s28+$0xD870]  }
0x24d: {  	v50 =	vld [tilespmem:s28+$0x5C00]  }
0x24e: {  	v51 =	vld [tilespmem:s28+$0xDC00]  }
0x24f: {  	v52 =	vld [tilespmem:s28+$0x5C10]  }
0x250: {  	v53 =	vld [tilespmem:s28+$0xDC10]  }
0x251: {  	v54 =	vld [tilespmem:s28+$0x5C20]  }
0x252: {  	v55 =	vld [tilespmem:s28+$0xDC20]  }
0x253: {  	v56 =	vld [tilespmem:s28+$0x5C30]  }
0x254: {  	v57 =	vld [tilespmem:s28+$0xDC30]  }
0x255: {  	v58 =	vld [tilespmem:s28+$0x5C40]  }
0x256: {  	v59 =	vld [tilespmem:s28+$0xDC40]  }
0x257: {  	v60 =	vld [tilespmem:s28+$0x5C50]  }
0x258: {  	v61 =	vld [tilespmem:s28+$0xDC50]  }
0x259: {  	v62 =	vld [tilespmem:s28+$0x5C60]  }
0x25a: {  	v63 =	vld [tilespmem:s28+$0x5C70];
	v0 =	vadd.f32 v3, v0  }
0x25b: {  	v3 =	vld [tilespmem:s28+$0xDC60];
	v4 =	vadd.f32 v5, v4  }
0x25c: {  	v5 =	vadd.f32 v7, v6;
	v6 =	vadd.f32 v9, v8;
	v8 =	vld [tilespmem:s28+$0x6020];
	[tilespmem:s28+$0x15000] =	vst v0  }
0x25d: {  	v9 =	vld [tilespmem:s28+$0xE020];
	[tilespmem:s28+$0x15010] =	vst v4  }
0x25e: {  	v7 =	vadd.f32 v11, v10;
	v10 =	vld [tilespmem:s28+$0x6030];
	[tilespmem:s28+$0x15020] =	vst v5  }
0x25f: {  	v13 =	vadd.f32 v13, v12;
	v11 =	vld [tilespmem:s28+$0xE030];
	[tilespmem:s28+$0x15030] =	vst v6  }
0x260: {  	v15 =	vadd.f32 v15, v14;
	v16 =	vadd.f32 v17, v16;
	v12 =	vld [tilespmem:s28+$0x6040];
	[tilespmem:s28+$0x15040] =	vst v7  }
0x261: {  	v17 =	vadd.f32 v19, v18;
	v18 =	vadd.f32 v21, v20;
	v14 =	vld [tilespmem:s28+$0x6050];
	[tilespmem:s28+$0x15050] =	vst v13  }
0x262: {  	v21 =	vadd.f32 v27, v26;
	v26 =	vadd.f32 v37, v36;
	v36 =	vld [tilespmem:s28+$0x6440];
	[tilespmem:s28+$0x15060] =	vst v15  }
0x263: {  	v19 =	vadd.f32 v23, v22;
	v27 =	vadd.f32 v39, v38;
	v38 =	vld [tilespmem:s28+$0xE440];
	[tilespmem:s28+$0x15070] =	vst v16  }
0x264: {  	v22 =	vadd.f32 v29, v28;
	v28 =	vadd.f32 v41, v40;
	v40 =	vld [tilespmem:s28+$0x6450];
	[tilespmem:s28+$0x15400] =	vst v17  }
0x265: {  	v20 =	vadd.f32 v25, v24;
	v29 =	vadd.f32 v43, v42;
	v42 =	vld [tilespmem:s28+$0xE450];
	[tilespmem:s28+$0x15410] =	vst v18  }
0x266: {  	v43 =	vld [tilespmem:s28+$0x6460];
	[tilespmem:s28+$0x15420] =	vst v19  }
0x267: {  	v23 =	vadd.f32 v31, v30;
	v31 =	vadd.f32 v47, v46;
	v46 =	vld [tilespmem:s28+$0xE810];
	[tilespmem:s28+$0x15430] =	vst v20  }
0x268: {  	v24 =	vadd.f32 v33, v32;
	v32 =	vadd.f32 v49, v48;
	v48 =	vld [tilespmem:s28+$0x6820];
	[tilespmem:s28+$0x15440] =	vst v21  }
0x269: {  	v33 =	vadd.f32 v51, v50;
	v50 =	vld [tilespmem:s28+$0xE820];
	[tilespmem:s28+$0x15450] =	vst v22  }
0x26a: {  	v25 =	vadd.f32 v35, v34;
	v34 =	vadd.f32 v53, v52;
	v52 =	vld [tilespmem:s28+$0x6830];
	[tilespmem:s28+$0x15460] =	vst v23  }
0x26b: {  	v35 =	vadd.f32 v55, v54;
	v54 =	vld [tilespmem:s28+$0xE830];
	[tilespmem:s28+$0x15470] =	vst v24  }
0x26c: {  	v37 =	vadd.f32 v57, v56;
	v56 =	vld [tilespmem:s28+$0x6840];
	[tilespmem:s28+$0x15800] =	vst v25  }
0x26d: {  	v39 =	vadd.f32 v59, v58;
	v58 =	vld [tilespmem:s28+$0xE840];
	[tilespmem:s28+$0x15810] =	vst v26  }
0x26e: {  	v0 =	vld [tilespmem:s28+$0xDC70];
	[tilespmem:s28+$0x15820] =	vst v27  }
0x26f: {  	v30 =	vadd.f32 v45, v44;
	v4 =	vld [tilespmem:s28+$0x6000];
	[tilespmem:s28+$0x15830] =	vst v28  }
0x270: {  	v5 =	vld [tilespmem:s28+$0xE000];
	[tilespmem:s28+$0x15840] =	vst v29  }
0x271: {  	v6 =	vld [tilespmem:s28+$0x6010];
	[tilespmem:s28+$0x15850] =	vst v30  }
0x272: {  	v7 =	vld [tilespmem:s28+$0xE010];
	[tilespmem:s28+$0x15860] =	vst v31  }
0x273: {  	v13 =	vld [tilespmem:s28+$0xE040];
	[tilespmem:s28+$0x15870] =	vst v32  }
0x274: {  	v15 =	vld [tilespmem:s28+$0xE050];
	[tilespmem:s28+$0x15C00] =	vst v33  }
0x275: {  	v16 =	vld [tilespmem:s28+$0x6060];
	[tilespmem:s28+$0x15C10] =	vst v34  }
0x276: {  	v17 =	vld [tilespmem:s28+$0xE060];
	[tilespmem:s28+$0x15C20] =	vst v35  }
0x277: {  	v41 =	vadd.f32 v61, v60;
	v18 =	vld [tilespmem:s28+$0x6070];
	[tilespmem:s28+$0x15C30] =	vst v37  }
0x278: {  	v19 =	vld [tilespmem:s28+$0xE070];
	[tilespmem:s28+$0x15C40] =	vst v39;
	v3 =	vadd.f32 v3, v62  }
0x279: {  	v20 =	vld [tilespmem:s28+$0x6400];
	[tilespmem:s28+$0x15C50] =	vst v41;
	v59 =	vadd.f32 v38, v36  }
0x27a: {  	v21 =	vld [tilespmem:s28+$0xE400];
	v61 =	vadd.f32 v42, v40;
	[tilespmem:s28+$0x15C60] =	vst v3  }
0x27b: {  	v22 =	vld [tilespmem:s28+$0x6410];
	v0 =	vadd.f32 v0, v63;
	[tilespmem:s28+$0x16440] =	vst v59  }
0x27c: {  	v23 =	vld [tilespmem:s28+$0xE410];
	v4 =	vadd.f32 v5, v4;
	[tilespmem:s28+$0x16450] =	vst v61  }
0x27d: {  	v24 =	vld [tilespmem:s28+$0x6420];
	v5 =	vadd.f32 v7, v6;
	[tilespmem:s28+$0x15C70] =	vst v0  }
0x27e: {  	v25 =	vld [tilespmem:s28+$0xE420];
	v6 =	vadd.f32 v9, v8;
	[tilespmem:s28+$0x16000] =	vst v4  }
0x27f: {  	v26 =	vld [tilespmem:s28+$0x6430];
	v7 =	vadd.f32 v11, v10;
	[tilespmem:s28+$0x16010] =	vst v5  }
0x280: {  	v27 =	vld [tilespmem:s28+$0xE430];
	v44 =	vadd.f32 v13, v12;
	[tilespmem:s28+$0x16020] =	vst v6  }
0x281: {  	v3 =	vld [tilespmem:s28+$0xE460];
	v45 =	vadd.f32 v15, v14;
	[tilespmem:s28+$0x16030] =	vst v7  }
0x282: {  	v47 =	vadd.f32 v17, v16;
	v0 =	vld [tilespmem:s28+$0x6470];
	[tilespmem:s28+$0x16040] =	vst v44  }
0x283: {  	v49 =	vadd.f32 v19, v18;
	v4 =	vld [tilespmem:s28+$0xE470];
	[tilespmem:s28+$0x16050] =	vst v45  }
0x284: {  	v51 =	vadd.f32 v21, v20;
	v5 =	vld [tilespmem:s28+$0x6800];
	[tilespmem:s28+$0x16060] =	vst v47  }
0x285: {  	v53 =	vadd.f32 v23, v22;
	v6 =	vld [tilespmem:s28+$0xE800];
	[tilespmem:s28+$0x16070] =	vst v49  }
0x286: {  	v55 =	vadd.f32 v25, v24;
	v7 =	vld [tilespmem:s28+$0x6810];
	[tilespmem:s28+$0x16400] =	vst v51  }
0x287: {  	v60 =	vld [tilespmem:s28+$0x6850];
	v57 =	vadd.f32 v27, v26;
	[tilespmem:s28+$0x16410] =	vst v53  }
0x288: {  	v62 =	vld [tilespmem:s28+$0xE850];
	[tilespmem:s28+$0x16420] =	vst v55;
	v3 =	vadd.f32 v3, v43  }
0x289: {  	v63 =	vld [tilespmem:s28+$0x6860];
	[tilespmem:s28+$0x16430] =	vst v57;
	v0 =	vadd.f32 v4, v0  }
0x28a: {  	[tilespmem:s28+$0x16460] =	vst v3;
	v3 =	vld [tilespmem:s28+$0xE860];
	v4 =	vadd.f32 v6, v5  }
0x28b: {  	v5 =	vadd.f32 v46, v7;
	v6 =	vld [tilespmem:s28+$0xE870];
	[tilespmem:s28+$0x16470] =	vst v0  }
0x28c: {  	v0 =	vld [tilespmem:s28+$0x6870];
	[tilespmem:s28+$0x16800] =	vst v4;
	v4 =	vadd.f32 v50, v48  }
0x28d: {  	[tilespmem:s28+$0x16810] =	vst v5;
	v5 =	vadd.f32 v54, v52  }
0x28e: {  	[tilespmem:s28+$0x16820] =	vst v4;
	v4 =	vadd.f32 v58, v56  }
0x28f: {  	[tilespmem:s28+$0x16830] =	vst v5;
	v5 =	vadd.f32 v62, v60  }
0x290: {  	s29 =	simm.s32 $0xFFFFC000;
	s4 =	sand.u32 $0x7, s22;
	v3 =	vadd.f32 v3, v63;
	[tilespmem:s28+$0x16840] =	vst v4  }
0x291: {  	s30 =	simm.s32 $0x80;
	s31 =	simm.s32 $0x0;
	s2 =	sshll.u32 s4, $0x7;
	[tilespmem:s28+$0x16850] =	vst v5;
	v4 =	vadd.f32 v6, v0  }
.LBB2_7:
0x292: {  	p0 =	sne.s32 s30, $0x780;
	s2 =	sadd.s32 s2, s22;
	[tilespmem:s28+$0x16860] =	vst v3;
	s29 =	sadd.s32 $0x400, s29  }
0x293: {  	s0 =	sadd.s32 $0x4000, s29;
	[tilespmem:s28+$0x16870] =	vst v4;
	s4 =	sor.u32 $0x1C00, s2  }
0x294: {  	s28 =	sand.u32 $0x380, s30;
	s0 =	sand.u32 $0x2000, s0;
	v0 =	vld [tilespmem:s4+$0x5000]  }
0x295: {  	s28 =	sor.u32 s28, s0;
	v7 =	vld [tilespmem:s4+$0xD000]  }
0x296: {  	v3 =	vld [tilespmem:s28+$0x5000]  }
0x297: {  	v6 =	vld [tilespmem:s28+$0xD000]  }
0x298: {  	v4 =	vld [tilespmem:s28+$0x5010]  }
0x299: {  	v8 =	vld [tilespmem:s28+$0xD010]  }
0x29a: {  	v5 =	vld [tilespmem:s28+$0x5020];
	v0 =	vadd.f32 v7, v0  }
0x29b: {  	v9 =	vld [tilespmem:s28+$0xD020]  }
0x29c: {  	s0 =	sor.u32 $0x1C10, s2;
	v7 =	vld [tilespmem:s28+$0x5030];
	[tilespmem:s4+$0x15000] =	vst v0  }
0x29d: {  	v0 =	vld [tilespmem:s0+$0x5000]  }
0x29e: {  	v12 =	vld [tilespmem:s0+$0xD000]  }
0x29f: {  	v13 =	vld [tilespmem:s28+$0xD030]  }
0x2a0: {  	v10 =	vld [tilespmem:s28+$0x5040]  }
0x2a1: {  	v14 =	vld [tilespmem:s28+$0xD040]  }
0x2a2: {  	v11 =	vld [tilespmem:s28+$0x5050]  }
0x2a3: {  	v15 =	vld [tilespmem:s28+$0xD050];
	v0 =	vadd.f32 v12, v0  }
0x2a4: {  	v12 =	vld [tilespmem:s28+$0x5060]  }
0x2a5: {  	v16 =	vld [tilespmem:s28+$0xD060];
	[tilespmem:s0+$0x15000] =	vst v0;
	s0 =	sor.u32 $0x1C20, s2  }
0x2a6: {  	v0 =	vld [tilespmem:s0+$0x5000]  }
0x2a7: {  	v20 =	vld [tilespmem:s0+$0xD000]  }
0x2a8: {  	v17 =	vld [tilespmem:s28+$0x5070]  }
0x2a9: {  	v21 =	vld [tilespmem:s28+$0xD070]  }
0x2aa: {  	v18 =	vld [tilespmem:s28+$0x5400]  }
0x2ab: {  	v22 =	vld [tilespmem:s28+$0xD400]  }
0x2ac: {  	v19 =	vld [tilespmem:s28+$0x5410];
	v0 =	vadd.f32 v20, v0  }
0x2ad: {  	v23 =	vld [tilespmem:s28+$0xD410]  }
0x2ae: {  	v20 =	vld [tilespmem:s28+$0x5420];
	[tilespmem:s0+$0x15000] =	vst v0;
	s0 =	sor.u32 $0x1C30, s2  }
0x2af: {  	v0 =	vld [tilespmem:s0+$0x5000]  }
0x2b0: {  	v26 =	vld [tilespmem:s0+$0xD000]  }
0x2b1: {  	v27 =	vld [tilespmem:s28+$0xD420]  }
0x2b2: {  	v24 =	vld [tilespmem:s28+$0x5430]  }
0x2b3: {  	v28 =	vld [tilespmem:s28+$0xD430]  }
0x2b4: {  	v25 =	vld [tilespmem:s28+$0x5440]  }
0x2b5: {  	v29 =	vld [tilespmem:s28+$0xD440];
	v0 =	vadd.f32 v26, v0  }
0x2b6: {  	v26 =	vld [tilespmem:s28+$0x5450]  }
0x2b7: {  	v30 =	vld [tilespmem:s28+$0xD450];
	[tilespmem:s0+$0x15000] =	vst v0;
	s0 =	sor.u32 $0x1C40, s2  }
0x2b8: {  	v0 =	vld [tilespmem:s0+$0x5000]  }
0x2b9: {  	v34 =	vld [tilespmem:s0+$0xD000]  }
0x2ba: {  	v31 =	vld [tilespmem:s28+$0x5460]  }
0x2bb: {  	v35 =	vld [tilespmem:s28+$0xD460]  }
0x2bc: {  	v32 =	vld [tilespmem:s28+$0x5470]  }
0x2bd: {  	v36 =	vld [tilespmem:s28+$0xD470]  }
0x2be: {  	v33 =	vld [tilespmem:s28+$0x5800];
	v0 =	vadd.f32 v34, v0  }
0x2bf: {  	v37 =	vld [tilespmem:s28+$0xD800]  }
0x2c0: {  	v34 =	vld [tilespmem:s28+$0x5810];
	[tilespmem:s0+$0x15000] =	vst v0;
	s0 =	sor.u32 $0x1C50, s2  }
0x2c1: {  	v0 =	vld [tilespmem:s0+$0x5000]  }
0x2c2: {  	v40 =	vld [tilespmem:s0+$0xD000]  }
0x2c3: {  	v41 =	vld [tilespmem:s28+$0xD810]  }
0x2c4: {  	v38 =	vld [tilespmem:s28+$0x5820]  }
0x2c5: {  	v42 =	vld [tilespmem:s28+$0xD820]  }
0x2c6: {  	v39 =	vld [tilespmem:s28+$0x5830]  }
0x2c7: {  	v43 =	vld [tilespmem:s28+$0xD830];
	v0 =	vadd.f32 v40, v0  }
0x2c8: {  	v40 =	vld [tilespmem:s28+$0x5840]  }
0x2c9: {  	v44 =	vld [tilespmem:s28+$0xD840];
	[tilespmem:s0+$0x15000] =	vst v0;
	s0 =	sor.u32 $0x1C60, s2  }
0x2ca: {  	v0 =	vld [tilespmem:s0+$0x5000]  }
0x2cb: {  	v48 =	vld [tilespmem:s0+$0xD000]  }
0x2cc: {  	v45 =	vld [tilespmem:s28+$0x5850]  }
0x2cd: {  	v49 =	vld [tilespmem:s28+$0xD850]  }
0x2ce: {  	v46 =	vld [tilespmem:s28+$0x5860]  }
0x2cf: {  	v50 =	vld [tilespmem:s28+$0xD860]  }
0x2d0: {  	v47 =	vld [tilespmem:s28+$0x5870];
	v0 =	vadd.f32 v48, v0  }
0x2d1: {  	v51 =	vld [tilespmem:s28+$0xD870]  }
0x2d2: {  	v48 =	vld [tilespmem:s28+$0x5C00];
	[tilespmem:s0+$0x15000] =	vst v0;
	s0 =	sor.u32 $0x1C70, s2  }
0x2d3: {  	v0 =	vld [tilespmem:s0+$0x5000]  }
0x2d4: {  	v52 =	vld [tilespmem:s0+$0xD000]  }
0x2d5: {  	v53 =	vld [tilespmem:s28+$0xDC00]  }
0x2d6: {  	v54 =	vld [tilespmem:s28+$0x5C10]  }
0x2d7: {  	v55 =	vld [tilespmem:s28+$0xDC10]  }
0x2d8: {  	v56 =	vld [tilespmem:s28+$0x5C20]  }
0x2d9: {  	v57 =	vld [tilespmem:s28+$0xDC20];
	v0 =	vadd.f32 v52, v0  }
0x2da: {  	v52 =	vld [tilespmem:s28+$0x5C30]  }
0x2db: {  	v58 =	vld [tilespmem:s28+$0xDC30];
	[tilespmem:s0+$0x15000] =	vst v0  }
0x2dc: {  	v0 =	vld [tilespmem:s28+$0x5C40]  }
0x2dd: {  	v59 =	vld [tilespmem:s28+$0xDC40]  }
0x2de: {  	v60 =	vld [tilespmem:s28+$0x5C50]  }
0x2df: {  	v61 =	vld [tilespmem:s28+$0xDC50]  }
0x2e0: {  	v62 =	vld [tilespmem:s28+$0x5C60]  }
0x2e1: {  	v3 =	vadd.f32 v6, v3;
	v6 =	vld [tilespmem:s28+$0xDC60]  }
0x2e2: {  	v4 =	vadd.f32 v8, v4;
	v8 =	vld [tilespmem:s28+$0x5C70]  }
0x2e3: {  	[tilespmem:s28+$0x15000] =	vst v3;
	v3 =	vadd.f32 v9, v5;
	v5 =	vld [tilespmem:s28+$0xDC70]  }
0x2e4: {  	[tilespmem:s28+$0x15010] =	vst v4;
	v4 =	vadd.f32 v13, v7;
	v7 =	vld [tilespmem:s28+$0x6000]  }
0x2e5: {  	[tilespmem:s28+$0x15020] =	vst v3;
	v3 =	vadd.f32 v14, v10;
	v9 =	vld [tilespmem:s28+$0xE000]  }
0x2e6: {  	[tilespmem:s28+$0x15030] =	vst v4;
	v4 =	vadd.f32 v15, v11;
	v10 =	vld [tilespmem:s28+$0x6010]  }
0x2e7: {  	[tilespmem:s28+$0x15040] =	vst v3;
	v3 =	vadd.f32 v16, v12;
	v11 =	vld [tilespmem:s28+$0xE010]  }
0x2e8: {  	[tilespmem:s28+$0x15050] =	vst v4;
	v4 =	vadd.f32 v21, v17;
	v12 =	vld [tilespmem:s28+$0x6020]  }
0x2e9: {  	[tilespmem:s28+$0x15060] =	vst v3;
	v3 =	vadd.f32 v22, v18;
	v13 =	vld [tilespmem:s28+$0xE020]  }
0x2ea: {  	[tilespmem:s28+$0x15070] =	vst v4;
	v4 =	vadd.f32 v23, v19;
	v14 =	vld [tilespmem:s28+$0x6030]  }
0x2eb: {  	[tilespmem:s28+$0x15400] =	vst v3;
	v3 =	vadd.f32 v27, v20;
	v15 =	vld [tilespmem:s28+$0xE030]  }
0x2ec: {  	[tilespmem:s28+$0x15410] =	vst v4;
	v4 =	vadd.f32 v28, v24;
	v16 =	vld [tilespmem:s28+$0x6040]  }
0x2ed: {  	[tilespmem:s28+$0x15420] =	vst v3;
	v3 =	vadd.f32 v29, v25;
	v17 =	vld [tilespmem:s28+$0xE040]  }
0x2ee: {  	[tilespmem:s28+$0x15430] =	vst v4;
	v4 =	vadd.f32 v30, v26;
	v18 =	vld [tilespmem:s28+$0x6050]  }
0x2ef: {  	[tilespmem:s28+$0x15440] =	vst v3;
	v3 =	vadd.f32 v35, v31;
	v19 =	vld [tilespmem:s28+$0xE050]  }
0x2f0: {  	[tilespmem:s28+$0x15450] =	vst v4;
	v4 =	vadd.f32 v36, v32;
	v20 =	vld [tilespmem:s28+$0x6060]  }
0x2f1: {  	[tilespmem:s28+$0x15460] =	vst v3;
	v3 =	vadd.f32 v37, v33;
	v21 =	vld [tilespmem:s28+$0xE060]  }
0x2f2: {  	[tilespmem:s28+$0x15470] =	vst v4;
	v4 =	vadd.f32 v41, v34;
	v22 =	vld [tilespmem:s28+$0x6070]  }
0x2f3: {  	[tilespmem:s28+$0x15800] =	vst v3;
	v3 =	vadd.f32 v42, v38;
	v23 =	vld [tilespmem:s28+$0xE070]  }
0x2f4: {  	[tilespmem:s28+$0x15810] =	vst v4;
	v4 =	vadd.f32 v43, v39;
	v24 =	vld [tilespmem:s28+$0x6400]  }
0x2f5: {  	[tilespmem:s28+$0x15820] =	vst v3;
	v3 =	vadd.f32 v44, v40;
	v25 =	vld [tilespmem:s28+$0xE400]  }
0x2f6: {  	[tilespmem:s28+$0x15830] =	vst v4;
	v4 =	vadd.f32 v49, v45;
	v26 =	vld [tilespmem:s28+$0x6410]  }
0x2f7: {  	[tilespmem:s28+$0x15840] =	vst v3;
	v3 =	vadd.f32 v50, v46;
	v27 =	vld [tilespmem:s28+$0xE410]  }
0x2f8: {  	[tilespmem:s28+$0x15850] =	vst v4;
	v4 =	vadd.f32 v51, v47;
	v28 =	vld [tilespmem:s28+$0x6420]  }
0x2f9: {  	[tilespmem:s28+$0x15860] =	vst v3;
	v3 =	vadd.f32 v53, v48;
	v29 =	vld [tilespmem:s28+$0xE420]  }
0x2fa: {  	[tilespmem:s28+$0x15870] =	vst v4;
	v4 =	vadd.f32 v55, v54;
	v30 =	vld [tilespmem:s28+$0x6430]  }
0x2fb: {  	[tilespmem:s28+$0x15C00] =	vst v3;
	v3 =	vadd.f32 v57, v56;
	v31 =	vld [tilespmem:s28+$0xE430]  }
0x2fc: {  	[tilespmem:s28+$0x15C10] =	vst v4;
	v4 =	vadd.f32 v58, v52;
	v32 =	vld [tilespmem:s28+$0x6440]  }
0x2fd: {  	v0 =	vadd.f32 v59, v0;
	[tilespmem:s28+$0x15C20] =	vst v3;
	v3 =	vld [tilespmem:s28+$0xE440]  }
0x2fe: {  	[tilespmem:s28+$0x15C30] =	vst v4;
	v4 =	vadd.f32 v61, v60;
	v33 =	vld [tilespmem:s28+$0x6450]  }
0x2ff: {  	[tilespmem:s28+$0x15C40] =	vst v0;
	v0 =	vadd.f32 v6, v62;
	v6 =	vld [tilespmem:s28+$0xE450]  }
0x300: {  	[tilespmem:s28+$0x15C50] =	vst v4;
	v4 =	vadd.f32 v5, v8;
	v5 =	vld [tilespmem:s28+$0x6460]  }
0x301: {  	[tilespmem:s28+$0x15C60] =	vst v0;
	v0 =	vadd.f32 v9, v7;
	v7 =	vld [tilespmem:s28+$0xE460]  }
0x302: {  	[tilespmem:s28+$0x15C70] =	vst v4;
	v4 =	vadd.f32 v11, v10;
	v8 =	vld [tilespmem:s28+$0x6470]  }
0x303: {  	[tilespmem:s28+$0x16000] =	vst v0;
	v0 =	vadd.f32 v13, v12;
	v9 =	vld [tilespmem:s28+$0xE470]  }
0x304: {  	[tilespmem:s28+$0x16010] =	vst v4;
	v4 =	vadd.f32 v15, v14;
	v10 =	vld [tilespmem:s28+$0x6800]  }
0x305: {  	[tilespmem:s28+$0x16020] =	vst v0;
	v0 =	vadd.f32 v17, v16;
	v11 =	vld [tilespmem:s28+$0xE800]  }
0x306: {  	[tilespmem:s28+$0x16030] =	vst v4;
	v4 =	vadd.f32 v19, v18;
	v12 =	vld [tilespmem:s28+$0x6810]  }
0x307: {  	[tilespmem:s28+$0x16040] =	vst v0;
	v0 =	vadd.f32 v21, v20;
	v13 =	vld [tilespmem:s28+$0xE810]  }
0x308: {  	[tilespmem:s28+$0x16050] =	vst v4;
	v4 =	vadd.f32 v23, v22;
	v14 =	vld [tilespmem:s28+$0x6820]  }
0x309: {  	[tilespmem:s28+$0x16060] =	vst v0;
	v0 =	vadd.f32 v25, v24;
	v15 =	vld [tilespmem:s28+$0xE820]  }
0x30a: {  	[tilespmem:s28+$0x16070] =	vst v4;
	v4 =	vadd.f32 v27, v26;
	v16 =	vld [tilespmem:s28+$0x6830]  }
0x30b: {  	[tilespmem:s28+$0x16400] =	vst v0;
	v0 =	vadd.f32 v29, v28;
	v17 =	vld [tilespmem:s28+$0xE830]  }
0x30c: {  	[tilespmem:s28+$0x16410] =	vst v4;
	v4 =	vadd.f32 v31, v30;
	v18 =	vld [tilespmem:s28+$0x6840]  }
0x30d: {  	[tilespmem:s28+$0x16420] =	vst v0;
	v0 =	vadd.f32 v3, v32;
	v3 =	vld [tilespmem:s28+$0xE840]  }
0x30e: {  	[tilespmem:s28+$0x16430] =	vst v4;
	v4 =	vadd.f32 v6, v33;
	v6 =	vld [tilespmem:s28+$0x6850]  }
0x30f: {  	[tilespmem:s28+$0x16440] =	vst v0;
	v0 =	vadd.f32 v7, v5;
	v5 =	vld [tilespmem:s28+$0xE850]  }
0x310: {  	[tilespmem:s28+$0x16450] =	vst v4;
	v4 =	vadd.f32 v9, v8;
	v7 =	vld [tilespmem:s28+$0x6860]  }
0x311: {  	[tilespmem:s28+$0x16460] =	vst v0;
	v0 =	vadd.f32 v11, v10;
	v8 =	vld [tilespmem:s28+$0xE860]  }
0x312: {  	[tilespmem:s28+$0x16470] =	vst v4;
	v4 =	vadd.f32 v13, v12;
	v9 =	vld [tilespmem:s28+$0x6870]  }
0x313: {  	[tilespmem:s28+$0x16800] =	vst v0;
	v0 =	vadd.f32 v15, v14;
	v10 =	vld [tilespmem:s28+$0xE870]  }
.Ltmp4:
0x314: {  	[tilespmem:s28+$0x16810] =	vst v4;
	v4 =	vadd.f32 v17, v16;
	(pc) =	sbr.rel @p0 .LBB2_7-.Ltmp4, $4  }
0x315: {  	[tilespmem:s28+$0x16820] =	vst v0;
	v0 =	vadd.f32 v3, v18  }
0x316: {  	s31 =	sadd.s32 $0x1, s31;
	[tilespmem:s28+$0x16830] =	vst v4;
	v4 =	vadd.f32 v5, v6  }
0x317: {  	s0 =	sand.u32 $0x7, s31;
	v3 =	vadd.f32 v8, v7;
	[tilespmem:s28+$0x16840] =	vst v0  }
0x318: {  	s22 =	sadd.s32 $0x400, s22;
	s30 =	sadd.s32 $0x80, s30;
	s2 =	sshll.u32 s0, $0x7;
	[tilespmem:s28+$0x16850] =	vst v4;
	v4 =	vadd.f32 v10, v9  }
0x319: {  	s0 =	sadd.s32 s2, s22;
	[tilespmem:s28+$0x16860] =	vst v3  }
0x31a: {  	[tilespmem:s28+$0x16870] =	vst v4;
	s2 =	sor.u32 $0x1C00, s0  }
0x31b: {  	v0 =	vld [tilespmem:s2+$0x5000]  }
0x31c: {  	v3 =	vld [tilespmem:s2+$0xD000];
	_ =	sdelay $0x4  }
0x31d: {  	v0 =	vadd.f32 v3, v0;
	_ =	sdelay $0x1  }
0x31e: {  	s4 =	sor.u32 $0x1C10, s0;
	[tilespmem:s2+$0x15000] =	vst v0  }
0x31f: {  	v0 =	vld [tilespmem:s4+$0x5000]  }
0x320: {  	v3 =	vld [tilespmem:s4+$0xD000];
	_ =	sdelay $0x4  }
0x321: {  	v0 =	vadd.f32 v3, v0;
	_ =	sdelay $0x1  }
0x322: {  	s22 =	sor.u32 $0x1C20, s0;
	[tilespmem:s4+$0x15000] =	vst v0  }
0x323: {  	v0 =	vld [tilespmem:s22+$0x5000]  }
0x324: {  	v3 =	vld [tilespmem:s22+$0xD000];
	_ =	sdelay $0x4  }
0x325: {  	v0 =	vadd.f32 v3, v0;
	_ =	sdelay $0x1  }
0x326: {  	s28 =	sor.u32 $0x1C30, s0;
	[tilespmem:s22+$0x15000] =	vst v0  }
0x327: {  	v0 =	vld [tilespmem:s28+$0x5000]  }
0x328: {  	v3 =	vld [tilespmem:s28+$0xD000];
	_ =	sdelay $0x4  }
0x329: {  	v0 =	vadd.f32 v3, v0;
	_ =	sdelay $0x1  }
0x32a: {  	s29 =	sor.u32 $0x1C40, s0;
	[tilespmem:s28+$0x15000] =	vst v0  }
0x32b: {  	v0 =	vld [tilespmem:s29+$0x5000]  }
0x32c: {  	v3 =	vld [tilespmem:s29+$0xD000];
	_ =	sdelay $0x4  }
0x32d: {  	v0 =	vadd.f32 v3, v0;
	_ =	sdelay $0x1  }
0x32e: {  	s30 =	sor.u32 $0x1C50, s0;
	[tilespmem:s29+$0x15000] =	vst v0  }
0x32f: {  	v0 =	vld [tilespmem:s30+$0x5000]  }
0x330: {  	v3 =	vld [tilespmem:s30+$0xD000];
	_ =	sdelay $0x4  }
0x331: {  	v0 =	vadd.f32 v3, v0;
	_ =	sdelay $0x1  }
0x332: {  	s31 =	sor.u32 $0x1C60, s0;
	[tilespmem:s30+$0x15000] =	vst v0  }
0x333: {  	v0 =	vld [tilespmem:s31+$0x5000]  }
0x334: {  	v3 =	vld [tilespmem:s31+$0xD000];
	_ =	sdelay $0x4  }
0x335: {  	v0 =	vadd.f32 v3, v0;
	_ =	sdelay $0x1  }
0x336: {  	s0 =	sor.u32 $0x1C70, s0;
	[tilespmem:s31+$0x15000] =	vst v0  }
0x337: {  	v0 =	vld [tilespmem:s0+$0x5000]  }
0x338: {  	v3 =	vld [tilespmem:s0+$0xD000];
	_ =	sdelay $0x4  }
0x339: {  	v0 =	vadd.f32 v3, v0;
	_ =	sdelay $0x1  }
0x33a: {  	s4 =	sadd.s32 $0x800, s20;
	s22 =	simm.s32 $0x15000;
	[tilespmem:s0+$0x15000] =	vst v0  }
0x33b: {  	[hbm4b:s4+s13] =	stream.strided.scatter [tilespmem:s22], [sflag:$0x6], $0x400, s14, s13, $0x38;
	[tilespmem:$0x19000] =	vst v63  }
0x33c: {  	s28 =	sadd.s32 $0x840, s20;
	s29 =	simm.s32 $0x15400  }
0x33d: {  	[hbm4b:s28+s13] =	stream.strided.scatter [tilespmem:s29], [sflag:$0x6], $0x400, s14, s13, $0x38;
	[tilespmem:$0x19000] =	vst v63  }
0x33e: {  	s30 =	sadd.s32 $0x880, s20;
	s31 =	simm.s32 $0x15800  }
0x33f: {  	[hbm4b:s30+s13] =	stream.strided.scatter [tilespmem:s31], [sflag:$0x6], $0x400, s14, s13, $0x38;
	[tilespmem:$0x19000] =	vst v63  }
0x340: {  	s4 =	sadd.s32 $0x8C0, s20;
	s22 =	simm.s32 $0x15C00  }
0x341: {  	[hbm4b:s4+s13] =	stream.strided.scatter [tilespmem:s22], [sflag:$0x6], $0x400, s14, s13, $0x38;
	[tilespmem:$0x19000] =	vst v63  }
0x342: {  	s28 =	sadd.s32 $0x900, s20;
	s29 =	simm.s32 $0x16000  }
0x343: {  	[hbm4b:s28+s13] =	stream.strided.scatter [tilespmem:s29], [sflag:$0x6], $0x400, s14, s13, $0x38;
	[tilespmem:$0x19000] =	vst v63  }
0x344: {  	s30 =	sadd.s32 $0x940, s20;
	s31 =	simm.s32 $0x16400  }
0x345: {  	[hbm4b:s30+s13] =	stream.strided.scatter [tilespmem:s31], [sflag:$0x6], $0x400, s14, s13, $0x38;
	[tilespmem:$0x19000] =	vst v63  }
0x346: {  	s4 =	sadd.s32 $0x980, s20;
	s22 =	simm.s32 $0x16800  }
0x347: {  	[hbm4b:s4+s13] =	stream.strided.scatter [tilespmem:s22], [sflag:$0x6], $0x400, s14, s13, $0x38;
	[tilespmem:$0x19000] =	vst v63  }
0x348: {  	s28 =	sadd.s32 $0x9C0, s20;
	s29 =	simm.s32 $0x16C00  }
0x349: {  	[hbm4b:s28+s13] =	stream.strided.scatter [tilespmem:s29], [sflag:$0x6], $0x400, s14, s13, $0x38;
	[tilespmem:$0x19000] =	vst v63  }
0x34a: {  	s30 =	sadd.s32 $0xC00, s20;
	s31 =	simm.s32 $0x17000  }
0x34b: {  	[hbm4b:s30+s13] =	stream.strided.scatter [tilespmem:s31], [sflag:$0x6], $0x400, s14, s13, $0x38;
	[tilespmem:$0x19000] =	vst v63  }
0x34c: {  	s2 =	sadd.s32 $0xC40, s20  }
0x34d: {  	[hbm4b:s2+s13] =	stream.strided.scatter [tilespmem:s11], [sflag:$0x6], $0x400, s14, s13, $0x38;
	[tilespmem:$0x19000] =	vst v63  }
0x34e: {  	s4 =	sadd.s32 $0xC80, s20  }
0x34f: {  	[hbm4b:s4+s13] =	stream.strided.scatter [tilespmem:s15], [sflag:$0x6], $0x400, s14, s13, $0x38;
	[tilespmem:$0x19000] =	vst v63  }
0x350: {  	s22 =	sadd.s32 $0xCC0, s20  }
0x351: {  	[hbm4b:s22+s13] =	stream.strided.scatter [tilespmem:s17], [sflag:$0x6], $0x400, s14, s13, $0x38;
	[tilespmem:$0x19000] =	vst v63  }
0x352: {  	s28 =	sadd.s32 $0xD00, s20  }
0x353: {  	[hbm4b:s28+s13] =	stream.strided.scatter [tilespmem:s19], [sflag:$0x6], $0x400, s14, s13, $0x38;
	[tilespmem:$0x19000] =	vst v63  }
0x354: {  	s29 =	sadd.s32 $0xD40, s20  }
0x355: {  	[hbm4b:s29+s13] =	stream.strided.scatter [tilespmem:s21], [sflag:$0x6], $0x400, s14, s13, $0x38;
	[tilespmem:$0x19000] =	vst v63  }
.Ltmp5:
0x356: {  	_ = 	snop;
	(pc) =	sbr.rel @p1 .LBB2_10-.Ltmp5, $4  }
0x357: {  	s30 =	sadd.s32 $0xD80, s20  }
0x358: {  	[hbm4b:s30+s13] =	stream.strided.scatter [tilespmem:s23], [sflag:$0x6], $0x400, s14, s13, $0x38;
	[tilespmem:$0x19000] =	vst v63  }
0x359: {  	s31 =	sadd.s32 $0xDC0, s20  }
0x35a: {  	[hbm4b:s31+s13] =	stream.strided.scatter [tilespmem:s25], [sflag:$0x6], $0x400, s14, s13, $0x38;
	[tilespmem:$0x19000] =	vst v63  }
0x35b: {  	s0 =	sadd.s32 $0x3, s16  }
0x35c: {  	s2 =	sshll.u32 s0, $0xB  }
0x35d: {  	s4 =	simm.s32 $0x5000;
	s2 =	sadd.s32 s2, s5  }
0x35e: {  	[tilespmem:s4], [sflag:$0x2] =	stream.strided.gather [hbm4b:s2+s13], $0x400, s14, s13, $0x38;
	[tilespmem:$0x19000] =	vst v63  }
0x35f: {  	s29 =	simm.s32 $0x5400;
	s28 =	sadd.s32 $0x40, s2  }
0x360: {  	[tilespmem:s29], [sflag:$0x2] =	stream.strided.gather [hbm4b:s28+s13], $0x400, s14, s13, $0x38;
	[tilespmem:$0x19000] =	vst v63  }
0x361: {  	s31 =	simm.s32 $0x5800;
	s30 =	sadd.s32 $0x80, s2  }
0x362: {  	[tilespmem:s31], [sflag:$0x2] =	stream.strided.gather [hbm4b:s30+s13], $0x400, s14, s13, $0x38;
	[tilespmem:$0x19000] =	vst v63  }
0x363: {  	s22 =	simm.s32 $0x5C00;
	s20 =	sadd.s32 $0xC0, s2  }
0x364: {  	[tilespmem:s22], [sflag:$0x2] =	stream.strided.gather [hbm4b:s20+s13], $0x400, s14, s13, $0x38;
	[tilespmem:$0x19000] =	vst v63  }
0x365: {  	s28 =	sadd.s32 $0x100, s2;
	s29 =	simm.s32 $0x6000  }
0x366: {  	[tilespmem:s29], [sflag:$0x2] =	stream.strided.gather [hbm4b:s28+s13], $0x400, s14, s13, $0x38;
	[tilespmem:$0x19000] =	vst v63  }
0x367: {  	s30 =	sadd.s32 $0x140, s2;
	s31 =	simm.s32 $0x6400  }
0x368: {  	[tilespmem:s31], [sflag:$0x2] =	stream.strided.gather [hbm4b:s30+s13], $0x400, s14, s13, $0x38;
	[tilespmem:$0x19000] =	vst v63  }
0x369: {  	s20 =	sadd.s32 $0x180, s2;
	s22 =	simm.s32 $0x6800  }
0x36a: {  	[tilespmem:s22], [sflag:$0x2] =	stream.strided.gather [hbm4b:s20+s13], $0x400, s14, s13, $0x38;
	[tilespmem:$0x19000] =	vst v63  }
0x36b: {  	s28 =	sadd.s32 $0x1C0, s2;
	s29 =	simm.s32 $0x6C00  }
0x36c: {  	[tilespmem:s29], [sflag:$0x2] =	stream.strided.gather [hbm4b:s28+s13], $0x400, s14, s13, $0x38;
	[tilespmem:$0x19000] =	vst v63  }
0x36d: {  	s30 =	sadd.s32 $0x400, s2;
	s31 =	simm.s32 $0x7000  }
0x36e: {  	[tilespmem:s31], [sflag:$0x2] =	stream.strided.gather [hbm4b:s30+s13], $0x400, s14, s13, $0x38;
	[tilespmem:$0x19000] =	vst v63  }
0x36f: {  	s20 =	sadd.s32 $0x440, s2;
	s22 =	simm.s32 $0x7400  }
0x370: {  	[tilespmem:s22], [sflag:$0x2] =	stream.strided.gather [hbm4b:s20+s13], $0x400, s14, s13, $0x38;
	[tilespmem:$0x19000] =	vst v63  }
0x371: {  	s28 =	sadd.s32 $0x480, s2;
	s29 =	simm.s32 $0x7800  }
0x372: {  	[tilespmem:s29], [sflag:$0x2] =	stream.strided.gather [hbm4b:s28+s13], $0x400, s14, s13, $0x38;
	[tilespmem:$0x19000] =	vst v63  }
0x373: {  	s30 =	sadd.s32 $0x4C0, s2;
	s31 =	simm.s32 $0x7C00  }
0x374: {  	[tilespmem:s31], [sflag:$0x2] =	stream.strided.gather [hbm4b:s30+s13], $0x400, s14, s13, $0x38;
	[tilespmem:$0x19000] =	vst v63  }
0x375: {  	s16 =	sadd.s32 $0x500, s2;
	s20 =	simm.s32 $0x8000  }
0x376: {  	[tilespmem:s20], [sflag:$0x2] =	stream.strided.gather [hbm4b:s16+s13], $0x400, s14, s13, $0x38;
	[tilespmem:$0x19000] =	vst v63  }
0x377: {  	s22 =	sadd.s32 $0x540, s2;
	s28 =	simm.s32 $0x8400  }
0x378: {  	[tilespmem:s28], [sflag:$0x2] =	stream.strided.gather [hbm4b:s22+s13], $0x400, s14, s13, $0x38;
	[tilespmem:$0x19000] =	vst v63  }
0x379: {  	s0 =	sshll.u32 s0, $0x7;
	s29 =	sadd.s32 $0x580, s2;
	s30 =	simm.s32 $0x8800  }
0x37a: {  	[tilespmem:s30], [sflag:$0x2] =	stream.strided.gather [hbm4b:s29+s13], $0x400, s14, s13, $0x38;
	[tilespmem:$0x19000] =	vst v63  }
0x37b: {  	s0 =	sand.u32 $0x3FFFFF80, s0;
	s2 =	sadd.s32 $0x5C0, s2;
	s31 =	simm.s32 $0x8C00  }
0x37c: {  	[tilespmem:s31], [sflag:$0x2] =	stream.strided.gather [hbm4b:s2+s13], $0x400, s14, s13, $0x38;
	[tilespmem:$0x19000] =	vst v63  }
0x37d: {  	v0 =	vld [tilespmem:s0+$0x0];
	_ =	sdelay $0x4  }
0x37e: {  	v3 =	vshll.u32 v0, $0x3  }
0x37f: {  	v0 =	vand.u32 $0x7, v0;
	v3 =	vand.u32 $0xFFFFFFC0, v3  }
0x380: {  	v0 =	vor.u32 v0, v3;
	v3 =	vld [tilespmem:$0x1FFF0];
	_ =	sdelay $0x4  }
0x381: {  	v3 =	vperm.xlane v0, v3;
	_ =	sdelay $0x1  }
0x382: {  	v3 =	vadd.s32 v1, v3;
	_ =	sdelay $0x3  }
0x383: {  	s4 =	simm.s32 $0xD000  }
0x384: {  	[tilespmem:s4], [sflag:$0x4] =	stream.indirect_vreg.gather [hbm4b:s1+s3], $0x80, v3, vm0, $0xb8;
	[tilespmem:$0x19000] =	vst v63  }
0x385: {  	s16 =	simm.s32 $0xD800;
	v0 =	vperm.xlane v0, v2  }
0x386: {  	[tilespmem:s16], [sflag:$0x4] =	stream.indirect_vreg.gather [hbm4b:s6+s3], $0x80, v3, vm0, $0xb8;
	[tilespmem:$0x19000] =	vst v63  }
0x387: {  	s20 =	simm.s32 $0xE000;
	v0 =	vadd.s32 v1, v0  }
0x388: {  	[tilespmem:s20], [sflag:$0x4] =	stream.indirect_vreg.gather [hbm4b:s7+s3], $0x80, v3, vm0, $0xb8;
	[tilespmem:$0x19000] =	vst v63  }
0x389: {  	s22 =	simm.s32 $0xE800  }
0x38a: {  	[tilespmem:s22], [sflag:$0x4] =	stream.indirect_vreg.gather [hbm4b:s8+s3], $0x80, v3, vm0, $0xb8;
	[tilespmem:$0x19000] =	vst v63  }
0x38b: {  	s28 =	simm.s32 $0xF000  }
0x38c: {  	[tilespmem:s28], [sflag:$0x4] =	stream.indirect_vreg.gather [hbm4b:s1+s3], $0x80, v0, vm0, $0xb8;
	[tilespmem:$0x19000] =	vst v63  }
0x38d: {  	s29 =	simm.s32 $0xF800  }
0x38e: {  	[tilespmem:s29], [sflag:$0x4] =	stream.indirect_vreg.gather [hbm4b:s6+s3], $0x80, v0, vm0, $0xb8;
	[tilespmem:$0x19000] =	vst v63  }
.Ltmp6:
0x38f: {  	_ = 	snop;
	(pc) =	sbr.rel .LBB2_2-.Ltmp6, $4  }
0x390: {  	s30 =	simm.s32 $0x10000  }
0x391: {  	[tilespmem:s30], [sflag:$0x4] =	stream.indirect_vreg.gather [hbm4b:s7+s3], $0x80, v0, vm0, $0xb8;
	[tilespmem:$0x19000] =	vst v63  }
0x392: {  	s12 =	sadd.s32 $0x1, s12;
	s31 =	simm.s32 $0x10800  }
0x393: {  	[tilespmem:s31], [sflag:$0x4] =	stream.indirect_vreg.gather [hbm4b:s8+s3], $0x80, v0, vm0, $0xb8;
	[tilespmem:$0x19000] =	vst v63  }
.LBB2_11:
0x394: {  	_ =	sfence.sel $0x180000  }
0x395: {  	[bflag:$0x0] =	sbarrier.arrive $0xFFFF  }
0x396: {  	_ =	strace $0x90000047  }
0x397: {  	s0 =	stileid.u32;
	[bflag:$0x2] =	sbarrier.arrive $0xFFFF  }
0x398: {  	p0 =	sne.s32 s0, $0x0;
	s0 =	rddreg [dreg:$0x4]  }
0x399: {  	s0 =	sadd.s32 @!p0 $0x100000, s0  }
0x39a: {  	[sflag:s0] =	ssyncadd.tile.s32 @!p0 $0x1;
	_ =	shalt  }
.Lfunc_end2:
_tile_overlayer_lowered:
.L_overlay_start_2:
0x39b: {  	(tag) =	ssettag $0x2  }
0x39c: {  	s0 =	rddreg [dreg:$0x0];
	s2 =	stileid.u32  }
0x39d: {  	s1 =	rddreg [dreg:$0x1];
	p0 =	sne.s32 s2, $0x0  }
0x39e: {  	s3 =	rddreg [dreg:$0x2];
	[bflag:$0x3] =	sbarrier.arrive $0xFFFF;
	s2 =	simm.s32 @!p0 $0x1C07  }
0x39f: {  	[timem:s3], [sflag:s2] =	dma.local @!p0 [hbm:s0], s1  }
0x3a0: {  	s0 =	simm.s32 @!p0 $0x7  }
0x3a1: {  	_ =	swait.ge @!p0 [sflag:s0], s1  }
0x3a2: {  	s1 =	ssub.s32 @!p0 $0x0, s1;
	[sflag:s0] =	ssyncset.done @!p0 $0x0  }
0x3a3: {  	[sflag:s0] =	ssyncadd.s32 @!p0 s1  }
0x3a4: {  	[bflag:$0x3] =	sbarrier.arrive $0xFFFF  }
0x3a5: {  	_ =	shalt  }

</sc_bundles>
